<compile_context>
chip_gen: v7x
topology: tpu7x:2x2x1
jax: 0.10.2.dev20260603
libtpu: 0.0.44.dev20260713+nightly
codegen_flags: <defaults>
</compile_context>

<pallas_src>
import functools

import numpy as np

import jax
import jax.numpy as jnp
from jax import lax
from jax.experimental import pallas as pl
from jax.experimental.pallas import tpu as pltpu
from jax.experimental.pallas import tpu_sc as plsc

N = 10000
E = 320000
D_IN = 128
D_OUT = 128
H = 2 * D_OUT

B = 512
NPAD = 10240
NBLK = NPAD // B

NSUB = 16
EPAD = E
C = 80
CHUNKS1 = EPAD // (NSUB * C)
CHUNKS2 = EPAD // (2 * NSUB * C)
H_ACC = 10112
ROWS_PER_SUB = H_ACC // NSUB
E_PER_TILE = EPAD // 32



KA = D_IN + 8


def _pack_bf16_pairs(lo, hi):
    bl = lax.bitcast_convert_type(lo, jnp.int32)
    bh = lax.bitcast_convert_type(hi, jnp.int32)
    rl = lax.shift_right_logical(
        bl + 0x7FFF + lax.bitwise_and(lax.shift_right_logical(bl, 16), 1), 16)
    rh = lax.shift_right_logical(
        bh + 0x7FFF + lax.bitwise_and(lax.shift_right_logical(bh, 16), 1), 16)
    return lax.bitwise_or(lax.bitwise_and(rl, 0xFFFF),
                          lax.shift_left(rh, 16))


def _tc_pre1_body(x_ref, wlin_ref, wfb_ref, wfg_ref,
                  wskip_ref, wfsb_ref, wfsg_ref,
                  xl_ref, gb_ref, skip_ref):
    x = x_ref[...]
    dot = functools.partial(jnp.dot, preferred_element_type=jnp.float32)
    xl_ref[0] = dot(x, wlin_ref[...])
    beta = dot(x, wfb_ref[...])
    gamma = dot(x, wfg_ref[...])
    gb_ref[0] = jnp.concatenate(
        (_pack_bf16_pairs(gamma[:, :64], gamma[:, 64:]),
         _pack_bf16_pairs(beta[:, :64], beta[:, 64:])), axis=1)
    beta_s = dot(x, wfsb_ref[...])
    gamma_s = dot(x, wfsg_ref[...])
    skip_ref[...] = jnp.maximum(gamma_s * dot(x, wskip_ref[...]) + beta_s, 0.0)


def _tc_pre1(x_aug, W_lin1a, W_film1a, W_skip1a, W_fskip1a):
    half = D_OUT
    return pl.pallas_call(
        _tc_pre1_body,
        grid=(NBLK, 2),
        in_specs=[
            pl.BlockSpec((B, KA), lambda n, c: (n, 0)),
            pl.BlockSpec((KA, half), lambda n, c: (0, c)),
            pl.BlockSpec((KA, half), lambda n, c: (0, c)),
            pl.BlockSpec((KA, half), lambda n, c: (0, 2 + c)),
            pl.BlockSpec((KA, half), lambda n, c: (0, c)),
            pl.BlockSpec((KA, half), lambda n, c: (0, c)),
            pl.BlockSpec((KA, half), lambda n, c: (0, 2 + c)),
        ],
        out_specs=[
            pl.BlockSpec((1, B, half), lambda n, c: (c, n, 0)),
            pl.BlockSpec((1, B, half), lambda n, c: (c, n, 0)),
            pl.BlockSpec((B, half), lambda n, c: (n, c)),
        ],
        out_shape=[
            jax.ShapeDtypeStruct((2, NPAD, half), jnp.float32),
            jax.ShapeDtypeStruct((2, NPAD, half), jnp.int32),
            jax.ShapeDtypeStruct((NPAD, H), jnp.float32),
        ],
    )(x_aug, W_lin1a, W_film1a, W_film1a, W_skip1a, W_fskip1a, W_fskip1a)


def _tc_mid_body(acc_ref, cnt_ref, skip_ref, wlin_ref, wfilm_ref, bf_ref,
                 wskip_ref, wfskip_ref,
                 xl2_ref, gb2_ref, skip2_ref):
    dot = functools.partial(jnp.dot, preferred_element_type=jnp.float32)
    summed = jnp.concatenate((acc_ref[0], acc_ref[1]), axis=1)
    cnt = jnp.sum(cnt_ref[:, 0], axis=(0, 1)).reshape(B, 1)
    h = jnp.maximum(skip_ref[...] + summed / jnp.clip(cnt, 1.0, None), 0.0)
    xl2_ref[...] = dot(h, wlin_ref[...])
    f2 = dot(h, wfilm_ref[...]) + bf_ref[...]
    gb2_ref[...] = jnp.concatenate(
        (_pack_bf16_pairs(f2[:, 128:192], f2[:, 192:]),
         _pack_bf16_pairs(f2[:, :64], f2[:, 64:128])), axis=1)
    fs2 = dot(h, wfskip_ref[...])
    skip2_ref[...] = jnp.maximum(
        fs2[:, 128:] * dot(h, wskip_ref[...]) + fs2[:, :128], 0.0)


def _tc_mid(acc1, cnt, skip1, W_lin2, W_film2, b_film2, W_skip2, W_fskip2):
    b2 = b_film2.reshape(1, 2 * D_OUT)
    return pl.pallas_call(
        _tc_mid_body,
        grid=(NBLK,),
        in_specs=[
            pl.BlockSpec((2, B, 128), lambda n: (0, n, 0)),
            pl.BlockSpec((2, 1, NSUB, B), lambda n: (0, n, 0, 0)),
            pl.BlockSpec((B, H), lambda n: (n, 0)),
            pl.BlockSpec((H, D_OUT), lambda n: (0, 0)),
            pl.BlockSpec((H, 2 * D_OUT), lambda n: (0, 0)),
            pl.BlockSpec((1, 2 * D_OUT), lambda n: (0, 0)),
            pl.BlockSpec((H, D_OUT), lambda n: (0, 0)),
            pl.BlockSpec((H, 2 * D_OUT), lambda n: (0, 0)),
        ],
        out_specs=[
            pl.BlockSpec((B, D_OUT), lambda n: (n, 0)),
            pl.BlockSpec((B, D_OUT), lambda n: (n, 0)),
            pl.BlockSpec((B, D_OUT), lambda n: (n, 0)),
        ],
        out_shape=[
            jax.ShapeDtypeStruct((NPAD, D_OUT), jnp.float32),
            jax.ShapeDtypeStruct((NPAD, D_OUT), jnp.int32),
            jax.ShapeDtypeStruct((NPAD, D_OUT), jnp.float32),
        ],
    )(acc1, cnt, skip1, W_lin2, W_film2, b2, W_skip2, W_fskip2)


def _tc_final_body(acc2_ref, skip2_ref, cnt_ref, out_ref):
    summed = acc2_ref[0] + acc2_ref[1]
    cnt = jnp.sum(cnt_ref[:, 0], axis=(0, 1)).reshape(B, 1)
    out_ref[...] = skip2_ref[...] + summed / jnp.clip(cnt, 1.0, None)


def _tc_final(acc2, skip2, cnt):
    return pl.pallas_call(
        _tc_final_body,
        grid=(NBLK,),
        in_specs=[
            pl.BlockSpec((2, B, D_OUT), lambda n: (0, n, 0)),
            pl.BlockSpec((B, D_OUT), lambda n: (n, 0)),
            pl.BlockSpec((2, 1, NSUB, B), lambda n: (0, n, 0, 0)),
        ],
        out_specs=pl.BlockSpec((B, D_OUT), lambda n: (n, 0)),
        out_shape=jax.ShapeDtypeStruct((NPAD, D_OUT), jnp.float32),
    )(acc2, skip2, cnt)



def _make_sc_agg(feature_split):
    mesh = plsc.VectorSubcoreMesh(
        core_axis_name="c", subcore_axis_name="s", num_cores=2,
        num_subcores=NSUB)
    chunks = CHUNKS1 if feature_split else CHUNKS2

    def body(epk_hbm, xl_hbm, gb_hbm, out_hbm,
             eidx0, eidx1, didxs0, didxs1, xl0, gb0, xl1, gb1,
             acc_sh, semx0, semg0, semx1, semg1, sems0, sems1):
        c = lax.axis_index("c")
        s = lax.axis_index("s")
        zeros16 = jnp.zeros((16,), jnp.float32)

        def zrow(i, carry):
            for j in range(128 // 16):
                xl0[i, pl.ds(j * 16, 16)] = zeros16
            return carry
        lax.fori_loop(0, C, zrow, 0)
        full = ROWS_PER_SUB // C
        for t in range(full):
            pltpu.sync_copy(xl0, acc_sh.at[pl.ds(s * ROWS_PER_SUB + t * C, C)])
        rem = ROWS_PER_SUB - full * C
        if rem:
            pltpu.sync_copy(
                xl0.at[pl.ds(0, rem)],
                acc_sh.at[pl.ds(s * ROWS_PER_SUB + full * C, rem)])
        plsc.subcore_barrier()

        if feature_split:
            base = s * (chunks * C)
            estride = C
            coff = c * NPAD
        else:
            base = s * (2 * chunks * C) + c * C
            estride = 2 * C
            coff = None

        def drain_scatter(xl_v, sems):
            pltpu.make_async_copy(xl_v, acc_sh.at[pl.ds(0, C)], sems).wait()

        def fetch(g, eidx_v, xl_v, gb_v, semx, semg,
                  sems=None, scat_pred=None):
            e0 = base + g * estride
            pltpu.sync_copy(epk_hbm.at[pl.ds(2 * e0, 2 * C)], eidx_v)
            if feature_split:
                def adj(i, cr):
                    eidx_v[pl.ds(i * 16, 16)] = eidx_v[pl.ds(i * 16, 16)] + coff
                    return cr
                lax.fori_loop(0, 2 * C // 16, adj, 0)
            if sems is not None:
                if scat_pred is None:
                    drain_scatter(xl_v, sems)
                else:
                    @pl.when(scat_pred)
                    def _():
                        drain_scatter(xl_v, sems)
            pltpu.async_copy(xl_hbm.at[eidx_v.at[pl.ds(0, C)]], xl_v, semx)
            pltpu.async_copy(gb_hbm.at[eidx_v.at[pl.ds(C, C)]], gb_v, semg)

        def drain(xl_v, gb_v, semx, semg):
            pltpu.make_async_copy(xl_hbm.at[pl.ds(0, C)], xl_v, semx).wait()
            pltpu.make_async_copy(gb_hbm.at[pl.ds(0, C)], gb_v, semg).wait()

        himask = jnp.int32(-65536)

        def compute(didx_v, xl_v, gb_v):
            def mrow(i, cr):
                for j in range(4):
                    wg = gb_v[i, pl.ds(j * 16, 16)]
                    wb = gb_v[i, pl.ds(64 + j * 16, 16)]
                    glo = plsc.bitcast(lax.shift_left(wg, 16), jnp.float32)
                    blo = plsc.bitcast(lax.shift_left(wb, 16), jnp.float32)
                    ghi = plsc.bitcast(lax.bitwise_and(wg, himask),
                                       jnp.float32)
                    bhi = plsc.bitcast(lax.bitwise_and(wb, himask),
                                       jnp.float32)
                    xlo = xl_v[i, pl.ds(32 * j, 16)]
                    xhi = xl_v[i, pl.ds(32 * j + 16, 16)]
                    xl_v[i, pl.ds(32 * j, 16)] = jnp.maximum(
                        glo * xlo + blo, 0.0)
                    xl_v[i, pl.ds(32 * j + 16, 16)] = jnp.maximum(
                        ghi * xhi + bhi, 0.0)
                return cr
            lax.fori_loop(0, C, mrow, 0)

        def scatter(eidx_v, didxs_v, xl_v, sems):
            def dcp(i, cr):
                d16 = eidx_v[pl.ds(C + i * 16, 16)]
                didxs_v[pl.ds(i * 16, 16)] = (d16 - coff) if feature_split else d16
                return cr
            lax.fori_loop(0, C // 16, dcp, 0)
            pltpu.make_async_copy(
                xl_v, acc_sh.at[didxs_v], sems).start(add=True)

        fetch(0, eidx0, xl0, gb0, semx0, semg0)

        def pair(g2, carry):
            g = 2 * g2
            fetch(g + 1, eidx1, xl1, gb1, semx1, semg1,
                  sems1, scat_pred=g2 > 0)
            drain(xl0, gb0, semx0, semg0)
            compute(eidx0, xl0, gb0)
            scatter(eidx0, didxs0, xl0, sems0)

            @pl.when(g + 2 < chunks)
            def _():
                fetch(g + 2, eidx0, xl0, gb0, semx0, semg0, sems0)
            drain(xl1, gb1, semx1, semg1)
            compute(eidx1, xl1, gb1)
            scatter(eidx1, didxs1, xl1, sems1)
            return carry
        lax.fori_loop(0, chunks // 2, pair, 0)
        if chunks % 2:
            drain(xl0, gb0, semx0, semg0)
            compute(eidx0, xl0, gb0)
            scatter(eidx0, didxs0, xl0, sems0)
        drain_scatter(xl0, sems0)
        drain_scatter(xl1, sems1)
        plsc.subcore_barrier()
        pltpu.sync_copy(acc_sh.at[pl.ds(s * ROWS_PER_SUB, ROWS_PER_SUB)],
                        out_hbm.at[c, pl.ds(s * ROWS_PER_SUB, ROWS_PER_SUB)])

    return pl.kernel(
        body,
        out_type=jax.ShapeDtypeStruct((2, NPAD, 128), jnp.float32),
        mesh=mesh,
        compiler_params=pltpu.CompilerParams(needs_layout_passes=False),
        scratch_types=(
            [pltpu.VMEM((2 * C,), jnp.int32)] * 2
            + [pltpu.VMEM((C,), jnp.int32)] * 2
            + [pltpu.VMEM((C, 128), jnp.float32),
               pltpu.VMEM((C, 128), jnp.int32)] * 2
            + [pltpu.VMEM_SHARED((H_ACC, 128), jnp.float32)]
            + [pltpu.SemaphoreType.DMA] * 6
        ),
    )


def _make_sc_count():
    mesh = plsc.VectorSubcoreMesh(
        core_axis_name="c", subcore_axis_name="s", num_cores=2,
        num_subcores=NSUB)

    def body(dst_hbm, cnt_hbm, didx_v, hist_v):
        c = lax.axis_index("c")
        s = lax.axis_index("s")
        w = c * NSUB + s
        zeros16 = jnp.zeros((16,), jnp.float32)
        iota16 = lax.iota(jnp.int32, 16)
        part16 = lax.bitwise_and(iota16, 3) * NPAD

        def hz(i, cr):
            hist_v[pl.ds(i * 16, 16)] = zeros16
            return cr
        lax.fori_loop(0, 4 * NPAD // 16, hz, 0)
        pltpu.sync_copy(dst_hbm.at[pl.ds(w * E_PER_TILE, E_PER_TILE)], didx_v)

        def step(i, cr):
            d16 = didx_v[pl.ds(i * 16, 16)]
            addr = part16 + d16
            for p in range(4):
                msk = jnp.logical_and(iota16 >= 4 * p, iota16 < 4 * p + 4)
                old = plsc.load_gather(hist_v, [addr], mask=msk)
                plsc.store_scatter(hist_v, [addr], old + 1.0, mask=msk)
            return cr
        lax.fori_loop(0, E_PER_TILE // 16, step, 0)

        def hred(i, cr):
            v = (hist_v[pl.ds(i * 16, 16)]
                 + hist_v[pl.ds(NPAD + i * 16, 16)]
                 + hist_v[pl.ds(2 * NPAD + i * 16, 16)]
                 + hist_v[pl.ds(3 * NPAD + i * 16, 16)])
            hist_v[pl.ds(i * 16, 16)] = v
            return cr
        lax.fori_loop(0, NPAD // 16, hred, 0)
        for n in range(NBLK):
            pltpu.sync_copy(hist_v.at[pl.ds(n * B, B)], cnt_hbm.at[c, n, s])

    return pl.kernel(
        body,
        out_type=jax.ShapeDtypeStruct((2, NBLK, NSUB, B), jnp.float32),
        mesh=mesh,
        compiler_params=pltpu.CompilerParams(needs_layout_passes=False),
        scratch_types=[
            pltpu.VMEM((E_PER_TILE,), jnp.int32),
            pltpu.VMEM((4 * NPAD,), jnp.float32),
        ],
    )


_sc_agg_cached = functools.lru_cache(maxsize=None)(_make_sc_agg)
_sc_count_cached = functools.lru_cache(maxsize=None)(_make_sc_count)



@jax.jit
def kernel(x, edge_index, W_lin1, W_film1, b_film1, W_skip1, W_fskip1,
           W_lin2, W_film2, b_film2, W_skip2, W_fskip2):
    x = x.astype(jnp.float32)
    src_pad = edge_index[0].astype(jnp.int32)
    dst_pad = edge_index[1].astype(jnp.int32)
    x_pad = jnp.pad(x, ((0, NPAD - N), (0, 0)))
    ones_col = jnp.ones((NPAD, 1), jnp.float32)
    x_aug = jnp.concatenate(
        [x_pad, ones_col, jnp.zeros((NPAD, KA - D_IN - 1), jnp.float32)], axis=1)

    def _aug_w(w, bias=None):
        pad = jnp.zeros((KA - D_IN, w.shape[1]), jnp.float32)
        if bias is not None:
            pad = pad.at[0].set(bias)
        return jnp.concatenate([w, pad], axis=0)

    def _perm(n):
        q = np.arange(n)
        b, r = q - q % 128, q % 128
        h, r2 = r // 64, r % 64
        return b + 32 * (r2 // 16) + 16 * h + r2 % 16

    p512 = _perm(512)
    xl1, gb1, skip1 = _tc_pre1(x_aug, _aug_w(W_lin1),
                               _aug_w(W_film1[:, p512], b_film1[p512]),
                               _aug_w(W_skip1), _aug_w(W_fskip1))
    cnt1 = _sc_count_cached()(dst_pad)
    epk = jnp.stack([src_pad.reshape(-1, C), dst_pad.reshape(-1, C)],
                    axis=1).reshape(-1)
    acc1 = _sc_agg_cached(True)(
        epk, xl1.reshape(2 * NPAD, 128), gb1.reshape(2 * NPAD, 128))
    pblk = np.concatenate([_perm(128), 128 + _perm(128)])
    xl2, gb2, skip2 = _tc_mid(acc1, cnt1, skip1, W_lin2,
                              W_film2[:, pblk], b_film2[pblk],
                              W_skip2, W_fskip2)
    acc2 = _sc_agg_cached(False)(epk, xl2, gb2)
    out = _tc_final(acc2, skip2, cnt1)
    return out[:N]

# --- scband reference (transcript-rebuilt; emitter-appended) ---
"""Pipeline reference for scband-fi-lmencoder-2044404433334 (READ-ONLY COPY).

The authoritative reference and input builder live on the scoring server;
editing this copy changes nothing except your own understanding.
"""

import jax, jax.numpy as jnp
import numpy as np

N = 10000
E = 320000
D_IN = 128
D_OUT = 128


def _film_conv(x, edge_index, W_lin, W_film, b_film, W_skip, W_fskip, out_channels, final_act):
    n = x.shape[0]
    # skip branch: beta, gamma = film_skip(x).split(out_channels)
    fs = x @ W_fskip
    beta_s = fs[:, :out_channels]
    gamma_s = fs[:, out_channels:]
    out = gamma_s * (x @ W_skip) + beta_s
    out = jax.nn.relu(out)  # FiLMConv default act=ReLU
    # message branch (num_relations=1)
    f = x @ W_film + b_film
    beta = f[:, :out_channels]
    gamma = f[:, out_channels:]
    xl = x @ W_lin
    src = edge_index[0]
    dst = edge_index[1]
    msg = gamma[dst] * xl[src] + beta[dst]
    msg = jax.nn.relu(msg)
    summed = jax.ops.segment_sum(msg, dst, num_segments=n)
    count = jax.ops.segment_sum(jnp.ones((msg.shape[0],), dtype=x.dtype), dst, num_segments=n)
    agg = summed / jnp.clip(count, 1.0, None)[:, None]  # mean aggregation
    out = out + agg
    if final_act:
        out = jax.nn.relu(out)
    return out


def setup_inputs(seed: int = 0) -> dict:
    key = jax.random.key(seed)
    ks = jax.random.split(key, 12)
    x = jax.random.normal(ks[0], (N, D_IN), dtype=jnp.float32)
    edge_index = jax.random.randint(ks[1], (2, E), 0, N, dtype=jnp.int64)
    s = 0.05
    h = 2 * D_OUT  # conv1 out = 256
    params = {
        # conv1: in=128 -> out=256
        'W_lin1': jax.random.normal(ks[2], (D_IN, h), dtype=jnp.float32) * s,
        'W_film1': jax.random.normal(ks[3], (D_IN, 2 * h), dtype=jnp.float32) * s,
        'b_film1': jax.random.normal(ks[4], (2 * h,), dtype=jnp.float32) * s,
        'W_skip1': jax.random.normal(ks[5], (D_IN, h), dtype=jnp.float32) * s,
        'W_fskip1': jax.random.normal(ks[6], (D_IN, 2 * h), dtype=jnp.float32) * s,
        # conv2: in=256 -> out=128
        'W_lin2': jax.random.normal(ks[7], (h, D_OUT), dtype=jnp.float32) * s,
        'W_film2': jax.random.normal(ks[8], (h, 2 * D_OUT), dtype=jnp.float32) * s,
        'b_film2': jax.random.normal(ks[9], (2 * D_OUT,), dtype=jnp.float32) * s,
        'W_skip2': jax.random.normal(ks[10], (h, D_OUT), dtype=jnp.float32) * s,
        'W_fskip2': jax.random.normal(ks[11], (h, 2 * D_OUT), dtype=jnp.float32) * s,
    }
    return {'x': x, 'edge_index': edge_index, **params}


def reference(x, edge_index, W_lin1, W_film1, b_film1, W_skip1, W_fskip1,
              W_lin2, W_film2, b_film2, W_skip2, W_fskip2):
    x = x.astype(jnp.float32)
    edge_index = edge_index.astype(jnp.int64)
    h = _film_conv(x, edge_index, W_lin1, W_film1, b_film1, W_skip1, W_fskip1, 2 * D_OUT, final_act=True)
    out = _film_conv(h, edge_index, W_lin2, W_film2, b_film2, W_skip2, W_fskip2, D_OUT, final_act=False)
    return out

if __name__ == "__main__":
    import jax
    _d = setup_inputs()
    print(jax.jit(kernel)(*tuple(_d.values())))

</pallas_src>

<mosaic_0001>
#map = affine_map<(d0, d1) -> (0)>
#map1 = affine_map<(d0, d1) -> (0, 0, 0, 0)>
module attributes {stable_mosaic.version = 14 : i64} {
  func.func @body(%arg0: i32, %arg1: i32, %arg2: memref<320000xi32, #tpu.memory_space<hbm>>, %arg3: memref<2x20x16x512xf32, #tpu.memory_space<hbm>>, %arg4: memref<10000xi32, #tpu.memory_space<vmem>>, %arg5: memref<40960xf32, #tpu.memory_space<vmem>>) attributes {dimension_semantics = [#tpu.dimension_semantics<core_parallel>, #tpu.dimension_semantics<subcore_parallel>], iteration_bounds = array<i64: 2, 16>, scalar_prefetch = 0 : i64, scratch_operands = 2 : i64, tpu.core_type = #tpu.core_type<sc_vector_subcore>, window_params = [{transform_indices = #map}, {transform_indices = #map1}]} {
    %mul3A = arith.constant 16 : i32
    %mul3A_0 = arith.muli %arg0, %mul3A : i32
    %add3A = arith.addi %mul3A_0, %arg1 : i32
    %broadcast_in_dim3A = arith.constant 0.000000e+00 : f32
    %broadcast_in_dim3A_1 = vector.broadcast %broadcast_in_dim3A : f32 to vector<16xf32>
    %iota3A = tpu.iota {dimensions = array<i32: 0>} : vector<16xi32>
    %and3A = arith.constant 3 : i32
    %and3A_2 = vector.broadcast %and3A : i32 to vector<16xi32>
    %and3A_3 = arith.andi %iota3A, %and3A_2 : vector<16xi32>
    %mul3A_4 = arith.constant 10240 : i32
    %mul3A_5 = vector.broadcast %mul3A_4 : i32 to vector<16xi32>
    %mul3A_6 = arith.muli %and3A_3, %mul3A_5 : vector<16xi32>
    %scan3A = arith.constant 0 : i32
    %scan3A_7 = arith.constant 0 : i32
    %scan3A_8 = arith.constant 2560 : i32
    %scan3A_9 = arith.addi %scan3A_7, %scan3A_8 : i32
    %scan3A_10 = arith.constant 1 : i32
    scf.for %scan3A_45 = %scan3A_7 to %scan3A_9 step %scan3A_10  : i32 {
      %mul3A_46 = arith.constant 16 : i32
      %mul3A_47 = arith.muli %scan3A_45, %mul3A_46 : i32
      %swap3A = arith.index_cast %mul3A_47 : i32 to index
      %swap3A_48 = tpu.vector_load %arg5[%swap3A] {strides = array<i32>} : memref<40960xf32, #tpu.memory_space<vmem>>, vector<16xf32>,
      tpu.vector_store %arg5[%swap3A], %broadcast_in_dim3A_1 {strides = array<i32>} : memref<40960xf32, #tpu.memory_space<vmem>>, vector<16xf32>,
    }
    %scan3A_11 = arith.constant 2560 : i32
    %mul3A_12 = arith.constant 10000 : i32
    %mul3A_13 = arith.muli %add3A, %mul3A_12 : i32
    "tpu.region"() ({
      %run_scoped3A_45 = tpu.sem_alloc : memref<!tpu.dma_semaphore, #tpu.memory_space<semaphore_mem>>
      %dma_start3A = tpu.memref_slice %arg2[%mul3A_13] : memref<320000xi32, #tpu.memory_space<hbm>> -> memref<10000xi32, #tpu.memory_space<hbm>>
      %dma_start3A_46 = tpu.memref_slice %arg2[%mul3A_13] : memref<320000xi32, #tpu.memory_space<hbm>> -> memref<10000xi32, #tpu.memory_space<hbm>>
      tpu.enqueue_dma source(%dma_start3A_46 : memref<10000xi32, #tpu.memory_space<hbm>>) target(%arg4 : memref<10000xi32, #tpu.memory_space<vmem>>) target_semaphore(%run_scoped3A_45 : memref<!tpu.dma_semaphore, #tpu.memory_space<semaphore_mem>>)
      %dma_wait3A = tpu.memref_slice %arg2[%mul3A_13] : memref<320000xi32, #tpu.memory_space<hbm>> -> memref<10000xi32, #tpu.memory_space<hbm>>
      %dma_wait3A_47 = tpu.memref_slice %arg2[%mul3A_13] : memref<320000xi32, #tpu.memory_space<hbm>> -> memref<10000xi32, #tpu.memory_space<hbm>>
      tpu.wait_dma2 semaphore(%run_scoped3A_45 : memref<!tpu.dma_semaphore, #tpu.memory_space<semaphore_mem>>) src(%dma_wait3A_47 : memref<10000xi32, #tpu.memory_space<hbm>>) dst(%arg4 : memref<10000xi32, #tpu.memory_space<vmem>>)
      tpu.yield
    }) : () -> ()
    %scan3A_14 = arith.constant 0 : i32
    %scan3A_15 = arith.constant 0 : i32
    %scan3A_16 = arith.constant 625 : i32
    %scan3A_17 = arith.addi %scan3A_15, %scan3A_16 : i32
    %scan3A_18 = arith.constant 1 : i32
    scf.for %scan3A_45 = %scan3A_15 to %scan3A_17 step %scan3A_18  : i32 {
      %mul3A_46 = arith.constant 16 : i32
      %mul3A_47 = arith.muli %scan3A_45, %mul3A_46 : i32
      %get3A = arith.index_cast %mul3A_47 : i32 to index
      %get3A_48 = tpu.vector_load %arg4[%get3A] {strides = array<i32>} : memref<10000xi32, #tpu.memory_space<vmem>>, vector<16xi32>,
      %add3A_49 = arith.addi %mul3A_6, %get3A_48 : vector<16xi32>
      %ge3A = arith.constant 0 : i32
      %ge3A_50 = vector.broadcast %ge3A : i32 to vector<16xi32>
      %ge3A_51 = arith.cmpi sge, %iota3A, %ge3A_50 : vector<16xi32>
      %lt3A = arith.constant 4 : i32
      %lt3A_52 = vector.broadcast %lt3A : i32 to vector<16xi32>
      %lt3A_53 = arith.cmpi slt, %iota3A, %lt3A_52 : vector<16xi32>
      %and3A_54 = arith.andi %ge3A_51, %lt3A_53 : vector<16xi1>
      %gather3A = tpu.vector_load_idx %arg5[%add3A_49] masked %and3A_54 : memref<40960xf32, #tpu.memory_space<vmem>>[vector<16xi32>], vector<16xf32>, vector<16xi1>
      %add3A_55 = arith.constant 1.000000e+00 : f32
      %add3A_56 = vector.broadcast %add3A_55 : f32 to vector<16xf32>
      %add3A_57 = arith.addf %gather3A, %add3A_56 : vector<16xf32>
      tpu.vector_store_idx %arg5[%add3A_49], %add3A_57 masked %and3A_54 : memref<40960xf32, #tpu.memory_space<vmem>>[vector<16xi32>], vector<16xf32>, vector<16xi1>
      %ge3A_58 = arith.constant 4 : i32
      %ge3A_59 = vector.broadcast %ge3A_58 : i32 to vector<16xi32>
      %ge3A_60 = arith.cmpi sge, %iota3A, %ge3A_59 : vector<16xi32>
      %lt3A_61 = arith.constant 8 : i32
      %lt3A_62 = vector.broadcast %lt3A_61 : i32 to vector<16xi32>
      %lt3A_63 = arith.cmpi slt, %iota3A, %lt3A_62 : vector<16xi32>
      %and3A_64 = arith.andi %ge3A_60, %lt3A_63 : vector<16xi1>
      %gather3A_65 = tpu.vector_load_idx %arg5[%add3A_49] masked %and3A_64 : memref<40960xf32, #tpu.memory_space<vmem>>[vector<16xi32>], vector<16xf32>, vector<16xi1>
      %add3A_66 = arith.constant 1.000000e+00 : f32
      %add3A_67 = vector.broadcast %add3A_66 : f32 to vector<16xf32>
      %add3A_68 = arith.addf %gather3A_65, %add3A_67 : vector<16xf32>
      tpu.vector_store_idx %arg5[%add3A_49], %add3A_68 masked %and3A_64 : memref<40960xf32, #tpu.memory_space<vmem>>[vector<16xi32>], vector<16xf32>, vector<16xi1>
      %ge3A_69 = arith.constant 8 : i32
      %ge3A_70 = vector.broadcast %ge3A_69 : i32 to vector<16xi32>
      %ge3A_71 = arith.cmpi sge, %iota3A, %ge3A_70 : vector<16xi32>
      %lt3A_72 = arith.constant 12 : i32
      %lt3A_73 = vector.broadcast %lt3A_72 : i32 to vector<16xi32>
      %lt3A_74 = arith.cmpi slt, %iota3A, %lt3A_73 : vector<16xi32>
      %and3A_75 = arith.andi %ge3A_71, %lt3A_74 : vector<16xi1>
      %gather3A_76 = tpu.vector_load_idx %arg5[%add3A_49] masked %and3A_75 : memref<40960xf32, #tpu.memory_space<vmem>>[vector<16xi32>], vector<16xf32>, vector<16xi1>
      %add3A_77 = arith.constant 1.000000e+00 : f32
      %add3A_78 = vector.broadcast %add3A_77 : f32 to vector<16xf32>
      %add3A_79 = arith.addf %gather3A_76, %add3A_78 : vector<16xf32>
      tpu.vector_store_idx %arg5[%add3A_49], %add3A_79 masked %and3A_75 : memref<40960xf32, #tpu.memory_space<vmem>>[vector<16xi32>], vector<16xf32>, vector<16xi1>
      %ge3A_80 = arith.constant 12 : i32
      %ge3A_81 = vector.broadcast %ge3A_80 : i32 to vector<16xi32>
      %ge3A_82 = arith.cmpi sge, %iota3A, %ge3A_81 : vector<16xi32>
      %lt3A_83 = arith.constant 16 : i32
      %lt3A_84 = vector.broadcast %lt3A_83 : i32 to vector<16xi32>
      %lt3A_85 = arith.cmpi slt, %iota3A, %lt3A_84 : vector<16xi32>
      %and3A_86 = arith.andi %ge3A_82, %lt3A_85 : vector<16xi1>
      %gather3A_87 = tpu.vector_load_idx %arg5[%add3A_49] masked %and3A_86 : memref<40960xf32, #tpu.memory_space<vmem>>[vector<16xi32>], vector<16xf32>, vector<16xi1>
      %add3A_88 = arith.constant 1.000000e+00 : f32
      %add3A_89 = vector.broadcast %add3A_88 : f32 to vector<16xf32>
      %add3A_90 = arith.addf %gather3A_87, %add3A_89 : vector<16xf32>
      tpu.vector_store_idx %arg5[%add3A_49], %add3A_90 masked %and3A_86 : memref<40960xf32, #tpu.memory_space<vmem>>[vector<16xi32>], vector<16xf32>, vector<16xi1>
    }
    %scan3A_19 = arith.constant 625 : i32
    %scan3A_20 = arith.constant 0 : i32
    %scan3A_21 = arith.constant 0 : i32
    %scan3A_22 = arith.constant 640 : i32
    %scan3A_23 = arith.addi %scan3A_21, %scan3A_22 : i32
    %scan3A_24 = arith.constant 1 : i32
    scf.for %scan3A_45 = %scan3A_21 to %scan3A_23 step %scan3A_24  : i32 {
      %mul3A_46 = arith.constant 16 : i32
      %mul3A_47 = arith.muli %scan3A_45, %mul3A_46 : i32
      %get3A = arith.index_cast %mul3A_47 : i32 to index
      %get3A_48 = tpu.vector_load %arg5[%get3A] {strides = array<i32>} : memref<40960xf32, #tpu.memory_space<vmem>>, vector<16xf32>,
      %mul3A_49 = arith.constant 16 : i32
      %mul3A_50 = arith.muli %scan3A_45, %mul3A_49 : i32
      %add3A_51 = arith.constant 10240 : i32
      %add3A_52 = arith.addi %add3A_51, %mul3A_50 : i32
      %get3A_53 = arith.index_cast %add3A_52 : i32 to index
      %get3A_54 = tpu.vector_load %arg5[%get3A_53] {strides = array<i32>} : memref<40960xf32, #tpu.memory_space<vmem>>, vector<16xf32>,
      %add3A_55 = arith.addf %get3A_48, %get3A_54 : vector<16xf32>
      %mul3A_56 = arith.constant 16 : i32
      %mul3A_57 = arith.muli %scan3A_45, %mul3A_56 : i32
      %add3A_58 = arith.constant 20480 : i32
      %add3A_59 = arith.addi %add3A_58, %mul3A_57 : i32
      %get3A_60 = arith.index_cast %add3A_59 : i32 to index
      %get3A_61 = tpu.vector_load %arg5[%get3A_60] {strides = array<i32>} : memref<40960xf32, #tpu.memory_space<vmem>>, vector<16xf32>,
      %add3A_62 = arith.addf %add3A_55, %get3A_61 : vector<16xf32>
      %mul3A_63 = arith.constant 16 : i32
      %mul3A_64 = arith.muli %scan3A_45, %mul3A_63 : i32
      %add3A_65 = arith.constant 30720 : i32
      %add3A_66 = arith.addi %add3A_65, %mul3A_64 : i32
      %get3A_67 = arith.index_cast %add3A_66 : i32 to index
      %get3A_68 = tpu.vector_load %arg5[%get3A_67] {strides = array<i32>} : memref<40960xf32, #tpu.memory_space<vmem>>, vector<16xf32>,
      %add3A_69 = arith.addf %add3A_62, %get3A_68 : vector<16xf32>
      %mul3A_70 = arith.constant 16 : i32
      %mul3A_71 = arith.muli %scan3A_45, %mul3A_70 : i32
      %swap3A = arith.index_cast %mul3A_71 : i32 to index
      %swap3A_72 = tpu.vector_load %arg5[%swap3A] {strides = array<i32>} : memref<40960xf32, #tpu.memory_space<vmem>>, vector<16xf32>,
      tpu.vector_store %arg5[%swap3A], %add3A_69 {strides = array<i32>} : memref<40960xf32, #tpu.memory_space<vmem>>, vector<16xf32>,
    }
    %scan3A_25 = arith.constant 640 : i32
    %run_scoped3A = arith.constant 0 : i32
    "tpu.region"() ({
      %run_scoped3A_45 = tpu.sem_alloc : memref<!tpu.dma_semaphore, #tpu.memory_space<semaphore_mem>>
      %dma_start3A = arith.constant 0 : i32
      %dma_start3A_46 = tpu.memref_slice %arg5[%dma_start3A] : memref<40960xf32, #tpu.memory_space<vmem>> -> memref<512xf32, #tpu.memory_space<vmem>>
      %dma_start3A_47 = arith.constant 0 : i32
      %dma_start3A_48 = tpu.memref_slice %arg3[%arg0, %run_scoped3A, %arg1, %dma_start3A_47] : memref<2x20x16x512xf32, #tpu.memory_space<hbm>> -> memref<1x1x1x512xf32, #tpu.memory_space<hbm>>
      %dma_start3A_49 = tpu.memref_squeeze %dma_start3A_48 : memref<1x1x1x512xf32, #tpu.memory_space<hbm>> -> memref<512xf32, #tpu.memory_space<hbm>>
      %dma_start3A_50 = arith.constant 0 : i32
      %dma_start3A_51 = tpu.memref_slice %arg3[%arg0, %run_scoped3A, %arg1, %dma_start3A_50] : memref<2x20x16x512xf32, #tpu.memory_space<hbm>> -> memref<1x1x1x512xf32, #tpu.memory_space<hbm>>
      %dma_start3A_52 = tpu.memref_squeeze %dma_start3A_51 : memref<1x1x1x512xf32, #tpu.memory_space<hbm>> -> memref<512xf32, #tpu.memory_space<hbm>>
      %dma_start3A_53 = arith.constant 0 : i32
      %dma_start3A_54 = tpu.memref_slice %arg5[%dma_start3A_53] : memref<40960xf32, #tpu.memory_space<vmem>> -> memref<512xf32, #tpu.memory_space<vmem>>
      tpu.enqueue_dma source(%dma_start3A_54 : memref<512xf32, #tpu.memory_space<vmem>>) target(%dma_start3A_52 : memref<512xf32, #tpu.memory_space<hbm>>) target_semaphore(%run_scoped3A_45 : memref<!tpu.dma_semaphore, #tpu.memory_space<semaphore_mem>>)
      %dma_wait3A = arith.constant 0 : i32
      %dma_wait3A_55 = tpu.memref_slice %arg5[%dma_wait3A] : memref<40960xf32, #tpu.memory_space<vmem>> -> memref<512xf32, #tpu.memory_space<vmem>>
      %dma_wait3A_56 = arith.constant 0 : i32
      %dma_wait3A_57 = tpu.memref_slice %arg3[%arg0, %run_scoped3A, %arg1, %dma_wait3A_56] : memref<2x20x16x512xf32, #tpu.memory_space<hbm>> -> memref<1x1x1x512xf32, #tpu.memory_space<hbm>>
      %dma_wait3A_58 = tpu.memref_squeeze %dma_wait3A_57 : memref<1x1x1x512xf32, #tpu.memory_space<hbm>> -> memref<512xf32, #tpu.memory_space<hbm>>
      %dma_wait3A_59 = arith.constant 0 : i32
      %dma_wait3A_60 = tpu.memref_slice %arg3[%arg0, %run_scoped3A, %arg1, %dma_wait3A_59] : memref<2x20x16x512xf32, #tpu.memory_space<hbm>> -> memref<1x1x1x512xf32, #tpu.memory_space<hbm>>
      %dma_wait3A_61 = tpu.memref_squeeze %dma_wait3A_60 : memref<1x1x1x512xf32, #tpu.memory_space<hbm>> -> memref<512xf32, #tpu.memory_space<hbm>>
      %dma_wait3A_62 = arith.constant 0 : i32
      %dma_wait3A_63 = tpu.memref_slice %arg5[%dma_wait3A_62] : memref<40960xf32, #tpu.memory_space<vmem>> -> memref<512xf32, #tpu.memory_space<vmem>>
      tpu.wait_dma2 semaphore(%run_scoped3A_45 : memref<!tpu.dma_semaphore, #tpu.memory_space<semaphore_mem>>) src(%dma_wait3A_63 : memref<512xf32, #tpu.memory_space<vmem>>) dst(%dma_wait3A_61 : memref<512xf32, #tpu.memory_space<hbm>>)
      tpu.yield
    }) : () -> ()
    %run_scoped3A_26 = arith.constant 1 : i32
    "tpu.region"() ({
      %run_scoped3A_45 = tpu.sem_alloc : memref<!tpu.dma_semaphore, #tpu.memory_space<semaphore_mem>>
      %dma_start3A = arith.constant 512 : i32
      %dma_start3A_46 = tpu.memref_slice %arg5[%dma_start3A] : memref<40960xf32, #tpu.memory_space<vmem>> -> memref<512xf32, #tpu.memory_space<vmem>>
      %dma_start3A_47 = arith.constant 0 : i32
      %dma_start3A_48 = tpu.memref_slice %arg3[%arg0, %run_scoped3A_26, %arg1, %dma_start3A_47] : memref<2x20x16x512xf32, #tpu.memory_space<hbm>> -> memref<1x1x1x512xf32, #tpu.memory_space<hbm>>
      %dma_start3A_49 = tpu.memref_squeeze %dma_start3A_48 : memref<1x1x1x512xf32, #tpu.memory_space<hbm>> -> memref<512xf32, #tpu.memory_space<hbm>>
      %dma_start3A_50 = arith.constant 0 : i32
      %dma_start3A_51 = tpu.memref_slice %arg3[%arg0, %run_scoped3A_26, %arg1, %dma_start3A_50] : memref<2x20x16x512xf32, #tpu.memory_space<hbm>> -> memref<1x1x1x512xf32, #tpu.memory_space<hbm>>
      %dma_start3A_52 = tpu.memref_squeeze %dma_start3A_51 : memref<1x1x1x512xf32, #tpu.memory_space<hbm>> -> memref<512xf32, #tpu.memory_space<hbm>>
      %dma_start3A_53 = arith.constant 512 : i32
      %dma_start3A_54 = tpu.memref_slice %arg5[%dma_start3A_53] : memref<40960xf32, #tpu.memory_space<vmem>> -> memref<512xf32, #tpu.memory_space<vmem>>
      tpu.enqueue_dma source(%dma_start3A_54 : memref<512xf32, #tpu.memory_space<vmem>>) target(%dma_start3A_52 : memref<512xf32, #tpu.memory_space<hbm>>) target_semaphore(%run_scoped3A_45 : memref<!tpu.dma_semaphore, #tpu.memory_space<semaphore_mem>>)
      %dma_wait3A = arith.constant 512 : i32
      %dma_wait3A_55 = tpu.memref_slice %arg5[%dma_wait3A] : memref<40960xf32, #tpu.memory_space<vmem>> -> memref<512xf32, #tpu.memory_space<vmem>>
      %dma_wait3A_56 = arith.constant 0 : i32
      %dma_wait3A_57 = tpu.memref_slice %arg3[%arg0, %run_scoped3A_26, %arg1, %dma_wait3A_56] : memref<2x20x16x512xf32, #tpu.memory_space<hbm>> -> memref<1x1x1x512xf32, #tpu.memory_space<hbm>>
      %dma_wait3A_58 = tpu.memref_squeeze %dma_wait3A_57 : memref<1x1x1x512xf32, #tpu.memory_space<hbm>> -> memref<512xf32, #tpu.memory_space<hbm>>
      %dma_wait3A_59 = arith.constant 0 : i32
      %dma_wait3A_60 = tpu.memref_slice %arg3[%arg0, %run_scoped3A_26, %arg1, %dma_wait3A_59] : memref<2x20x16x512xf32, #tpu.memory_space<hbm>> -> memref<1x1x1x512xf32, #tpu.memory_space<hbm>>
      %dma_wait3A_61 = tpu.memref_squeeze %dma_wait3A_60 : memref<1x1x1x512xf32, #tpu.memory_space<hbm>> -> memref<512xf32, #tpu.memory_space<hbm>>
      %dma_wait3A_62 = arith.constant 512 : i32
      %dma_wait3A_63 = tpu.memref_slice %arg5[%dma_wait3A_62] : memref<40960xf32, #tpu.memory_space<vmem>> -> memref<512xf32, #tpu.memory_space<vmem>>
      tpu.wait_dma2 semaphore(%run_scoped3A_45 : memref<!tpu.dma_semaphore, #tpu.memory_space<semaphore_mem>>) src(%dma_wait3A_63 : memref<512xf32, #tpu.memory_space<vmem>>) dst(%dma_wait3A_61 : memref<512xf32, #tpu.memory_space<hbm>>)
      tpu.yield
    }) : () -> ()
    %run_scoped3A_27 = arith.constant 2 : i32
    "tpu.region"() ({
      %run_scoped3A_45 = tpu.sem_alloc : memref<!tpu.dma_semaphore, #tpu.memory_space<semaphore_mem>>
      %dma_start3A = arith.constant 1024 : i32
      %dma_start3A_46 = tpu.memref_slice %arg5[%dma_start3A] : memref<40960xf32, #tpu.memory_space<vmem>> -> memref<512xf32, #tpu.memory_space<vmem>>
      %dma_start3A_47 = arith.constant 0 : i32
      %dma_start3A_48 = tpu.memref_slice %arg3[%arg0, %run_scoped3A_27, %arg1, %dma_start3A_47] : memref<2x20x16x512xf32, #tpu.memory_space<hbm>> -> memref<1x1x1x512xf32, #tpu.memory_space<hbm>>
      %dma_start3A_49 = tpu.memref_squeeze %dma_start3A_48 : memref<1x1x1x512xf32, #tpu.memory_space<hbm>> -> memref<512xf32, #tpu.memory_space<hbm>>
      %dma_start3A_50 = arith.constant 0 : i32
      %dma_start3A_51 = tpu.memref_slice %arg3[%arg0, %run_scoped3A_27, %arg1, %dma_start3A_50] : memref<2x20x16x512xf32, #tpu.memory_space<hbm>> -> memref<1x1x1x512xf32, #tpu.memory_space<hbm>>
      %dma_start3A_52 = tpu.memref_squeeze %dma_start3A_51 : memref<1x1x1x512xf32, #tpu.memory_space<hbm>> -> memref<512xf32, #tpu.memory_space<hbm>>
      %dma_start3A_53 = arith.constant 1024 : i32
      %dma_start3A_54 = tpu.memref_slice %arg5[%dma_start3A_53] : memref<40960xf32, #tpu.memory_space<vmem>> -> memref<512xf32, #tpu.memory_space<vmem>>
      tpu.enqueue_dma source(%dma_start3A_54 : memref<512xf32, #tpu.memory_space<vmem>>) target(%dma_start3A_52 : memref<512xf32, #tpu.memory_space<hbm>>) target_semaphore(%run_scoped3A_45 : memref<!tpu.dma_semaphore, #tpu.memory_space<semaphore_mem>>)
      %dma_wait3A = arith.constant 1024 : i32
      %dma_wait3A_55 = tpu.memref_slice %arg5[%dma_wait3A] : memref<40960xf32, #tpu.memory_space<vmem>> -> memref<512xf32, #tpu.memory_space<vmem>>
      %dma_wait3A_56 = arith.constant 0 : i32
      %dma_wait3A_57 = tpu.memref_slice %arg3[%arg0, %run_scoped3A_27, %arg1, %dma_wait3A_56] : memref<2x20x16x512xf32, #tpu.memory_space<hbm>> -> memref<1x1x1x512xf32, #tpu.memory_space<hbm>>
      %dma_wait3A_58 = tpu.memref_squeeze %dma_wait3A_57 : memref<1x1x1x512xf32, #tpu.memory_space<hbm>> -> memref<512xf32, #tpu.memory_space<hbm>>
      %dma_wait3A_59 = arith.constant 0 : i32
      %dma_wait3A_60 = tpu.memref_slice %arg3[%arg0, %run_scoped3A_27, %arg1, %dma_wait3A_59] : memref<2x20x16x512xf32, #tpu.memory_space<hbm>> -> memref<1x1x1x512xf32, #tpu.memory_space<hbm>>
      %dma_wait3A_61 = tpu.memref_squeeze %dma_wait3A_60 : memref<1x1x1x512xf32, #tpu.memory_space<hbm>> -> memref<512xf32, #tpu.memory_space<hbm>>
      %dma_wait3A_62 = arith.constant 1024 : i32
      %dma_wait3A_63 = tpu.memref_slice %arg5[%dma_wait3A_62] : memref<40960xf32, #tpu.memory_space<vmem>> -> memref<512xf32, #tpu.memory_space<vmem>>
      tpu.wait_dma2 semaphore(%run_scoped3A_45 : memref<!tpu.dma_semaphore, #tpu.memory_space<semaphore_mem>>) src(%dma_wait3A_63 : memref<512xf32, #tpu.memory_space<vmem>>) dst(%dma_wait3A_61 : memref<512xf32, #tpu.memory_space<hbm>>)
      tpu.yield
    }) : () -> ()
    %run_scoped3A_28 = arith.constant 3 : i32
    "tpu.region"() ({
      %run_scoped3A_45 = tpu.sem_alloc : memref<!tpu.dma_semaphore, #tpu.memory_space<semaphore_mem>>
      %dma_start3A = arith.constant 1536 : i32
      %dma_start3A_46 = tpu.memref_slice %arg5[%dma_start3A] : memref<40960xf32, #tpu.memory_space<vmem>> -> memref<512xf32, #tpu.memory_space<vmem>>
      %dma_start3A_47 = arith.constant 0 : i32
      %dma_start3A_48 = tpu.memref_slice %arg3[%arg0, %run_scoped3A_28, %arg1, %dma_start3A_47] : memref<2x20x16x512xf32, #tpu.memory_space<hbm>> -> memref<1x1x1x512xf32, #tpu.memory_space<hbm>>
      %dma_start3A_49 = tpu.memref_squeeze %dma_start3A_48 : memref<1x1x1x512xf32, #tpu.memory_space<hbm>> -> memref<512xf32, #tpu.memory_space<hbm>>
      %dma_start3A_50 = arith.constant 0 : i32
      %dma_start3A_51 = tpu.memref_slice %arg3[%arg0, %run_scoped3A_28, %arg1, %dma_start3A_50] : memref<2x20x16x512xf32, #tpu.memory_space<hbm>> -> memref<1x1x1x512xf32, #tpu.memory_space<hbm>>
      %dma_start3A_52 = tpu.memref_squeeze %dma_start3A_51 : memref<1x1x1x512xf32, #tpu.memory_space<hbm>> -> memref<512xf32, #tpu.memory_space<hbm>>
      %dma_start3A_53 = arith.constant 1536 : i32
      %dma_start3A_54 = tpu.memref_slice %arg5[%dma_start3A_53] : memref<40960xf32, #tpu.memory_space<vmem>> -> memref<512xf32, #tpu.memory_space<vmem>>
      tpu.enqueue_dma source(%dma_start3A_54 : memref<512xf32, #tpu.memory_space<vmem>>) target(%dma_start3A_52 : memref<512xf32, #tpu.memory_space<hbm>>) target_semaphore(%run_scoped3A_45 : memref<!tpu.dma_semaphore, #tpu.memory_space<semaphore_mem>>)
      %dma_wait3A = arith.constant 1536 : i32
      %dma_wait3A_55 = tpu.memref_slice %arg5[%dma_wait3A] : memref<40960xf32, #tpu.memory_space<vmem>> -> memref<512xf32, #tpu.memory_space<vmem>>
      %dma_wait3A_56 = arith.constant 0 : i32
      %dma_wait3A_57 = tpu.memref_slice %arg3[%arg0, %run_scoped3A_28, %arg1, %dma_wait3A_56] : memref<2x20x16x512xf32, #tpu.memory_space<hbm>> -> memref<1x1x1x512xf32, #tpu.memory_space<hbm>>
      %dma_wait3A_58 = tpu.memref_squeeze %dma_wait3A_57 : memref<1x1x1x512xf32, #tpu.memory_space<hbm>> -> memref<512xf32, #tpu.memory_space<hbm>>
      %dma_wait3A_59 = arith.constant 0 : i32
      %dma_wait3A_60 = tpu.memref_slice %arg3[%arg0, %run_scoped3A_28, %arg1, %dma_wait3A_59] : memref<2x20x16x512xf32, #tpu.memory_space<hbm>> -> memref<1x1x1x512xf32, #tpu.memory_space<hbm>>
      %dma_wait3A_61 = tpu.memref_squeeze %dma_wait3A_60 : memref<1x1x1x512xf32, #tpu.memory_space<hbm>> -> memref<512xf32, #tpu.memory_space<hbm>>
      %dma_wait3A_62 = arith.constant 1536 : i32
      %dma_wait3A_63 = tpu.memref_slice %arg5[%dma_wait3A_62] : memref<40960xf32, #tpu.memory_space<vmem>> -> memref<512xf32, #tpu.memory_space<vmem>>
      tpu.wait_dma2 semaphore(%run_scoped3A_45 : memref<!tpu.dma_semaphore, #tpu.memory_space<semaphore_mem>>) src(%dma_wait3A_63 : memref<512xf32, #tpu.memory_space<vmem>>) dst(%dma_wait3A_61 : memref<512xf32, #tpu.memory_space<hbm>>)
      tpu.yield
    }) : () -> ()
    %run_scoped3A_29 = arith.constant 4 : i32
    "tpu.region"() ({
      %run_scoped3A_45 = tpu.sem_alloc : memref<!tpu.dma_semaphore, #tpu.memory_space<semaphore_mem>>
      %dma_start3A = arith.constant 2048 : i32
      %dma_start3A_46 = tpu.memref_slice %arg5[%dma_start3A] : memref<40960xf32, #tpu.memory_space<vmem>> -> memref<512xf32, #tpu.memory_space<vmem>>
      %dma_start3A_47 = arith.constant 0 : i32
      %dma_start3A_48 = tpu.memref_slice %arg3[%arg0, %run_scoped3A_29, %arg1, %dma_start3A_47] : memref<2x20x16x512xf32, #tpu.memory_space<hbm>> -> memref<1x1x1x512xf32, #tpu.memory_space<hbm>>
      %dma_start3A_49 = tpu.memref_squeeze %dma_start3A_48 : memref<1x1x1x512xf32, #tpu.memory_space<hbm>> -> memref<512xf32, #tpu.memory_space<hbm>>
      %dma_start3A_50 = arith.constant 0 : i32
      %dma_start3A_51 = tpu.memref_slice %arg3[%arg0, %run_scoped3A_29, %arg1, %dma_start3A_50] : memref<2x20x16x512xf32, #tpu.memory_space<hbm>> -> memref<1x1x1x512xf32, #tpu.memory_space<hbm>>
      %dma_start3A_52 = tpu.memref_squeeze %dma_start3A_51 : memref<1x1x1x512xf32, #tpu.memory_space<hbm>> -> memref<512xf32, #tpu.memory_space<hbm>>
      %dma_start3A_53 = arith.constant 2048 : i32
      %dma_start3A_54 = tpu.memref_slice %arg5[%dma_start3A_53] : memref<40960xf32, #tpu.memory_space<vmem>> -> memref<512xf32, #tpu.memory_space<vmem>>
      tpu.enqueue_dma source(%dma_start3A_54 : memref<512xf32, #tpu.memory_space<vmem>>) target(%dma_start3A_52 : memref<512xf32, #tpu.memory_space<hbm>>) target_semaphore(%run_scoped3A_45 : memref<!tpu.dma_semaphore, #tpu.memory_space<semaphore_mem>>)
      %dma_wait3A = arith.constant 2048 : i32
      %dma_wait3A_55 = tpu.memref_slice %arg5[%dma_wait3A] : memref<40960xf32, #tpu.memory_space<vmem>> -> memref<512xf32, #tpu.memory_space<vmem>>
      %dma_wait3A_56 = arith.constant 0 : i32
      %dma_wait3A_57 = tpu.memref_slice %arg3[%arg0, %run_scoped3A_29, %arg1, %dma_wait3A_56] : memref<2x20x16x512xf32, #tpu.memory_space<hbm>> -> memref<1x1x1x512xf32, #tpu.memory_space<hbm>>
      %dma_wait3A_58 = tpu.memref_squeeze %dma_wait3A_57 : memref<1x1x1x512xf32, #tpu.memory_space<hbm>> -> memref<512xf32, #tpu.memory_space<hbm>>
      %dma_wait3A_59 = arith.constant 0 : i32
      %dma_wait3A_60 = tpu.memref_slice %arg3[%arg0, %run_scoped3A_29, %arg1, %dma_wait3A_59] : memref<2x20x16x512xf32, #tpu.memory_space<hbm>> -> memref<1x1x1x512xf32, #tpu.memory_space<hbm>>
      %dma_wait3A_61 = tpu.memref_squeeze %dma_wait3A_60 : memref<1x1x1x512xf32, #tpu.memory_space<hbm>> -> memref<512xf32, #tpu.memory_space<hbm>>
      %dma_wait3A_62 = arith.constant 2048 : i32
      %dma_wait3A_63 = tpu.memref_slice %arg5[%dma_wait3A_62] : memref<40960xf32, #tpu.memory_space<vmem>> -> memref<512xf32, #tpu.memory_space<vmem>>
      tpu.wait_dma2 semaphore(%run_scoped3A_45 : memref<!tpu.dma_semaphore, #tpu.memory_space<semaphore_mem>>) src(%dma_wait3A_63 : memref<512xf32, #tpu.memory_space<vmem>>) dst(%dma_wait3A_61 : memref<512xf32, #tpu.memory_space<hbm>>)
      tpu.yield
    }) : () -> ()
    %run_scoped3A_30 = arith.constant 5 : i32
    "tpu.region"() ({
      %run_scoped3A_45 = tpu.sem_alloc : memref<!tpu.dma_semaphore, #tpu.memory_space<semaphore_mem>>
      %dma_start3A = arith.constant 2560 : i32
      %dma_start3A_46 = tpu.memref_slice %arg5[%dma_start3A] : memref<40960xf32, #tpu.memory_space<vmem>> -> memref<512xf32, #tpu.memory_space<vmem>>
      %dma_start3A_47 = arith.constant 0 : i32
      %dma_start3A_48 = tpu.memref_slice %arg3[%arg0, %run_scoped3A_30, %arg1, %dma_start3A_47] : memref<2x20x16x512xf32, #tpu.memory_space<hbm>> -> memref<1x1x1x512xf32, #tpu.memory_space<hbm>>
      %dma_start3A_49 = tpu.memref_squeeze %dma_start3A_48 : memref<1x1x1x512xf32, #tpu.memory_space<hbm>> -> memref<512xf32, #tpu.memory_space<hbm>>
      %dma_start3A_50 = arith.constant 0 : i32
      %dma_start3A_51 = tpu.memref_slice %arg3[%arg0, %run_scoped3A_30, %arg1, %dma_start3A_50] : memref<2x20x16x512xf32, #tpu.memory_space<hbm>> -> memref<1x1x1x512xf32, #tpu.memory_space<hbm>>
      %dma_start3A_52 = tpu.memref_squeeze %dma_start3A_51 : memref<1x1x1x512xf32, #tpu.memory_space<hbm>> -> memref<512xf32, #tpu.memory_space<hbm>>
      %dma_start3A_53 = arith.constant 2560 : i32
      %dma_start3A_54 = tpu.memref_slice %arg5[%dma_start3A_53] : memref<40960xf32, #tpu.memory_space<vmem>> -> memref<512xf32, #tpu.memory_space<vmem>>
      tpu.enqueue_dma source(%dma_start3A_54 : memref<512xf32, #tpu.memory_space<vmem>>) target(%dma_start3A_52 : memref<512xf32, #tpu.memory_space<hbm>>) target_semaphore(%run_scoped3A_45 : memref<!tpu.dma_semaphore, #tpu.memory_space<semaphore_mem>>)
      %dma_wait3A = arith.constant 2560 : i32
      %dma_wait3A_55 = tpu.memref_slice %arg5[%dma_wait3A] : memref<40960xf32, #tpu.memory_space<vmem>> -> memref<512xf32, #tpu.memory_space<vmem>>
      %dma_wait3A_56 = arith.constant 0 : i32
      %dma_wait3A_57 = tpu.memref_slice %arg3[%arg0, %run_scoped3A_30, %arg1, %dma_wait3A_56] : memref<2x20x16x512xf32, #tpu.memory_space<hbm>> -> memref<1x1x1x512xf32, #tpu.memory_space<hbm>>
      %dma_wait3A_58 = tpu.memref_squeeze %dma_wait3A_57 : memref<1x1x1x512xf32, #tpu.memory_space<hbm>> -> memref<512xf32, #tpu.memory_space<hbm>>
      %dma_wait3A_59 = arith.constant 0 : i32
      %dma_wait3A_60 = tpu.memref_slice %arg3[%arg0, %run_scoped3A_30, %arg1, %dma_wait3A_59] : memref<2x20x16x512xf32, #tpu.memory_space<hbm>> -> memref<1x1x1x512xf32, #tpu.memory_space<hbm>>
      %dma_wait3A_61 = tpu.memref_squeeze %dma_wait3A_60 : memref<1x1x1x512xf32, #tpu.memory_space<hbm>> -> memref<512xf32, #tpu.memory_space<hbm>>
      %dma_wait3A_62 = arith.constant 2560 : i32
      %dma_wait3A_63 = tpu.memref_slice %arg5[%dma_wait3A_62] : memref<40960xf32, #tpu.memory_space<vmem>> -> memref<512xf32, #tpu.memory_space<vmem>>
      tpu.wait_dma2 semaphore(%run_scoped3A_45 : memref<!tpu.dma_semaphore, #tpu.memory_space<semaphore_mem>>) src(%dma_wait3A_63 : memref<512xf32, #tpu.memory_space<vmem>>) dst(%dma_wait3A_61 : memref<512xf32, #tpu.memory_space<hbm>>)
      tpu.yield
    }) : () -> ()
    %run_scoped3A_31 = arith.constant 6 : i32
    "tpu.region"() ({
      %run_scoped3A_45 = tpu.sem_alloc : memref<!tpu.dma_semaphore, #tpu.memory_space<semaphore_mem>>
      %dma_start3A = arith.constant 3072 : i32
      %dma_start3A_46 = tpu.memref_slice %arg5[%dma_start3A] : memref<40960xf32, #tpu.memory_space<vmem>> -> memref<512xf32, #tpu.memory_space<vmem>>
      %dma_start3A_47 = arith.constant 0 : i32
      %dma_start3A_48 = tpu.memref_slice %arg3[%arg0, %run_scoped3A_31, %arg1, %dma_start3A_47] : memref<2x20x16x512xf32, #tpu.memory_space<hbm>> -> memref<1x1x1x512xf32, #tpu.memory_space<hbm>>
      %dma_start3A_49 = tpu.memref_squeeze %dma_start3A_48 : memref<1x1x1x512xf32, #tpu.memory_space<hbm>> -> memref<512xf32, #tpu.memory_space<hbm>>
      %dma_start3A_50 = arith.constant 0 : i32
      %dma_start3A_51 = tpu.memref_slice %arg3[%arg0, %run_scoped3A_31, %arg1, %dma_start3A_50] : memref<2x20x16x512xf32, #tpu.memory_space<hbm>> -> memref<1x1x1x512xf32, #tpu.memory_space<hbm>>
      %dma_start3A_52 = tpu.memref_squeeze %dma_start3A_51 : memref<1x1x1x512xf32, #tpu.memory_space<hbm>> -> memref<512xf32, #tpu.memory_space<hbm>>
      %dma_start3A_53 = arith.constant 3072 : i32
      %dma_start3A_54 = tpu.memref_slice %arg5[%dma_start3A_53] : memref<40960xf32, #tpu.memory_space<vmem>> -> memref<512xf32, #tpu.memory_space<vmem>>
      tpu.enqueue_dma source(%dma_start3A_54 : memref<512xf32, #tpu.memory_space<vmem>>) target(%dma_start3A_52 : memref<512xf32, #tpu.memory_space<hbm>>) target_semaphore(%run_scoped3A_45 : memref<!tpu.dma_semaphore, #tpu.memory_space<semaphore_mem>>)
      %dma_wait3A = arith.constant 3072 : i32
      %dma_wait3A_55 = tpu.memref_slice %arg5[%dma_wait3A] : memref<40960xf32, #tpu.memory_space<vmem>> -> memref<512xf32, #tpu.memory_space<vmem>>
      %dma_wait3A_56 = arith.constant 0 : i32
      %dma_wait3A_57 = tpu.memref_slice %arg3[%arg0, %run_scoped3A_31, %arg1, %dma_wait3A_56] : memref<2x20x16x512xf32, #tpu.memory_space<hbm>> -> memref<1x1x1x512xf32, #tpu.memory_space<hbm>>
      %dma_wait3A_58 = tpu.memref_squeeze %dma_wait3A_57 : memref<1x1x1x512xf32, #tpu.memory_space<hbm>> -> memref<512xf32, #tpu.memory_space<hbm>>
      %dma_wait3A_59 = arith.constant 0 : i32
      %dma_wait3A_60 = tpu.memref_slice %arg3[%arg0, %run_scoped3A_31, %arg1, %dma_wait3A_59] : memref<2x20x16x512xf32, #tpu.memory_space<hbm>> -> memref<1x1x1x512xf32, #tpu.memory_space<hbm>>
      %dma_wait3A_61 = tpu.memref_squeeze %dma_wait3A_60 : memref<1x1x1x512xf32, #tpu.memory_space<hbm>> -> memref<512xf32, #tpu.memory_space<hbm>>
      %dma_wait3A_62 = arith.constant 3072 : i32
      %dma_wait3A_63 = tpu.memref_slice %arg5[%dma_wait3A_62] : memref<40960xf32, #tpu.memory_space<vmem>> -> memref<512xf32, #tpu.memory_space<vmem>>
      tpu.wait_dma2 semaphore(%run_scoped3A_45 : memref<!tpu.dma_semaphore, #tpu.memory_space<semaphore_mem>>) src(%dma_wait3A_63 : memref<512xf32, #tpu.memory_space<vmem>>) dst(%dma_wait3A_61 : memref<512xf32, #tpu.memory_space<hbm>>)
      tpu.yield
    }) : () -> ()
    %run_scoped3A_32 = arith.constant 7 : i32
    "tpu.region"() ({
      %run_scoped3A_45 = tpu.sem_alloc : memref<!tpu.dma_semaphore, #tpu.memory_space<semaphore_mem>>
      %dma_start3A = arith.constant 3584 : i32
      %dma_start3A_46 = tpu.memref_slice %arg5[%dma_start3A] : memref<40960xf32, #tpu.memory_space<vmem>> -> memref<512xf32, #tpu.memory_space<vmem>>
      %dma_start3A_47 = arith.constant 0 : i32
      %dma_start3A_48 = tpu.memref_slice %arg3[%arg0, %run_scoped3A_32, %arg1, %dma_start3A_47] : memref<2x20x16x512xf32, #tpu.memory_space<hbm>> -> memref<1x1x1x512xf32, #tpu.memory_space<hbm>>
      %dma_start3A_49 = tpu.memref_squeeze %dma_start3A_48 : memref<1x1x1x512xf32, #tpu.memory_space<hbm>> -> memref<512xf32, #tpu.memory_space<hbm>>
      %dma_start3A_50 = arith.constant 0 : i32
      %dma_start3A_51 = tpu.memref_slice %arg3[%arg0, %run_scoped3A_32, %arg1, %dma_start3A_50] : memref<2x20x16x512xf32, #tpu.memory_space<hbm>> -> memref<1x1x1x512xf32, #tpu.memory_space<hbm>>
      %dma_start3A_52 = tpu.memref_squeeze %dma_start3A_51 : memref<1x1x1x512xf32, #tpu.memory_space<hbm>> -> memref<512xf32, #tpu.memory_space<hbm>>
      %dma_start3A_53 = arith.constant 3584 : i32
      %dma_start3A_54 = tpu.memref_slice %arg5[%dma_start3A_53] : memref<40960xf32, #tpu.memory_space<vmem>> -> memref<512xf32, #tpu.memory_space<vmem>>
      tpu.enqueue_dma source(%dma_start3A_54 : memref<512xf32, #tpu.memory_space<vmem>>) target(%dma_start3A_52 : memref<512xf32, #tpu.memory_space<hbm>>) target_semaphore(%run_scoped3A_45 : memref<!tpu.dma_semaphore, #tpu.memory_space<semaphore_mem>>)
      %dma_wait3A = arith.constant 3584 : i32
      %dma_wait3A_55 = tpu.memref_slice %arg5[%dma_wait3A] : memref<40960xf32, #tpu.memory_space<vmem>> -> memref<512xf32, #tpu.memory_space<vmem>>
      %dma_wait3A_56 = arith.constant 0 : i32
      %dma_wait3A_57 = tpu.memref_slice %arg3[%arg0, %run_scoped3A_32, %arg1, %dma_wait3A_56] : memref<2x20x16x512xf32, #tpu.memory_space<hbm>> -> memref<1x1x1x512xf32, #tpu.memory_space<hbm>>
      %dma_wait3A_58 = tpu.memref_squeeze %dma_wait3A_57 : memref<1x1x1x512xf32, #tpu.memory_space<hbm>> -> memref<512xf32, #tpu.memory_space<hbm>>
      %dma_wait3A_59 = arith.constant 0 : i32
      %dma_wait3A_60 = tpu.memref_slice %arg3[%arg0, %run_scoped3A_32, %arg1, %dma_wait3A_59] : memref<2x20x16x512xf32, #tpu.memory_space<hbm>> -> memref<1x1x1x512xf32, #tpu.memory_space<hbm>>
      %dma_wait3A_61 = tpu.memref_squeeze %dma_wait3A_60 : memref<1x1x1x512xf32, #tpu.memory_space<hbm>> -> memref<512xf32, #tpu.memory_space<hbm>>
      %dma_wait3A_62 = arith.constant 3584 : i32
      %dma_wait3A_63 = tpu.memref_slice %arg5[%dma_wait3A_62] : memref<40960xf32, #tpu.memory_space<vmem>> -> memref<512xf32, #tpu.memory_space<vmem>>
      tpu.wait_dma2 semaphore(%run_scoped3A_45 : memref<!tpu.dma_semaphore, #tpu.memory_space<semaphore_mem>>) src(%dma_wait3A_63 : memref<512xf32, #tpu.memory_space<vmem>>) dst(%dma_wait3A_61 : memref<512xf32, #tpu.memory_space<hbm>>)
      tpu.yield
    }) : () -> ()
    %run_scoped3A_33 = arith.constant 8 : i32
    "tpu.region"() ({
      %run_scoped3A_45 = tpu.sem_alloc : memref<!tpu.dma_semaphore, #tpu.memory_space<semaphore_mem>>
      %dma_start3A = arith.constant 4096 : i32
      %dma_start3A_46 = tpu.memref_slice %arg5[%dma_start3A] : memref<40960xf32, #tpu.memory_space<vmem>> -> memref<512xf32, #tpu.memory_space<vmem>>
      %dma_start3A_47 = arith.constant 0 : i32
      %dma_start3A_48 = tpu.memref_slice %arg3[%arg0, %run_scoped3A_33, %arg1, %dma_start3A_47] : memref<2x20x16x512xf32, #tpu.memory_space<hbm>> -> memref<1x1x1x512xf32, #tpu.memory_space<hbm>>
      %dma_start3A_49 = tpu.memref_squeeze %dma_start3A_48 : memref<1x1x1x512xf32, #tpu.memory_space<hbm>> -> memref<512xf32, #tpu.memory_space<hbm>>
      %dma_start3A_50 = arith.constant 0 : i32
      %dma_start3A_51 = tpu.memref_slice %arg3[%arg0, %run_scoped3A_33, %arg1, %dma_start3A_50] : memref<2x20x16x512xf32, #tpu.memory_space<hbm>> -> memref<1x1x1x512xf32, #tpu.memory_space<hbm>>
      %dma_start3A_52 = tpu.memref_squeeze %dma_start3A_51 : memref<1x1x1x512xf32, #tpu.memory_space<hbm>> -> memref<512xf32, #tpu.memory_space<hbm>>
      %dma_start3A_53 = arith.constant 4096 : i32
      %dma_start3A_54 = tpu.memref_slice %arg5[%dma_start3A_53] : memref<40960xf32, #tpu.memory_space<vmem>> -> memref<512xf32, #tpu.memory_space<vmem>>
      tpu.enqueue_dma source(%dma_start3A_54 : memref<512xf32, #tpu.memory_space<vmem>>) target(%dma_start3A_52 : memref<512xf32, #tpu.memory_space<hbm>>) target_semaphore(%run_scoped3A_45 : memref<!tpu.dma_semaphore, #tpu.memory_space<semaphore_mem>>)
      %dma_wait3A = arith.constant 4096 : i32
      %dma_wait3A_55 = tpu.memref_slice %arg5[%dma_wait3A] : memref<40960xf32, #tpu.memory_space<vmem>> -> memref<512xf32, #tpu.memory_space<vmem>>
      %dma_wait3A_56 = arith.constant 0 : i32
      %dma_wait3A_57 = tpu.memref_slice %arg3[%arg0, %run_scoped3A_33, %arg1, %dma_wait3A_56] : memref<2x20x16x512xf32, #tpu.memory_space<hbm>> -> memref<1x1x1x512xf32, #tpu.memory_space<hbm>>
      %dma_wait3A_58 = tpu.memref_squeeze %dma_wait3A_57 : memref<1x1x1x512xf32, #tpu.memory_space<hbm>> -> memref<512xf32, #tpu.memory_space<hbm>>
      %dma_wait3A_59 = arith.constant 0 : i32
      %dma_wait3A_60 = tpu.memref_slice %arg3[%arg0, %run_scoped3A_33, %arg1, %dma_wait3A_59] : memref<2x20x16x512xf32, #tpu.memory_space<hbm>> -> memref<1x1x1x512xf32, #tpu.memory_space<hbm>>
      %dma_wait3A_61 = tpu.memref_squeeze %dma_wait3A_60 : memref<1x1x1x512xf32, #tpu.memory_space<hbm>> -> memref<512xf32, #tpu.memory_space<hbm>>
      %dma_wait3A_62 = arith.constant 4096 : i32
      %dma_wait3A_63 = tpu.memref_slice %arg5[%dma_wait3A_62] : memref<40960xf32, #tpu.memory_space<vmem>> -> memref<512xf32, #tpu.memory_space<vmem>>
      tpu.wait_dma2 semaphore(%run_scoped3A_45 : memref<!tpu.dma_semaphore, #tpu.memory_space<semaphore_mem>>) src(%dma_wait3A_63 : memref<512xf32, #tpu.memory_space<vmem>>) dst(%dma_wait3A_61 : memref<512xf32, #tpu.memory_space<hbm>>)
      tpu.yield
    }) : () -> ()
    %run_scoped3A_34 = arith.constant 9 : i32
    "tpu.region"() ({
      %run_scoped3A_45 = tpu.sem_alloc : memref<!tpu.dma_semaphore, #tpu.memory_space<semaphore_mem>>
      %dma_start3A = arith.constant 4608 : i32
      %dma_start3A_46 = tpu.memref_slice %arg5[%dma_start3A] : memref<40960xf32, #tpu.memory_space<vmem>> -> memref<512xf32, #tpu.memory_space<vmem>>
      %dma_start3A_47 = arith.constant 0 : i32
      %dma_start3A_48 = tpu.memref_slice %arg3[%arg0, %run_scoped3A_34, %arg1, %dma_start3A_47] : memref<2x20x16x512xf32, #tpu.memory_space<hbm>> -> memref<1x1x1x512xf32, #tpu.memory_space<hbm>>
      %dma_start3A_49 = tpu.memref_squeeze %dma_start3A_48 : memref<1x1x1x512xf32, #tpu.memory_space<hbm>> -> memref<512xf32, #tpu.memory_space<hbm>>
      %dma_start3A_50 = arith.constant 0 : i32
      %dma_start3A_51 = tpu.memref_slice %arg3[%arg0, %run_scoped3A_34, %arg1, %dma_start3A_50] : memref<2x20x16x512xf32, #tpu.memory_space<hbm>> -> memref<1x1x1x512xf32, #tpu.memory_space<hbm>>
      %dma_start3A_52 = tpu.memref_squeeze %dma_start3A_51 : memref<1x1x1x512xf32, #tpu.memory_space<hbm>> -> memref<512xf32, #tpu.memory_space<hbm>>
      %dma_start3A_53 = arith.constant 4608 : i32
      %dma_start3A_54 = tpu.memref_slice %arg5[%dma_start3A_53] : memref<40960xf32, #tpu.memory_space<vmem>> -> memref<512xf32, #tpu.memory_space<vmem>>
      tpu.enqueue_dma source(%dma_start3A_54 : memref<512xf32, #tpu.memory_space<vmem>>) target(%dma_start3A_52 : memref<512xf32, #tpu.memory_space<hbm>>) target_semaphore(%run_scoped3A_45 : memref<!tpu.dma_semaphore, #tpu.memory_space<semaphore_mem>>)
      %dma_wait3A = arith.constant 4608 : i32
      %dma_wait3A_55 = tpu.memref_slice %arg5[%dma_wait3A] : memref<40960xf32, #tpu.memory_space<vmem>> -> memref<512xf32, #tpu.memory_space<vmem>>
      %dma_wait3A_56 = arith.constant 0 : i32
      %dma_wait3A_57 = tpu.memref_slice %arg3[%arg0, %run_scoped3A_34, %arg1, %dma_wait3A_56] : memref<2x20x16x512xf32, #tpu.memory_space<hbm>> -> memref<1x1x1x512xf32, #tpu.memory_space<hbm>>
      %dma_wait3A_58 = tpu.memref_squeeze %dma_wait3A_57 : memref<1x1x1x512xf32, #tpu.memory_space<hbm>> -> memref<512xf32, #tpu.memory_space<hbm>>
      %dma_wait3A_59 = arith.constant 0 : i32
      %dma_wait3A_60 = tpu.memref_slice %arg3[%arg0, %run_scoped3A_34, %arg1, %dma_wait3A_59] : memref<2x20x16x512xf32, #tpu.memory_space<hbm>> -> memref<1x1x1x512xf32, #tpu.memory_space<hbm>>
      %dma_wait3A_61 = tpu.memref_squeeze %dma_wait3A_60 : memref<1x1x1x512xf32, #tpu.memory_space<hbm>> -> memref<512xf32, #tpu.memory_space<hbm>>
      %dma_wait3A_62 = arith.constant 4608 : i32
      %dma_wait3A_63 = tpu.memref_slice %arg5[%dma_wait3A_62] : memref<40960xf32, #tpu.memory_space<vmem>> -> memref<512xf32, #tpu.memory_space<vmem>>
      tpu.wait_dma2 semaphore(%run_scoped3A_45 : memref<!tpu.dma_semaphore, #tpu.memory_space<semaphore_mem>>) src(%dma_wait3A_63 : memref<512xf32, #tpu.memory_space<vmem>>) dst(%dma_wait3A_61 : memref<512xf32, #tpu.memory_space<hbm>>)
      tpu.yield
    }) : () -> ()
    %run_scoped3A_35 = arith.constant 10 : i32
    "tpu.region"() ({
      %run_scoped3A_45 = tpu.sem_alloc : memref<!tpu.dma_semaphore, #tpu.memory_space<semaphore_mem>>
      %dma_start3A = arith.constant 5120 : i32
      %dma_start3A_46 = tpu.memref_slice %arg5[%dma_start3A] : memref<40960xf32, #tpu.memory_space<vmem>> -> memref<512xf32, #tpu.memory_space<vmem>>
      %dma_start3A_47 = arith.constant 0 : i32
      %dma_start3A_48 = tpu.memref_slice %arg3[%arg0, %run_scoped3A_35, %arg1, %dma_start3A_47] : memref<2x20x16x512xf32, #tpu.memory_space<hbm>> -> memref<1x1x1x512xf32, #tpu.memory_space<hbm>>
      %dma_start3A_49 = tpu.memref_squeeze %dma_start3A_48 : memref<1x1x1x512xf32, #tpu.memory_space<hbm>> -> memref<512xf32, #tpu.memory_space<hbm>>
      %dma_start3A_50 = arith.constant 0 : i32
      %dma_start3A_51 = tpu.memref_slice %arg3[%arg0, %run_scoped3A_35, %arg1, %dma_start3A_50] : memref<2x20x16x512xf32, #tpu.memory_space<hbm>> -> memref<1x1x1x512xf32, #tpu.memory_space<hbm>>
      %dma_start3A_52 = tpu.memref_squeeze %dma_start3A_51 : memref<1x1x1x512xf32, #tpu.memory_space<hbm>> -> memref<512xf32, #tpu.memory_space<hbm>>
      %dma_start3A_53 = arith.constant 5120 : i32
      %dma_start3A_54 = tpu.memref_slice %arg5[%dma_start3A_53] : memref<40960xf32, #tpu.memory_space<vmem>> -> memref<512xf32, #tpu.memory_space<vmem>>
      tpu.enqueue_dma source(%dma_start3A_54 : memref<512xf32, #tpu.memory_space<vmem>>) target(%dma_start3A_52 : memref<512xf32, #tpu.memory_space<hbm>>) target_semaphore(%run_scoped3A_45 : memref<!tpu.dma_semaphore, #tpu.memory_space<semaphore_mem>>)
      %dma_wait3A = arith.constant 5120 : i32
      %dma_wait3A_55 = tpu.memref_slice %arg5[%dma_wait3A] : memref<40960xf32, #tpu.memory_space<vmem>> -> memref<512xf32, #tpu.memory_space<vmem>>
      %dma_wait3A_56 = arith.constant 0 : i32
      %dma_wait3A_57 = tpu.memref_slice %arg3[%arg0, %run_scoped3A_35, %arg1, %dma_wait3A_56] : memref<2x20x16x512xf32, #tpu.memory_space<hbm>> -> memref<1x1x1x512xf32, #tpu.memory_space<hbm>>
      %dma_wait3A_58 = tpu.memref_squeeze %dma_wait3A_57 : memref<1x1x1x512xf32, #tpu.memory_space<hbm>> -> memref<512xf32, #tpu.memory_space<hbm>>
      %dma_wait3A_59 = arith.constant 0 : i32
      %dma_wait3A_60 = tpu.memref_slice %arg3[%arg0, %run_scoped3A_35, %arg1, %dma_wait3A_59] : memref<2x20x16x512xf32, #tpu.memory_space<hbm>> -> memref<1x1x1x512xf32, #tpu.memory_space<hbm>>
      %dma_wait3A_61 = tpu.memref_squeeze %dma_wait3A_60 : memref<1x1x1x512xf32, #tpu.memory_space<hbm>> -> memref<512xf32, #tpu.memory_space<hbm>>
      %dma_wait3A_62 = arith.constant 5120 : i32
      %dma_wait3A_63 = tpu.memref_slice %arg5[%dma_wait3A_62] : memref<40960xf32, #tpu.memory_space<vmem>> -> memref<512xf32, #tpu.memory_space<vmem>>
      tpu.wait_dma2 semaphore(%run_scoped3A_45 : memref<!tpu.dma_semaphore, #tpu.memory_space<semaphore_mem>>) src(%dma_wait3A_63 : memref<512xf32, #tpu.memory_space<vmem>>) dst(%dma_wait3A_61 : memref<512xf32, #tpu.memory_space<hbm>>)
      tpu.yield
    }) : () -> ()
    %run_scoped3A_36 = arith.constant 11 : i32
    "tpu.region"() ({
      %run_scoped3A_45 = tpu.sem_alloc : memref<!tpu.dma_semaphore, #tpu.memory_space<semaphore_mem>>
      %dma_start3A = arith.constant 5632 : i32
      %dma_start3A_46 = tpu.memref_slice %arg5[%dma_start3A] : memref<40960xf32, #tpu.memory_space<vmem>> -> memref<512xf32, #tpu.memory_space<vmem>>
      %dma_start3A_47 = arith.constant 0 : i32
      %dma_start3A_48 = tpu.memref_slice %arg3[%arg0, %run_scoped3A_36, %arg1, %dma_start3A_47] : memref<2x20x16x512xf32, #tpu.memory_space<hbm>> -> memref<1x1x1x512xf32, #tpu.memory_space<hbm>>
      %dma_start3A_49 = tpu.memref_squeeze %dma_start3A_48 : memref<1x1x1x512xf32, #tpu.memory_space<hbm>> -> memref<512xf32, #tpu.memory_space<hbm>>
      %dma_start3A_50 = arith.constant 0 : i32
      %dma_start3A_51 = tpu.memref_slice %arg3[%arg0, %run_scoped3A_36, %arg1, %dma_start3A_50] : memref<2x20x16x512xf32, #tpu.memory_space<hbm>> -> memref<1x1x1x512xf32, #tpu.memory_space<hbm>>
      %dma_start3A_52 = tpu.memref_squeeze %dma_start3A_51 : memref<1x1x1x512xf32, #tpu.memory_space<hbm>> -> memref<512xf32, #tpu.memory_space<hbm>>
      %dma_start3A_53 = arith.constant 5632 : i32
      %dma_start3A_54 = tpu.memref_slice %arg5[%dma_start3A_53] : memref<40960xf32, #tpu.memory_space<vmem>> -> memref<512xf32, #tpu.memory_space<vmem>>
      tpu.enqueue_dma source(%dma_start3A_54 : memref<512xf32, #tpu.memory_space<vmem>>) target(%dma_start3A_52 : memref<512xf32, #tpu.memory_space<hbm>>) target_semaphore(%run_scoped3A_45 : memref<!tpu.dma_semaphore, #tpu.memory_space<semaphore_mem>>)
      %dma_wait3A = arith.constant 5632 : i32
      %dma_wait3A_55 = tpu.memref_slice %arg5[%dma_wait3A] : memref<40960xf32, #tpu.memory_space<vmem>> -> memref<512xf32, #tpu.memory_space<vmem>>
      %dma_wait3A_56 = arith.constant 0 : i32
      %dma_wait3A_57 = tpu.memref_slice %arg3[%arg0, %run_scoped3A_36, %arg1, %dma_wait3A_56] : memref<2x20x16x512xf32, #tpu.memory_space<hbm>> -> memref<1x1x1x512xf32, #tpu.memory_space<hbm>>
      %dma_wait3A_58 = tpu.memref_squeeze %dma_wait3A_57 : memref<1x1x1x512xf32, #tpu.memory_space<hbm>> -> memref<512xf32, #tpu.memory_space<hbm>>
      %dma_wait3A_59 = arith.constant 0 : i32
      %dma_wait3A_60 = tpu.memref_slice %arg3[%arg0, %run_scoped3A_36, %arg1, %dma_wait3A_59] : memref<2x20x16x512xf32, #tpu.memory_space<hbm>> -> memref<1x1x1x512xf32, #tpu.memory_space<hbm>>
      %dma_wait3A_61 = tpu.memref_squeeze %dma_wait3A_60 : memref<1x1x1x512xf32, #tpu.memory_space<hbm>> -> memref<512xf32, #tpu.memory_space<hbm>>
      %dma_wait3A_62 = arith.constant 5632 : i32
      %dma_wait3A_63 = tpu.memref_slice %arg5[%dma_wait3A_62] : memref<40960xf32, #tpu.memory_space<vmem>> -> memref<512xf32, #tpu.memory_space<vmem>>
      tpu.wait_dma2 semaphore(%run_scoped3A_45 : memref<!tpu.dma_semaphore, #tpu.memory_space<semaphore_mem>>) src(%dma_wait3A_63 : memref<512xf32, #tpu.memory_space<vmem>>) dst(%dma_wait3A_61 : memref<512xf32, #tpu.memory_space<hbm>>)
      tpu.yield
    }) : () -> ()
    %run_scoped3A_37 = arith.constant 12 : i32
    "tpu.region"() ({
      %run_scoped3A_45 = tpu.sem_alloc : memref<!tpu.dma_semaphore, #tpu.memory_space<semaphore_mem>>
      %dma_start3A = arith.constant 6144 : i32
      %dma_start3A_46 = tpu.memref_slice %arg5[%dma_start3A] : memref<40960xf32, #tpu.memory_space<vmem>> -> memref<512xf32, #tpu.memory_space<vmem>>
      %dma_start3A_47 = arith.constant 0 : i32
      %dma_start3A_48 = tpu.memref_slice %arg3[%arg0, %run_scoped3A_37, %arg1, %dma_start3A_47] : memref<2x20x16x512xf32, #tpu.memory_space<hbm>> -> memref<1x1x1x512xf32, #tpu.memory_space<hbm>>
      %dma_start3A_49 = tpu.memref_squeeze %dma_start3A_48 : memref<1x1x1x512xf32, #tpu.memory_space<hbm>> -> memref<512xf32, #tpu.memory_space<hbm>>
      %dma_start3A_50 = arith.constant 0 : i32
      %dma_start3A_51 = tpu.memref_slice %arg3[%arg0, %run_scoped3A_37, %arg1, %dma_start3A_50] : memref<2x20x16x512xf32, #tpu.memory_space<hbm>> -> memref<1x1x1x512xf32, #tpu.memory_space<hbm>>
      %dma_start3A_52 = tpu.memref_squeeze %dma_start3A_51 : memref<1x1x1x512xf32, #tpu.memory_space<hbm>> -> memref<512xf32, #tpu.memory_space<hbm>>
      %dma_start3A_53 = arith.constant 6144 : i32
      %dma_start3A_54 = tpu.memref_slice %arg5[%dma_start3A_53] : memref<40960xf32, #tpu.memory_space<vmem>> -> memref<512xf32, #tpu.memory_space<vmem>>
      tpu.enqueue_dma source(%dma_start3A_54 : memref<512xf32, #tpu.memory_space<vmem>>) target(%dma_start3A_52 : memref<512xf32, #tpu.memory_space<hbm>>) target_semaphore(%run_scoped3A_45 : memref<!tpu.dma_semaphore, #tpu.memory_space<semaphore_mem>>)
      %dma_wait3A = arith.constant 6144 : i32
      %dma_wait3A_55 = tpu.memref_slice %arg5[%dma_wait3A] : memref<40960xf32, #tpu.memory_space<vmem>> -> memref<512xf32, #tpu.memory_space<vmem>>
      %dma_wait3A_56 = arith.constant 0 : i32
      %dma_wait3A_57 = tpu.memref_slice %arg3[%arg0, %run_scoped3A_37, %arg1, %dma_wait3A_56] : memref<2x20x16x512xf32, #tpu.memory_space<hbm>> -> memref<1x1x1x512xf32, #tpu.memory_space<hbm>>
      %dma_wait3A_58 = tpu.memref_squeeze %dma_wait3A_57 : memref<1x1x1x512xf32, #tpu.memory_space<hbm>> -> memref<512xf32, #tpu.memory_space<hbm>>
      %dma_wait3A_59 = arith.constant 0 : i32
      %dma_wait3A_60 = tpu.memref_slice %arg3[%arg0, %run_scoped3A_37, %arg1, %dma_wait3A_59] : memref<2x20x16x512xf32, #tpu.memory_space<hbm>> -> memref<1x1x1x512xf32, #tpu.memory_space<hbm>>
      %dma_wait3A_61 = tpu.memref_squeeze %dma_wait3A_60 : memref<1x1x1x512xf32, #tpu.memory_space<hbm>> -> memref<512xf32, #tpu.memory_space<hbm>>
      %dma_wait3A_62 = arith.constant 6144 : i32
      %dma_wait3A_63 = tpu.memref_slice %arg5[%dma_wait3A_62] : memref<40960xf32, #tpu.memory_space<vmem>> -> memref<512xf32, #tpu.memory_space<vmem>>
      tpu.wait_dma2 semaphore(%run_scoped3A_45 : memref<!tpu.dma_semaphore, #tpu.memory_space<semaphore_mem>>) src(%dma_wait3A_63 : memref<512xf32, #tpu.memory_space<vmem>>) dst(%dma_wait3A_61 : memref<512xf32, #tpu.memory_space<hbm>>)
      tpu.yield
    }) : () -> ()
    %run_scoped3A_38 = arith.constant 13 : i32
    "tpu.region"() ({
      %run_scoped3A_45 = tpu.sem_alloc : memref<!tpu.dma_semaphore, #tpu.memory_space<semaphore_mem>>
      %dma_start3A = arith.constant 6656 : i32
      %dma_start3A_46 = tpu.memref_slice %arg5[%dma_start3A] : memref<40960xf32, #tpu.memory_space<vmem>> -> memref<512xf32, #tpu.memory_space<vmem>>
      %dma_start3A_47 = arith.constant 0 : i32
      %dma_start3A_48 = tpu.memref_slice %arg3[%arg0, %run_scoped3A_38, %arg1, %dma_start3A_47] : memref<2x20x16x512xf32, #tpu.memory_space<hbm>> -> memref<1x1x1x512xf32, #tpu.memory_space<hbm>>
      %dma_start3A_49 = tpu.memref_squeeze %dma_start3A_48 : memref<1x1x1x512xf32, #tpu.memory_space<hbm>> -> memref<512xf32, #tpu.memory_space<hbm>>
      %dma_start3A_50 = arith.constant 0 : i32
      %dma_start3A_51 = tpu.memref_slice %arg3[%arg0, %run_scoped3A_38, %arg1, %dma_start3A_50] : memref<2x20x16x512xf32, #tpu.memory_space<hbm>> -> memref<1x1x1x512xf32, #tpu.memory_space<hbm>>
      %dma_start3A_52 = tpu.memref_squeeze %dma_start3A_51 : memref<1x1x1x512xf32, #tpu.memory_space<hbm>> -> memref<512xf32, #tpu.memory_space<hbm>>
      %dma_start3A_53 = arith.constant 6656 : i32
      %dma_start3A_54 = tpu.memref_slice %arg5[%dma_start3A_53] : memref<40960xf32, #tpu.memory_space<vmem>> -> memref<512xf32, #tpu.memory_space<vmem>>
      tpu.enqueue_dma source(%dma_start3A_54 : memref<512xf32, #tpu.memory_space<vmem>>) target(%dma_start3A_52 : memref<512xf32, #tpu.memory_space<hbm>>) target_semaphore(%run_scoped3A_45 : memref<!tpu.dma_semaphore, #tpu.memory_space<semaphore_mem>>)
      %dma_wait3A = arith.constant 6656 : i32
      %dma_wait3A_55 = tpu.memref_slice %arg5[%dma_wait3A] : memref<40960xf32, #tpu.memory_space<vmem>> -> memref<512xf32, #tpu.memory_space<vmem>>
      %dma_wait3A_56 = arith.constant 0 : i32
      %dma_wait3A_57 = tpu.memref_slice %arg3[%arg0, %run_scoped3A_38, %arg1, %dma_wait3A_56] : memref<2x20x16x512xf32, #tpu.memory_space<hbm>> -> memref<1x1x1x512xf32, #tpu.memory_space<hbm>>
      %dma_wait3A_58 = tpu.memref_squeeze %dma_wait3A_57 : memref<1x1x1x512xf32, #tpu.memory_space<hbm>> -> memref<512xf32, #tpu.memory_space<hbm>>
      %dma_wait3A_59 = arith.constant 0 : i32
      %dma_wait3A_60 = tpu.memref_slice %arg3[%arg0, %run_scoped3A_38, %arg1, %dma_wait3A_59] : memref<2x20x16x512xf32, #tpu.memory_space<hbm>> -> memref<1x1x1x512xf32, #tpu.memory_space<hbm>>
      %dma_wait3A_61 = tpu.memref_squeeze %dma_wait3A_60 : memref<1x1x1x512xf32, #tpu.memory_space<hbm>> -> memref<512xf32, #tpu.memory_space<hbm>>
      %dma_wait3A_62 = arith.constant 6656 : i32
      %dma_wait3A_63 = tpu.memref_slice %arg5[%dma_wait3A_62] : memref<40960xf32, #tpu.memory_space<vmem>> -> memref<512xf32, #tpu.memory_space<vmem>>
      tpu.wait_dma2 semaphore(%run_scoped3A_45 : memref<!tpu.dma_semaphore, #tpu.memory_space<semaphore_mem>>) src(%dma_wait3A_63 : memref<512xf32, #tpu.memory_space<vmem>>) dst(%dma_wait3A_61 : memref<512xf32, #tpu.memory_space<hbm>>)
      tpu.yield
    }) : () -> ()
    %run_scoped3A_39 = arith.constant 14 : i32
    "tpu.region"() ({
      %run_scoped3A_45 = tpu.sem_alloc : memref<!tpu.dma_semaphore, #tpu.memory_space<semaphore_mem>>
      %dma_start3A = arith.constant 7168 : i32
      %dma_start3A_46 = tpu.memref_slice %arg5[%dma_start3A] : memref<40960xf32, #tpu.memory_space<vmem>> -> memref<512xf32, #tpu.memory_space<vmem>>
      %dma_start3A_47 = arith.constant 0 : i32
      %dma_start3A_48 = tpu.memref_slice %arg3[%arg0, %run_scoped3A_39, %arg1, %dma_start3A_47] : memref<2x20x16x512xf32, #tpu.memory_space<hbm>> -> memref<1x1x1x512xf32, #tpu.memory_space<hbm>>
      %dma_start3A_49 = tpu.memref_squeeze %dma_start3A_48 : memref<1x1x1x512xf32, #tpu.memory_space<hbm>> -> memref<512xf32, #tpu.memory_space<hbm>>
      %dma_start3A_50 = arith.constant 0 : i32
      %dma_start3A_51 = tpu.memref_slice %arg3[%arg0, %run_scoped3A_39, %arg1, %dma_start3A_50] : memref<2x20x16x512xf32, #tpu.memory_space<hbm>> -> memref<1x1x1x512xf32, #tpu.memory_space<hbm>>
      %dma_start3A_52 = tpu.memref_squeeze %dma_start3A_51 : memref<1x1x1x512xf32, #tpu.memory_space<hbm>> -> memref<512xf32, #tpu.memory_space<hbm>>
      %dma_start3A_53 = arith.constant 7168 : i32
      %dma_start3A_54 = tpu.memref_slice %arg5[%dma_start3A_53] : memref<40960xf32, #tpu.memory_space<vmem>> -> memref<512xf32, #tpu.memory_space<vmem>>
      tpu.enqueue_dma source(%dma_start3A_54 : memref<512xf32, #tpu.memory_space<vmem>>) target(%dma_start3A_52 : memref<512xf32, #tpu.memory_space<hbm>>) target_semaphore(%run_scoped3A_45 : memref<!tpu.dma_semaphore, #tpu.memory_space<semaphore_mem>>)
      %dma_wait3A = arith.constant 7168 : i32
      %dma_wait3A_55 = tpu.memref_slice %arg5[%dma_wait3A] : memref<40960xf32, #tpu.memory_space<vmem>> -> memref<512xf32, #tpu.memory_space<vmem>>
      %dma_wait3A_56 = arith.constant 0 : i32
      %dma_wait3A_57 = tpu.memref_slice %arg3[%arg0, %run_scoped3A_39, %arg1, %dma_wait3A_56] : memref<2x20x16x512xf32, #tpu.memory_space<hbm>> -> memref<1x1x1x512xf32, #tpu.memory_space<hbm>>
      %dma_wait3A_58 = tpu.memref_squeeze %dma_wait3A_57 : memref<1x1x1x512xf32, #tpu.memory_space<hbm>> -> memref<512xf32, #tpu.memory_space<hbm>>
      %dma_wait3A_59 = arith.constant 0 : i32
      %dma_wait3A_60 = tpu.memref_slice %arg3[%arg0, %run_scoped3A_39, %arg1, %dma_wait3A_59] : memref<2x20x16x512xf32, #tpu.memory_space<hbm>> -> memref<1x1x1x512xf32, #tpu.memory_space<hbm>>
      %dma_wait3A_61 = tpu.memref_squeeze %dma_wait3A_60 : memref<1x1x1x512xf32, #tpu.memory_space<hbm>> -> memref<512xf32, #tpu.memory_space<hbm>>
      %dma_wait3A_62 = arith.constant 7168 : i32
      %dma_wait3A_63 = tpu.memref_slice %arg5[%dma_wait3A_62] : memref<40960xf32, #tpu.memory_space<vmem>> -> memref<512xf32, #tpu.memory_space<vmem>>
      tpu.wait_dma2 semaphore(%run_scoped3A_45 : memref<!tpu.dma_semaphore, #tpu.memory_space<semaphore_mem>>) src(%dma_wait3A_63 : memref<512xf32, #tpu.memory_space<vmem>>) dst(%dma_wait3A_61 : memref<512xf32, #tpu.memory_space<hbm>>)
      tpu.yield
    }) : () -> ()
    %run_scoped3A_40 = arith.constant 15 : i32
    "tpu.region"() ({
      %run_scoped3A_45 = tpu.sem_alloc : memref<!tpu.dma_semaphore, #tpu.memory_space<semaphore_mem>>
      %dma_start3A = arith.constant 7680 : i32
      %dma_start3A_46 = tpu.memref_slice %arg5[%dma_start3A] : memref<40960xf32, #tpu.memory_space<vmem>> -> memref<512xf32, #tpu.memory_space<vmem>>
      %dma_start3A_47 = arith.constant 0 : i32
      %dma_start3A_48 = tpu.memref_slice %arg3[%arg0, %run_scoped3A_40, %arg1, %dma_start3A_47] : memref<2x20x16x512xf32, #tpu.memory_space<hbm>> -> memref<1x1x1x512xf32, #tpu.memory_space<hbm>>
      %dma_start3A_49 = tpu.memref_squeeze %dma_start3A_48 : memref<1x1x1x512xf32, #tpu.memory_space<hbm>> -> memref<512xf32, #tpu.memory_space<hbm>>
      %dma_start3A_50 = arith.constant 0 : i32
      %dma_start3A_51 = tpu.memref_slice %arg3[%arg0, %run_scoped3A_40, %arg1, %dma_start3A_50] : memref<2x20x16x512xf32, #tpu.memory_space<hbm>> -> memref<1x1x1x512xf32, #tpu.memory_space<hbm>>
      %dma_start3A_52 = tpu.memref_squeeze %dma_start3A_51 : memref<1x1x1x512xf32, #tpu.memory_space<hbm>> -> memref<512xf32, #tpu.memory_space<hbm>>
      %dma_start3A_53 = arith.constant 7680 : i32
      %dma_start3A_54 = tpu.memref_slice %arg5[%dma_start3A_53] : memref<40960xf32, #tpu.memory_space<vmem>> -> memref<512xf32, #tpu.memory_space<vmem>>
      tpu.enqueue_dma source(%dma_start3A_54 : memref<512xf32, #tpu.memory_space<vmem>>) target(%dma_start3A_52 : memref<512xf32, #tpu.memory_space<hbm>>) target_semaphore(%run_scoped3A_45 : memref<!tpu.dma_semaphore, #tpu.memory_space<semaphore_mem>>)
      %dma_wait3A = arith.constant 7680 : i32
      %dma_wait3A_55 = tpu.memref_slice %arg5[%dma_wait3A] : memref<40960xf32, #tpu.memory_space<vmem>> -> memref<512xf32, #tpu.memory_space<vmem>>
      %dma_wait3A_56 = arith.constant 0 : i32
      %dma_wait3A_57 = tpu.memref_slice %arg3[%arg0, %run_scoped3A_40, %arg1, %dma_wait3A_56] : memref<2x20x16x512xf32, #tpu.memory_space<hbm>> -> memref<1x1x1x512xf32, #tpu.memory_space<hbm>>
      %dma_wait3A_58 = tpu.memref_squeeze %dma_wait3A_57 : memref<1x1x1x512xf32, #tpu.memory_space<hbm>> -> memref<512xf32, #tpu.memory_space<hbm>>
      %dma_wait3A_59 = arith.constant 0 : i32
      %dma_wait3A_60 = tpu.memref_slice %arg3[%arg0, %run_scoped3A_40, %arg1, %dma_wait3A_59] : memref<2x20x16x512xf32, #tpu.memory_space<hbm>> -> memref<1x1x1x512xf32, #tpu.memory_space<hbm>>
      %dma_wait3A_61 = tpu.memref_squeeze %dma_wait3A_60 : memref<1x1x1x512xf32, #tpu.memory_space<hbm>> -> memref<512xf32, #tpu.memory_space<hbm>>
      %dma_wait3A_62 = arith.constant 7680 : i32
      %dma_wait3A_63 = tpu.memref_slice %arg5[%dma_wait3A_62] : memref<40960xf32, #tpu.memory_space<vmem>> -> memref<512xf32, #tpu.memory_space<vmem>>
      tpu.wait_dma2 semaphore(%run_scoped3A_45 : memref<!tpu.dma_semaphore, #tpu.memory_space<semaphore_mem>>) src(%dma_wait3A_63 : memref<512xf32, #tpu.memory_space<vmem>>) dst(%dma_wait3A_61 : memref<512xf32, #tpu.memory_space<hbm>>)
      tpu.yield
    }) : () -> ()
    %run_scoped3A_41 = arith.constant 16 : i32
    "tpu.region"() ({
      %run_scoped3A_45 = tpu.sem_alloc : memref<!tpu.dma_semaphore, #tpu.memory_space<semaphore_mem>>
      %dma_start3A = arith.constant 8192 : i32
      %dma_start3A_46 = tpu.memref_slice %arg5[%dma_start3A] : memref<40960xf32, #tpu.memory_space<vmem>> -> memref<512xf32, #tpu.memory_space<vmem>>
      %dma_start3A_47 = arith.constant 0 : i32
      %dma_start3A_48 = tpu.memref_slice %arg3[%arg0, %run_scoped3A_41, %arg1, %dma_start3A_47] : memref<2x20x16x512xf32, #tpu.memory_space<hbm>> -> memref<1x1x1x512xf32, #tpu.memory_space<hbm>>
      %dma_start3A_49 = tpu.memref_squeeze %dma_start3A_48 : memref<1x1x1x512xf32, #tpu.memory_space<hbm>> -> memref<512xf32, #tpu.memory_space<hbm>>
      %dma_start3A_50 = arith.constant 0 : i32
      %dma_start3A_51 = tpu.memref_slice %arg3[%arg0, %run_scoped3A_41, %arg1, %dma_start3A_50] : memref<2x20x16x512xf32, #tpu.memory_space<hbm>> -> memref<1x1x1x512xf32, #tpu.memory_space<hbm>>
      %dma_start3A_52 = tpu.memref_squeeze %dma_start3A_51 : memref<1x1x1x512xf32, #tpu.memory_space<hbm>> -> memref<512xf32, #tpu.memory_space<hbm>>
      %dma_start3A_53 = arith.constant 8192 : i32
      %dma_start3A_54 = tpu.memref_slice %arg5[%dma_start3A_53] : memref<40960xf32, #tpu.memory_space<vmem>> -> memref<512xf32, #tpu.memory_space<vmem>>
      tpu.enqueue_dma source(%dma_start3A_54 : memref<512xf32, #tpu.memory_space<vmem>>) target(%dma_start3A_52 : memref<512xf32, #tpu.memory_space<hbm>>) target_semaphore(%run_scoped3A_45 : memref<!tpu.dma_semaphore, #tpu.memory_space<semaphore_mem>>)
      %dma_wait3A = arith.constant 8192 : i32
      %dma_wait3A_55 = tpu.memref_slice %arg5[%dma_wait3A] : memref<40960xf32, #tpu.memory_space<vmem>> -> memref<512xf32, #tpu.memory_space<vmem>>
      %dma_wait3A_56 = arith.constant 0 : i32
      %dma_wait3A_57 = tpu.memref_slice %arg3[%arg0, %run_scoped3A_41, %arg1, %dma_wait3A_56] : memref<2x20x16x512xf32, #tpu.memory_space<hbm>> -> memref<1x1x1x512xf32, #tpu.memory_space<hbm>>
      %dma_wait3A_58 = tpu.memref_squeeze %dma_wait3A_57 : memref<1x1x1x512xf32, #tpu.memory_space<hbm>> -> memref<512xf32, #tpu.memory_space<hbm>>
      %dma_wait3A_59 = arith.constant 0 : i32
      %dma_wait3A_60 = tpu.memref_slice %arg3[%arg0, %run_scoped3A_41, %arg1, %dma_wait3A_59] : memref<2x20x16x512xf32, #tpu.memory_space<hbm>> -> memref<1x1x1x512xf32, #tpu.memory_space<hbm>>
      %dma_wait3A_61 = tpu.memref_squeeze %dma_wait3A_60 : memref<1x1x1x512xf32, #tpu.memory_space<hbm>> -> memref<512xf32, #tpu.memory_space<hbm>>
      %dma_wait3A_62 = arith.constant 8192 : i32
      %dma_wait3A_63 = tpu.memref_slice %arg5[%dma_wait3A_62] : memref<40960xf32, #tpu.memory_space<vmem>> -> memref<512xf32, #tpu.memory_space<vmem>>
      tpu.wait_dma2 semaphore(%run_scoped3A_45 : memref<!tpu.dma_semaphore, #tpu.memory_space<semaphore_mem>>) src(%dma_wait3A_63 : memref<512xf32, #tpu.memory_space<vmem>>) dst(%dma_wait3A_61 : memref<512xf32, #tpu.memory_space<hbm>>)
      tpu.yield
    }) : () -> ()
    %run_scoped3A_42 = arith.constant 17 : i32
    "tpu.region"() ({
      %run_scoped3A_45 = tpu.sem_alloc : memref<!tpu.dma_semaphore, #tpu.memory_space<semaphore_mem>>
      %dma_start3A = arith.constant 8704 : i32
      %dma_start3A_46 = tpu.memref_slice %arg5[%dma_start3A] : memref<40960xf32, #tpu.memory_space<vmem>> -> memref<512xf32, #tpu.memory_space<vmem>>
      %dma_start3A_47 = arith.constant 0 : i32
      %dma_start3A_48 = tpu.memref_slice %arg3[%arg0, %run_scoped3A_42, %arg1, %dma_start3A_47] : memref<2x20x16x512xf32, #tpu.memory_space<hbm>> -> memref<1x1x1x512xf32, #tpu.memory_space<hbm>>
      %dma_start3A_49 = tpu.memref_squeeze %dma_start3A_48 : memref<1x1x1x512xf32, #tpu.memory_space<hbm>> -> memref<512xf32, #tpu.memory_space<hbm>>
      %dma_start3A_50 = arith.constant 0 : i32
      %dma_start3A_51 = tpu.memref_slice %arg3[%arg0, %run_scoped3A_42, %arg1, %dma_start3A_50] : memref<2x20x16x512xf32, #tpu.memory_space<hbm>> -> memref<1x1x1x512xf32, #tpu.memory_space<hbm>>
      %dma_start3A_52 = tpu.memref_squeeze %dma_start3A_51 : memref<1x1x1x512xf32, #tpu.memory_space<hbm>> -> memref<512xf32, #tpu.memory_space<hbm>>
      %dma_start3A_53 = arith.constant 8704 : i32
      %dma_start3A_54 = tpu.memref_slice %arg5[%dma_start3A_53] : memref<40960xf32, #tpu.memory_space<vmem>> -> memref<512xf32, #tpu.memory_space<vmem>>
      tpu.enqueue_dma source(%dma_start3A_54 : memref<512xf32, #tpu.memory_space<vmem>>) target(%dma_start3A_52 : memref<512xf32, #tpu.memory_space<hbm>>) target_semaphore(%run_scoped3A_45 : memref<!tpu.dma_semaphore, #tpu.memory_space<semaphore_mem>>)
      %dma_wait3A = arith.constant 8704 : i32
      %dma_wait3A_55 = tpu.memref_slice %arg5[%dma_wait3A] : memref<40960xf32, #tpu.memory_space<vmem>> -> memref<512xf32, #tpu.memory_space<vmem>>
      %dma_wait3A_56 = arith.constant 0 : i32
      %dma_wait3A_57 = tpu.memref_slice %arg3[%arg0, %run_scoped3A_42, %arg1, %dma_wait3A_56] : memref<2x20x16x512xf32, #tpu.memory_space<hbm>> -> memref<1x1x1x512xf32, #tpu.memory_space<hbm>>
      %dma_wait3A_58 = tpu.memref_squeeze %dma_wait3A_57 : memref<1x1x1x512xf32, #tpu.memory_space<hbm>> -> memref<512xf32, #tpu.memory_space<hbm>>
      %dma_wait3A_59 = arith.constant 0 : i32
      %dma_wait3A_60 = tpu.memref_slice %arg3[%arg0, %run_scoped3A_42, %arg1, %dma_wait3A_59] : memref<2x20x16x512xf32, #tpu.memory_space<hbm>> -> memref<1x1x1x512xf32, #tpu.memory_space<hbm>>
      %dma_wait3A_61 = tpu.memref_squeeze %dma_wait3A_60 : memref<1x1x1x512xf32, #tpu.memory_space<hbm>> -> memref<512xf32, #tpu.memory_space<hbm>>
      %dma_wait3A_62 = arith.constant 8704 : i32
      %dma_wait3A_63 = tpu.memref_slice %arg5[%dma_wait3A_62] : memref<40960xf32, #tpu.memory_space<vmem>> -> memref<512xf32, #tpu.memory_space<vmem>>
      tpu.wait_dma2 semaphore(%run_scoped3A_45 : memref<!tpu.dma_semaphore, #tpu.memory_space<semaphore_mem>>) src(%dma_wait3A_63 : memref<512xf32, #tpu.memory_space<vmem>>) dst(%dma_wait3A_61 : memref<512xf32, #tpu.memory_space<hbm>>)
      tpu.yield
    }) : () -> ()
    %run_scoped3A_43 = arith.constant 18 : i32
    "tpu.region"() ({
      %run_scoped3A_45 = tpu.sem_alloc : memref<!tpu.dma_semaphore, #tpu.memory_space<semaphore_mem>>
      %dma_start3A = arith.constant 9216 : i32
      %dma_start3A_46 = tpu.memref_slice %arg5[%dma_start3A] : memref<40960xf32, #tpu.memory_space<vmem>> -> memref<512xf32, #tpu.memory_space<vmem>>
      %dma_start3A_47 = arith.constant 0 : i32
      %dma_start3A_48 = tpu.memref_slice %arg3[%arg0, %run_scoped3A_43, %arg1, %dma_start3A_47] : memref<2x20x16x512xf32, #tpu.memory_space<hbm>> -> memref<1x1x1x512xf32, #tpu.memory_space<hbm>>
      %dma_start3A_49 = tpu.memref_squeeze %dma_start3A_48 : memref<1x1x1x512xf32, #tpu.memory_space<hbm>> -> memref<512xf32, #tpu.memory_space<hbm>>
      %dma_start3A_50 = arith.constant 0 : i32
      %dma_start3A_51 = tpu.memref_slice %arg3[%arg0, %run_scoped3A_43, %arg1, %dma_start3A_50] : memref<2x20x16x512xf32, #tpu.memory_space<hbm>> -> memref<1x1x1x512xf32, #tpu.memory_space<hbm>>
      %dma_start3A_52 = tpu.memref_squeeze %dma_start3A_51 : memref<1x1x1x512xf32, #tpu.memory_space<hbm>> -> memref<512xf32, #tpu.memory_space<hbm>>
      %dma_start3A_53 = arith.constant 9216 : i32
      %dma_start3A_54 = tpu.memref_slice %arg5[%dma_start3A_53] : memref<40960xf32, #tpu.memory_space<vmem>> -> memref<512xf32, #tpu.memory_space<vmem>>
      tpu.enqueue_dma source(%dma_start3A_54 : memref<512xf32, #tpu.memory_space<vmem>>) target(%dma_start3A_52 : memref<512xf32, #tpu.memory_space<hbm>>) target_semaphore(%run_scoped3A_45 : memref<!tpu.dma_semaphore, #tpu.memory_space<semaphore_mem>>)
      %dma_wait3A = arith.constant 9216 : i32
      %dma_wait3A_55 = tpu.memref_slice %arg5[%dma_wait3A] : memref<40960xf32, #tpu.memory_space<vmem>> -> memref<512xf32, #tpu.memory_space<vmem>>
      %dma_wait3A_56 = arith.constant 0 : i32
      %dma_wait3A_57 = tpu.memref_slice %arg3[%arg0, %run_scoped3A_43, %arg1, %dma_wait3A_56] : memref<2x20x16x512xf32, #tpu.memory_space<hbm>> -> memref<1x1x1x512xf32, #tpu.memory_space<hbm>>
      %dma_wait3A_58 = tpu.memref_squeeze %dma_wait3A_57 : memref<1x1x1x512xf32, #tpu.memory_space<hbm>> -> memref<512xf32, #tpu.memory_space<hbm>>
      %dma_wait3A_59 = arith.constant 0 : i32
      %dma_wait3A_60 = tpu.memref_slice %arg3[%arg0, %run_scoped3A_43, %arg1, %dma_wait3A_59] : memref<2x20x16x512xf32, #tpu.memory_space<hbm>> -> memref<1x1x1x512xf32, #tpu.memory_space<hbm>>
      %dma_wait3A_61 = tpu.memref_squeeze %dma_wait3A_60 : memref<1x1x1x512xf32, #tpu.memory_space<hbm>> -> memref<512xf32, #tpu.memory_space<hbm>>
      %dma_wait3A_62 = arith.constant 9216 : i32
      %dma_wait3A_63 = tpu.memref_slice %arg5[%dma_wait3A_62] : memref<40960xf32, #tpu.memory_space<vmem>> -> memref<512xf32, #tpu.memory_space<vmem>>
      tpu.wait_dma2 semaphore(%run_scoped3A_45 : memref<!tpu.dma_semaphore, #tpu.memory_space<semaphore_mem>>) src(%dma_wait3A_63 : memref<512xf32, #tpu.memory_space<vmem>>) dst(%dma_wait3A_61 : memref<512xf32, #tpu.memory_space<hbm>>)
      tpu.yield
    }) : () -> ()
    %run_scoped3A_44 = arith.constant 19 : i32
    "tpu.region"() ({
      %run_scoped3A_45 = tpu.sem_alloc : memref<!tpu.dma_semaphore, #tpu.memory_space<semaphore_mem>>
      %dma_start3A = arith.constant 9728 : i32
      %dma_start3A_46 = tpu.memref_slice %arg5[%dma_start3A] : memref<40960xf32, #tpu.memory_space<vmem>> -> memref<512xf32, #tpu.memory_space<vmem>>
      %dma_start3A_47 = arith.constant 0 : i32
      %dma_start3A_48 = tpu.memref_slice %arg3[%arg0, %run_scoped3A_44, %arg1, %dma_start3A_47] : memref<2x20x16x512xf32, #tpu.memory_space<hbm>> -> memref<1x1x1x512xf32, #tpu.memory_space<hbm>>
      %dma_start3A_49 = tpu.memref_squeeze %dma_start3A_48 : memref<1x1x1x512xf32, #tpu.memory_space<hbm>> -> memref<512xf32, #tpu.memory_space<hbm>>
      %dma_start3A_50 = arith.constant 0 : i32
      %dma_start3A_51 = tpu.memref_slice %arg3[%arg0, %run_scoped3A_44, %arg1, %dma_start3A_50] : memref<2x20x16x512xf32, #tpu.memory_space<hbm>> -> memref<1x1x1x512xf32, #tpu.memory_space<hbm>>
      %dma_start3A_52 = tpu.memref_squeeze %dma_start3A_51 : memref<1x1x1x512xf32, #tpu.memory_space<hbm>> -> memref<512xf32, #tpu.memory_space<hbm>>
      %dma_start3A_53 = arith.constant 9728 : i32
      %dma_start3A_54 = tpu.memref_slice %arg5[%dma_start3A_53] : memref<40960xf32, #tpu.memory_space<vmem>> -> memref<512xf32, #tpu.memory_space<vmem>>
      tpu.enqueue_dma source(%dma_start3A_54 : memref<512xf32, #tpu.memory_space<vmem>>) target(%dma_start3A_52 : memref<512xf32, #tpu.memory_space<hbm>>) target_semaphore(%run_scoped3A_45 : memref<!tpu.dma_semaphore, #tpu.memory_space<semaphore_mem>>)
      %dma_wait3A = arith.constant 9728 : i32
      %dma_wait3A_55 = tpu.memref_slice %arg5[%dma_wait3A] : memref<40960xf32, #tpu.memory_space<vmem>> -> memref<512xf32, #tpu.memory_space<vmem>>
      %dma_wait3A_56 = arith.constant 0 : i32
      %dma_wait3A_57 = tpu.memref_slice %arg3[%arg0, %run_scoped3A_44, %arg1, %dma_wait3A_56] : memref<2x20x16x512xf32, #tpu.memory_space<hbm>> -> memref<1x1x1x512xf32, #tpu.memory_space<hbm>>
      %dma_wait3A_58 = tpu.memref_squeeze %dma_wait3A_57 : memref<1x1x1x512xf32, #tpu.memory_space<hbm>> -> memref<512xf32, #tpu.memory_space<hbm>>
      %dma_wait3A_59 = arith.constant 0 : i32
      %dma_wait3A_60 = tpu.memref_slice %arg3[%arg0, %run_scoped3A_44, %arg1, %dma_wait3A_59] : memref<2x20x16x512xf32, #tpu.memory_space<hbm>> -> memref<1x1x1x512xf32, #tpu.memory_space<hbm>>
      %dma_wait3A_61 = tpu.memref_squeeze %dma_wait3A_60 : memref<1x1x1x512xf32, #tpu.memory_space<hbm>> -> memref<512xf32, #tpu.memory_space<hbm>>
      %dma_wait3A_62 = arith.constant 9728 : i32
      %dma_wait3A_63 = tpu.memref_slice %arg5[%dma_wait3A_62] : memref<40960xf32, #tpu.memory_space<vmem>> -> memref<512xf32, #tpu.memory_space<vmem>>
      tpu.wait_dma2 semaphore(%run_scoped3A_45 : memref<!tpu.dma_semaphore, #tpu.memory_space<semaphore_mem>>) src(%dma_wait3A_63 : memref<512xf32, #tpu.memory_space<vmem>>) dst(%dma_wait3A_61 : memref<512xf32, #tpu.memory_space<hbm>>)
      tpu.yield
    }) : () -> ()
    return
  }
}

#map = affine_map<(d0, d1) -> (0)>
#map1 = affine_map<(d0, d1) -> (0, 0)>
#map2 = affine_map<(d0, d1) -> (0, 0, 0)>
module attributes {stable_mosaic.version = 14 : i64} {
  func.func @body(%arg0: i32, %arg1: i32, %arg2: memref<640000xi32, #tpu.memory_space<hbm>>, %arg3: memref<10240x128xf32, #tpu.memory_space<hbm>>, %arg4: memref<10240x128xi32, #tpu.memory_space<hbm>>, %arg5: memref<2x10240x128xf32, #tpu.memory_space<hbm>>, %arg6: memref<160xi32, #tpu.memory_space<vmem>>, %arg7: memref<160xi32, #tpu.memory_space<vmem>>, %arg8: memref<80xi32, #tpu.memory_space<vmem>>, %arg9: memref<80xi32, #tpu.memory_space<vmem>>, %arg10: memref<80x128xf32, #tpu.memory_space<vmem>>, %arg11: memref<80x128xi32, #tpu.memory_space<vmem>>, %arg12: memref<80x128xf32, #tpu.memory_space<vmem>>, %arg13: memref<80x128xi32, #tpu.memory_space<vmem>>, %arg14: memref<10112x128xf32, #tpu.memory_space<vmem_shared>>, %arg15: memref<!tpu.dma_semaphore, #tpu.memory_space<semaphore_mem>>, %arg16: memref<!tpu.dma_semaphore, #tpu.memory_space<semaphore_mem>>, %arg17: memref<!tpu.dma_semaphore, #tpu.memory_space<semaphore_mem>>, %arg18: memref<!tpu.dma_semaphore, #tpu.memory_space<semaphore_mem>>, %arg19: memref<!tpu.dma_semaphore, #tpu.memory_space<semaphore_mem>>, %arg20: memref<!tpu.dma_semaphore, #tpu.memory_space<semaphore_mem>>) attributes {dimension_semantics = [#tpu.dimension_semantics<core_parallel>, #tpu.dimension_semantics<subcore_parallel>], iteration_bounds = array<i64: 2, 16>, scalar_prefetch = 0 : i64, scratch_operands = 15 : i64, tpu.core_type = #tpu.core_type<sc_vector_subcore>, window_params = [{transform_indices = #map}, {transform_indices = #map1}, {transform_indices = #map1}, {transform_indices = #map2}]} {
    %broadcast_in_dim3A = arith.constant 0.000000e+00 : f32
    %broadcast_in_dim3A_0 = vector.broadcast %broadcast_in_dim3A : f32 to vector<16xf32>
    %scan3A = arith.constant 0 : i32
    %scan3A_1 = arith.constant 0 : i32
    %scan3A_2 = arith.constant 80 : i32
    %scan3A_3 = arith.addi %scan3A_1, %scan3A_2 : i32
    %scan3A_4 = arith.constant 1 : i32
    scf.for %scan3A_105 = %scan3A_1 to %scan3A_3 step %scan3A_4  : i32 {
      %swap3A = arith.index_cast %scan3A_105 : i32 to index
      %swap3A_106 = arith.constant 0 : index
      %swap3A_107 = tpu.vector_load %arg10[%swap3A, %swap3A_106] {strides = array<i32>} : memref<80x128xf32, #tpu.memory_space<vmem>>, vector<16xf32>,
      tpu.vector_store %arg10[%swap3A, %swap3A_106], %broadcast_in_dim3A_0 {strides = array<i32>} : memref<80x128xf32, #tpu.memory_space<vmem>>, vector<16xf32>,
      %swap3A_108 = arith.index_cast %scan3A_105 : i32 to index
      %swap3A_109 = arith.constant 16 : index
      %swap3A_110 = tpu.vector_load %arg10[%swap3A_108, %swap3A_109] {strides = array<i32>} : memref<80x128xf32, #tpu.memory_space<vmem>>, vector<16xf32>,
      tpu.vector_store %arg10[%swap3A_108, %swap3A_109], %broadcast_in_dim3A_0 {strides = array<i32>} : memref<80x128xf32, #tpu.memory_space<vmem>>, vector<16xf32>,
      %swap3A_111 = arith.index_cast %scan3A_105 : i32 to index
      %swap3A_112 = arith.constant 32 : index
      %swap3A_113 = tpu.vector_load %arg10[%swap3A_111, %swap3A_112] {strides = array<i32>} : memref<80x128xf32, #tpu.memory_space<vmem>>, vector<16xf32>,
      tpu.vector_store %arg10[%swap3A_111, %swap3A_112], %broadcast_in_dim3A_0 {strides = array<i32>} : memref<80x128xf32, #tpu.memory_space<vmem>>, vector<16xf32>,
      %swap3A_114 = arith.index_cast %scan3A_105 : i32 to index
      %swap3A_115 = arith.constant 48 : index
      %swap3A_116 = tpu.vector_load %arg10[%swap3A_114, %swap3A_115] {strides = array<i32>} : memref<80x128xf32, #tpu.memory_space<vmem>>, vector<16xf32>,
      tpu.vector_store %arg10[%swap3A_114, %swap3A_115], %broadcast_in_dim3A_0 {strides = array<i32>} : memref<80x128xf32, #tpu.memory_space<vmem>>, vector<16xf32>,
      %swap3A_117 = arith.index_cast %scan3A_105 : i32 to index
      %swap3A_118 = arith.constant 64 : index
      %swap3A_119 = tpu.vector_load %arg10[%swap3A_117, %swap3A_118] {strides = array<i32>} : memref<80x128xf32, #tpu.memory_space<vmem>>, vector<16xf32>,
      tpu.vector_store %arg10[%swap3A_117, %swap3A_118], %broadcast_in_dim3A_0 {strides = array<i32>} : memref<80x128xf32, #tpu.memory_space<vmem>>, vector<16xf32>,
      %swap3A_120 = arith.index_cast %scan3A_105 : i32 to index
      %swap3A_121 = arith.constant 80 : index
      %swap3A_122 = tpu.vector_load %arg10[%swap3A_120, %swap3A_121] {strides = array<i32>} : memref<80x128xf32, #tpu.memory_space<vmem>>, vector<16xf32>,
      tpu.vector_store %arg10[%swap3A_120, %swap3A_121], %broadcast_in_dim3A_0 {strides = array<i32>} : memref<80x128xf32, #tpu.memory_space<vmem>>, vector<16xf32>,
      %swap3A_123 = arith.index_cast %scan3A_105 : i32 to index
      %swap3A_124 = arith.constant 96 : index
      %swap3A_125 = tpu.vector_load %arg10[%swap3A_123, %swap3A_124] {strides = array<i32>} : memref<80x128xf32, #tpu.memory_space<vmem>>, vector<16xf32>,
      tpu.vector_store %arg10[%swap3A_123, %swap3A_124], %broadcast_in_dim3A_0 {strides = array<i32>} : memref<80x128xf32, #tpu.memory_space<vmem>>, vector<16xf32>,
      %swap3A_126 = arith.index_cast %scan3A_105 : i32 to index
      %swap3A_127 = arith.constant 112 : index
      %swap3A_128 = tpu.vector_load %arg10[%swap3A_126, %swap3A_127] {strides = array<i32>} : memref<80x128xf32, #tpu.memory_space<vmem>>, vector<16xf32>,
      tpu.vector_store %arg10[%swap3A_126, %swap3A_127], %broadcast_in_dim3A_0 {strides = array<i32>} : memref<80x128xf32, #tpu.memory_space<vmem>>, vector<16xf32>,
    }
    %scan3A_5 = arith.constant 80 : i32
    %mul3A = arith.constant 632 : i32
    %mul3A_6 = arith.muli %arg1, %mul3A : i32
    %add3A = arith.constant 0 : i32
    %add3A_7 = arith.addi %mul3A_6, %add3A : i32
    "tpu.region"() ({
      %run_scoped3A = tpu.sem_alloc : memref<!tpu.dma_semaphore, #tpu.memory_space<semaphore_mem>>
      %dma_start3A_105 = arith.constant 0 : i32
      %dma_start3A_106 = tpu.memref_slice %arg14[%add3A_7, %dma_start3A_105] : memref<10112x128xf32, #tpu.memory_space<vmem_shared>> -> memref<80x128xf32, #tpu.memory_space<vmem_shared>>
      %dma_start3A_107 = arith.constant 0 : i32
      %dma_start3A_108 = tpu.memref_slice %arg14[%add3A_7, %dma_start3A_107] : memref<10112x128xf32, #tpu.memory_space<vmem_shared>> -> memref<80x128xf32, #tpu.memory_space<vmem_shared>>
      tpu.enqueue_dma source(%arg10 : memref<80x128xf32, #tpu.memory_space<vmem>>) target(%dma_start3A_108 : memref<80x128xf32, #tpu.memory_space<vmem_shared>>) target_semaphore(%run_scoped3A : memref<!tpu.dma_semaphore, #tpu.memory_space<semaphore_mem>>)
      %dma_wait3A_109 = arith.constant 0 : i32
      %dma_wait3A_110 = tpu.memref_slice %arg14[%add3A_7, %dma_wait3A_109] : memref<10112x128xf32, #tpu.memory_space<vmem_shared>> -> memref<80x128xf32, #tpu.memory_space<vmem_shared>>
      %dma_wait3A_111 = arith.constant 0 : i32
      %dma_wait3A_112 = tpu.memref_slice %arg14[%add3A_7, %dma_wait3A_111] : memref<10112x128xf32, #tpu.memory_space<vmem_shared>> -> memref<80x128xf32, #tpu.memory_space<vmem_shared>>
      tpu.wait_dma2 semaphore(%run_scoped3A : memref<!tpu.dma_semaphore, #tpu.memory_space<semaphore_mem>>) src(%arg10 : memref<80x128xf32, #tpu.memory_space<vmem>>) dst(%dma_wait3A_112 : memref<80x128xf32, #tpu.memory_space<vmem_shared>>)
      tpu.yield
    }) : () -> ()
    %mul3A_8 = arith.constant 632 : i32
    %mul3A_9 = arith.muli %arg1, %mul3A_8 : i32
    %add3A_10 = arith.constant 80 : i32
    %add3A_11 = arith.addi %mul3A_9, %add3A_10 : i32
    "tpu.region"() ({
      %run_scoped3A = tpu.sem_alloc : memref<!tpu.dma_semaphore, #tpu.memory_space<semaphore_mem>>
      %dma_start3A_105 = arith.constant 0 : i32
      %dma_start3A_106 = tpu.memref_slice %arg14[%add3A_11, %dma_start3A_105] : memref<10112x128xf32, #tpu.memory_space<vmem_shared>> -> memref<80x128xf32, #tpu.memory_space<vmem_shared>>
      %dma_start3A_107 = arith.constant 0 : i32
      %dma_start3A_108 = tpu.memref_slice %arg14[%add3A_11, %dma_start3A_107] : memref<10112x128xf32, #tpu.memory_space<vmem_shared>> -> memref<80x128xf32, #tpu.memory_space<vmem_shared>>
      tpu.enqueue_dma source(%arg10 : memref<80x128xf32, #tpu.memory_space<vmem>>) target(%dma_start3A_108 : memref<80x128xf32, #tpu.memory_space<vmem_shared>>) target_semaphore(%run_scoped3A : memref<!tpu.dma_semaphore, #tpu.memory_space<semaphore_mem>>)
      %dma_wait3A_109 = arith.constant 0 : i32
      %dma_wait3A_110 = tpu.memref_slice %arg14[%add3A_11, %dma_wait3A_109] : memref<10112x128xf32, #tpu.memory_space<vmem_shared>> -> memref<80x128xf32, #tpu.memory_space<vmem_shared>>
      %dma_wait3A_111 = arith.constant 0 : i32
      %dma_wait3A_112 = tpu.memref_slice %arg14[%add3A_11, %dma_wait3A_111] : memref<10112x128xf32, #tpu.memory_space<vmem_shared>> -> memref<80x128xf32, #tpu.memory_space<vmem_shared>>
      tpu.wait_dma2 semaphore(%run_scoped3A : memref<!tpu.dma_semaphore, #tpu.memory_space<semaphore_mem>>) src(%arg10 : memref<80x128xf32, #tpu.memory_space<vmem>>) dst(%dma_wait3A_112 : memref<80x128xf32, #tpu.memory_space<vmem_shared>>)
      tpu.yield
    }) : () -> ()
    %mul3A_12 = arith.constant 632 : i32
    %mul3A_13 = arith.muli %arg1, %mul3A_12 : i32
    %add3A_14 = arith.constant 160 : i32
    %add3A_15 = arith.addi %mul3A_13, %add3A_14 : i32
    "tpu.region"() ({
      %run_scoped3A = tpu.sem_alloc : memref<!tpu.dma_semaphore, #tpu.memory_space<semaphore_mem>>
      %dma_start3A_105 = arith.constant 0 : i32
      %dma_start3A_106 = tpu.memref_slice %arg14[%add3A_15, %dma_start3A_105] : memref<10112x128xf32, #tpu.memory_space<vmem_shared>> -> memref<80x128xf32, #tpu.memory_space<vmem_shared>>
      %dma_start3A_107 = arith.constant 0 : i32
      %dma_start3A_108 = tpu.memref_slice %arg14[%add3A_15, %dma_start3A_107] : memref<10112x128xf32, #tpu.memory_space<vmem_shared>> -> memref<80x128xf32, #tpu.memory_space<vmem_shared>>
      tpu.enqueue_dma source(%arg10 : memref<80x128xf32, #tpu.memory_space<vmem>>) target(%dma_start3A_108 : memref<80x128xf32, #tpu.memory_space<vmem_shared>>) target_semaphore(%run_scoped3A : memref<!tpu.dma_semaphore, #tpu.memory_space<semaphore_mem>>)
      %dma_wait3A_109 = arith.constant 0 : i32
      %dma_wait3A_110 = tpu.memref_slice %arg14[%add3A_15, %dma_wait3A_109] : memref<10112x128xf32, #tpu.memory_space<vmem_shared>> -> memref<80x128xf32, #tpu.memory_space<vmem_shared>>
      %dma_wait3A_111 = arith.constant 0 : i32
      %dma_wait3A_112 = tpu.memref_slice %arg14[%add3A_15, %dma_wait3A_111] : memref<10112x128xf32, #tpu.memory_space<vmem_shared>> -> memref<80x128xf32, #tpu.memory_space<vmem_shared>>
      tpu.wait_dma2 semaphore(%run_scoped3A : memref<!tpu.dma_semaphore, #tpu.memory_space<semaphore_mem>>) src(%arg10 : memref<80x128xf32, #tpu.memory_space<vmem>>) dst(%dma_wait3A_112 : memref<80x128xf32, #tpu.memory_space<vmem_shared>>)
      tpu.yield
    }) : () -> ()
    %mul3A_16 = arith.constant 632 : i32
    %mul3A_17 = arith.muli %arg1, %mul3A_16 : i32
    %add3A_18 = arith.constant 240 : i32
    %add3A_19 = arith.addi %mul3A_17, %add3A_18 : i32
    "tpu.region"() ({
      %run_scoped3A = tpu.sem_alloc : memref<!tpu.dma_semaphore, #tpu.memory_space<semaphore_mem>>
      %dma_start3A_105 = arith.constant 0 : i32
      %dma_start3A_106 = tpu.memref_slice %arg14[%add3A_19, %dma_start3A_105] : memref<10112x128xf32, #tpu.memory_space<vmem_shared>> -> memref<80x128xf32, #tpu.memory_space<vmem_shared>>
      %dma_start3A_107 = arith.constant 0 : i32
      %dma_start3A_108 = tpu.memref_slice %arg14[%add3A_19, %dma_start3A_107] : memref<10112x128xf32, #tpu.memory_space<vmem_shared>> -> memref<80x128xf32, #tpu.memory_space<vmem_shared>>
      tpu.enqueue_dma source(%arg10 : memref<80x128xf32, #tpu.memory_space<vmem>>) target(%dma_start3A_108 : memref<80x128xf32, #tpu.memory_space<vmem_shared>>) target_semaphore(%run_scoped3A : memref<!tpu.dma_semaphore, #tpu.memory_space<semaphore_mem>>)
      %dma_wait3A_109 = arith.constant 0 : i32
      %dma_wait3A_110 = tpu.memref_slice %arg14[%add3A_19, %dma_wait3A_109] : memref<10112x128xf32, #tpu.memory_space<vmem_shared>> -> memref<80x128xf32, #tpu.memory_space<vmem_shared>>
      %dma_wait3A_111 = arith.constant 0 : i32
      %dma_wait3A_112 = tpu.memref_slice %arg14[%add3A_19, %dma_wait3A_111] : memref<10112x128xf32, #tpu.memory_space<vmem_shared>> -> memref<80x128xf32, #tpu.memory_space<vmem_shared>>
      tpu.wait_dma2 semaphore(%run_scoped3A : memref<!tpu.dma_semaphore, #tpu.memory_space<semaphore_mem>>) src(%arg10 : memref<80x128xf32, #tpu.memory_space<vmem>>) dst(%dma_wait3A_112 : memref<80x128xf32, #tpu.memory_space<vmem_shared>>)
      tpu.yield
    }) : () -> ()
    %mul3A_20 = arith.constant 632 : i32
    %mul3A_21 = arith.muli %arg1, %mul3A_20 : i32
    %add3A_22 = arith.constant 320 : i32
    %add3A_23 = arith.addi %mul3A_21, %add3A_22 : i32
    "tpu.region"() ({
      %run_scoped3A = tpu.sem_alloc : memref<!tpu.dma_semaphore, #tpu.memory_space<semaphore_mem>>
      %dma_start3A_105 = arith.constant 0 : i32
      %dma_start3A_106 = tpu.memref_slice %arg14[%add3A_23, %dma_start3A_105] : memref<10112x128xf32, #tpu.memory_space<vmem_shared>> -> memref<80x128xf32, #tpu.memory_space<vmem_shared>>
      %dma_start3A_107 = arith.constant 0 : i32
      %dma_start3A_108 = tpu.memref_slice %arg14[%add3A_23, %dma_start3A_107] : memref<10112x128xf32, #tpu.memory_space<vmem_shared>> -> memref<80x128xf32, #tpu.memory_space<vmem_shared>>
      tpu.enqueue_dma source(%arg10 : memref<80x128xf32, #tpu.memory_space<vmem>>) target(%dma_start3A_108 : memref<80x128xf32, #tpu.memory_space<vmem_shared>>) target_semaphore(%run_scoped3A : memref<!tpu.dma_semaphore, #tpu.memory_space<semaphore_mem>>)
      %dma_wait3A_109 = arith.constant 0 : i32
      %dma_wait3A_110 = tpu.memref_slice %arg14[%add3A_23, %dma_wait3A_109] : memref<10112x128xf32, #tpu.memory_space<vmem_shared>> -> memref<80x128xf32, #tpu.memory_space<vmem_shared>>
      %dma_wait3A_111 = arith.constant 0 : i32
      %dma_wait3A_112 = tpu.memref_slice %arg14[%add3A_23, %dma_wait3A_111] : memref<10112x128xf32, #tpu.memory_space<vmem_shared>> -> memref<80x128xf32, #tpu.memory_space<vmem_shared>>
      tpu.wait_dma2 semaphore(%run_scoped3A : memref<!tpu.dma_semaphore, #tpu.memory_space<semaphore_mem>>) src(%arg10 : memref<80x128xf32, #tpu.memory_space<vmem>>) dst(%dma_wait3A_112 : memref<80x128xf32, #tpu.memory_space<vmem_shared>>)
      tpu.yield
    }) : () -> ()
    %mul3A_24 = arith.constant 632 : i32
    %mul3A_25 = arith.muli %arg1, %mul3A_24 : i32
    %add3A_26 = arith.constant 400 : i32
    %add3A_27 = arith.addi %mul3A_25, %add3A_26 : i32
    "tpu.region"() ({
      %run_scoped3A = tpu.sem_alloc : memref<!tpu.dma_semaphore, #tpu.memory_space<semaphore_mem>>
      %dma_start3A_105 = arith.constant 0 : i32
      %dma_start3A_106 = tpu.memref_slice %arg14[%add3A_27, %dma_start3A_105] : memref<10112x128xf32, #tpu.memory_space<vmem_shared>> -> memref<80x128xf32, #tpu.memory_space<vmem_shared>>
      %dma_start3A_107 = arith.constant 0 : i32
      %dma_start3A_108 = tpu.memref_slice %arg14[%add3A_27, %dma_start3A_107] : memref<10112x128xf32, #tpu.memory_space<vmem_shared>> -> memref<80x128xf32, #tpu.memory_space<vmem_shared>>
      tpu.enqueue_dma source(%arg10 : memref<80x128xf32, #tpu.memory_space<vmem>>) target(%dma_start3A_108 : memref<80x128xf32, #tpu.memory_space<vmem_shared>>) target_semaphore(%run_scoped3A : memref<!tpu.dma_semaphore, #tpu.memory_space<semaphore_mem>>)
      %dma_wait3A_109 = arith.constant 0 : i32
      %dma_wait3A_110 = tpu.memref_slice %arg14[%add3A_27, %dma_wait3A_109] : memref<10112x128xf32, #tpu.memory_space<vmem_shared>> -> memref<80x128xf32, #tpu.memory_space<vmem_shared>>
      %dma_wait3A_111 = arith.constant 0 : i32
      %dma_wait3A_112 = tpu.memref_slice %arg14[%add3A_27, %dma_wait3A_111] : memref<10112x128xf32, #tpu.memory_space<vmem_shared>> -> memref<80x128xf32, #tpu.memory_space<vmem_shared>>
      tpu.wait_dma2 semaphore(%run_scoped3A : memref<!tpu.dma_semaphore, #tpu.memory_space<semaphore_mem>>) src(%arg10 : memref<80x128xf32, #tpu.memory_space<vmem>>) dst(%dma_wait3A_112 : memref<80x128xf32, #tpu.memory_space<vmem_shared>>)
      tpu.yield
    }) : () -> ()
    %mul3A_28 = arith.constant 632 : i32
    %mul3A_29 = arith.muli %arg1, %mul3A_28 : i32
    %add3A_30 = arith.constant 480 : i32
    %add3A_31 = arith.addi %mul3A_29, %add3A_30 : i32
    "tpu.region"() ({
      %run_scoped3A = tpu.sem_alloc : memref<!tpu.dma_semaphore, #tpu.memory_space<semaphore_mem>>
      %dma_start3A_105 = arith.constant 0 : i32
      %dma_start3A_106 = tpu.memref_slice %arg14[%add3A_31, %dma_start3A_105] : memref<10112x128xf32, #tpu.memory_space<vmem_shared>> -> memref<80x128xf32, #tpu.memory_space<vmem_shared>>
      %dma_start3A_107 = arith.constant 0 : i32
      %dma_start3A_108 = tpu.memref_slice %arg14[%add3A_31, %dma_start3A_107] : memref<10112x128xf32, #tpu.memory_space<vmem_shared>> -> memref<80x128xf32, #tpu.memory_space<vmem_shared>>
      tpu.enqueue_dma source(%arg10 : memref<80x128xf32, #tpu.memory_space<vmem>>) target(%dma_start3A_108 : memref<80x128xf32, #tpu.memory_space<vmem_shared>>) target_semaphore(%run_scoped3A : memref<!tpu.dma_semaphore, #tpu.memory_space<semaphore_mem>>)
      %dma_wait3A_109 = arith.constant 0 : i32
      %dma_wait3A_110 = tpu.memref_slice %arg14[%add3A_31, %dma_wait3A_109] : memref<10112x128xf32, #tpu.memory_space<vmem_shared>> -> memref<80x128xf32, #tpu.memory_space<vmem_shared>>
      %dma_wait3A_111 = arith.constant 0 : i32
      %dma_wait3A_112 = tpu.memref_slice %arg14[%add3A_31, %dma_wait3A_111] : memref<10112x128xf32, #tpu.memory_space<vmem_shared>> -> memref<80x128xf32, #tpu.memory_space<vmem_shared>>
      tpu.wait_dma2 semaphore(%run_scoped3A : memref<!tpu.dma_semaphore, #tpu.memory_space<semaphore_mem>>) src(%arg10 : memref<80x128xf32, #tpu.memory_space<vmem>>) dst(%dma_wait3A_112 : memref<80x128xf32, #tpu.memory_space<vmem_shared>>)
      tpu.yield
    }) : () -> ()
    %mul3A_32 = arith.constant 632 : i32
    %mul3A_33 = arith.muli %arg1, %mul3A_32 : i32
    %add3A_34 = arith.constant 560 : i32
    %add3A_35 = arith.addi %mul3A_33, %add3A_34 : i32
    "tpu.region"() ({
      %run_scoped3A = tpu.sem_alloc : memref<!tpu.dma_semaphore, #tpu.memory_space<semaphore_mem>>
      %dma_start3A_105 = arith.constant 0 : i32
      %dma_start3A_106 = arith.constant 0 : i32
      %dma_start3A_107 = tpu.memref_slice %arg10[%dma_start3A_105, %dma_start3A_106] : memref<80x128xf32, #tpu.memory_space<vmem>> -> memref<72x128xf32, #tpu.memory_space<vmem>>
      %dma_start3A_108 = arith.constant 0 : i32
      %dma_start3A_109 = tpu.memref_slice %arg14[%add3A_35, %dma_start3A_108] : memref<10112x128xf32, #tpu.memory_space<vmem_shared>> -> memref<72x128xf32, #tpu.memory_space<vmem_shared>>
      %dma_start3A_110 = arith.constant 0 : i32
      %dma_start3A_111 = tpu.memref_slice %arg14[%add3A_35, %dma_start3A_110] : memref<10112x128xf32, #tpu.memory_space<vmem_shared>> -> memref<72x128xf32, #tpu.memory_space<vmem_shared>>
      %dma_start3A_112 = arith.constant 0 : i32
      %dma_start3A_113 = arith.constant 0 : i32
      %dma_start3A_114 = tpu.memref_slice %arg10[%dma_start3A_112, %dma_start3A_113] : memref<80x128xf32, #tpu.memory_space<vmem>> -> memref<72x128xf32, #tpu.memory_space<vmem>>
      tpu.enqueue_dma source(%dma_start3A_114 : memref<72x128xf32, #tpu.memory_space<vmem>>) target(%dma_start3A_111 : memref<72x128xf32, #tpu.memory_space<vmem_shared>>) target_semaphore(%run_scoped3A : memref<!tpu.dma_semaphore, #tpu.memory_space<semaphore_mem>>)
      %dma_wait3A_115 = arith.constant 0 : i32
      %dma_wait3A_116 = arith.constant 0 : i32
      %dma_wait3A_117 = tpu.memref_slice %arg10[%dma_wait3A_115, %dma_wait3A_116] : memref<80x128xf32, #tpu.memory_space<vmem>> -> memref<72x128xf32, #tpu.memory_space<vmem>>
      %dma_wait3A_118 = arith.constant 0 : i32
      %dma_wait3A_119 = tpu.memref_slice %arg14[%add3A_35, %dma_wait3A_118] : memref<10112x128xf32, #tpu.memory_space<vmem_shared>> -> memref<72x128xf32, #tpu.memory_space<vmem_shared>>
      %dma_wait3A_120 = arith.constant 0 : i32
      %dma_wait3A_121 = tpu.memref_slice %arg14[%add3A_35, %dma_wait3A_120] : memref<10112x128xf32, #tpu.memory_space<vmem_shared>> -> memref<72x128xf32, #tpu.memory_space<vmem_shared>>
      %dma_wait3A_122 = arith.constant 0 : i32
      %dma_wait3A_123 = arith.constant 0 : i32
      %dma_wait3A_124 = tpu.memref_slice %arg10[%dma_wait3A_122, %dma_wait3A_123] : memref<80x128xf32, #tpu.memory_space<vmem>> -> memref<72x128xf32, #tpu.memory_space<vmem>>
      tpu.wait_dma2 semaphore(%run_scoped3A : memref<!tpu.dma_semaphore, #tpu.memory_space<semaphore_mem>>) src(%dma_wait3A_124 : memref<72x128xf32, #tpu.memory_space<vmem>>) dst(%dma_wait3A_121 : memref<72x128xf32, #tpu.memory_space<vmem_shared>>)
      tpu.yield
    }) : () -> ()
    %barrier3A = arith.constant 0 : index
    tpu.barrier barrier_id(%barrier3A)
    %mul3A_36 = arith.constant 20000 : i32
    %mul3A_37 = arith.muli %arg1, %mul3A_36 : i32
    %mul3A_38 = arith.constant 80 : i32
    %mul3A_39 = arith.muli %arg0, %mul3A_38 : i32
    %add3A_40 = arith.addi %mul3A_37, %mul3A_39 : i32
    %add3A_41 = arith.constant 0 : i32
    %add3A_42 = arith.addi %add3A_40, %add3A_41 : i32
    %mul3A_43 = arith.constant 2 : i32
    %mul3A_44 = arith.muli %mul3A_43, %add3A_42 : i32
    "tpu.region"() ({
      %run_scoped3A = tpu.sem_alloc : memref<!tpu.dma_semaphore, #tpu.memory_space<semaphore_mem>>
      %dma_start3A_105 = tpu.memref_slice %arg2[%mul3A_44] : memref<640000xi32, #tpu.memory_space<hbm>> -> memref<160xi32, #tpu.memory_space<hbm>>
      %dma_start3A_106 = tpu.memref_slice %arg2[%mul3A_44] : memref<640000xi32, #tpu.memory_space<hbm>> -> memref<160xi32, #tpu.memory_space<hbm>>
      tpu.enqueue_dma source(%dma_start3A_106 : memref<160xi32, #tpu.memory_space<hbm>>) target(%arg6 : memref<160xi32, #tpu.memory_space<vmem>>) target_semaphore(%run_scoped3A : memref<!tpu.dma_semaphore, #tpu.memory_space<semaphore_mem>>)
      %dma_wait3A_107 = tpu.memref_slice %arg2[%mul3A_44] : memref<640000xi32, #tpu.memory_space<hbm>> -> memref<160xi32, #tpu.memory_space<hbm>>
      %dma_wait3A_108 = tpu.memref_slice %arg2[%mul3A_44] : memref<640000xi32, #tpu.memory_space<hbm>> -> memref<160xi32, #tpu.memory_space<hbm>>
      tpu.wait_dma2 semaphore(%run_scoped3A : memref<!tpu.dma_semaphore, #tpu.memory_space<semaphore_mem>>) src(%dma_wait3A_108 : memref<160xi32, #tpu.memory_space<hbm>>) dst(%arg6 : memref<160xi32, #tpu.memory_space<vmem>>)
      tpu.yield
    }) : () -> ()
    %dma_start3A = arith.constant 0 : i32
    %dma_start3A_45 = tpu.memref_slice %arg6[%dma_start3A] : memref<160xi32, #tpu.memory_space<vmem>> -> memref<80xi32, #tpu.memory_space<vmem>>
    %dma_start3A_46 = arith.constant 0 : i32
    %dma_start3A_47 = arith.constant 0 : i32
    %dma_start3A_48 = tpu.memref_slice %arg3[%dma_start3A_46, %dma_start3A_47] : memref<10240x128xf32, #tpu.memory_space<hbm>> -> memref<10240x128xf32, #tpu.memory_space<hbm>>
    tpu.enqueue_indirect_dma source(%dma_start3A_48 : memref<10240x128xf32, #tpu.memory_space<hbm>>) target(%arg10 : memref<80x128xf32, #tpu.memory_space<vmem>>) offsets(%dma_start3A_45 : memref<80xi32, #tpu.memory_space<vmem>>) semaphore(%arg15 : memref<!tpu.dma_semaphore, #tpu.memory_space<semaphore_mem>>)
    %dma_start3A_49 = arith.constant 80 : i32
    %dma_start3A_50 = tpu.memref_slice %arg6[%dma_start3A_49] : memref<160xi32, #tpu.memory_space<vmem>> -> memref<80xi32, #tpu.memory_space<vmem>>
    %dma_start3A_51 = arith.constant 0 : i32
    %dma_start3A_52 = arith.constant 0 : i32
    %dma_start3A_53 = tpu.memref_slice %arg4[%dma_start3A_51, %dma_start3A_52] : memref<10240x128xi32, #tpu.memory_space<hbm>> -> memref<10240x128xi32, #tpu.memory_space<hbm>>
    tpu.enqueue_indirect_dma source(%dma_start3A_53 : memref<10240x128xi32, #tpu.memory_space<hbm>>) target(%arg11 : memref<80x128xi32, #tpu.memory_space<vmem>>) offsets(%dma_start3A_50 : memref<80xi32, #tpu.memory_space<vmem>>) semaphore(%arg16 : memref<!tpu.dma_semaphore, #tpu.memory_space<semaphore_mem>>)
    %scan3A_54 = arith.constant 0 : i32
    %scan3A_55 = arith.constant -65536 : i32
    %scan3A_56 = arith.constant 0 : i32
    %scan3A_57 = arith.constant 62 : i32
    %scan3A_58 = arith.addi %scan3A_56, %scan3A_57 : i32
    %scan3A_59 = arith.constant 1 : i32
    scf.for %scan3A_105 = %scan3A_56 to %scan3A_58 step %scan3A_59  : i32 {
      %mul3A_106 = arith.constant 2 : i32
      %mul3A_107 = arith.muli %mul3A_106, %scan3A_105 : i32
      %add3A_108 = arith.constant 1 : i32
      %add3A_109 = arith.addi %mul3A_107, %add3A_108 : i32
      %gt3A = arith.constant 0 : i32
      %gt3A_110 = arith.cmpi sgt, %scan3A_105, %gt3A : i32
      %mul3A_111 = arith.constant 160 : i32
      %mul3A_112 = arith.muli %add3A_109, %mul3A_111 : i32
      %add3A_113 = arith.addi %add3A_40, %mul3A_112 : i32
      %mul3A_114 = arith.constant 2 : i32
      %mul3A_115 = arith.muli %mul3A_114, %add3A_113 : i32
      "tpu.region"() ({
        %run_scoped3A = tpu.sem_alloc : memref<!tpu.dma_semaphore, #tpu.memory_space<semaphore_mem>>
        %dma_start3A_187 = tpu.memref_slice %arg2[%mul3A_115] : memref<640000xi32, #tpu.memory_space<hbm>> -> memref<160xi32, #tpu.memory_space<hbm>>
        %dma_start3A_188 = tpu.memref_slice %arg2[%mul3A_115] : memref<640000xi32, #tpu.memory_space<hbm>> -> memref<160xi32, #tpu.memory_space<hbm>>
        tpu.enqueue_dma source(%dma_start3A_188 : memref<160xi32, #tpu.memory_space<hbm>>) target(%arg7 : memref<160xi32, #tpu.memory_space<vmem>>) target_semaphore(%run_scoped3A : memref<!tpu.dma_semaphore, #tpu.memory_space<semaphore_mem>>)
        %dma_wait3A_189 = tpu.memref_slice %arg2[%mul3A_115] : memref<640000xi32, #tpu.memory_space<hbm>> -> memref<160xi32, #tpu.memory_space<hbm>>
        %dma_wait3A_190 = tpu.memref_slice %arg2[%mul3A_115] : memref<640000xi32, #tpu.memory_space<hbm>> -> memref<160xi32, #tpu.memory_space<hbm>>
        tpu.wait_dma2 semaphore(%run_scoped3A : memref<!tpu.dma_semaphore, #tpu.memory_space<semaphore_mem>>) src(%dma_wait3A_190 : memref<160xi32, #tpu.memory_space<hbm>>) dst(%arg7 : memref<160xi32, #tpu.memory_space<vmem>>)
        tpu.yield
      }) : () -> ()
      %convert_element_type3A = arith.extui %gt3A_110 : i1 to i32
      %cond3A = arith.constant 0 : i32
      %cond3A_116 = arith.cmpi ne, %convert_element_type3A, %cond3A : i32
      scf.if %cond3A_116 {
        %dma_wait3A_187 = arith.constant 0 : i32
        %dma_wait3A_188 = arith.constant 0 : i32
        %dma_wait3A_189 = tpu.memref_slice %arg14[%dma_wait3A_187, %dma_wait3A_188] : memref<10112x128xf32, #tpu.memory_space<vmem_shared>> -> memref<80x128xf32, #tpu.memory_space<vmem_shared>>
        %dma_wait3A_190 = arith.constant 0 : i32
        %dma_wait3A_191 = arith.constant 0 : i32
        %dma_wait3A_192 = tpu.memref_slice %arg14[%dma_wait3A_190, %dma_wait3A_191] : memref<10112x128xf32, #tpu.memory_space<vmem_shared>> -> memref<80x128xf32, #tpu.memory_space<vmem_shared>>
        tpu.wait_dma2 semaphore(%arg20 : memref<!tpu.dma_semaphore, #tpu.memory_space<semaphore_mem>>) src(%arg12 : memref<80x128xf32, #tpu.memory_space<vmem>>) dst(%dma_wait3A_192 : memref<80x128xf32, #tpu.memory_space<vmem_shared>>)
      } else {
      }
      %dma_start3A_117 = arith.constant 0 : i32
      %dma_start3A_118 = tpu.memref_slice %arg7[%dma_start3A_117] : memref<160xi32, #tpu.memory_space<vmem>> -> memref<80xi32, #tpu.memory_space<vmem>>
      %dma_start3A_119 = arith.constant 0 : i32
      %dma_start3A_120 = arith.constant 0 : i32
      %dma_start3A_121 = tpu.memref_slice %arg3[%dma_start3A_119, %dma_start3A_120] : memref<10240x128xf32, #tpu.memory_space<hbm>> -> memref<10240x128xf32, #tpu.memory_space<hbm>>
      tpu.enqueue_indirect_dma source(%dma_start3A_121 : memref<10240x128xf32, #tpu.memory_space<hbm>>) target(%arg12 : memref<80x128xf32, #tpu.memory_space<vmem>>) offsets(%dma_start3A_118 : memref<80xi32, #tpu.memory_space<vmem>>) semaphore(%arg17 : memref<!tpu.dma_semaphore, #tpu.memory_space<semaphore_mem>>)
      %dma_start3A_122 = arith.constant 80 : i32
      %dma_start3A_123 = tpu.memref_slice %arg7[%dma_start3A_122] : memref<160xi32, #tpu.memory_space<vmem>> -> memref<80xi32, #tpu.memory_space<vmem>>
      %dma_start3A_124 = arith.constant 0 : i32
      %dma_start3A_125 = arith.constant 0 : i32
      %dma_start3A_126 = tpu.memref_slice %arg4[%dma_start3A_124, %dma_start3A_125] : memref<10240x128xi32, #tpu.memory_space<hbm>> -> memref<10240x128xi32, #tpu.memory_space<hbm>>
      tpu.enqueue_indirect_dma source(%dma_start3A_126 : memref<10240x128xi32, #tpu.memory_space<hbm>>) target(%arg13 : memref<80x128xi32, #tpu.memory_space<vmem>>) offsets(%dma_start3A_123 : memref<80xi32, #tpu.memory_space<vmem>>) semaphore(%arg18 : memref<!tpu.dma_semaphore, #tpu.memory_space<semaphore_mem>>)
      %dma_wait3A_127 = arith.constant 0 : i32
      %dma_wait3A_128 = arith.constant 0 : i32
      %dma_wait3A_129 = tpu.memref_slice %arg3[%dma_wait3A_127, %dma_wait3A_128] : memref<10240x128xf32, #tpu.memory_space<hbm>> -> memref<80x128xf32, #tpu.memory_space<hbm>>
      %dma_wait3A_130 = arith.constant 0 : i32
      %dma_wait3A_131 = arith.constant 0 : i32
      %dma_wait3A_132 = tpu.memref_slice %arg3[%dma_wait3A_130, %dma_wait3A_131] : memref<10240x128xf32, #tpu.memory_space<hbm>> -> memref<80x128xf32, #tpu.memory_space<hbm>>
      tpu.wait_dma2 semaphore(%arg15 : memref<!tpu.dma_semaphore, #tpu.memory_space<semaphore_mem>>) src(%dma_wait3A_132 : memref<80x128xf32, #tpu.memory_space<hbm>>) dst(%arg10 : memref<80x128xf32, #tpu.memory_space<vmem>>)
      %dma_wait3A_133 = arith.constant 0 : i32
      %dma_wait3A_134 = arith.constant 0 : i32
      %dma_wait3A_135 = tpu.memref_slice %arg4[%dma_wait3A_133, %dma_wait3A_134] : memref<10240x128xi32, #tpu.memory_space<hbm>> -> memref<80x128xi32, #tpu.memory_space<hbm>>
      %dma_wait3A_136 = arith.constant 0 : i32
      %dma_wait3A_137 = arith.constant 0 : i32
      %dma_wait3A_138 = tpu.memref_slice %arg4[%dma_wait3A_136, %dma_wait3A_137] : memref<10240x128xi32, #tpu.memory_space<hbm>> -> memref<80x128xi32, #tpu.memory_space<hbm>>
      tpu.wait_dma2 semaphore(%arg16 : memref<!tpu.dma_semaphore, #tpu.memory_space<semaphore_mem>>) src(%dma_wait3A_138 : memref<80x128xi32, #tpu.memory_space<hbm>>) dst(%arg11 : memref<80x128xi32, #tpu.memory_space<vmem>>)
      %scan3A_139 = arith.constant 0 : i32
      %scan3A_140 = arith.constant 0 : i32
      %scan3A_141 = arith.constant 80 : i32
      %scan3A_142 = arith.addi %scan3A_140, %scan3A_141 : i32
      %scan3A_143 = arith.constant 1 : i32
      scf.for %scan3A_187 = %scan3A_140 to %scan3A_142 step %scan3A_143  : i32 {
        %get3A = arith.index_cast %scan3A_187 : i32 to index
        %get3A_188 = arith.constant 0 : index
        %get3A_189 = tpu.vector_load %arg11[%get3A, %get3A_188] {strides = array<i32>} : memref<80x128xi32, #tpu.memory_space<vmem>>, vector<16xi32>,
        %get3A_190 = arith.index_cast %scan3A_187 : i32 to index
        %get3A_191 = arith.constant 64 : index
        %get3A_192 = tpu.vector_load %arg11[%get3A_190, %get3A_191] {strides = array<i32>} : memref<80x128xi32, #tpu.memory_space<vmem>>, vector<16xi32>,
        %shift_left3A = arith.constant 16 : i32
        %shift_left3A_193 = vector.broadcast %shift_left3A : i32 to vector<16xi32>
        %shift_left3A_194 = arith.shli %get3A_189, %shift_left3A_193 : vector<16xi32>
        %bitcast3A = vector.bitcast %shift_left3A_194 : vector<16xi32> to vector<16xf32>
        %shift_left3A_195 = arith.constant 16 : i32
        %shift_left3A_196 = vector.broadcast %shift_left3A_195 : i32 to vector<16xi32>
        %shift_left3A_197 = arith.shli %get3A_192, %shift_left3A_196 : vector<16xi32>
        %bitcast3A_198 = vector.bitcast %shift_left3A_197 : vector<16xi32> to vector<16xf32>
        %and3A = vector.broadcast %scan3A_55 : i32 to vector<16xi32>
        %and3A_199 = arith.andi %get3A_189, %and3A : vector<16xi32>
        %bitcast3A_200 = vector.bitcast %and3A_199 : vector<16xi32> to vector<16xf32>
        %and3A_201 = vector.broadcast %scan3A_55 : i32 to vector<16xi32>
        %and3A_202 = arith.andi %get3A_192, %and3A_201 : vector<16xi32>
        %bitcast3A_203 = vector.bitcast %and3A_202 : vector<16xi32> to vector<16xf32>
        %get3A_204 = arith.index_cast %scan3A_187 : i32 to index
        %get3A_205 = arith.constant 0 : index
        %get3A_206 = tpu.vector_load %arg10[%get3A_204, %get3A_205] {strides = array<i32>} : memref<80x128xf32, #tpu.memory_space<vmem>>, vector<16xf32>,
        %get3A_207 = arith.index_cast %scan3A_187 : i32 to index
        %get3A_208 = arith.constant 16 : index
        %get3A_209 = tpu.vector_load %arg10[%get3A_207, %get3A_208] {strides = array<i32>} : memref<80x128xf32, #tpu.memory_space<vmem>>, vector<16xf32>,
        %mul3A_210 = arith.mulf %bitcast3A, %get3A_206 : vector<16xf32>
        %add3A_211 = arith.addf %mul3A_210, %bitcast3A_198 : vector<16xf32>
        %max3A = arith.constant 0.000000e+00 : f32
        %max3A_212 = vector.broadcast %max3A : f32 to vector<16xf32>
        %max3A_213 = arith.maximumf %add3A_211, %max3A_212 : vector<16xf32>
        %swap3A = arith.index_cast %scan3A_187 : i32 to index
        %swap3A_214 = arith.constant 0 : index
        %swap3A_215 = tpu.vector_load %arg10[%swap3A, %swap3A_214] {strides = array<i32>} : memref<80x128xf32, #tpu.memory_space<vmem>>, vector<16xf32>,
        tpu.vector_store %arg10[%swap3A, %swap3A_214], %max3A_213 {strides = array<i32>} : memref<80x128xf32, #tpu.memory_space<vmem>>, vector<16xf32>,
        %mul3A_216 = arith.mulf %bitcast3A_200, %get3A_209 : vector<16xf32>
        %add3A_217 = arith.addf %mul3A_216, %bitcast3A_203 : vector<16xf32>
        %max3A_218 = arith.constant 0.000000e+00 : f32
        %max3A_219 = vector.broadcast %max3A_218 : f32 to vector<16xf32>
        %max3A_220 = arith.maximumf %add3A_217, %max3A_219 : vector<16xf32>
        %swap3A_221 = arith.index_cast %scan3A_187 : i32 to index
        %swap3A_222 = arith.constant 16 : index
        %swap3A_223 = tpu.vector_load %arg10[%swap3A_221, %swap3A_222] {strides = array<i32>} : memref<80x128xf32, #tpu.memory_space<vmem>>, vector<16xf32>,
        tpu.vector_store %arg10[%swap3A_221, %swap3A_222], %max3A_220 {strides = array<i32>} : memref<80x128xf32, #tpu.memory_space<vmem>>, vector<16xf32>,
        %get3A_224 = arith.index_cast %scan3A_187 : i32 to index
        %get3A_225 = arith.constant 16 : index
        %get3A_226 = tpu.vector_load %arg11[%get3A_224, %get3A_225] {strides = array<i32>} : memref<80x128xi32, #tpu.memory_space<vmem>>, vector<16xi32>,
        %get3A_227 = arith.index_cast %scan3A_187 : i32 to index
        %get3A_228 = arith.constant 80 : index
        %get3A_229 = tpu.vector_load %arg11[%get3A_227, %get3A_228] {strides = array<i32>} : memref<80x128xi32, #tpu.memory_space<vmem>>, vector<16xi32>,
        %shift_left3A_230 = arith.constant 16 : i32
        %shift_left3A_231 = vector.broadcast %shift_left3A_230 : i32 to vector<16xi32>
        %shift_left3A_232 = arith.shli %get3A_226, %shift_left3A_231 : vector<16xi32>
        %bitcast3A_233 = vector.bitcast %shift_left3A_232 : vector<16xi32> to vector<16xf32>
        %shift_left3A_234 = arith.constant 16 : i32
        %shift_left3A_235 = vector.broadcast %shift_left3A_234 : i32 to vector<16xi32>
        %shift_left3A_236 = arith.shli %get3A_229, %shift_left3A_235 : vector<16xi32>
        %bitcast3A_237 = vector.bitcast %shift_left3A_236 : vector<16xi32> to vector<16xf32>
        %and3A_238 = vector.broadcast %scan3A_55 : i32 to vector<16xi32>
        %and3A_239 = arith.andi %get3A_226, %and3A_238 : vector<16xi32>
        %bitcast3A_240 = vector.bitcast %and3A_239 : vector<16xi32> to vector<16xf32>
        %and3A_241 = vector.broadcast %scan3A_55 : i32 to vector<16xi32>
        %and3A_242 = arith.andi %get3A_229, %and3A_241 : vector<16xi32>
        %bitcast3A_243 = vector.bitcast %and3A_242 : vector<16xi32> to vector<16xf32>
        %get3A_244 = arith.index_cast %scan3A_187 : i32 to index
        %get3A_245 = arith.constant 32 : index
        %get3A_246 = tpu.vector_load %arg10[%get3A_244, %get3A_245] {strides = array<i32>} : memref<80x128xf32, #tpu.memory_space<vmem>>, vector<16xf32>,
        %get3A_247 = arith.index_cast %scan3A_187 : i32 to index
        %get3A_248 = arith.constant 48 : index
        %get3A_249 = tpu.vector_load %arg10[%get3A_247, %get3A_248] {strides = array<i32>} : memref<80x128xf32, #tpu.memory_space<vmem>>, vector<16xf32>,
        %mul3A_250 = arith.mulf %bitcast3A_233, %get3A_246 : vector<16xf32>
        %add3A_251 = arith.addf %mul3A_250, %bitcast3A_237 : vector<16xf32>
        %max3A_252 = arith.constant 0.000000e+00 : f32
        %max3A_253 = vector.broadcast %max3A_252 : f32 to vector<16xf32>
        %max3A_254 = arith.maximumf %add3A_251, %max3A_253 : vector<16xf32>
        %swap3A_255 = arith.index_cast %scan3A_187 : i32 to index
        %swap3A_256 = arith.constant 32 : index
        %swap3A_257 = tpu.vector_load %arg10[%swap3A_255, %swap3A_256] {strides = array<i32>} : memref<80x128xf32, #tpu.memory_space<vmem>>, vector<16xf32>,
        tpu.vector_store %arg10[%swap3A_255, %swap3A_256], %max3A_254 {strides = array<i32>} : memref<80x128xf32, #tpu.memory_space<vmem>>, vector<16xf32>,
        %mul3A_258 = arith.mulf %bitcast3A_240, %get3A_249 : vector<16xf32>
        %add3A_259 = arith.addf %mul3A_258, %bitcast3A_243 : vector<16xf32>
        %max3A_260 = arith.constant 0.000000e+00 : f32
        %max3A_261 = vector.broadcast %max3A_260 : f32 to vector<16xf32>
        %max3A_262 = arith.maximumf %add3A_259, %max3A_261 : vector<16xf32>
        %swap3A_263 = arith.index_cast %scan3A_187 : i32 to index
        %swap3A_264 = arith.constant 48 : index
        %swap3A_265 = tpu.vector_load %arg10[%swap3A_263, %swap3A_264] {strides = array<i32>} : memref<80x128xf32, #tpu.memory_space<vmem>>, vector<16xf32>,
        tpu.vector_store %arg10[%swap3A_263, %swap3A_264], %max3A_262 {strides = array<i32>} : memref<80x128xf32, #tpu.memory_space<vmem>>, vector<16xf32>,
        %get3A_266 = arith.index_cast %scan3A_187 : i32 to index
        %get3A_267 = arith.constant 32 : index
        %get3A_268 = tpu.vector_load %arg11[%get3A_266, %get3A_267] {strides = array<i32>} : memref<80x128xi32, #tpu.memory_space<vmem>>, vector<16xi32>,
        %get3A_269 = arith.index_cast %scan3A_187 : i32 to index
        %get3A_270 = arith.constant 96 : index
        %get3A_271 = tpu.vector_load %arg11[%get3A_269, %get3A_270] {strides = array<i32>} : memref<80x128xi32, #tpu.memory_space<vmem>>, vector<16xi32>,
        %shift_left3A_272 = arith.constant 16 : i32
        %shift_left3A_273 = vector.broadcast %shift_left3A_272 : i32 to vector<16xi32>
        %shift_left3A_274 = arith.shli %get3A_268, %shift_left3A_273 : vector<16xi32>
        %bitcast3A_275 = vector.bitcast %shift_left3A_274 : vector<16xi32> to vector<16xf32>
        %shift_left3A_276 = arith.constant 16 : i32
        %shift_left3A_277 = vector.broadcast %shift_left3A_276 : i32 to vector<16xi32>
        %shift_left3A_278 = arith.shli %get3A_271, %shift_left3A_277 : vector<16xi32>
        %bitcast3A_279 = vector.bitcast %shift_left3A_278 : vector<16xi32> to vector<16xf32>
        %and3A_280 = vector.broadcast %scan3A_55 : i32 to vector<16xi32>
        %and3A_281 = arith.andi %get3A_268, %and3A_280 : vector<16xi32>
        %bitcast3A_282 = vector.bitcast %and3A_281 : vector<16xi32> to vector<16xf32>
        %and3A_283 = vector.broadcast %scan3A_55 : i32 to vector<16xi32>
        %and3A_284 = arith.andi %get3A_271, %and3A_283 : vector<16xi32>
        %bitcast3A_285 = vector.bitcast %and3A_284 : vector<16xi32> to vector<16xf32>
        %get3A_286 = arith.index_cast %scan3A_187 : i32 to index
        %get3A_287 = arith.constant 64 : index
        %get3A_288 = tpu.vector_load %arg10[%get3A_286, %get3A_287] {strides = array<i32>} : memref<80x128xf32, #tpu.memory_space<vmem>>, vector<16xf32>,
        %get3A_289 = arith.index_cast %scan3A_187 : i32 to index
        %get3A_290 = arith.constant 80 : index
        %get3A_291 = tpu.vector_load %arg10[%get3A_289, %get3A_290] {strides = array<i32>} : memref<80x128xf32, #tpu.memory_space<vmem>>, vector<16xf32>,
        %mul3A_292 = arith.mulf %bitcast3A_275, %get3A_288 : vector<16xf32>
        %add3A_293 = arith.addf %mul3A_292, %bitcast3A_279 : vector<16xf32>
        %max3A_294 = arith.constant 0.000000e+00 : f32
        %max3A_295 = vector.broadcast %max3A_294 : f32 to vector<16xf32>
        %max3A_296 = arith.maximumf %add3A_293, %max3A_295 : vector<16xf32>
        %swap3A_297 = arith.index_cast %scan3A_187 : i32 to index
        %swap3A_298 = arith.constant 64 : index
        %swap3A_299 = tpu.vector_load %arg10[%swap3A_297, %swap3A_298] {strides = array<i32>} : memref<80x128xf32, #tpu.memory_space<vmem>>, vector<16xf32>,
        tpu.vector_store %arg10[%swap3A_297, %swap3A_298], %max3A_296 {strides = array<i32>} : memref<80x128xf32, #tpu.memory_space<vmem>>, vector<16xf32>,
        %mul3A_300 = arith.mulf %bitcast3A_282, %get3A_291 : vector<16xf32>
        %add3A_301 = arith.addf %mul3A_300, %bitcast3A_285 : vector<16xf32>
        %max3A_302 = arith.constant 0.000000e+00 : f32
        %max3A_303 = vector.broadcast %max3A_302 : f32 to vector<16xf32>
        %max3A_304 = arith.maximumf %add3A_301, %max3A_303 : vector<16xf32>
        %swap3A_305 = arith.index_cast %scan3A_187 : i32 to index
        %swap3A_306 = arith.constant 80 : index
        %swap3A_307 = tpu.vector_load %arg10[%swap3A_305, %swap3A_306] {strides = array<i32>} : memref<80x128xf32, #tpu.memory_space<vmem>>, vector<16xf32>,
        tpu.vector_store %arg10[%swap3A_305, %swap3A_306], %max3A_304 {strides = array<i32>} : memref<80x128xf32, #tpu.memory_space<vmem>>, vector<16xf32>,
        %get3A_308 = arith.index_cast %scan3A_187 : i32 to index
        %get3A_309 = arith.constant 48 : index
        %get3A_310 = tpu.vector_load %arg11[%get3A_308, %get3A_309] {strides = array<i32>} : memref<80x128xi32, #tpu.memory_space<vmem>>, vector<16xi32>,
        %get3A_311 = arith.index_cast %scan3A_187 : i32 to index
        %get3A_312 = arith.constant 112 : index
        %get3A_313 = tpu.vector_load %arg11[%get3A_311, %get3A_312] {strides = array<i32>} : memref<80x128xi32, #tpu.memory_space<vmem>>, vector<16xi32>,
        %shift_left3A_314 = arith.constant 16 : i32
        %shift_left3A_315 = vector.broadcast %shift_left3A_314 : i32 to vector<16xi32>
        %shift_left3A_316 = arith.shli %get3A_310, %shift_left3A_315 : vector<16xi32>
        %bitcast3A_317 = vector.bitcast %shift_left3A_316 : vector<16xi32> to vector<16xf32>
        %shift_left3A_318 = arith.constant 16 : i32
        %shift_left3A_319 = vector.broadcast %shift_left3A_318 : i32 to vector<16xi32>
        %shift_left3A_320 = arith.shli %get3A_313, %shift_left3A_319 : vector<16xi32>
        %bitcast3A_321 = vector.bitcast %shift_left3A_320 : vector<16xi32> to vector<16xf32>
        %and3A_322 = vector.broadcast %scan3A_55 : i32 to vector<16xi32>
        %and3A_323 = arith.andi %get3A_310, %and3A_322 : vector<16xi32>
        %bitcast3A_324 = vector.bitcast %and3A_323 : vector<16xi32> to vector<16xf32>
        %and3A_325 = vector.broadcast %scan3A_55 : i32 to vector<16xi32>
        %and3A_326 = arith.andi %get3A_313, %and3A_325 : vector<16xi32>
        %bitcast3A_327 = vector.bitcast %and3A_326 : vector<16xi32> to vector<16xf32>
        %get3A_328 = arith.index_cast %scan3A_187 : i32 to index
        %get3A_329 = arith.constant 96 : index
        %get3A_330 = tpu.vector_load %arg10[%get3A_328, %get3A_329] {strides = array<i32>} : memref<80x128xf32, #tpu.memory_space<vmem>>, vector<16xf32>,
        %get3A_331 = arith.index_cast %scan3A_187 : i32 to index
        %get3A_332 = arith.constant 112 : index
        %get3A_333 = tpu.vector_load %arg10[%get3A_331, %get3A_332] {strides = array<i32>} : memref<80x128xf32, #tpu.memory_space<vmem>>, vector<16xf32>,
        %mul3A_334 = arith.mulf %bitcast3A_317, %get3A_330 : vector<16xf32>
        %add3A_335 = arith.addf %mul3A_334, %bitcast3A_321 : vector<16xf32>
        %max3A_336 = arith.constant 0.000000e+00 : f32
        %max3A_337 = vector.broadcast %max3A_336 : f32 to vector<16xf32>
        %max3A_338 = arith.maximumf %add3A_335, %max3A_337 : vector<16xf32>
        %swap3A_339 = arith.index_cast %scan3A_187 : i32 to index
        %swap3A_340 = arith.constant 96 : index
        %swap3A_341 = tpu.vector_load %arg10[%swap3A_339, %swap3A_340] {strides = array<i32>} : memref<80x128xf32, #tpu.memory_space<vmem>>, vector<16xf32>,
        tpu.vector_store %arg10[%swap3A_339, %swap3A_340], %max3A_338 {strides = array<i32>} : memref<80x128xf32, #tpu.memory_space<vmem>>, vector<16xf32>,
        %mul3A_342 = arith.mulf %bitcast3A_324, %get3A_333 : vector<16xf32>
        %add3A_343 = arith.addf %mul3A_342, %bitcast3A_327 : vector<16xf32>
        %max3A_344 = arith.constant 0.000000e+00 : f32
        %max3A_345 = vector.broadcast %max3A_344 : f32 to vector<16xf32>
        %max3A_346 = arith.maximumf %add3A_343, %max3A_345 : vector<16xf32>
        %swap3A_347 = arith.index_cast %scan3A_187 : i32 to index
        %swap3A_348 = arith.constant 112 : index
        %swap3A_349 = tpu.vector_load %arg10[%swap3A_347, %swap3A_348] {strides = array<i32>} : memref<80x128xf32, #tpu.memory_space<vmem>>, vector<16xf32>,
        tpu.vector_store %arg10[%swap3A_347, %swap3A_348], %max3A_346 {strides = array<i32>} : memref<80x128xf32, #tpu.memory_space<vmem>>, vector<16xf32>,
      }
      %scan3A_144 = arith.constant 80 : i32
      %scan3A_145 = arith.constant 0 : i32
      %scan3A_146 = arith.constant 0 : i32
      %scan3A_147 = arith.constant 5 : i32
      %scan3A_148 = arith.addi %scan3A_146, %scan3A_147 : i32
      %scan3A_149 = arith.constant 1 : i32
      scf.for %scan3A_187 = %scan3A_146 to %scan3A_148 step %scan3A_149  : i32 {
        %mul3A_188 = arith.constant 16 : i32
        %mul3A_189 = arith.muli %scan3A_187, %mul3A_188 : i32
        %add3A_190 = arith.constant 80 : i32
        %add3A_191 = arith.addi %add3A_190, %mul3A_189 : i32
        %get3A = arith.index_cast %add3A_191 : i32 to index
        %get3A_192 = tpu.vector_load %arg6[%get3A] {strides = array<i32>} : memref<160xi32, #tpu.memory_space<vmem>>, vector<16xi32>,
        %mul3A_193 = arith.constant 16 : i32
        %mul3A_194 = arith.muli %scan3A_187, %mul3A_193 : i32
        %swap3A = arith.index_cast %mul3A_194 : i32 to index
        %swap3A_195 = tpu.vector_load %arg8[%swap3A] {strides = array<i32>} : memref<80xi32, #tpu.memory_space<vmem>>, vector<16xi32>,
        tpu.vector_store %arg8[%swap3A], %get3A_192 {strides = array<i32>} : memref<80xi32, #tpu.memory_space<vmem>>, vector<16xi32>,
      }
      %scan3A_150 = arith.constant 5 : i32
      %dma_start3A_151 = arith.constant 0 : i32
      %dma_start3A_152 = arith.constant 0 : i32
      %dma_start3A_153 = tpu.memref_slice %arg14[%dma_start3A_151, %dma_start3A_152] : memref<10112x128xf32, #tpu.memory_space<vmem_shared>> -> memref<10112x128xf32, #tpu.memory_space<vmem_shared>>
      tpu.enqueue_indirect_dma source(%arg10 : memref<80x128xf32, #tpu.memory_space<vmem>>) target(%dma_start3A_153 : memref<10112x128xf32, #tpu.memory_space<vmem_shared>>) offsets(%arg8 : memref<80xi32, #tpu.memory_space<vmem>>) semaphore(%arg19 : memref<!tpu.dma_semaphore, #tpu.memory_space<semaphore_mem>>) {add = true}
      %add3A_154 = arith.constant 2 : i32
      %add3A_155 = arith.addi %mul3A_107, %add3A_154 : i32
      %lt3A = arith.constant 125 : i32
      %lt3A_156 = arith.cmpi slt, %add3A_155, %lt3A : i32
      %convert_element_type3A_157 = arith.extui %lt3A_156 : i1 to i32
      %cond3A_158 = arith.constant 0 : i32
      %cond3A_159 = arith.cmpi ne, %convert_element_type3A_157, %cond3A_158 : i32
      scf.if %cond3A_159 {
        %add3A_187 = arith.constant 2 : i32
        %add3A_188 = arith.addi %mul3A_107, %add3A_187 : i32
        %mul3A_189 = arith.constant 160 : i32
        %mul3A_190 = arith.muli %add3A_188, %mul3A_189 : i32
        %add3A_191 = arith.addi %add3A_40, %mul3A_190 : i32
        %mul3A_192 = arith.constant 2 : i32
        %mul3A_193 = arith.muli %mul3A_192, %add3A_191 : i32
        "tpu.region"() ({
          %run_scoped3A = tpu.sem_alloc : memref<!tpu.dma_semaphore, #tpu.memory_space<semaphore_mem>>
          %dma_start3A_210 = tpu.memref_slice %arg2[%mul3A_193] : memref<640000xi32, #tpu.memory_space<hbm>> -> memref<160xi32, #tpu.memory_space<hbm>>
          %dma_start3A_211 = tpu.memref_slice %arg2[%mul3A_193] : memref<640000xi32, #tpu.memory_space<hbm>> -> memref<160xi32, #tpu.memory_space<hbm>>
          tpu.enqueue_dma source(%dma_start3A_211 : memref<160xi32, #tpu.memory_space<hbm>>) target(%arg6 : memref<160xi32, #tpu.memory_space<vmem>>) target_semaphore(%run_scoped3A : memref<!tpu.dma_semaphore, #tpu.memory_space<semaphore_mem>>)
          %dma_wait3A_212 = tpu.memref_slice %arg2[%mul3A_193] : memref<640000xi32, #tpu.memory_space<hbm>> -> memref<160xi32, #tpu.memory_space<hbm>>
          %dma_wait3A_213 = tpu.memref_slice %arg2[%mul3A_193] : memref<640000xi32, #tpu.memory_space<hbm>> -> memref<160xi32, #tpu.memory_space<hbm>>
          tpu.wait_dma2 semaphore(%run_scoped3A : memref<!tpu.dma_semaphore, #tpu.memory_space<semaphore_mem>>) src(%dma_wait3A_213 : memref<160xi32, #tpu.memory_space<hbm>>) dst(%arg6 : memref<160xi32, #tpu.memory_space<vmem>>)
          tpu.yield
        }) : () -> ()
        %dma_wait3A_194 = arith.constant 0 : i32
        %dma_wait3A_195 = arith.constant 0 : i32
        %dma_wait3A_196 = tpu.memref_slice %arg14[%dma_wait3A_194, %dma_wait3A_195] : memref<10112x128xf32, #tpu.memory_space<vmem_shared>> -> memref<80x128xf32, #tpu.memory_space<vmem_shared>>
        %dma_wait3A_197 = arith.constant 0 : i32
        %dma_wait3A_198 = arith.constant 0 : i32
        %dma_wait3A_199 = tpu.memref_slice %arg14[%dma_wait3A_197, %dma_wait3A_198] : memref<10112x128xf32, #tpu.memory_space<vmem_shared>> -> memref<80x128xf32, #tpu.memory_space<vmem_shared>>
        tpu.wait_dma2 semaphore(%arg19 : memref<!tpu.dma_semaphore, #tpu.memory_space<semaphore_mem>>) src(%arg10 : memref<80x128xf32, #tpu.memory_space<vmem>>) dst(%dma_wait3A_199 : memref<80x128xf32, #tpu.memory_space<vmem_shared>>)
        %dma_start3A_200 = arith.constant 0 : i32
        %dma_start3A_201 = tpu.memref_slice %arg6[%dma_start3A_200] : memref<160xi32, #tpu.memory_space<vmem>> -> memref<80xi32, #tpu.memory_space<vmem>>
        %dma_start3A_202 = arith.constant 0 : i32
        %dma_start3A_203 = arith.constant 0 : i32
        %dma_start3A_204 = tpu.memref_slice %arg3[%dma_start3A_202, %dma_start3A_203] : memref<10240x128xf32, #tpu.memory_space<hbm>> -> memref<10240x128xf32, #tpu.memory_space<hbm>>
        tpu.enqueue_indirect_dma source(%dma_start3A_204 : memref<10240x128xf32, #tpu.memory_space<hbm>>) target(%arg10 : memref<80x128xf32, #tpu.memory_space<vmem>>) offsets(%dma_start3A_201 : memref<80xi32, #tpu.memory_space<vmem>>) semaphore(%arg15 : memref<!tpu.dma_semaphore, #tpu.memory_space<semaphore_mem>>)
        %dma_start3A_205 = arith.constant 80 : i32
        %dma_start3A_206 = tpu.memref_slice %arg6[%dma_start3A_205] : memref<160xi32, #tpu.memory_space<vmem>> -> memref<80xi32, #tpu.memory_space<vmem>>
        %dma_start3A_207 = arith.constant 0 : i32
        %dma_start3A_208 = arith.constant 0 : i32
        %dma_start3A_209 = tpu.memref_slice %arg4[%dma_start3A_207, %dma_start3A_208] : memref<10240x128xi32, #tpu.memory_space<hbm>> -> memref<10240x128xi32, #tpu.memory_space<hbm>>
        tpu.enqueue_indirect_dma source(%dma_start3A_209 : memref<10240x128xi32, #tpu.memory_space<hbm>>) target(%arg11 : memref<80x128xi32, #tpu.memory_space<vmem>>) offsets(%dma_start3A_206 : memref<80xi32, #tpu.memory_space<vmem>>) semaphore(%arg16 : memref<!tpu.dma_semaphore, #tpu.memory_space<semaphore_mem>>)
      } else {
      }
      %dma_wait3A_160 = arith.constant 0 : i32
      %dma_wait3A_161 = arith.constant 0 : i32
      %dma_wait3A_162 = tpu.memref_slice %arg3[%dma_wait3A_160, %dma_wait3A_161] : memref<10240x128xf32, #tpu.memory_space<hbm>> -> memref<80x128xf32, #tpu.memory_space<hbm>>
      %dma_wait3A_163 = arith.constant 0 : i32
      %dma_wait3A_164 = arith.constant 0 : i32
      %dma_wait3A_165 = tpu.memref_slice %arg3[%dma_wait3A_163, %dma_wait3A_164] : memref<10240x128xf32, #tpu.memory_space<hbm>> -> memref<80x128xf32, #tpu.memory_space<hbm>>
      tpu.wait_dma2 semaphore(%arg17 : memref<!tpu.dma_semaphore, #tpu.memory_space<semaphore_mem>>) src(%dma_wait3A_165 : memref<80x128xf32, #tpu.memory_space<hbm>>) dst(%arg12 : memref<80x128xf32, #tpu.memory_space<vmem>>)
      %dma_wait3A_166 = arith.constant 0 : i32
      %dma_wait3A_167 = arith.constant 0 : i32
      %dma_wait3A_168 = tpu.memref_slice %arg4[%dma_wait3A_166, %dma_wait3A_167] : memref<10240x128xi32, #tpu.memory_space<hbm>> -> memref<80x128xi32, #tpu.memory_space<hbm>>
      %dma_wait3A_169 = arith.constant 0 : i32
      %dma_wait3A_170 = arith.constant 0 : i32
      %dma_wait3A_171 = tpu.memref_slice %arg4[%dma_wait3A_169, %dma_wait3A_170] : memref<10240x128xi32, #tpu.memory_space<hbm>> -> memref<80x128xi32, #tpu.memory_space<hbm>>
      tpu.wait_dma2 semaphore(%arg18 : memref<!tpu.dma_semaphore, #tpu.memory_space<semaphore_mem>>) src(%dma_wait3A_171 : memref<80x128xi32, #tpu.memory_space<hbm>>) dst(%arg13 : memref<80x128xi32, #tpu.memory_space<vmem>>)
      %scan3A_172 = arith.constant 0 : i32
      %scan3A_173 = arith.constant 0 : i32
      %scan3A_174 = arith.constant 80 : i32
      %scan3A_175 = arith.addi %scan3A_173, %scan3A_174 : i32
      %scan3A_176 = arith.constant 1 : i32
      scf.for %scan3A_187 = %scan3A_173 to %scan3A_175 step %scan3A_176  : i32 {
        %get3A = arith.index_cast %scan3A_187 : i32 to index
        %get3A_188 = arith.constant 0 : index
        %get3A_189 = tpu.vector_load %arg13[%get3A, %get3A_188] {strides = array<i32>} : memref<80x128xi32, #tpu.memory_space<vmem>>, vector<16xi32>,
        %get3A_190 = arith.index_cast %scan3A_187 : i32 to index
        %get3A_191 = arith.constant 64 : index
        %get3A_192 = tpu.vector_load %arg13[%get3A_190, %get3A_191] {strides = array<i32>} : memref<80x128xi32, #tpu.memory_space<vmem>>, vector<16xi32>,
        %shift_left3A = arith.constant 16 : i32
        %shift_left3A_193 = vector.broadcast %shift_left3A : i32 to vector<16xi32>
        %shift_left3A_194 = arith.shli %get3A_189, %shift_left3A_193 : vector<16xi32>
        %bitcast3A = vector.bitcast %shift_left3A_194 : vector<16xi32> to vector<16xf32>
        %shift_left3A_195 = arith.constant 16 : i32
        %shift_left3A_196 = vector.broadcast %shift_left3A_195 : i32 to vector<16xi32>
        %shift_left3A_197 = arith.shli %get3A_192, %shift_left3A_196 : vector<16xi32>
        %bitcast3A_198 = vector.bitcast %shift_left3A_197 : vector<16xi32> to vector<16xf32>
        %and3A = vector.broadcast %scan3A_55 : i32 to vector<16xi32>
        %and3A_199 = arith.andi %get3A_189, %and3A : vector<16xi32>
        %bitcast3A_200 = vector.bitcast %and3A_199 : vector<16xi32> to vector<16xf32>
        %and3A_201 = vector.broadcast %scan3A_55 : i32 to vector<16xi32>
        %and3A_202 = arith.andi %get3A_192, %and3A_201 : vector<16xi32>
        %bitcast3A_203 = vector.bitcast %and3A_202 : vector<16xi32> to vector<16xf32>
        %get3A_204 = arith.index_cast %scan3A_187 : i32 to index
        %get3A_205 = arith.constant 0 : index
        %get3A_206 = tpu.vector_load %arg12[%get3A_204, %get3A_205] {strides = array<i32>} : memref<80x128xf32, #tpu.memory_space<vmem>>, vector<16xf32>,
        %get3A_207 = arith.index_cast %scan3A_187 : i32 to index
        %get3A_208 = arith.constant 16 : index
        %get3A_209 = tpu.vector_load %arg12[%get3A_207, %get3A_208] {strides = array<i32>} : memref<80x128xf32, #tpu.memory_space<vmem>>, vector<16xf32>,
        %mul3A_210 = arith.mulf %bitcast3A, %get3A_206 : vector<16xf32>
        %add3A_211 = arith.addf %mul3A_210, %bitcast3A_198 : vector<16xf32>
        %max3A = arith.constant 0.000000e+00 : f32
        %max3A_212 = vector.broadcast %max3A : f32 to vector<16xf32>
        %max3A_213 = arith.maximumf %add3A_211, %max3A_212 : vector<16xf32>
        %swap3A = arith.index_cast %scan3A_187 : i32 to index
        %swap3A_214 = arith.constant 0 : index
        %swap3A_215 = tpu.vector_load %arg12[%swap3A, %swap3A_214] {strides = array<i32>} : memref<80x128xf32, #tpu.memory_space<vmem>>, vector<16xf32>,
        tpu.vector_store %arg12[%swap3A, %swap3A_214], %max3A_213 {strides = array<i32>} : memref<80x128xf32, #tpu.memory_space<vmem>>, vector<16xf32>,
        %mul3A_216 = arith.mulf %bitcast3A_200, %get3A_209 : vector<16xf32>
        %add3A_217 = arith.addf %mul3A_216, %bitcast3A_203 : vector<16xf32>
        %max3A_218 = arith.constant 0.000000e+00 : f32
        %max3A_219 = vector.broadcast %max3A_218 : f32 to vector<16xf32>
        %max3A_220 = arith.maximumf %add3A_217, %max3A_219 : vector<16xf32>
        %swap3A_221 = arith.index_cast %scan3A_187 : i32 to index
        %swap3A_222 = arith.constant 16 : index
        %swap3A_223 = tpu.vector_load %arg12[%swap3A_221, %swap3A_222] {strides = array<i32>} : memref<80x128xf32, #tpu.memory_space<vmem>>, vector<16xf32>,
        tpu.vector_store %arg12[%swap3A_221, %swap3A_222], %max3A_220 {strides = array<i32>} : memref<80x128xf32, #tpu.memory_space<vmem>>, vector<16xf32>,
        %get3A_224 = arith.index_cast %scan3A_187 : i32 to index
        %get3A_225 = arith.constant 16 : index
        %get3A_226 = tpu.vector_load %arg13[%get3A_224, %get3A_225] {strides = array<i32>} : memref<80x128xi32, #tpu.memory_space<vmem>>, vector<16xi32>,
        %get3A_227 = arith.index_cast %scan3A_187 : i32 to index
        %get3A_228 = arith.constant 80 : index
        %get3A_229 = tpu.vector_load %arg13[%get3A_227, %get3A_228] {strides = array<i32>} : memref<80x128xi32, #tpu.memory_space<vmem>>, vector<16xi32>,
        %shift_left3A_230 = arith.constant 16 : i32
        %shift_left3A_231 = vector.broadcast %shift_left3A_230 : i32 to vector<16xi32>
        %shift_left3A_232 = arith.shli %get3A_226, %shift_left3A_231 : vector<16xi32>
        %bitcast3A_233 = vector.bitcast %shift_left3A_232 : vector<16xi32> to vector<16xf32>
        %shift_left3A_234 = arith.constant 16 : i32
        %shift_left3A_235 = vector.broadcast %shift_left3A_234 : i32 to vector<16xi32>
        %shift_left3A_236 = arith.shli %get3A_229, %shift_left3A_235 : vector<16xi32>
        %bitcast3A_237 = vector.bitcast %shift_left3A_236 : vector<16xi32> to vector<16xf32>
        %and3A_238 = vector.broadcast %scan3A_55 : i32 to vector<16xi32>
        %and3A_239 = arith.andi %get3A_226, %and3A_238 : vector<16xi32>
        %bitcast3A_240 = vector.bitcast %and3A_239 : vector<16xi32> to vector<16xf32>
        %and3A_241 = vector.broadcast %scan3A_55 : i32 to vector<16xi32>
        %and3A_242 = arith.andi %get3A_229, %and3A_241 : vector<16xi32>
        %bitcast3A_243 = vector.bitcast %and3A_242 : vector<16xi32> to vector<16xf32>
        %get3A_244 = arith.index_cast %scan3A_187 : i32 to index
        %get3A_245 = arith.constant 32 : index
        %get3A_246 = tpu.vector_load %arg12[%get3A_244, %get3A_245] {strides = array<i32>} : memref<80x128xf32, #tpu.memory_space<vmem>>, vector<16xf32>,
        %get3A_247 = arith.index_cast %scan3A_187 : i32 to index
        %get3A_248 = arith.constant 48 : index
        %get3A_249 = tpu.vector_load %arg12[%get3A_247, %get3A_248] {strides = array<i32>} : memref<80x128xf32, #tpu.memory_space<vmem>>, vector<16xf32>,
        %mul3A_250 = arith.mulf %bitcast3A_233, %get3A_246 : vector<16xf32>
        %add3A_251 = arith.addf %mul3A_250, %bitcast3A_237 : vector<16xf32>
        %max3A_252 = arith.constant 0.000000e+00 : f32
        %max3A_253 = vector.broadcast %max3A_252 : f32 to vector<16xf32>
        %max3A_254 = arith.maximumf %add3A_251, %max3A_253 : vector<16xf32>
        %swap3A_255 = arith.index_cast %scan3A_187 : i32 to index
        %swap3A_256 = arith.constant 32 : index
        %swap3A_257 = tpu.vector_load %arg12[%swap3A_255, %swap3A_256] {strides = array<i32>} : memref<80x128xf32, #tpu.memory_space<vmem>>, vector<16xf32>,
        tpu.vector_store %arg12[%swap3A_255, %swap3A_256], %max3A_254 {strides = array<i32>} : memref<80x128xf32, #tpu.memory_space<vmem>>, vector<16xf32>,
        %mul3A_258 = arith.mulf %bitcast3A_240, %get3A_249 : vector<16xf32>
        %add3A_259 = arith.addf %mul3A_258, %bitcast3A_243 : vector<16xf32>
        %max3A_260 = arith.constant 0.000000e+00 : f32
        %max3A_261 = vector.broadcast %max3A_260 : f32 to vector<16xf32>
        %max3A_262 = arith.maximumf %add3A_259, %max3A_261 : vector<16xf32>
        %swap3A_263 = arith.index_cast %scan3A_187 : i32 to index
        %swap3A_264 = arith.constant 48 : index
        %swap3A_265 = tpu.vector_load %arg12[%swap3A_263, %swap3A_264] {strides = array<i32>} : memref<80x128xf32, #tpu.memory_space<vmem>>, vector<16xf32>,
        tpu.vector_store %arg12[%swap3A_263, %swap3A_264], %max3A_262 {strides = array<i32>} : memref<80x128xf32, #tpu.memory_space<vmem>>, vector<16xf32>,
        %get3A_266 = arith.index_cast %scan3A_187 : i32 to index
        %get3A_267 = arith.constant 32 : index
        %get3A_268 = tpu.vector_load %arg13[%get3A_266, %get3A_267] {strides = array<i32>} : memref<80x128xi32, #tpu.memory_space<vmem>>, vector<16xi32>,
        %get3A_269 = arith.index_cast %scan3A_187 : i32 to index
        %get3A_270 = arith.constant 96 : index
        %get3A_271 = tpu.vector_load %arg13[%get3A_269, %get3A_270] {strides = array<i32>} : memref<80x128xi32, #tpu.memory_space<vmem>>, vector<16xi32>,
        %shift_left3A_272 = arith.constant 16 : i32
        %shift_left3A_273 = vector.broadcast %shift_left3A_272 : i32 to vector<16xi32>
        %shift_left3A_274 = arith.shli %get3A_268, %shift_left3A_273 : vector<16xi32>
        %bitcast3A_275 = vector.bitcast %shift_left3A_274 : vector<16xi32> to vector<16xf32>
        %shift_left3A_276 = arith.constant 16 : i32
        %shift_left3A_277 = vector.broadcast %shift_left3A_276 : i32 to vector<16xi32>
        %shift_left3A_278 = arith.shli %get3A_271, %shift_left3A_277 : vector<16xi32>
        %bitcast3A_279 = vector.bitcast %shift_left3A_278 : vector<16xi32> to vector<16xf32>
        %and3A_280 = vector.broadcast %scan3A_55 : i32 to vector<16xi32>
        %and3A_281 = arith.andi %get3A_268, %and3A_280 : vector<16xi32>
        %bitcast3A_282 = vector.bitcast %and3A_281 : vector<16xi32> to vector<16xf32>
        %and3A_283 = vector.broadcast %scan3A_55 : i32 to vector<16xi32>
        %and3A_284 = arith.andi %get3A_271, %and3A_283 : vector<16xi32>
        %bitcast3A_285 = vector.bitcast %and3A_284 : vector<16xi32> to vector<16xf32>
        %get3A_286 = arith.index_cast %scan3A_187 : i32 to index
        %get3A_287 = arith.constant 64 : index
        %get3A_288 = tpu.vector_load %arg12[%get3A_286, %get3A_287] {strides = array<i32>} : memref<80x128xf32, #tpu.memory_space<vmem>>, vector<16xf32>,
        %get3A_289 = arith.index_cast %scan3A_187 : i32 to index
        %get3A_290 = arith.constant 80 : index
        %get3A_291 = tpu.vector_load %arg12[%get3A_289, %get3A_290] {strides = array<i32>} : memref<80x128xf32, #tpu.memory_space<vmem>>, vector<16xf32>,
        %mul3A_292 = arith.mulf %bitcast3A_275, %get3A_288 : vector<16xf32>
        %add3A_293 = arith.addf %mul3A_292, %bitcast3A_279 : vector<16xf32>
        %max3A_294 = arith.constant 0.000000e+00 : f32
        %max3A_295 = vector.broadcast %max3A_294 : f32 to vector<16xf32>
        %max3A_296 = arith.maximumf %add3A_293, %max3A_295 : vector<16xf32>
        %swap3A_297 = arith.index_cast %scan3A_187 : i32 to index
        %swap3A_298 = arith.constant 64 : index
        %swap3A_299 = tpu.vector_load %arg12[%swap3A_297, %swap3A_298] {strides = array<i32>} : memref<80x128xf32, #tpu.memory_space<vmem>>, vector<16xf32>,
        tpu.vector_store %arg12[%swap3A_297, %swap3A_298], %max3A_296 {strides = array<i32>} : memref<80x128xf32, #tpu.memory_space<vmem>>, vector<16xf32>,
        %mul3A_300 = arith.mulf %bitcast3A_282, %get3A_291 : vector<16xf32>
        %add3A_301 = arith.addf %mul3A_300, %bitcast3A_285 : vector<16xf32>
        %max3A_302 = arith.constant 0.000000e+00 : f32
        %max3A_303 = vector.broadcast %max3A_302 : f32 to vector<16xf32>
        %max3A_304 = arith.maximumf %add3A_301, %max3A_303 : vector<16xf32>
        %swap3A_305 = arith.index_cast %scan3A_187 : i32 to index
        %swap3A_306 = arith.constant 80 : index
        %swap3A_307 = tpu.vector_load %arg12[%swap3A_305, %swap3A_306] {strides = array<i32>} : memref<80x128xf32, #tpu.memory_space<vmem>>, vector<16xf32>,
        tpu.vector_store %arg12[%swap3A_305, %swap3A_306], %max3A_304 {strides = array<i32>} : memref<80x128xf32, #tpu.memory_space<vmem>>, vector<16xf32>,
        %get3A_308 = arith.index_cast %scan3A_187 : i32 to index
        %get3A_309 = arith.constant 48 : index
        %get3A_310 = tpu.vector_load %arg13[%get3A_308, %get3A_309] {strides = array<i32>} : memref<80x128xi32, #tpu.memory_space<vmem>>, vector<16xi32>,
        %get3A_311 = arith.index_cast %scan3A_187 : i32 to index
        %get3A_312 = arith.constant 112 : index
        %get3A_313 = tpu.vector_load %arg13[%get3A_311, %get3A_312] {strides = array<i32>} : memref<80x128xi32, #tpu.memory_space<vmem>>, vector<16xi32>,
        %shift_left3A_314 = arith.constant 16 : i32
        %shift_left3A_315 = vector.broadcast %shift_left3A_314 : i32 to vector<16xi32>
        %shift_left3A_316 = arith.shli %get3A_310, %shift_left3A_315 : vector<16xi32>
        %bitcast3A_317 = vector.bitcast %shift_left3A_316 : vector<16xi32> to vector<16xf32>
        %shift_left3A_318 = arith.constant 16 : i32
        %shift_left3A_319 = vector.broadcast %shift_left3A_318 : i32 to vector<16xi32>
        %shift_left3A_320 = arith.shli %get3A_313, %shift_left3A_319 : vector<16xi32>
        %bitcast3A_321 = vector.bitcast %shift_left3A_320 : vector<16xi32> to vector<16xf32>
        %and3A_322 = vector.broadcast %scan3A_55 : i32 to vector<16xi32>
        %and3A_323 = arith.andi %get3A_310, %and3A_322 : vector<16xi32>
        %bitcast3A_324 = vector.bitcast %and3A_323 : vector<16xi32> to vector<16xf32>
        %and3A_325 = vector.broadcast %scan3A_55 : i32 to vector<16xi32>
        %and3A_326 = arith.andi %get3A_313, %and3A_325 : vector<16xi32>
        %bitcast3A_327 = vector.bitcast %and3A_326 : vector<16xi32> to vector<16xf32>
        %get3A_328 = arith.index_cast %scan3A_187 : i32 to index
        %get3A_329 = arith.constant 96 : index
        %get3A_330 = tpu.vector_load %arg12[%get3A_328, %get3A_329] {strides = array<i32>} : memref<80x128xf32, #tpu.memory_space<vmem>>, vector<16xf32>,
        %get3A_331 = arith.index_cast %scan3A_187 : i32 to index
        %get3A_332 = arith.constant 112 : index
        %get3A_333 = tpu.vector_load %arg12[%get3A_331, %get3A_332] {strides = array<i32>} : memref<80x128xf32, #tpu.memory_space<vmem>>, vector<16xf32>,
        %mul3A_334 = arith.mulf %bitcast3A_317, %get3A_330 : vector<16xf32>
        %add3A_335 = arith.addf %mul3A_334, %bitcast3A_321 : vector<16xf32>
        %max3A_336 = arith.constant 0.000000e+00 : f32
        %max3A_337 = vector.broadcast %max3A_336 : f32 to vector<16xf32>
        %max3A_338 = arith.maximumf %add3A_335, %max3A_337 : vector<16xf32>
        %swap3A_339 = arith.index_cast %scan3A_187 : i32 to index
        %swap3A_340 = arith.constant 96 : index
        %swap3A_341 = tpu.vector_load %arg12[%swap3A_339, %swap3A_340] {strides = array<i32>} : memref<80x128xf32, #tpu.memory_space<vmem>>, vector<16xf32>,
        tpu.vector_store %arg12[%swap3A_339, %swap3A_340], %max3A_338 {strides = array<i32>} : memref<80x128xf32, #tpu.memory_space<vmem>>, vector<16xf32>,
        %mul3A_342 = arith.mulf %bitcast3A_324, %get3A_333 : vector<16xf32>
        %add3A_343 = arith.addf %mul3A_342, %bitcast3A_327 : vector<16xf32>
        %max3A_344 = arith.constant 0.000000e+00 : f32
        %max3A_345 = vector.broadcast %max3A_344 : f32 to vector<16xf32>
        %max3A_346 = arith.maximumf %add3A_343, %max3A_345 : vector<16xf32>
        %swap3A_347 = arith.index_cast %scan3A_187 : i32 to index
        %swap3A_348 = arith.constant 112 : index
        %swap3A_349 = tpu.vector_load %arg12[%swap3A_347, %swap3A_348] {strides = array<i32>} : memref<80x128xf32, #tpu.memory_space<vmem>>, vector<16xf32>,
        tpu.vector_store %arg12[%swap3A_347, %swap3A_348], %max3A_346 {strides = array<i32>} : memref<80x128xf32, #tpu.memory_space<vmem>>, vector<16xf32>,
      }
      %scan3A_177 = arith.constant 80 : i32
      %scan3A_178 = arith.constant 0 : i32
      %scan3A_179 = arith.constant 0 : i32
      %scan3A_180 = arith.constant 5 : i32
      %scan3A_181 = arith.addi %scan3A_179, %scan3A_180 : i32
      %scan3A_182 = arith.constant 1 : i32
      scf.for %scan3A_187 = %scan3A_179 to %scan3A_181 step %scan3A_182  : i32 {
        %mul3A_188 = arith.constant 16 : i32
        %mul3A_189 = arith.muli %scan3A_187, %mul3A_188 : i32
        %add3A_190 = arith.constant 80 : i32
        %add3A_191 = arith.addi %add3A_190, %mul3A_189 : i32
        %get3A = arith.index_cast %add3A_191 : i32 to index
        %get3A_192 = tpu.vector_load %arg7[%get3A] {strides = array<i32>} : memref<160xi32, #tpu.memory_space<vmem>>, vector<16xi32>,
        %mul3A_193 = arith.constant 16 : i32
        %mul3A_194 = arith.muli %scan3A_187, %mul3A_193 : i32
        %swap3A = arith.index_cast %mul3A_194 : i32 to index
        %swap3A_195 = tpu.vector_load %arg9[%swap3A] {strides = array<i32>} : memref<80xi32, #tpu.memory_space<vmem>>, vector<16xi32>,
        tpu.vector_store %arg9[%swap3A], %get3A_192 {strides = array<i32>} : memref<80xi32, #tpu.memory_space<vmem>>, vector<16xi32>,
      }
      %scan3A_183 = arith.constant 5 : i32
      %dma_start3A_184 = arith.constant 0 : i32
      %dma_start3A_185 = arith.constant 0 : i32
      %dma_start3A_186 = tpu.memref_slice %arg14[%dma_start3A_184, %dma_start3A_185] : memref<10112x128xf32, #tpu.memory_space<vmem_shared>> -> memref<10112x128xf32, #tpu.memory_space<vmem_shared>>
      tpu.enqueue_indirect_dma source(%arg12 : memref<80x128xf32, #tpu.memory_space<vmem>>) target(%dma_start3A_186 : memref<10112x128xf32, #tpu.memory_space<vmem_shared>>) offsets(%arg9 : memref<80xi32, #tpu.memory_space<vmem>>) semaphore(%arg20 : memref<!tpu.dma_semaphore, #tpu.memory_space<semaphore_mem>>) {add = true}
    }
    %scan3A_60 = arith.constant 62 : i32
    %dma_wait3A = arith.constant 0 : i32
    %dma_wait3A_61 = arith.constant 0 : i32
    %dma_wait3A_62 = tpu.memref_slice %arg3[%dma_wait3A, %dma_wait3A_61] : memref<10240x128xf32, #tpu.memory_space<hbm>> -> memref<80x128xf32, #tpu.memory_space<hbm>>
    %dma_wait3A_63 = arith.constant 0 : i32
    %dma_wait3A_64 = arith.constant 0 : i32
    %dma_wait3A_65 = tpu.memref_slice %arg3[%dma_wait3A_63, %dma_wait3A_64] : memref<10240x128xf32, #tpu.memory_space<hbm>> -> memref<80x128xf32, #tpu.memory_space<hbm>>
    tpu.wait_dma2 semaphore(%arg15 : memref<!tpu.dma_semaphore, #tpu.memory_space<semaphore_mem>>) src(%dma_wait3A_65 : memref<80x128xf32, #tpu.memory_space<hbm>>) dst(%arg10 : memref<80x128xf32, #tpu.memory_space<vmem>>)
    %dma_wait3A_66 = arith.constant 0 : i32
    %dma_wait3A_67 = arith.constant 0 : i32
    %dma_wait3A_68 = tpu.memref_slice %arg4[%dma_wait3A_66, %dma_wait3A_67] : memref<10240x128xi32, #tpu.memory_space<hbm>> -> memref<80x128xi32, #tpu.memory_space<hbm>>
    %dma_wait3A_69 = arith.constant 0 : i32
    %dma_wait3A_70 = arith.constant 0 : i32
    %dma_wait3A_71 = tpu.memref_slice %arg4[%dma_wait3A_69, %dma_wait3A_70] : memref<10240x128xi32, #tpu.memory_space<hbm>> -> memref<80x128xi32, #tpu.memory_space<hbm>>
    tpu.wait_dma2 semaphore(%arg16 : memref<!tpu.dma_semaphore, #tpu.memory_space<semaphore_mem>>) src(%dma_wait3A_71 : memref<80x128xi32, #tpu.memory_space<hbm>>) dst(%arg11 : memref<80x128xi32, #tpu.memory_space<vmem>>)
    %scan3A_72 = arith.constant 0 : i32
    %scan3A_73 = arith.constant -65536 : i32
    %scan3A_74 = arith.constant 0 : i32
    %scan3A_75 = arith.constant 80 : i32
    %scan3A_76 = arith.addi %scan3A_74, %scan3A_75 : i32
    %scan3A_77 = arith.constant 1 : i32
    scf.for %scan3A_105 = %scan3A_74 to %scan3A_76 step %scan3A_77  : i32 {
      %get3A = arith.index_cast %scan3A_105 : i32 to index
      %get3A_106 = arith.constant 0 : index
      %get3A_107 = tpu.vector_load %arg11[%get3A, %get3A_106] {strides = array<i32>} : memref<80x128xi32, #tpu.memory_space<vmem>>, vector<16xi32>,
      %get3A_108 = arith.index_cast %scan3A_105 : i32 to index
      %get3A_109 = arith.constant 64 : index
      %get3A_110 = tpu.vector_load %arg11[%get3A_108, %get3A_109] {strides = array<i32>} : memref<80x128xi32, #tpu.memory_space<vmem>>, vector<16xi32>,
      %shift_left3A = arith.constant 16 : i32
      %shift_left3A_111 = vector.broadcast %shift_left3A : i32 to vector<16xi32>
      %shift_left3A_112 = arith.shli %get3A_107, %shift_left3A_111 : vector<16xi32>
      %bitcast3A = vector.bitcast %shift_left3A_112 : vector<16xi32> to vector<16xf32>
      %shift_left3A_113 = arith.constant 16 : i32
      %shift_left3A_114 = vector.broadcast %shift_left3A_113 : i32 to vector<16xi32>
      %shift_left3A_115 = arith.shli %get3A_110, %shift_left3A_114 : vector<16xi32>
      %bitcast3A_116 = vector.bitcast %shift_left3A_115 : vector<16xi32> to vector<16xf32>
      %and3A = vector.broadcast %scan3A_73 : i32 to vector<16xi32>
      %and3A_117 = arith.andi %get3A_107, %and3A : vector<16xi32>
      %bitcast3A_118 = vector.bitcast %and3A_117 : vector<16xi32> to vector<16xf32>
      %and3A_119 = vector.broadcast %scan3A_73 : i32 to vector<16xi32>
      %and3A_120 = arith.andi %get3A_110, %and3A_119 : vector<16xi32>
      %bitcast3A_121 = vector.bitcast %and3A_120 : vector<16xi32> to vector<16xf32>
      %get3A_122 = arith.index_cast %scan3A_105 : i32 to index
      %get3A_123 = arith.constant 0 : index
      %get3A_124 = tpu.vector_load %arg10[%get3A_122, %get3A_123] {strides = array<i32>} : memref<80x128xf32, #tpu.memory_space<vmem>>, vector<16xf32>,
      %get3A_125 = arith.index_cast %scan3A_105 : i32 to index
      %get3A_126 = arith.constant 16 : index
      %get3A_127 = tpu.vector_load %arg10[%get3A_125, %get3A_126] {strides = array<i32>} : memref<80x128xf32, #tpu.memory_space<vmem>>, vector<16xf32>,
      %mul3A_128 = arith.mulf %bitcast3A, %get3A_124 : vector<16xf32>
      %add3A_129 = arith.addf %mul3A_128, %bitcast3A_116 : vector<16xf32>
      %max3A = arith.constant 0.000000e+00 : f32
      %max3A_130 = vector.broadcast %max3A : f32 to vector<16xf32>
      %max3A_131 = arith.maximumf %add3A_129, %max3A_130 : vector<16xf32>
      %swap3A = arith.index_cast %scan3A_105 : i32 to index
      %swap3A_132 = arith.constant 0 : index
      %swap3A_133 = tpu.vector_load %arg10[%swap3A, %swap3A_132] {strides = array<i32>} : memref<80x128xf32, #tpu.memory_space<vmem>>, vector<16xf32>,
      tpu.vector_store %arg10[%swap3A, %swap3A_132], %max3A_131 {strides = array<i32>} : memref<80x128xf32, #tpu.memory_space<vmem>>, vector<16xf32>,
      %mul3A_134 = arith.mulf %bitcast3A_118, %get3A_127 : vector<16xf32>
      %add3A_135 = arith.addf %mul3A_134, %bitcast3A_121 : vector<16xf32>
      %max3A_136 = arith.constant 0.000000e+00 : f32
      %max3A_137 = vector.broadcast %max3A_136 : f32 to vector<16xf32>
      %max3A_138 = arith.maximumf %add3A_135, %max3A_137 : vector<16xf32>
      %swap3A_139 = arith.index_cast %scan3A_105 : i32 to index
      %swap3A_140 = arith.constant 16 : index
      %swap3A_141 = tpu.vector_load %arg10[%swap3A_139, %swap3A_140] {strides = array<i32>} : memref<80x128xf32, #tpu.memory_space<vmem>>, vector<16xf32>,
      tpu.vector_store %arg10[%swap3A_139, %swap3A_140], %max3A_138 {strides = array<i32>} : memref<80x128xf32, #tpu.memory_space<vmem>>, vector<16xf32>,
      %get3A_142 = arith.index_cast %scan3A_105 : i32 to index
      %get3A_143 = arith.constant 16 : index
      %get3A_144 = tpu.vector_load %arg11[%get3A_142, %get3A_143] {strides = array<i32>} : memref<80x128xi32, #tpu.memory_space<vmem>>, vector<16xi32>,
      %get3A_145 = arith.index_cast %scan3A_105 : i32 to index
      %get3A_146 = arith.constant 80 : index
      %get3A_147 = tpu.vector_load %arg11[%get3A_145, %get3A_146] {strides = array<i32>} : memref<80x128xi32, #tpu.memory_space<vmem>>, vector<16xi32>,
      %shift_left3A_148 = arith.constant 16 : i32
      %shift_left3A_149 = vector.broadcast %shift_left3A_148 : i32 to vector<16xi32>
      %shift_left3A_150 = arith.shli %get3A_144, %shift_left3A_149 : vector<16xi32>
      %bitcast3A_151 = vector.bitcast %shift_left3A_150 : vector<16xi32> to vector<16xf32>
      %shift_left3A_152 = arith.constant 16 : i32
      %shift_left3A_153 = vector.broadcast %shift_left3A_152 : i32 to vector<16xi32>
      %shift_left3A_154 = arith.shli %get3A_147, %shift_left3A_153 : vector<16xi32>
      %bitcast3A_155 = vector.bitcast %shift_left3A_154 : vector<16xi32> to vector<16xf32>
      %and3A_156 = vector.broadcast %scan3A_73 : i32 to vector<16xi32>
      %and3A_157 = arith.andi %get3A_144, %and3A_156 : vector<16xi32>
      %bitcast3A_158 = vector.bitcast %and3A_157 : vector<16xi32> to vector<16xf32>
      %and3A_159 = vector.broadcast %scan3A_73 : i32 to vector<16xi32>
      %and3A_160 = arith.andi %get3A_147, %and3A_159 : vector<16xi32>
      %bitcast3A_161 = vector.bitcast %and3A_160 : vector<16xi32> to vector<16xf32>
      %get3A_162 = arith.index_cast %scan3A_105 : i32 to index
      %get3A_163 = arith.constant 32 : index
      %get3A_164 = tpu.vector_load %arg10[%get3A_162, %get3A_163] {strides = array<i32>} : memref<80x128xf32, #tpu.memory_space<vmem>>, vector<16xf32>,
      %get3A_165 = arith.index_cast %scan3A_105 : i32 to index
      %get3A_166 = arith.constant 48 : index
      %get3A_167 = tpu.vector_load %arg10[%get3A_165, %get3A_166] {strides = array<i32>} : memref<80x128xf32, #tpu.memory_space<vmem>>, vector<16xf32>,
      %mul3A_168 = arith.mulf %bitcast3A_151, %get3A_164 : vector<16xf32>
      %add3A_169 = arith.addf %mul3A_168, %bitcast3A_155 : vector<16xf32>
      %max3A_170 = arith.constant 0.000000e+00 : f32
      %max3A_171 = vector.broadcast %max3A_170 : f32 to vector<16xf32>
      %max3A_172 = arith.maximumf %add3A_169, %max3A_171 : vector<16xf32>
      %swap3A_173 = arith.index_cast %scan3A_105 : i32 to index
      %swap3A_174 = arith.constant 32 : index
      %swap3A_175 = tpu.vector_load %arg10[%swap3A_173, %swap3A_174] {strides = array<i32>} : memref<80x128xf32, #tpu.memory_space<vmem>>, vector<16xf32>,
      tpu.vector_store %arg10[%swap3A_173, %swap3A_174], %max3A_172 {strides = array<i32>} : memref<80x128xf32, #tpu.memory_space<vmem>>, vector<16xf32>,
      %mul3A_176 = arith.mulf %bitcast3A_158, %get3A_167 : vector<16xf32>
      %add3A_177 = arith.addf %mul3A_176, %bitcast3A_161 : vector<16xf32>
      %max3A_178 = arith.constant 0.000000e+00 : f32
      %max3A_179 = vector.broadcast %max3A_178 : f32 to vector<16xf32>
      %max3A_180 = arith.maximumf %add3A_177, %max3A_179 : vector<16xf32>
      %swap3A_181 = arith.index_cast %scan3A_105 : i32 to index
      %swap3A_182 = arith.constant 48 : index
      %swap3A_183 = tpu.vector_load %arg10[%swap3A_181, %swap3A_182] {strides = array<i32>} : memref<80x128xf32, #tpu.memory_space<vmem>>, vector<16xf32>,
      tpu.vector_store %arg10[%swap3A_181, %swap3A_182], %max3A_180 {strides = array<i32>} : memref<80x128xf32, #tpu.memory_space<vmem>>, vector<16xf32>,
      %get3A_184 = arith.index_cast %scan3A_105 : i32 to index
      %get3A_185 = arith.constant 32 : index
      %get3A_186 = tpu.vector_load %arg11[%get3A_184, %get3A_185] {strides = array<i32>} : memref<80x128xi32, #tpu.memory_space<vmem>>, vector<16xi32>,
      %get3A_187 = arith.index_cast %scan3A_105 : i32 to index
      %get3A_188 = arith.constant 96 : index
      %get3A_189 = tpu.vector_load %arg11[%get3A_187, %get3A_188] {strides = array<i32>} : memref<80x128xi32, #tpu.memory_space<vmem>>, vector<16xi32>,
      %shift_left3A_190 = arith.constant 16 : i32
      %shift_left3A_191 = vector.broadcast %shift_left3A_190 : i32 to vector<16xi32>
      %shift_left3A_192 = arith.shli %get3A_186, %shift_left3A_191 : vector<16xi32>
      %bitcast3A_193 = vector.bitcast %shift_left3A_192 : vector<16xi32> to vector<16xf32>
      %shift_left3A_194 = arith.constant 16 : i32
      %shift_left3A_195 = vector.broadcast %shift_left3A_194 : i32 to vector<16xi32>
      %shift_left3A_196 = arith.shli %get3A_189, %shift_left3A_195 : vector<16xi32>
      %bitcast3A_197 = vector.bitcast %shift_left3A_196 : vector<16xi32> to vector<16xf32>
      %and3A_198 = vector.broadcast %scan3A_73 : i32 to vector<16xi32>
      %and3A_199 = arith.andi %get3A_186, %and3A_198 : vector<16xi32>
      %bitcast3A_200 = vector.bitcast %and3A_199 : vector<16xi32> to vector<16xf32>
      %and3A_201 = vector.broadcast %scan3A_73 : i32 to vector<16xi32>
      %and3A_202 = arith.andi %get3A_189, %and3A_201 : vector<16xi32>
      %bitcast3A_203 = vector.bitcast %and3A_202 : vector<16xi32> to vector<16xf32>
      %get3A_204 = arith.index_cast %scan3A_105 : i32 to index
      %get3A_205 = arith.constant 64 : index
      %get3A_206 = tpu.vector_load %arg10[%get3A_204, %get3A_205] {strides = array<i32>} : memref<80x128xf32, #tpu.memory_space<vmem>>, vector<16xf32>,
      %get3A_207 = arith.index_cast %scan3A_105 : i32 to index
      %get3A_208 = arith.constant 80 : index
      %get3A_209 = tpu.vector_load %arg10[%get3A_207, %get3A_208] {strides = array<i32>} : memref<80x128xf32, #tpu.memory_space<vmem>>, vector<16xf32>,
      %mul3A_210 = arith.mulf %bitcast3A_193, %get3A_206 : vector<16xf32>
      %add3A_211 = arith.addf %mul3A_210, %bitcast3A_197 : vector<16xf32>
      %max3A_212 = arith.constant 0.000000e+00 : f32
      %max3A_213 = vector.broadcast %max3A_212 : f32 to vector<16xf32>
      %max3A_214 = arith.maximumf %add3A_211, %max3A_213 : vector<16xf32>
      %swap3A_215 = arith.index_cast %scan3A_105 : i32 to index
      %swap3A_216 = arith.constant 64 : index
      %swap3A_217 = tpu.vector_load %arg10[%swap3A_215, %swap3A_216] {strides = array<i32>} : memref<80x128xf32, #tpu.memory_space<vmem>>, vector<16xf32>,
      tpu.vector_store %arg10[%swap3A_215, %swap3A_216], %max3A_214 {strides = array<i32>} : memref<80x128xf32, #tpu.memory_space<vmem>>, vector<16xf32>,
      %mul3A_218 = arith.mulf %bitcast3A_200, %get3A_209 : vector<16xf32>
      %add3A_219 = arith.addf %mul3A_218, %bitcast3A_203 : vector<16xf32>
      %max3A_220 = arith.constant 0.000000e+00 : f32
      %max3A_221 = vector.broadcast %max3A_220 : f32 to vector<16xf32>
      %max3A_222 = arith.maximumf %add3A_219, %max3A_221 : vector<16xf32>
      %swap3A_223 = arith.index_cast %scan3A_105 : i32 to index
      %swap3A_224 = arith.constant 80 : index
      %swap3A_225 = tpu.vector_load %arg10[%swap3A_223, %swap3A_224] {strides = array<i32>} : memref<80x128xf32, #tpu.memory_space<vmem>>, vector<16xf32>,
      tpu.vector_store %arg10[%swap3A_223, %swap3A_224], %max3A_222 {strides = array<i32>} : memref<80x128xf32, #tpu.memory_space<vmem>>, vector<16xf32>,
      %get3A_226 = arith.index_cast %scan3A_105 : i32 to index
      %get3A_227 = arith.constant 48 : index
      %get3A_228 = tpu.vector_load %arg11[%get3A_226, %get3A_227] {strides = array<i32>} : memref<80x128xi32, #tpu.memory_space<vmem>>, vector<16xi32>,
      %get3A_229 = arith.index_cast %scan3A_105 : i32 to index
      %get3A_230 = arith.constant 112 : index
      %get3A_231 = tpu.vector_load %arg11[%get3A_229, %get3A_230] {strides = array<i32>} : memref<80x128xi32, #tpu.memory_space<vmem>>, vector<16xi32>,
      %shift_left3A_232 = arith.constant 16 : i32
      %shift_left3A_233 = vector.broadcast %shift_left3A_232 : i32 to vector<16xi32>
      %shift_left3A_234 = arith.shli %get3A_228, %shift_left3A_233 : vector<16xi32>
      %bitcast3A_235 = vector.bitcast %shift_left3A_234 : vector<16xi32> to vector<16xf32>
      %shift_left3A_236 = arith.constant 16 : i32
      %shift_left3A_237 = vector.broadcast %shift_left3A_236 : i32 to vector<16xi32>
      %shift_left3A_238 = arith.shli %get3A_231, %shift_left3A_237 : vector<16xi32>
      %bitcast3A_239 = vector.bitcast %shift_left3A_238 : vector<16xi32> to vector<16xf32>
      %and3A_240 = vector.broadcast %scan3A_73 : i32 to vector<16xi32>
      %and3A_241 = arith.andi %get3A_228, %and3A_240 : vector<16xi32>
      %bitcast3A_242 = vector.bitcast %and3A_241 : vector<16xi32> to vector<16xf32>
      %and3A_243 = vector.broadcast %scan3A_73 : i32 to vector<16xi32>
      %and3A_244 = arith.andi %get3A_231, %and3A_243 : vector<16xi32>
      %bitcast3A_245 = vector.bitcast %and3A_244 : vector<16xi32> to vector<16xf32>
      %get3A_246 = arith.index_cast %scan3A_105 : i32 to index
      %get3A_247 = arith.constant 96 : index
      %get3A_248 = tpu.vector_load %arg10[%get3A_246, %get3A_247] {strides = array<i32>} : memref<80x128xf32, #tpu.memory_space<vmem>>, vector<16xf32>,
      %get3A_249 = arith.index_cast %scan3A_105 : i32 to index
      %get3A_250 = arith.constant 112 : index
      %get3A_251 = tpu.vector_load %arg10[%get3A_249, %get3A_250] {strides = array<i32>} : memref<80x128xf32, #tpu.memory_space<vmem>>, vector<16xf32>,
      %mul3A_252 = arith.mulf %bitcast3A_235, %get3A_248 : vector<16xf32>
      %add3A_253 = arith.addf %mul3A_252, %bitcast3A_239 : vector<16xf32>
      %max3A_254 = arith.constant 0.000000e+00 : f32
      %max3A_255 = vector.broadcast %max3A_254 : f32 to vector<16xf32>
      %max3A_256 = arith.maximumf %add3A_253, %max3A_255 : vector<16xf32>
      %swap3A_257 = arith.index_cast %scan3A_105 : i32 to index
      %swap3A_258 = arith.constant 96 : index
      %swap3A_259 = tpu.vector_load %arg10[%swap3A_257, %swap3A_258] {strides = array<i32>} : memref<80x128xf32, #tpu.memory_space<vmem>>, vector<16xf32>,
      tpu.vector_store %arg10[%swap3A_257, %swap3A_258], %max3A_256 {strides = array<i32>} : memref<80x128xf32, #tpu.memory_space<vmem>>, vector<16xf32>,
      %mul3A_260 = arith.mulf %bitcast3A_242, %get3A_251 : vector<16xf32>
      %add3A_261 = arith.addf %mul3A_260, %bitcast3A_245 : vector<16xf32>
      %max3A_262 = arith.constant 0.000000e+00 : f32
      %max3A_263 = vector.broadcast %max3A_262 : f32 to vector<16xf32>
      %max3A_264 = arith.maximumf %add3A_261, %max3A_263 : vector<16xf32>
      %swap3A_265 = arith.index_cast %scan3A_105 : i32 to index
      %swap3A_266 = arith.constant 112 : index
      %swap3A_267 = tpu.vector_load %arg10[%swap3A_265, %swap3A_266] {strides = array<i32>} : memref<80x128xf32, #tpu.memory_space<vmem>>, vector<16xf32>,
      tpu.vector_store %arg10[%swap3A_265, %swap3A_266], %max3A_264 {strides = array<i32>} : memref<80x128xf32, #tpu.memory_space<vmem>>, vector<16xf32>,
    }
    %scan3A_78 = arith.constant 80 : i32
    %scan3A_79 = arith.constant 0 : i32
    %scan3A_80 = arith.constant 0 : i32
    %scan3A_81 = arith.constant 5 : i32
    %scan3A_82 = arith.addi %scan3A_80, %scan3A_81 : i32
    %scan3A_83 = arith.constant 1 : i32
    scf.for %scan3A_105 = %scan3A_80 to %scan3A_82 step %scan3A_83  : i32 {
      %mul3A_106 = arith.constant 16 : i32
      %mul3A_107 = arith.muli %scan3A_105, %mul3A_106 : i32
      %add3A_108 = arith.constant 80 : i32
      %add3A_109 = arith.addi %add3A_108, %mul3A_107 : i32
      %get3A = arith.index_cast %add3A_109 : i32 to index
      %get3A_110 = tpu.vector_load %arg6[%get3A] {strides = array<i32>} : memref<160xi32, #tpu.memory_space<vmem>>, vector<16xi32>,
      %mul3A_111 = arith.constant 16 : i32
      %mul3A_112 = arith.muli %scan3A_105, %mul3A_111 : i32
      %swap3A = arith.index_cast %mul3A_112 : i32 to index
      %swap3A_113 = tpu.vector_load %arg8[%swap3A] {strides = array<i32>} : memref<80xi32, #tpu.memory_space<vmem>>, vector<16xi32>,
      tpu.vector_store %arg8[%swap3A], %get3A_110 {strides = array<i32>} : memref<80xi32, #tpu.memory_space<vmem>>, vector<16xi32>,
    }
    %scan3A_84 = arith.constant 5 : i32
    %dma_start3A_85 = arith.constant 0 : i32
    %dma_start3A_86 = arith.constant 0 : i32
    %dma_start3A_87 = tpu.memref_slice %arg14[%dma_start3A_85, %dma_start3A_86] : memref<10112x128xf32, #tpu.memory_space<vmem_shared>> -> memref<10112x128xf32, #tpu.memory_space<vmem_shared>>
    tpu.enqueue_indirect_dma source(%arg10 : memref<80x128xf32, #tpu.memory_space<vmem>>) target(%dma_start3A_87 : memref<10112x128xf32, #tpu.memory_space<vmem_shared>>) offsets(%arg8 : memref<80xi32, #tpu.memory_space<vmem>>) semaphore(%arg19 : memref<!tpu.dma_semaphore, #tpu.memory_space<semaphore_mem>>) {add = true}
    %dma_wait3A_88 = arith.constant 0 : i32
    %dma_wait3A_89 = arith.constant 0 : i32
    %dma_wait3A_90 = tpu.memref_slice %arg14[%dma_wait3A_88, %dma_wait3A_89] : memref<10112x128xf32, #tpu.memory_space<vmem_shared>> -> memref<80x128xf32, #tpu.memory_space<vmem_shared>>
    %dma_wait3A_91 = arith.constant 0 : i32
    %dma_wait3A_92 = arith.constant 0 : i32
    %dma_wait3A_93 = tpu.memref_slice %arg14[%dma_wait3A_91, %dma_wait3A_92] : memref<10112x128xf32, #tpu.memory_space<vmem_shared>> -> memref<80x128xf32, #tpu.memory_space<vmem_shared>>
    tpu.wait_dma2 semaphore(%arg19 : memref<!tpu.dma_semaphore, #tpu.memory_space<semaphore_mem>>) src(%arg10 : memref<80x128xf32, #tpu.memory_space<vmem>>) dst(%dma_wait3A_93 : memref<80x128xf32, #tpu.memory_space<vmem_shared>>)
    %dma_wait3A_94 = arith.constant 0 : i32
    %dma_wait3A_95 = arith.constant 0 : i32
    %dma_wait3A_96 = tpu.memref_slice %arg14[%dma_wait3A_94, %dma_wait3A_95] : memref<10112x128xf32, #tpu.memory_space<vmem_shared>> -> memref<80x128xf32, #tpu.memory_space<vmem_shared>>
    %dma_wait3A_97 = arith.constant 0 : i32
    %dma_wait3A_98 = arith.constant 0 : i32
    %dma_wait3A_99 = tpu.memref_slice %arg14[%dma_wait3A_97, %dma_wait3A_98] : memref<10112x128xf32, #tpu.memory_space<vmem_shared>> -> memref<80x128xf32, #tpu.memory_space<vmem_shared>>
    tpu.wait_dma2 semaphore(%arg20 : memref<!tpu.dma_semaphore, #tpu.memory_space<semaphore_mem>>) src(%arg12 : memref<80x128xf32, #tpu.memory_space<vmem>>) dst(%dma_wait3A_99 : memref<80x128xf32, #tpu.memory_space<vmem_shared>>)
    %barrier3A_100 = arith.constant 0 : index
    tpu.barrier barrier_id(%barrier3A_100)
    %mul3A_101 = arith.constant 632 : i32
    %mul3A_102 = arith.muli %arg1, %mul3A_101 : i32
    %mul3A_103 = arith.constant 632 : i32
    %mul3A_104 = arith.muli %arg1, %mul3A_103 : i32
    "tpu.region"() ({
      %run_scoped3A = tpu.sem_alloc : memref<!tpu.dma_semaphore, #tpu.memory_space<semaphore_mem>>
      %dma_start3A_105 = arith.constant 0 : i32
      %dma_start3A_106 = tpu.memref_slice %arg5[%arg0, %mul3A_104, %dma_start3A_105] : memref<2x10240x128xf32, #tpu.memory_space<hbm>> -> memref<1x632x128xf32, #tpu.memory_space<hbm>>
      %dma_start3A_107 = tpu.memref_squeeze %dma_start3A_106 : memref<1x632x128xf32, #tpu.memory_space<hbm>> -> memref<632x128xf32, #tpu.memory_space<hbm>>
      %dma_start3A_108 = arith.constant 0 : i32
      %dma_start3A_109 = tpu.memref_slice %arg14[%mul3A_102, %dma_start3A_108] : memref<10112x128xf32, #tpu.memory_space<vmem_shared>> -> memref<632x128xf32, #tpu.memory_space<vmem_shared>>
      tpu.enqueue_dma source(%dma_start3A_109 : memref<632x128xf32, #tpu.memory_space<vmem_shared>>) target(%dma_start3A_107 : memref<632x128xf32, #tpu.memory_space<hbm>>) target_semaphore(%run_scoped3A : memref<!tpu.dma_semaphore, #tpu.memory_space<semaphore_mem>>)
      %dma_wait3A_110 = arith.constant 0 : i32
      %dma_wait3A_111 = tpu.memref_slice %arg5[%arg0, %mul3A_104, %dma_wait3A_110] : memref<2x10240x128xf32, #tpu.memory_space<hbm>> -> memref<1x632x128xf32, #tpu.memory_space<hbm>>
      %dma_wait3A_112 = tpu.memref_squeeze %dma_wait3A_111 : memref<1x632x128xf32, #tpu.memory_space<hbm>> -> memref<632x128xf32, #tpu.memory_space<hbm>>
      %dma_wait3A_113 = arith.constant 0 : i32
      %dma_wait3A_114 = tpu.memref_slice %arg14[%mul3A_102, %dma_wait3A_113] : memref<10112x128xf32, #tpu.memory_space<vmem_shared>> -> memref<632x128xf32, #tpu.memory_space<vmem_shared>>
      tpu.wait_dma2 semaphore(%run_scoped3A : memref<!tpu.dma_semaphore, #tpu.memory_space<semaphore_mem>>) src(%dma_wait3A_114 : memref<632x128xf32, #tpu.memory_space<vmem_shared>>) dst(%dma_wait3A_112 : memref<632x128xf32, #tpu.memory_space<hbm>>)
      tpu.yield
    }) : () -> ()
    return
  }
}

#map = affine_map<(d0, d1) -> (0)>
#map1 = affine_map<(d0, d1) -> (0, 0)>
#map2 = affine_map<(d0, d1) -> (0, 0, 0)>
module attributes {stable_mosaic.version = 14 : i64} {
  func.func @body(%arg0: i32, %arg1: i32, %arg2: memref<640000xi32, #tpu.memory_space<hbm>>, %arg3: memref<20480x128xf32, #tpu.memory_space<hbm>>, %arg4: memref<20480x128xi32, #tpu.memory_space<hbm>>, %arg5: memref<2x10240x128xf32, #tpu.memory_space<hbm>>, %arg6: memref<160xi32, #tpu.memory_space<vmem>>, %arg7: memref<160xi32, #tpu.memory_space<vmem>>, %arg8: memref<80xi32, #tpu.memory_space<vmem>>, %arg9: memref<80xi32, #tpu.memory_space<vmem>>, %arg10: memref<80x128xf32, #tpu.memory_space<vmem>>, %arg11: memref<80x128xi32, #tpu.memory_space<vmem>>, %arg12: memref<80x128xf32, #tpu.memory_space<vmem>>, %arg13: memref<80x128xi32, #tpu.memory_space<vmem>>, %arg14: memref<10112x128xf32, #tpu.memory_space<vmem_shared>>, %arg15: memref<!tpu.dma_semaphore, #tpu.memory_space<semaphore_mem>>, %arg16: memref<!tpu.dma_semaphore, #tpu.memory_space<semaphore_mem>>, %arg17: memref<!tpu.dma_semaphore, #tpu.memory_space<semaphore_mem>>, %arg18: memref<!tpu.dma_semaphore, #tpu.memory_space<semaphore_mem>>, %arg19: memref<!tpu.dma_semaphore, #tpu.memory_space<semaphore_mem>>, %arg20: memref<!tpu.dma_semaphore, #tpu.memory_space<semaphore_mem>>) attributes {dimension_semantics = [#tpu.dimension_semantics<core_parallel>, #tpu.dimension_semantics<subcore_parallel>], iteration_bounds = array<i64: 2, 16>, scalar_prefetch = 0 : i64, scratch_operands = 15 : i64, tpu.core_type = #tpu.core_type<sc_vector_subcore>, window_params = [{transform_indices = #map}, {transform_indices = #map1}, {transform_indices = #map1}, {transform_indices = #map2}]} {
    %broadcast_in_dim3A = arith.constant 0.000000e+00 : f32
    %broadcast_in_dim3A_0 = vector.broadcast %broadcast_in_dim3A : f32 to vector<16xf32>
    %scan3A = arith.constant 0 : i32
    %scan3A_1 = arith.constant 0 : i32
    %scan3A_2 = arith.constant 80 : i32
    %scan3A_3 = arith.addi %scan3A_1, %scan3A_2 : i32
    %scan3A_4 = arith.constant 1 : i32
    scf.for %scan3A_82 = %scan3A_1 to %scan3A_3 step %scan3A_4  : i32 {
      %swap3A = arith.index_cast %scan3A_82 : i32 to index
      %swap3A_83 = arith.constant 0 : index
      %swap3A_84 = tpu.vector_load %arg10[%swap3A, %swap3A_83] {strides = array<i32>} : memref<80x128xf32, #tpu.memory_space<vmem>>, vector<16xf32>,
      tpu.vector_store %arg10[%swap3A, %swap3A_83], %broadcast_in_dim3A_0 {strides = array<i32>} : memref<80x128xf32, #tpu.memory_space<vmem>>, vector<16xf32>,
      %swap3A_85 = arith.index_cast %scan3A_82 : i32 to index
      %swap3A_86 = arith.constant 16 : index
      %swap3A_87 = tpu.vector_load %arg10[%swap3A_85, %swap3A_86] {strides = array<i32>} : memref<80x128xf32, #tpu.memory_space<vmem>>, vector<16xf32>,
      tpu.vector_store %arg10[%swap3A_85, %swap3A_86], %broadcast_in_dim3A_0 {strides = array<i32>} : memref<80x128xf32, #tpu.memory_space<vmem>>, vector<16xf32>,
      %swap3A_88 = arith.index_cast %scan3A_82 : i32 to index
      %swap3A_89 = arith.constant 32 : index
      %swap3A_90 = tpu.vector_load %arg10[%swap3A_88, %swap3A_89] {strides = array<i32>} : memref<80x128xf32, #tpu.memory_space<vmem>>, vector<16xf32>,
      tpu.vector_store %arg10[%swap3A_88, %swap3A_89], %broadcast_in_dim3A_0 {strides = array<i32>} : memref<80x128xf32, #tpu.memory_space<vmem>>, vector<16xf32>,
      %swap3A_91 = arith.index_cast %scan3A_82 : i32 to index
      %swap3A_92 = arith.constant 48 : index
      %swap3A_93 = tpu.vector_load %arg10[%swap3A_91, %swap3A_92] {strides = array<i32>} : memref<80x128xf32, #tpu.memory_space<vmem>>, vector<16xf32>,
      tpu.vector_store %arg10[%swap3A_91, %swap3A_92], %broadcast_in_dim3A_0 {strides = array<i32>} : memref<80x128xf32, #tpu.memory_space<vmem>>, vector<16xf32>,
      %swap3A_94 = arith.index_cast %scan3A_82 : i32 to index
      %swap3A_95 = arith.constant 64 : index
      %swap3A_96 = tpu.vector_load %arg10[%swap3A_94, %swap3A_95] {strides = array<i32>} : memref<80x128xf32, #tpu.memory_space<vmem>>, vector<16xf32>,
      tpu.vector_store %arg10[%swap3A_94, %swap3A_95], %broadcast_in_dim3A_0 {strides = array<i32>} : memref<80x128xf32, #tpu.memory_space<vmem>>, vector<16xf32>,
      %swap3A_97 = arith.index_cast %scan3A_82 : i32 to index
      %swap3A_98 = arith.constant 80 : index
      %swap3A_99 = tpu.vector_load %arg10[%swap3A_97, %swap3A_98] {strides = array<i32>} : memref<80x128xf32, #tpu.memory_space<vmem>>, vector<16xf32>,
      tpu.vector_store %arg10[%swap3A_97, %swap3A_98], %broadcast_in_dim3A_0 {strides = array<i32>} : memref<80x128xf32, #tpu.memory_space<vmem>>, vector<16xf32>,
      %swap3A_100 = arith.index_cast %scan3A_82 : i32 to index
      %swap3A_101 = arith.constant 96 : index
      %swap3A_102 = tpu.vector_load %arg10[%swap3A_100, %swap3A_101] {strides = array<i32>} : memref<80x128xf32, #tpu.memory_space<vmem>>, vector<16xf32>,
      tpu.vector_store %arg10[%swap3A_100, %swap3A_101], %broadcast_in_dim3A_0 {strides = array<i32>} : memref<80x128xf32, #tpu.memory_space<vmem>>, vector<16xf32>,
      %swap3A_103 = arith.index_cast %scan3A_82 : i32 to index
      %swap3A_104 = arith.constant 112 : index
      %swap3A_105 = tpu.vector_load %arg10[%swap3A_103, %swap3A_104] {strides = array<i32>} : memref<80x128xf32, #tpu.memory_space<vmem>>, vector<16xf32>,
      tpu.vector_store %arg10[%swap3A_103, %swap3A_104], %broadcast_in_dim3A_0 {strides = array<i32>} : memref<80x128xf32, #tpu.memory_space<vmem>>, vector<16xf32>,
    }
    %scan3A_5 = arith.constant 80 : i32
    %mul3A = arith.constant 632 : i32
    %mul3A_6 = arith.muli %arg1, %mul3A : i32
    %add3A = arith.constant 0 : i32
    %add3A_7 = arith.addi %mul3A_6, %add3A : i32
    "tpu.region"() ({
      %run_scoped3A = tpu.sem_alloc : memref<!tpu.dma_semaphore, #tpu.memory_space<semaphore_mem>>
      %dma_start3A_82 = arith.constant 0 : i32
      %dma_start3A_83 = tpu.memref_slice %arg14[%add3A_7, %dma_start3A_82] : memref<10112x128xf32, #tpu.memory_space<vmem_shared>> -> memref<80x128xf32, #tpu.memory_space<vmem_shared>>
      %dma_start3A_84 = arith.constant 0 : i32
      %dma_start3A_85 = tpu.memref_slice %arg14[%add3A_7, %dma_start3A_84] : memref<10112x128xf32, #tpu.memory_space<vmem_shared>> -> memref<80x128xf32, #tpu.memory_space<vmem_shared>>
      tpu.enqueue_dma source(%arg10 : memref<80x128xf32, #tpu.memory_space<vmem>>) target(%dma_start3A_85 : memref<80x128xf32, #tpu.memory_space<vmem_shared>>) target_semaphore(%run_scoped3A : memref<!tpu.dma_semaphore, #tpu.memory_space<semaphore_mem>>)
      %dma_wait3A_86 = arith.constant 0 : i32
      %dma_wait3A_87 = tpu.memref_slice %arg14[%add3A_7, %dma_wait3A_86] : memref<10112x128xf32, #tpu.memory_space<vmem_shared>> -> memref<80x128xf32, #tpu.memory_space<vmem_shared>>
      %dma_wait3A_88 = arith.constant 0 : i32
      %dma_wait3A_89 = tpu.memref_slice %arg14[%add3A_7, %dma_wait3A_88] : memref<10112x128xf32, #tpu.memory_space<vmem_shared>> -> memref<80x128xf32, #tpu.memory_space<vmem_shared>>
      tpu.wait_dma2 semaphore(%run_scoped3A : memref<!tpu.dma_semaphore, #tpu.memory_space<semaphore_mem>>) src(%arg10 : memref<80x128xf32, #tpu.memory_space<vmem>>) dst(%dma_wait3A_89 : memref<80x128xf32, #tpu.memory_space<vmem_shared>>)
      tpu.yield
    }) : () -> ()
    %mul3A_8 = arith.constant 632 : i32
    %mul3A_9 = arith.muli %arg1, %mul3A_8 : i32
    %add3A_10 = arith.constant 80 : i32
    %add3A_11 = arith.addi %mul3A_9, %add3A_10 : i32
    "tpu.region"() ({
      %run_scoped3A = tpu.sem_alloc : memref<!tpu.dma_semaphore, #tpu.memory_space<semaphore_mem>>
      %dma_start3A_82 = arith.constant 0 : i32
      %dma_start3A_83 = tpu.memref_slice %arg14[%add3A_11, %dma_start3A_82] : memref<10112x128xf32, #tpu.memory_space<vmem_shared>> -> memref<80x128xf32, #tpu.memory_space<vmem_shared>>
      %dma_start3A_84 = arith.constant 0 : i32
      %dma_start3A_85 = tpu.memref_slice %arg14[%add3A_11, %dma_start3A_84] : memref<10112x128xf32, #tpu.memory_space<vmem_shared>> -> memref<80x128xf32, #tpu.memory_space<vmem_shared>>
      tpu.enqueue_dma source(%arg10 : memref<80x128xf32, #tpu.memory_space<vmem>>) target(%dma_start3A_85 : memref<80x128xf32, #tpu.memory_space<vmem_shared>>) target_semaphore(%run_scoped3A : memref<!tpu.dma_semaphore, #tpu.memory_space<semaphore_mem>>)
      %dma_wait3A_86 = arith.constant 0 : i32
      %dma_wait3A_87 = tpu.memref_slice %arg14[%add3A_11, %dma_wait3A_86] : memref<10112x128xf32, #tpu.memory_space<vmem_shared>> -> memref<80x128xf32, #tpu.memory_space<vmem_shared>>
      %dma_wait3A_88 = arith.constant 0 : i32
      %dma_wait3A_89 = tpu.memref_slice %arg14[%add3A_11, %dma_wait3A_88] : memref<10112x128xf32, #tpu.memory_space<vmem_shared>> -> memref<80x128xf32, #tpu.memory_space<vmem_shared>>
      tpu.wait_dma2 semaphore(%run_scoped3A : memref<!tpu.dma_semaphore, #tpu.memory_space<semaphore_mem>>) src(%arg10 : memref<80x128xf32, #tpu.memory_space<vmem>>) dst(%dma_wait3A_89 : memref<80x128xf32, #tpu.memory_space<vmem_shared>>)
      tpu.yield
    }) : () -> ()
    %mul3A_12 = arith.constant 632 : i32
    %mul3A_13 = arith.muli %arg1, %mul3A_12 : i32
    %add3A_14 = arith.constant 160 : i32
    %add3A_15 = arith.addi %mul3A_13, %add3A_14 : i32
    "tpu.region"() ({
      %run_scoped3A = tpu.sem_alloc : memref<!tpu.dma_semaphore, #tpu.memory_space<semaphore_mem>>
      %dma_start3A_82 = arith.constant 0 : i32
      %dma_start3A_83 = tpu.memref_slice %arg14[%add3A_15, %dma_start3A_82] : memref<10112x128xf32, #tpu.memory_space<vmem_shared>> -> memref<80x128xf32, #tpu.memory_space<vmem_shared>>
      %dma_start3A_84 = arith.constant 0 : i32
      %dma_start3A_85 = tpu.memref_slice %arg14[%add3A_15, %dma_start3A_84] : memref<10112x128xf32, #tpu.memory_space<vmem_shared>> -> memref<80x128xf32, #tpu.memory_space<vmem_shared>>
      tpu.enqueue_dma source(%arg10 : memref<80x128xf32, #tpu.memory_space<vmem>>) target(%dma_start3A_85 : memref<80x128xf32, #tpu.memory_space<vmem_shared>>) target_semaphore(%run_scoped3A : memref<!tpu.dma_semaphore, #tpu.memory_space<semaphore_mem>>)
      %dma_wait3A_86 = arith.constant 0 : i32
      %dma_wait3A_87 = tpu.memref_slice %arg14[%add3A_15, %dma_wait3A_86] : memref<10112x128xf32, #tpu.memory_space<vmem_shared>> -> memref<80x128xf32, #tpu.memory_space<vmem_shared>>
      %dma_wait3A_88 = arith.constant 0 : i32
      %dma_wait3A_89 = tpu.memref_slice %arg14[%add3A_15, %dma_wait3A_88] : memref<10112x128xf32, #tpu.memory_space<vmem_shared>> -> memref<80x128xf32, #tpu.memory_space<vmem_shared>>
      tpu.wait_dma2 semaphore(%run_scoped3A : memref<!tpu.dma_semaphore, #tpu.memory_space<semaphore_mem>>) src(%arg10 : memref<80x128xf32, #tpu.memory_space<vmem>>) dst(%dma_wait3A_89 : memref<80x128xf32, #tpu.memory_space<vmem_shared>>)
      tpu.yield
    }) : () -> ()
    %mul3A_16 = arith.constant 632 : i32
    %mul3A_17 = arith.muli %arg1, %mul3A_16 : i32
    %add3A_18 = arith.constant 240 : i32
    %add3A_19 = arith.addi %mul3A_17, %add3A_18 : i32
    "tpu.region"() ({
      %run_scoped3A = tpu.sem_alloc : memref<!tpu.dma_semaphore, #tpu.memory_space<semaphore_mem>>
      %dma_start3A_82 = arith.constant 0 : i32
      %dma_start3A_83 = tpu.memref_slice %arg14[%add3A_19, %dma_start3A_82] : memref<10112x128xf32, #tpu.memory_space<vmem_shared>> -> memref<80x128xf32, #tpu.memory_space<vmem_shared>>
      %dma_start3A_84 = arith.constant 0 : i32
      %dma_start3A_85 = tpu.memref_slice %arg14[%add3A_19, %dma_start3A_84] : memref<10112x128xf32, #tpu.memory_space<vmem_shared>> -> memref<80x128xf32, #tpu.memory_space<vmem_shared>>
      tpu.enqueue_dma source(%arg10 : memref<80x128xf32, #tpu.memory_space<vmem>>) target(%dma_start3A_85 : memref<80x128xf32, #tpu.memory_space<vmem_shared>>) target_semaphore(%run_scoped3A : memref<!tpu.dma_semaphore, #tpu.memory_space<semaphore_mem>>)
      %dma_wait3A_86 = arith.constant 0 : i32
      %dma_wait3A_87 = tpu.memref_slice %arg14[%add3A_19, %dma_wait3A_86] : memref<10112x128xf32, #tpu.memory_space<vmem_shared>> -> memref<80x128xf32, #tpu.memory_space<vmem_shared>>
      %dma_wait3A_88 = arith.constant 0 : i32
      %dma_wait3A_89 = tpu.memref_slice %arg14[%add3A_19, %dma_wait3A_88] : memref<10112x128xf32, #tpu.memory_space<vmem_shared>> -> memref<80x128xf32, #tpu.memory_space<vmem_shared>>
      tpu.wait_dma2 semaphore(%run_scoped3A : memref<!tpu.dma_semaphore, #tpu.memory_space<semaphore_mem>>) src(%arg10 : memref<80x128xf32, #tpu.memory_space<vmem>>) dst(%dma_wait3A_89 : memref<80x128xf32, #tpu.memory_space<vmem_shared>>)
      tpu.yield
    }) : () -> ()
    %mul3A_20 = arith.constant 632 : i32
    %mul3A_21 = arith.muli %arg1, %mul3A_20 : i32
    %add3A_22 = arith.constant 320 : i32
    %add3A_23 = arith.addi %mul3A_21, %add3A_22 : i32
    "tpu.region"() ({
      %run_scoped3A = tpu.sem_alloc : memref<!tpu.dma_semaphore, #tpu.memory_space<semaphore_mem>>
      %dma_start3A_82 = arith.constant 0 : i32
      %dma_start3A_83 = tpu.memref_slice %arg14[%add3A_23, %dma_start3A_82] : memref<10112x128xf32, #tpu.memory_space<vmem_shared>> -> memref<80x128xf32, #tpu.memory_space<vmem_shared>>
      %dma_start3A_84 = arith.constant 0 : i32
      %dma_start3A_85 = tpu.memref_slice %arg14[%add3A_23, %dma_start3A_84] : memref<10112x128xf32, #tpu.memory_space<vmem_shared>> -> memref<80x128xf32, #tpu.memory_space<vmem_shared>>
      tpu.enqueue_dma source(%arg10 : memref<80x128xf32, #tpu.memory_space<vmem>>) target(%dma_start3A_85 : memref<80x128xf32, #tpu.memory_space<vmem_shared>>) target_semaphore(%run_scoped3A : memref<!tpu.dma_semaphore, #tpu.memory_space<semaphore_mem>>)
      %dma_wait3A_86 = arith.constant 0 : i32
      %dma_wait3A_87 = tpu.memref_slice %arg14[%add3A_23, %dma_wait3A_86] : memref<10112x128xf32, #tpu.memory_space<vmem_shared>> -> memref<80x128xf32, #tpu.memory_space<vmem_shared>>
      %dma_wait3A_88 = arith.constant 0 : i32
      %dma_wait3A_89 = tpu.memref_slice %arg14[%add3A_23, %dma_wait3A_88] : memref<10112x128xf32, #tpu.memory_space<vmem_shared>> -> memref<80x128xf32, #tpu.memory_space<vmem_shared>>
      tpu.wait_dma2 semaphore(%run_scoped3A : memref<!tpu.dma_semaphore, #tpu.memory_space<semaphore_mem>>) src(%arg10 : memref<80x128xf32, #tpu.memory_space<vmem>>) dst(%dma_wait3A_89 : memref<80x128xf32, #tpu.memory_space<vmem_shared>>)
      tpu.yield
    }) : () -> ()
    %mul3A_24 = arith.constant 632 : i32
    %mul3A_25 = arith.muli %arg1, %mul3A_24 : i32
    %add3A_26 = arith.constant 400 : i32
    %add3A_27 = arith.addi %mul3A_25, %add3A_26 : i32
    "tpu.region"() ({
      %run_scoped3A = tpu.sem_alloc : memref<!tpu.dma_semaphore, #tpu.memory_space<semaphore_mem>>
      %dma_start3A_82 = arith.constant 0 : i32
      %dma_start3A_83 = tpu.memref_slice %arg14[%add3A_27, %dma_start3A_82] : memref<10112x128xf32, #tpu.memory_space<vmem_shared>> -> memref<80x128xf32, #tpu.memory_space<vmem_shared>>
      %dma_start3A_84 = arith.constant 0 : i32
      %dma_start3A_85 = tpu.memref_slice %arg14[%add3A_27, %dma_start3A_84] : memref<10112x128xf32, #tpu.memory_space<vmem_shared>> -> memref<80x128xf32, #tpu.memory_space<vmem_shared>>
      tpu.enqueue_dma source(%arg10 : memref<80x128xf32, #tpu.memory_space<vmem>>) target(%dma_start3A_85 : memref<80x128xf32, #tpu.memory_space<vmem_shared>>) target_semaphore(%run_scoped3A : memref<!tpu.dma_semaphore, #tpu.memory_space<semaphore_mem>>)
      %dma_wait3A_86 = arith.constant 0 : i32
      %dma_wait3A_87 = tpu.memref_slice %arg14[%add3A_27, %dma_wait3A_86] : memref<10112x128xf32, #tpu.memory_space<vmem_shared>> -> memref<80x128xf32, #tpu.memory_space<vmem_shared>>
      %dma_wait3A_88 = arith.constant 0 : i32
      %dma_wait3A_89 = tpu.memref_slice %arg14[%add3A_27, %dma_wait3A_88] : memref<10112x128xf32, #tpu.memory_space<vmem_shared>> -> memref<80x128xf32, #tpu.memory_space<vmem_shared>>
      tpu.wait_dma2 semaphore(%run_scoped3A : memref<!tpu.dma_semaphore, #tpu.memory_space<semaphore_mem>>) src(%arg10 : memref<80x128xf32, #tpu.memory_space<vmem>>) dst(%dma_wait3A_89 : memref<80x128xf32, #tpu.memory_space<vmem_shared>>)
      tpu.yield
    }) : () -> ()
    %mul3A_28 = arith.constant 632 : i32
    %mul3A_29 = arith.muli %arg1, %mul3A_28 : i32
    %add3A_30 = arith.constant 480 : i32
    %add3A_31 = arith.addi %mul3A_29, %add3A_30 : i32
    "tpu.region"() ({
      %run_scoped3A = tpu.sem_alloc : memref<!tpu.dma_semaphore, #tpu.memory_space<semaphore_mem>>
      %dma_start3A_82 = arith.constant 0 : i32
      %dma_start3A_83 = tpu.memref_slice %arg14[%add3A_31, %dma_start3A_82] : memref<10112x128xf32, #tpu.memory_space<vmem_shared>> -> memref<80x128xf32, #tpu.memory_space<vmem_shared>>
      %dma_start3A_84 = arith.constant 0 : i32
      %dma_start3A_85 = tpu.memref_slice %arg14[%add3A_31, %dma_start3A_84] : memref<10112x128xf32, #tpu.memory_space<vmem_shared>> -> memref<80x128xf32, #tpu.memory_space<vmem_shared>>
      tpu.enqueue_dma source(%arg10 : memref<80x128xf32, #tpu.memory_space<vmem>>) target(%dma_start3A_85 : memref<80x128xf32, #tpu.memory_space<vmem_shared>>) target_semaphore(%run_scoped3A : memref<!tpu.dma_semaphore, #tpu.memory_space<semaphore_mem>>)
      %dma_wait3A_86 = arith.constant 0 : i32
      %dma_wait3A_87 = tpu.memref_slice %arg14[%add3A_31, %dma_wait3A_86] : memref<10112x128xf32, #tpu.memory_space<vmem_shared>> -> memref<80x128xf32, #tpu.memory_space<vmem_shared>>
      %dma_wait3A_88 = arith.constant 0 : i32
      %dma_wait3A_89 = tpu.memref_slice %arg14[%add3A_31, %dma_wait3A_88] : memref<10112x128xf32, #tpu.memory_space<vmem_shared>> -> memref<80x128xf32, #tpu.memory_space<vmem_shared>>
      tpu.wait_dma2 semaphore(%run_scoped3A : memref<!tpu.dma_semaphore, #tpu.memory_space<semaphore_mem>>) src(%arg10 : memref<80x128xf32, #tpu.memory_space<vmem>>) dst(%dma_wait3A_89 : memref<80x128xf32, #tpu.memory_space<vmem_shared>>)
      tpu.yield
    }) : () -> ()
    %mul3A_32 = arith.constant 632 : i32
    %mul3A_33 = arith.muli %arg1, %mul3A_32 : i32
    %add3A_34 = arith.constant 560 : i32
    %add3A_35 = arith.addi %mul3A_33, %add3A_34 : i32
    "tpu.region"() ({
      %run_scoped3A = tpu.sem_alloc : memref<!tpu.dma_semaphore, #tpu.memory_space<semaphore_mem>>
      %dma_start3A_82 = arith.constant 0 : i32
      %dma_start3A_83 = arith.constant 0 : i32
      %dma_start3A_84 = tpu.memref_slice %arg10[%dma_start3A_82, %dma_start3A_83] : memref<80x128xf32, #tpu.memory_space<vmem>> -> memref<72x128xf32, #tpu.memory_space<vmem>>
      %dma_start3A_85 = arith.constant 0 : i32
      %dma_start3A_86 = tpu.memref_slice %arg14[%add3A_35, %dma_start3A_85] : memref<10112x128xf32, #tpu.memory_space<vmem_shared>> -> memref<72x128xf32, #tpu.memory_space<vmem_shared>>
      %dma_start3A_87 = arith.constant 0 : i32
      %dma_start3A_88 = tpu.memref_slice %arg14[%add3A_35, %dma_start3A_87] : memref<10112x128xf32, #tpu.memory_space<vmem_shared>> -> memref<72x128xf32, #tpu.memory_space<vmem_shared>>
      %dma_start3A_89 = arith.constant 0 : i32
      %dma_start3A_90 = arith.constant 0 : i32
      %dma_start3A_91 = tpu.memref_slice %arg10[%dma_start3A_89, %dma_start3A_90] : memref<80x128xf32, #tpu.memory_space<vmem>> -> memref<72x128xf32, #tpu.memory_space<vmem>>
      tpu.enqueue_dma source(%dma_start3A_91 : memref<72x128xf32, #tpu.memory_space<vmem>>) target(%dma_start3A_88 : memref<72x128xf32, #tpu.memory_space<vmem_shared>>) target_semaphore(%run_scoped3A : memref<!tpu.dma_semaphore, #tpu.memory_space<semaphore_mem>>)
      %dma_wait3A_92 = arith.constant 0 : i32
      %dma_wait3A_93 = arith.constant 0 : i32
      %dma_wait3A_94 = tpu.memref_slice %arg10[%dma_wait3A_92, %dma_wait3A_93] : memref<80x128xf32, #tpu.memory_space<vmem>> -> memref<72x128xf32, #tpu.memory_space<vmem>>
      %dma_wait3A_95 = arith.constant 0 : i32
      %dma_wait3A_96 = tpu.memref_slice %arg14[%add3A_35, %dma_wait3A_95] : memref<10112x128xf32, #tpu.memory_space<vmem_shared>> -> memref<72x128xf32, #tpu.memory_space<vmem_shared>>
      %dma_wait3A_97 = arith.constant 0 : i32
      %dma_wait3A_98 = tpu.memref_slice %arg14[%add3A_35, %dma_wait3A_97] : memref<10112x128xf32, #tpu.memory_space<vmem_shared>> -> memref<72x128xf32, #tpu.memory_space<vmem_shared>>
      %dma_wait3A_99 = arith.constant 0 : i32
      %dma_wait3A_100 = arith.constant 0 : i32
      %dma_wait3A_101 = tpu.memref_slice %arg10[%dma_wait3A_99, %dma_wait3A_100] : memref<80x128xf32, #tpu.memory_space<vmem>> -> memref<72x128xf32, #tpu.memory_space<vmem>>
      tpu.wait_dma2 semaphore(%run_scoped3A : memref<!tpu.dma_semaphore, #tpu.memory_space<semaphore_mem>>) src(%dma_wait3A_101 : memref<72x128xf32, #tpu.memory_space<vmem>>) dst(%dma_wait3A_98 : memref<72x128xf32, #tpu.memory_space<vmem_shared>>)
      tpu.yield
    }) : () -> ()
    %barrier3A = arith.constant 0 : index
    tpu.barrier barrier_id(%barrier3A)
    %mul3A_36 = arith.constant 20000 : i32
    %mul3A_37 = arith.muli %arg1, %mul3A_36 : i32
    %mul3A_38 = arith.constant 10240 : i32
    %mul3A_39 = arith.muli %arg0, %mul3A_38 : i32
    %add3A_40 = arith.constant 0 : i32
    %add3A_41 = arith.addi %mul3A_37, %add3A_40 : i32
    %mul3A_42 = arith.constant 2 : i32
    %mul3A_43 = arith.muli %mul3A_42, %add3A_41 : i32
    "tpu.region"() ({
      %run_scoped3A = tpu.sem_alloc : memref<!tpu.dma_semaphore, #tpu.memory_space<semaphore_mem>>
      %dma_start3A_82 = tpu.memref_slice %arg2[%mul3A_43] : memref<640000xi32, #tpu.memory_space<hbm>> -> memref<160xi32, #tpu.memory_space<hbm>>
      %dma_start3A_83 = tpu.memref_slice %arg2[%mul3A_43] : memref<640000xi32, #tpu.memory_space<hbm>> -> memref<160xi32, #tpu.memory_space<hbm>>
      tpu.enqueue_dma source(%dma_start3A_83 : memref<160xi32, #tpu.memory_space<hbm>>) target(%arg6 : memref<160xi32, #tpu.memory_space<vmem>>) target_semaphore(%run_scoped3A : memref<!tpu.dma_semaphore, #tpu.memory_space<semaphore_mem>>)
      %dma_wait3A_84 = tpu.memref_slice %arg2[%mul3A_43] : memref<640000xi32, #tpu.memory_space<hbm>> -> memref<160xi32, #tpu.memory_space<hbm>>
      %dma_wait3A_85 = tpu.memref_slice %arg2[%mul3A_43] : memref<640000xi32, #tpu.memory_space<hbm>> -> memref<160xi32, #tpu.memory_space<hbm>>
      tpu.wait_dma2 semaphore(%run_scoped3A : memref<!tpu.dma_semaphore, #tpu.memory_space<semaphore_mem>>) src(%dma_wait3A_85 : memref<160xi32, #tpu.memory_space<hbm>>) dst(%arg6 : memref<160xi32, #tpu.memory_space<vmem>>)
      tpu.yield
    }) : () -> ()
    %scan3A_44 = arith.constant 0 : i32
    %scan3A_45 = arith.constant 0 : i32
    %scan3A_46 = arith.constant 10 : i32
    %scan3A_47 = arith.addi %scan3A_45, %scan3A_46 : i32
    %scan3A_48 = arith.constant 1 : i32
    scf.for %scan3A_82 = %scan3A_45 to %scan3A_47 step %scan3A_48  : i32 {
      %mul3A_83 = arith.constant 16 : i32
      %mul3A_84 = arith.muli %scan3A_82, %mul3A_83 : i32
      %get3A = arith.index_cast %mul3A_84 : i32 to index
      %get3A_85 = tpu.vector_load %arg6[%get3A] {strides = array<i32>} : memref<160xi32, #tpu.memory_space<vmem>>, vector<16xi32>,
      %add3A_86 = vector.broadcast %mul3A_39 : i32 to vector<16xi32>
      %add3A_87 = arith.addi %get3A_85, %add3A_86 : vector<16xi32>
      %mul3A_88 = arith.constant 16 : i32
      %mul3A_89 = arith.muli %scan3A_82, %mul3A_88 : i32
      %swap3A = arith.index_cast %mul3A_89 : i32 to index
      %swap3A_90 = tpu.vector_load %arg6[%swap3A] {strides = array<i32>} : memref<160xi32, #tpu.memory_space<vmem>>, vector<16xi32>,
      tpu.vector_store %arg6[%swap3A], %add3A_87 {strides = array<i32>} : memref<160xi32, #tpu.memory_space<vmem>>, vector<16xi32>,
    }
    %scan3A_49 = arith.constant 10 : i32
    %dma_start3A = arith.constant 0 : i32
    %dma_start3A_50 = tpu.memref_slice %arg6[%dma_start3A] : memref<160xi32, #tpu.memory_space<vmem>> -> memref<80xi32, #tpu.memory_space<vmem>>
    %dma_start3A_51 = arith.constant 0 : i32
    %dma_start3A_52 = arith.constant 0 : i32
    %dma_start3A_53 = tpu.memref_slice %arg3[%dma_start3A_51, %dma_start3A_52] : memref<20480x128xf32, #tpu.memory_space<hbm>> -> memref<20480x128xf32, #tpu.memory_space<hbm>>
    tpu.enqueue_indirect_dma source(%dma_start3A_53 : memref<20480x128xf32, #tpu.memory_space<hbm>>) target(%arg10 : memref<80x128xf32, #tpu.memory_space<vmem>>) offsets(%dma_start3A_50 : memref<80xi32, #tpu.memory_space<vmem>>) semaphore(%arg15 : memref<!tpu.dma_semaphore, #tpu.memory_space<semaphore_mem>>)
    %dma_start3A_54 = arith.constant 80 : i32
    %dma_start3A_55 = tpu.memref_slice %arg6[%dma_start3A_54] : memref<160xi32, #tpu.memory_space<vmem>> -> memref<80xi32, #tpu.memory_space<vmem>>
    %dma_start3A_56 = arith.constant 0 : i32
    %dma_start3A_57 = arith.constant 0 : i32
    %dma_start3A_58 = tpu.memref_slice %arg4[%dma_start3A_56, %dma_start3A_57] : memref<20480x128xi32, #tpu.memory_space<hbm>> -> memref<20480x128xi32, #tpu.memory_space<hbm>>
    tpu.enqueue_indirect_dma source(%dma_start3A_58 : memref<20480x128xi32, #tpu.memory_space<hbm>>) target(%arg11 : memref<80x128xi32, #tpu.memory_space<vmem>>) offsets(%dma_start3A_55 : memref<80xi32, #tpu.memory_space<vmem>>) semaphore(%arg16 : memref<!tpu.dma_semaphore, #tpu.memory_space<semaphore_mem>>)
    %scan3A_59 = arith.constant 0 : i32
    %scan3A_60 = arith.constant -65536 : i32
    %scan3A_61 = arith.constant 0 : i32
    %scan3A_62 = arith.constant 125 : i32
    %scan3A_63 = arith.addi %scan3A_61, %scan3A_62 : i32
    %scan3A_64 = arith.constant 1 : i32
    scf.for %scan3A_82 = %scan3A_61 to %scan3A_63 step %scan3A_64  : i32 {
      %mul3A_83 = arith.constant 2 : i32
      %mul3A_84 = arith.muli %mul3A_83, %scan3A_82 : i32
      %add3A_85 = arith.constant 1 : i32
      %add3A_86 = arith.addi %mul3A_84, %add3A_85 : i32
      %gt3A = arith.constant 0 : i32
      %gt3A_87 = arith.cmpi sgt, %scan3A_82, %gt3A : i32
      %mul3A_88 = arith.constant 80 : i32
      %mul3A_89 = arith.muli %add3A_86, %mul3A_88 : i32
      %add3A_90 = arith.addi %mul3A_37, %mul3A_89 : i32
      %mul3A_91 = arith.constant 2 : i32
      %mul3A_92 = arith.muli %mul3A_91, %add3A_90 : i32
      "tpu.region"() ({
        %run_scoped3A = tpu.sem_alloc : memref<!tpu.dma_semaphore, #tpu.memory_space<semaphore_mem>>
        %dma_start3A_170 = tpu.memref_slice %arg2[%mul3A_92] : memref<640000xi32, #tpu.memory_space<hbm>> -> memref<160xi32, #tpu.memory_space<hbm>>
        %dma_start3A_171 = tpu.memref_slice %arg2[%mul3A_92] : memref<640000xi32, #tpu.memory_space<hbm>> -> memref<160xi32, #tpu.memory_space<hbm>>
        tpu.enqueue_dma source(%dma_start3A_171 : memref<160xi32, #tpu.memory_space<hbm>>) target(%arg7 : memref<160xi32, #tpu.memory_space<vmem>>) target_semaphore(%run_scoped3A : memref<!tpu.dma_semaphore, #tpu.memory_space<semaphore_mem>>)
        %dma_wait3A_172 = tpu.memref_slice %arg2[%mul3A_92] : memref<640000xi32, #tpu.memory_space<hbm>> -> memref<160xi32, #tpu.memory_space<hbm>>
        %dma_wait3A_173 = tpu.memref_slice %arg2[%mul3A_92] : memref<640000xi32, #tpu.memory_space<hbm>> -> memref<160xi32, #tpu.memory_space<hbm>>
        tpu.wait_dma2 semaphore(%run_scoped3A : memref<!tpu.dma_semaphore, #tpu.memory_space<semaphore_mem>>) src(%dma_wait3A_173 : memref<160xi32, #tpu.memory_space<hbm>>) dst(%arg7 : memref<160xi32, #tpu.memory_space<vmem>>)
        tpu.yield
      }) : () -> ()
      %scan3A_93 = arith.constant 0 : i32
      %scan3A_94 = arith.constant 0 : i32
      %scan3A_95 = arith.constant 10 : i32
      %scan3A_96 = arith.addi %scan3A_94, %scan3A_95 : i32
      %scan3A_97 = arith.constant 1 : i32
      scf.for %scan3A_170 = %scan3A_94 to %scan3A_96 step %scan3A_97  : i32 {
        %mul3A_171 = arith.constant 16 : i32
        %mul3A_172 = arith.muli %scan3A_170, %mul3A_171 : i32
        %get3A = arith.index_cast %mul3A_172 : i32 to index
        %get3A_173 = tpu.vector_load %arg7[%get3A] {strides = array<i32>} : memref<160xi32, #tpu.memory_space<vmem>>, vector<16xi32>,
        %add3A_174 = vector.broadcast %mul3A_39 : i32 to vector<16xi32>
        %add3A_175 = arith.addi %get3A_173, %add3A_174 : vector<16xi32>
        %mul3A_176 = arith.constant 16 : i32
        %mul3A_177 = arith.muli %scan3A_170, %mul3A_176 : i32
        %swap3A = arith.index_cast %mul3A_177 : i32 to index
        %swap3A_178 = tpu.vector_load %arg7[%swap3A] {strides = array<i32>} : memref<160xi32, #tpu.memory_space<vmem>>, vector<16xi32>,
        tpu.vector_store %arg7[%swap3A], %add3A_175 {strides = array<i32>} : memref<160xi32, #tpu.memory_space<vmem>>, vector<16xi32>,
      }
      %scan3A_98 = arith.constant 10 : i32
      %convert_element_type3A = arith.extui %gt3A_87 : i1 to i32
      %cond3A = arith.constant 0 : i32
      %cond3A_99 = arith.cmpi ne, %convert_element_type3A, %cond3A : i32
      scf.if %cond3A_99 {
        %dma_wait3A_170 = arith.constant 0 : i32
        %dma_wait3A_171 = arith.constant 0 : i32
        %dma_wait3A_172 = tpu.memref_slice %arg14[%dma_wait3A_170, %dma_wait3A_171] : memref<10112x128xf32, #tpu.memory_space<vmem_shared>> -> memref<80x128xf32, #tpu.memory_space<vmem_shared>>
        %dma_wait3A_173 = arith.constant 0 : i32
        %dma_wait3A_174 = arith.constant 0 : i32
        %dma_wait3A_175 = tpu.memref_slice %arg14[%dma_wait3A_173, %dma_wait3A_174] : memref<10112x128xf32, #tpu.memory_space<vmem_shared>> -> memref<80x128xf32, #tpu.memory_space<vmem_shared>>
        tpu.wait_dma2 semaphore(%arg20 : memref<!tpu.dma_semaphore, #tpu.memory_space<semaphore_mem>>) src(%arg12 : memref<80x128xf32, #tpu.memory_space<vmem>>) dst(%dma_wait3A_175 : memref<80x128xf32, #tpu.memory_space<vmem_shared>>)
      } else {
      }
      %dma_start3A_100 = arith.constant 0 : i32
      %dma_start3A_101 = tpu.memref_slice %arg7[%dma_start3A_100] : memref<160xi32, #tpu.memory_space<vmem>> -> memref<80xi32, #tpu.memory_space<vmem>>
      %dma_start3A_102 = arith.constant 0 : i32
      %dma_start3A_103 = arith.constant 0 : i32
      %dma_start3A_104 = tpu.memref_slice %arg3[%dma_start3A_102, %dma_start3A_103] : memref<20480x128xf32, #tpu.memory_space<hbm>> -> memref<20480x128xf32, #tpu.memory_space<hbm>>
      tpu.enqueue_indirect_dma source(%dma_start3A_104 : memref<20480x128xf32, #tpu.memory_space<hbm>>) target(%arg12 : memref<80x128xf32, #tpu.memory_space<vmem>>) offsets(%dma_start3A_101 : memref<80xi32, #tpu.memory_space<vmem>>) semaphore(%arg17 : memref<!tpu.dma_semaphore, #tpu.memory_space<semaphore_mem>>)
      %dma_start3A_105 = arith.constant 80 : i32
      %dma_start3A_106 = tpu.memref_slice %arg7[%dma_start3A_105] : memref<160xi32, #tpu.memory_space<vmem>> -> memref<80xi32, #tpu.memory_space<vmem>>
      %dma_start3A_107 = arith.constant 0 : i32
      %dma_start3A_108 = arith.constant 0 : i32
      %dma_start3A_109 = tpu.memref_slice %arg4[%dma_start3A_107, %dma_start3A_108] : memref<20480x128xi32, #tpu.memory_space<hbm>> -> memref<20480x128xi32, #tpu.memory_space<hbm>>
      tpu.enqueue_indirect_dma source(%dma_start3A_109 : memref<20480x128xi32, #tpu.memory_space<hbm>>) target(%arg13 : memref<80x128xi32, #tpu.memory_space<vmem>>) offsets(%dma_start3A_106 : memref<80xi32, #tpu.memory_space<vmem>>) semaphore(%arg18 : memref<!tpu.dma_semaphore, #tpu.memory_space<semaphore_mem>>)
      %dma_wait3A_110 = arith.constant 0 : i32
      %dma_wait3A_111 = arith.constant 0 : i32
      %dma_wait3A_112 = tpu.memref_slice %arg3[%dma_wait3A_110, %dma_wait3A_111] : memref<20480x128xf32, #tpu.memory_space<hbm>> -> memref<80x128xf32, #tpu.memory_space<hbm>>
      %dma_wait3A_113 = arith.constant 0 : i32
      %dma_wait3A_114 = arith.constant 0 : i32
      %dma_wait3A_115 = tpu.memref_slice %arg3[%dma_wait3A_113, %dma_wait3A_114] : memref<20480x128xf32, #tpu.memory_space<hbm>> -> memref<80x128xf32, #tpu.memory_space<hbm>>
      tpu.wait_dma2 semaphore(%arg15 : memref<!tpu.dma_semaphore, #tpu.memory_space<semaphore_mem>>) src(%dma_wait3A_115 : memref<80x128xf32, #tpu.memory_space<hbm>>) dst(%arg10 : memref<80x128xf32, #tpu.memory_space<vmem>>)
      %dma_wait3A_116 = arith.constant 0 : i32
      %dma_wait3A_117 = arith.constant 0 : i32
      %dma_wait3A_118 = tpu.memref_slice %arg4[%dma_wait3A_116, %dma_wait3A_117] : memref<20480x128xi32, #tpu.memory_space<hbm>> -> memref<80x128xi32, #tpu.memory_space<hbm>>
      %dma_wait3A_119 = arith.constant 0 : i32
      %dma_wait3A_120 = arith.constant 0 : i32
      %dma_wait3A_121 = tpu.memref_slice %arg4[%dma_wait3A_119, %dma_wait3A_120] : memref<20480x128xi32, #tpu.memory_space<hbm>> -> memref<80x128xi32, #tpu.memory_space<hbm>>
      tpu.wait_dma2 semaphore(%arg16 : memref<!tpu.dma_semaphore, #tpu.memory_space<semaphore_mem>>) src(%dma_wait3A_121 : memref<80x128xi32, #tpu.memory_space<hbm>>) dst(%arg11 : memref<80x128xi32, #tpu.memory_space<vmem>>)
      %scan3A_122 = arith.constant 0 : i32
      %scan3A_123 = arith.constant 0 : i32
      %scan3A_124 = arith.constant 80 : i32
      %scan3A_125 = arith.addi %scan3A_123, %scan3A_124 : i32
      %scan3A_126 = arith.constant 1 : i32
      scf.for %scan3A_170 = %scan3A_123 to %scan3A_125 step %scan3A_126  : i32 {
        %get3A = arith.index_cast %scan3A_170 : i32 to index
        %get3A_171 = arith.constant 0 : index
        %get3A_172 = tpu.vector_load %arg11[%get3A, %get3A_171] {strides = array<i32>} : memref<80x128xi32, #tpu.memory_space<vmem>>, vector<16xi32>,
        %get3A_173 = arith.index_cast %scan3A_170 : i32 to index
        %get3A_174 = arith.constant 64 : index
        %get3A_175 = tpu.vector_load %arg11[%get3A_173, %get3A_174] {strides = array<i32>} : memref<80x128xi32, #tpu.memory_space<vmem>>, vector<16xi32>,
        %shift_left3A = arith.constant 16 : i32
        %shift_left3A_176 = vector.broadcast %shift_left3A : i32 to vector<16xi32>
        %shift_left3A_177 = arith.shli %get3A_172, %shift_left3A_176 : vector<16xi32>
        %bitcast3A = vector.bitcast %shift_left3A_177 : vector<16xi32> to vector<16xf32>
        %shift_left3A_178 = arith.constant 16 : i32
        %shift_left3A_179 = vector.broadcast %shift_left3A_178 : i32 to vector<16xi32>
        %shift_left3A_180 = arith.shli %get3A_175, %shift_left3A_179 : vector<16xi32>
        %bitcast3A_181 = vector.bitcast %shift_left3A_180 : vector<16xi32> to vector<16xf32>
        %and3A = vector.broadcast %scan3A_60 : i32 to vector<16xi32>
        %and3A_182 = arith.andi %get3A_172, %and3A : vector<16xi32>
        %bitcast3A_183 = vector.bitcast %and3A_182 : vector<16xi32> to vector<16xf32>
        %and3A_184 = vector.broadcast %scan3A_60 : i32 to vector<16xi32>
        %and3A_185 = arith.andi %get3A_175, %and3A_184 : vector<16xi32>
        %bitcast3A_186 = vector.bitcast %and3A_185 : vector<16xi32> to vector<16xf32>
        %get3A_187 = arith.index_cast %scan3A_170 : i32 to index
        %get3A_188 = arith.constant 0 : index
        %get3A_189 = tpu.vector_load %arg10[%get3A_187, %get3A_188] {strides = array<i32>} : memref<80x128xf32, #tpu.memory_space<vmem>>, vector<16xf32>,
        %get3A_190 = arith.index_cast %scan3A_170 : i32 to index
        %get3A_191 = arith.constant 16 : index
        %get3A_192 = tpu.vector_load %arg10[%get3A_190, %get3A_191] {strides = array<i32>} : memref<80x128xf32, #tpu.memory_space<vmem>>, vector<16xf32>,
        %mul3A_193 = arith.mulf %bitcast3A, %get3A_189 : vector<16xf32>
        %add3A_194 = arith.addf %mul3A_193, %bitcast3A_181 : vector<16xf32>
        %max3A = arith.constant 0.000000e+00 : f32
        %max3A_195 = vector.broadcast %max3A : f32 to vector<16xf32>
        %max3A_196 = arith.maximumf %add3A_194, %max3A_195 : vector<16xf32>
        %swap3A = arith.index_cast %scan3A_170 : i32 to index
        %swap3A_197 = arith.constant 0 : index
        %swap3A_198 = tpu.vector_load %arg10[%swap3A, %swap3A_197] {strides = array<i32>} : memref<80x128xf32, #tpu.memory_space<vmem>>, vector<16xf32>,
        tpu.vector_store %arg10[%swap3A, %swap3A_197], %max3A_196 {strides = array<i32>} : memref<80x128xf32, #tpu.memory_space<vmem>>, vector<16xf32>,
        %mul3A_199 = arith.mulf %bitcast3A_183, %get3A_192 : vector<16xf32>
        %add3A_200 = arith.addf %mul3A_199, %bitcast3A_186 : vector<16xf32>
        %max3A_201 = arith.constant 0.000000e+00 : f32
        %max3A_202 = vector.broadcast %max3A_201 : f32 to vector<16xf32>
        %max3A_203 = arith.maximumf %add3A_200, %max3A_202 : vector<16xf32>
        %swap3A_204 = arith.index_cast %scan3A_170 : i32 to index
        %swap3A_205 = arith.constant 16 : index
        %swap3A_206 = tpu.vector_load %arg10[%swap3A_204, %swap3A_205] {strides = array<i32>} : memref<80x128xf32, #tpu.memory_space<vmem>>, vector<16xf32>,
        tpu.vector_store %arg10[%swap3A_204, %swap3A_205], %max3A_203 {strides = array<i32>} : memref<80x128xf32, #tpu.memory_space<vmem>>, vector<16xf32>,
        %get3A_207 = arith.index_cast %scan3A_170 : i32 to index
        %get3A_208 = arith.constant 16 : index
        %get3A_209 = tpu.vector_load %arg11[%get3A_207, %get3A_208] {strides = array<i32>} : memref<80x128xi32, #tpu.memory_space<vmem>>, vector<16xi32>,
        %get3A_210 = arith.index_cast %scan3A_170 : i32 to index
        %get3A_211 = arith.constant 80 : index
        %get3A_212 = tpu.vector_load %arg11[%get3A_210, %get3A_211] {strides = array<i32>} : memref<80x128xi32, #tpu.memory_space<vmem>>, vector<16xi32>,
        %shift_left3A_213 = arith.constant 16 : i32
        %shift_left3A_214 = vector.broadcast %shift_left3A_213 : i32 to vector<16xi32>
        %shift_left3A_215 = arith.shli %get3A_209, %shift_left3A_214 : vector<16xi32>
        %bitcast3A_216 = vector.bitcast %shift_left3A_215 : vector<16xi32> to vector<16xf32>
        %shift_left3A_217 = arith.constant 16 : i32
        %shift_left3A_218 = vector.broadcast %shift_left3A_217 : i32 to vector<16xi32>
        %shift_left3A_219 = arith.shli %get3A_212, %shift_left3A_218 : vector<16xi32>
        %bitcast3A_220 = vector.bitcast %shift_left3A_219 : vector<16xi32> to vector<16xf32>
        %and3A_221 = vector.broadcast %scan3A_60 : i32 to vector<16xi32>
        %and3A_222 = arith.andi %get3A_209, %and3A_221 : vector<16xi32>
        %bitcast3A_223 = vector.bitcast %and3A_222 : vector<16xi32> to vector<16xf32>
        %and3A_224 = vector.broadcast %scan3A_60 : i32 to vector<16xi32>
        %and3A_225 = arith.andi %get3A_212, %and3A_224 : vector<16xi32>
        %bitcast3A_226 = vector.bitcast %and3A_225 : vector<16xi32> to vector<16xf32>
        %get3A_227 = arith.index_cast %scan3A_170 : i32 to index
        %get3A_228 = arith.constant 32 : index
        %get3A_229 = tpu.vector_load %arg10[%get3A_227, %get3A_228] {strides = array<i32>} : memref<80x128xf32, #tpu.memory_space<vmem>>, vector<16xf32>,
        %get3A_230 = arith.index_cast %scan3A_170 : i32 to index
        %get3A_231 = arith.constant 48 : index
        %get3A_232 = tpu.vector_load %arg10[%get3A_230, %get3A_231] {strides = array<i32>} : memref<80x128xf32, #tpu.memory_space<vmem>>, vector<16xf32>,
        %mul3A_233 = arith.mulf %bitcast3A_216, %get3A_229 : vector<16xf32>
        %add3A_234 = arith.addf %mul3A_233, %bitcast3A_220 : vector<16xf32>
        %max3A_235 = arith.constant 0.000000e+00 : f32
        %max3A_236 = vector.broadcast %max3A_235 : f32 to vector<16xf32>
        %max3A_237 = arith.maximumf %add3A_234, %max3A_236 : vector<16xf32>
        %swap3A_238 = arith.index_cast %scan3A_170 : i32 to index
        %swap3A_239 = arith.constant 32 : index
        %swap3A_240 = tpu.vector_load %arg10[%swap3A_238, %swap3A_239] {strides = array<i32>} : memref<80x128xf32, #tpu.memory_space<vmem>>, vector<16xf32>,
        tpu.vector_store %arg10[%swap3A_238, %swap3A_239], %max3A_237 {strides = array<i32>} : memref<80x128xf32, #tpu.memory_space<vmem>>, vector<16xf32>,
        %mul3A_241 = arith.mulf %bitcast3A_223, %get3A_232 : vector<16xf32>
        %add3A_242 = arith.addf %mul3A_241, %bitcast3A_226 : vector<16xf32>
        %max3A_243 = arith.constant 0.000000e+00 : f32
        %max3A_244 = vector.broadcast %max3A_243 : f32 to vector<16xf32>
        %max3A_245 = arith.maximumf %add3A_242, %max3A_244 : vector<16xf32>
        %swap3A_246 = arith.index_cast %scan3A_170 : i32 to index
        %swap3A_247 = arith.constant 48 : index
        %swap3A_248 = tpu.vector_load %arg10[%swap3A_246, %swap3A_247] {strides = array<i32>} : memref<80x128xf32, #tpu.memory_space<vmem>>, vector<16xf32>,
        tpu.vector_store %arg10[%swap3A_246, %swap3A_247], %max3A_245 {strides = array<i32>} : memref<80x128xf32, #tpu.memory_space<vmem>>, vector<16xf32>,
        %get3A_249 = arith.index_cast %scan3A_170 : i32 to index
        %get3A_250 = arith.constant 32 : index
        %get3A_251 = tpu.vector_load %arg11[%get3A_249, %get3A_250] {strides = array<i32>} : memref<80x128xi32, #tpu.memory_space<vmem>>, vector<16xi32>,
        %get3A_252 = arith.index_cast %scan3A_170 : i32 to index
        %get3A_253 = arith.constant 96 : index
        %get3A_254 = tpu.vector_load %arg11[%get3A_252, %get3A_253] {strides = array<i32>} : memref<80x128xi32, #tpu.memory_space<vmem>>, vector<16xi32>,
        %shift_left3A_255 = arith.constant 16 : i32
        %shift_left3A_256 = vector.broadcast %shift_left3A_255 : i32 to vector<16xi32>
        %shift_left3A_257 = arith.shli %get3A_251, %shift_left3A_256 : vector<16xi32>
        %bitcast3A_258 = vector.bitcast %shift_left3A_257 : vector<16xi32> to vector<16xf32>
        %shift_left3A_259 = arith.constant 16 : i32
        %shift_left3A_260 = vector.broadcast %shift_left3A_259 : i32 to vector<16xi32>
        %shift_left3A_261 = arith.shli %get3A_254, %shift_left3A_260 : vector<16xi32>
        %bitcast3A_262 = vector.bitcast %shift_left3A_261 : vector<16xi32> to vector<16xf32>
        %and3A_263 = vector.broadcast %scan3A_60 : i32 to vector<16xi32>
        %and3A_264 = arith.andi %get3A_251, %and3A_263 : vector<16xi32>
        %bitcast3A_265 = vector.bitcast %and3A_264 : vector<16xi32> to vector<16xf32>
        %and3A_266 = vector.broadcast %scan3A_60 : i32 to vector<16xi32>
        %and3A_267 = arith.andi %get3A_254, %and3A_266 : vector<16xi32>
        %bitcast3A_268 = vector.bitcast %and3A_267 : vector<16xi32> to vector<16xf32>
        %get3A_269 = arith.index_cast %scan3A_170 : i32 to index
        %get3A_270 = arith.constant 64 : index
        %get3A_271 = tpu.vector_load %arg10[%get3A_269, %get3A_270] {strides = array<i32>} : memref<80x128xf32, #tpu.memory_space<vmem>>, vector<16xf32>,
        %get3A_272 = arith.index_cast %scan3A_170 : i32 to index
        %get3A_273 = arith.constant 80 : index
        %get3A_274 = tpu.vector_load %arg10[%get3A_272, %get3A_273] {strides = array<i32>} : memref<80x128xf32, #tpu.memory_space<vmem>>, vector<16xf32>,
        %mul3A_275 = arith.mulf %bitcast3A_258, %get3A_271 : vector<16xf32>
        %add3A_276 = arith.addf %mul3A_275, %bitcast3A_262 : vector<16xf32>
        %max3A_277 = arith.constant 0.000000e+00 : f32
        %max3A_278 = vector.broadcast %max3A_277 : f32 to vector<16xf32>
        %max3A_279 = arith.maximumf %add3A_276, %max3A_278 : vector<16xf32>
        %swap3A_280 = arith.index_cast %scan3A_170 : i32 to index
        %swap3A_281 = arith.constant 64 : index
        %swap3A_282 = tpu.vector_load %arg10[%swap3A_280, %swap3A_281] {strides = array<i32>} : memref<80x128xf32, #tpu.memory_space<vmem>>, vector<16xf32>,
        tpu.vector_store %arg10[%swap3A_280, %swap3A_281], %max3A_279 {strides = array<i32>} : memref<80x128xf32, #tpu.memory_space<vmem>>, vector<16xf32>,
        %mul3A_283 = arith.mulf %bitcast3A_265, %get3A_274 : vector<16xf32>
        %add3A_284 = arith.addf %mul3A_283, %bitcast3A_268 : vector<16xf32>
        %max3A_285 = arith.constant 0.000000e+00 : f32
        %max3A_286 = vector.broadcast %max3A_285 : f32 to vector<16xf32>
        %max3A_287 = arith.maximumf %add3A_284, %max3A_286 : vector<16xf32>
        %swap3A_288 = arith.index_cast %scan3A_170 : i32 to index
        %swap3A_289 = arith.constant 80 : index
        %swap3A_290 = tpu.vector_load %arg10[%swap3A_288, %swap3A_289] {strides = array<i32>} : memref<80x128xf32, #tpu.memory_space<vmem>>, vector<16xf32>,
        tpu.vector_store %arg10[%swap3A_288, %swap3A_289], %max3A_287 {strides = array<i32>} : memref<80x128xf32, #tpu.memory_space<vmem>>, vector<16xf32>,
        %get3A_291 = arith.index_cast %scan3A_170 : i32 to index
        %get3A_292 = arith.constant 48 : index
        %get3A_293 = tpu.vector_load %arg11[%get3A_291, %get3A_292] {strides = array<i32>} : memref<80x128xi32, #tpu.memory_space<vmem>>, vector<16xi32>,
        %get3A_294 = arith.index_cast %scan3A_170 : i32 to index
        %get3A_295 = arith.constant 112 : index
        %get3A_296 = tpu.vector_load %arg11[%get3A_294, %get3A_295] {strides = array<i32>} : memref<80x128xi32, #tpu.memory_space<vmem>>, vector<16xi32>,
        %shift_left3A_297 = arith.constant 16 : i32
        %shift_left3A_298 = vector.broadcast %shift_left3A_297 : i32 to vector<16xi32>
        %shift_left3A_299 = arith.shli %get3A_293, %shift_left3A_298 : vector<16xi32>
        %bitcast3A_300 = vector.bitcast %shift_left3A_299 : vector<16xi32> to vector<16xf32>
        %shift_left3A_301 = arith.constant 16 : i32
        %shift_left3A_302 = vector.broadcast %shift_left3A_301 : i32 to vector<16xi32>
        %shift_left3A_303 = arith.shli %get3A_296, %shift_left3A_302 : vector<16xi32>
        %bitcast3A_304 = vector.bitcast %shift_left3A_303 : vector<16xi32> to vector<16xf32>
        %and3A_305 = vector.broadcast %scan3A_60 : i32 to vector<16xi32>
        %and3A_306 = arith.andi %get3A_293, %and3A_305 : vector<16xi32>
        %bitcast3A_307 = vector.bitcast %and3A_306 : vector<16xi32> to vector<16xf32>
        %and3A_308 = vector.broadcast %scan3A_60 : i32 to vector<16xi32>
        %and3A_309 = arith.andi %get3A_296, %and3A_308 : vector<16xi32>
        %bitcast3A_310 = vector.bitcast %and3A_309 : vector<16xi32> to vector<16xf32>
        %get3A_311 = arith.index_cast %scan3A_170 : i32 to index
        %get3A_312 = arith.constant 96 : index
        %get3A_313 = tpu.vector_load %arg10[%get3A_311, %get3A_312] {strides = array<i32>} : memref<80x128xf32, #tpu.memory_space<vmem>>, vector<16xf32>,
        %get3A_314 = arith.index_cast %scan3A_170 : i32 to index
        %get3A_315 = arith.constant 112 : index
        %get3A_316 = tpu.vector_load %arg10[%get3A_314, %get3A_315] {strides = array<i32>} : memref<80x128xf32, #tpu.memory_space<vmem>>, vector<16xf32>,
        %mul3A_317 = arith.mulf %bitcast3A_300, %get3A_313 : vector<16xf32>
        %add3A_318 = arith.addf %mul3A_317, %bitcast3A_304 : vector<16xf32>
        %max3A_319 = arith.constant 0.000000e+00 : f32
        %max3A_320 = vector.broadcast %max3A_319 : f32 to vector<16xf32>
        %max3A_321 = arith.maximumf %add3A_318, %max3A_320 : vector<16xf32>
        %swap3A_322 = arith.index_cast %scan3A_170 : i32 to index
        %swap3A_323 = arith.constant 96 : index
        %swap3A_324 = tpu.vector_load %arg10[%swap3A_322, %swap3A_323] {strides = array<i32>} : memref<80x128xf32, #tpu.memory_space<vmem>>, vector<16xf32>,
        tpu.vector_store %arg10[%swap3A_322, %swap3A_323], %max3A_321 {strides = array<i32>} : memref<80x128xf32, #tpu.memory_space<vmem>>, vector<16xf32>,
        %mul3A_325 = arith.mulf %bitcast3A_307, %get3A_316 : vector<16xf32>
        %add3A_326 = arith.addf %mul3A_325, %bitcast3A_310 : vector<16xf32>
        %max3A_327 = arith.constant 0.000000e+00 : f32
        %max3A_328 = vector.broadcast %max3A_327 : f32 to vector<16xf32>
        %max3A_329 = arith.maximumf %add3A_326, %max3A_328 : vector<16xf32>
        %swap3A_330 = arith.index_cast %scan3A_170 : i32 to index
        %swap3A_331 = arith.constant 112 : index
        %swap3A_332 = tpu.vector_load %arg10[%swap3A_330, %swap3A_331] {strides = array<i32>} : memref<80x128xf32, #tpu.memory_space<vmem>>, vector<16xf32>,
        tpu.vector_store %arg10[%swap3A_330, %swap3A_331], %max3A_329 {strides = array<i32>} : memref<80x128xf32, #tpu.memory_space<vmem>>, vector<16xf32>,
      }
      %scan3A_127 = arith.constant 80 : i32
      %scan3A_128 = arith.constant 0 : i32
      %scan3A_129 = arith.constant 0 : i32
      %scan3A_130 = arith.constant 5 : i32
      %scan3A_131 = arith.addi %scan3A_129, %scan3A_130 : i32
      %scan3A_132 = arith.constant 1 : i32
      scf.for %scan3A_170 = %scan3A_129 to %scan3A_131 step %scan3A_132  : i32 {
        %mul3A_171 = arith.constant 16 : i32
        %mul3A_172 = arith.muli %scan3A_170, %mul3A_171 : i32
        %add3A_173 = arith.constant 80 : i32
        %add3A_174 = arith.addi %add3A_173, %mul3A_172 : i32
        %get3A = arith.index_cast %add3A_174 : i32 to index
        %get3A_175 = tpu.vector_load %arg6[%get3A] {strides = array<i32>} : memref<160xi32, #tpu.memory_space<vmem>>, vector<16xi32>,
        %sub3A = vector.broadcast %mul3A_39 : i32 to vector<16xi32>
        %sub3A_176 = arith.subi %get3A_175, %sub3A : vector<16xi32>
        %mul3A_177 = arith.constant 16 : i32
        %mul3A_178 = arith.muli %scan3A_170, %mul3A_177 : i32
        %swap3A = arith.index_cast %mul3A_178 : i32 to index
        %swap3A_179 = tpu.vector_load %arg8[%swap3A] {strides = array<i32>} : memref<80xi32, #tpu.memory_space<vmem>>, vector<16xi32>,
        tpu.vector_store %arg8[%swap3A], %sub3A_176 {strides = array<i32>} : memref<80xi32, #tpu.memory_space<vmem>>, vector<16xi32>,
      }
      %scan3A_133 = arith.constant 5 : i32
      %dma_start3A_134 = arith.constant 0 : i32
      %dma_start3A_135 = arith.constant 0 : i32
      %dma_start3A_136 = tpu.memref_slice %arg14[%dma_start3A_134, %dma_start3A_135] : memref<10112x128xf32, #tpu.memory_space<vmem_shared>> -> memref<10112x128xf32, #tpu.memory_space<vmem_shared>>
      tpu.enqueue_indirect_dma source(%arg10 : memref<80x128xf32, #tpu.memory_space<vmem>>) target(%dma_start3A_136 : memref<10112x128xf32, #tpu.memory_space<vmem_shared>>) offsets(%arg8 : memref<80xi32, #tpu.memory_space<vmem>>) semaphore(%arg19 : memref<!tpu.dma_semaphore, #tpu.memory_space<semaphore_mem>>) {add = true}
      %add3A_137 = arith.constant 2 : i32
      %add3A_138 = arith.addi %mul3A_84, %add3A_137 : i32
      %lt3A = arith.constant 250 : i32
      %lt3A_139 = arith.cmpi slt, %add3A_138, %lt3A : i32
      %convert_element_type3A_140 = arith.extui %lt3A_139 : i1 to i32
      %cond3A_141 = arith.constant 0 : i32
      %cond3A_142 = arith.cmpi ne, %convert_element_type3A_140, %cond3A_141 : i32
      scf.if %cond3A_142 {
        %add3A_170 = arith.constant 2 : i32
        %add3A_171 = arith.addi %mul3A_84, %add3A_170 : i32
        %mul3A_172 = arith.constant 80 : i32
        %mul3A_173 = arith.muli %add3A_171, %mul3A_172 : i32
        %add3A_174 = arith.addi %mul3A_37, %mul3A_173 : i32
        %mul3A_175 = arith.constant 2 : i32
        %mul3A_176 = arith.muli %mul3A_175, %add3A_174 : i32
        "tpu.region"() ({
          %run_scoped3A = tpu.sem_alloc : memref<!tpu.dma_semaphore, #tpu.memory_space<semaphore_mem>>
          %dma_start3A_199 = tpu.memref_slice %arg2[%mul3A_176] : memref<640000xi32, #tpu.memory_space<hbm>> -> memref<160xi32, #tpu.memory_space<hbm>>
          %dma_start3A_200 = tpu.memref_slice %arg2[%mul3A_176] : memref<640000xi32, #tpu.memory_space<hbm>> -> memref<160xi32, #tpu.memory_space<hbm>>
          tpu.enqueue_dma source(%dma_start3A_200 : memref<160xi32, #tpu.memory_space<hbm>>) target(%arg6 : memref<160xi32, #tpu.memory_space<vmem>>) target_semaphore(%run_scoped3A : memref<!tpu.dma_semaphore, #tpu.memory_space<semaphore_mem>>)
          %dma_wait3A_201 = tpu.memref_slice %arg2[%mul3A_176] : memref<640000xi32, #tpu.memory_space<hbm>> -> memref<160xi32, #tpu.memory_space<hbm>>
          %dma_wait3A_202 = tpu.memref_slice %arg2[%mul3A_176] : memref<640000xi32, #tpu.memory_space<hbm>> -> memref<160xi32, #tpu.memory_space<hbm>>
          tpu.wait_dma2 semaphore(%run_scoped3A : memref<!tpu.dma_semaphore, #tpu.memory_space<semaphore_mem>>) src(%dma_wait3A_202 : memref<160xi32, #tpu.memory_space<hbm>>) dst(%arg6 : memref<160xi32, #tpu.memory_space<vmem>>)
          tpu.yield
        }) : () -> ()
        %scan3A_177 = arith.constant 0 : i32
        %scan3A_178 = arith.constant 0 : i32
        %scan3A_179 = arith.constant 10 : i32
        %scan3A_180 = arith.addi %scan3A_178, %scan3A_179 : i32
        %scan3A_181 = arith.constant 1 : i32
        scf.for %scan3A_199 = %scan3A_178 to %scan3A_180 step %scan3A_181  : i32 {
          %mul3A_200 = arith.constant 16 : i32
          %mul3A_201 = arith.muli %scan3A_199, %mul3A_200 : i32
          %get3A = arith.index_cast %mul3A_201 : i32 to index
          %get3A_202 = tpu.vector_load %arg6[%get3A] {strides = array<i32>} : memref<160xi32, #tpu.memory_space<vmem>>, vector<16xi32>,
          %add3A_203 = vector.broadcast %mul3A_39 : i32 to vector<16xi32>
          %add3A_204 = arith.addi %get3A_202, %add3A_203 : vector<16xi32>
          %mul3A_205 = arith.constant 16 : i32
          %mul3A_206 = arith.muli %scan3A_199, %mul3A_205 : i32
          %swap3A = arith.index_cast %mul3A_206 : i32 to index
          %swap3A_207 = tpu.vector_load %arg6[%swap3A] {strides = array<i32>} : memref<160xi32, #tpu.memory_space<vmem>>, vector<16xi32>,
          tpu.vector_store %arg6[%swap3A], %add3A_204 {strides = array<i32>} : memref<160xi32, #tpu.memory_space<vmem>>, vector<16xi32>,
        }
        %scan3A_182 = arith.constant 10 : i32
        %dma_wait3A_183 = arith.constant 0 : i32
        %dma_wait3A_184 = arith.constant 0 : i32
        %dma_wait3A_185 = tpu.memref_slice %arg14[%dma_wait3A_183, %dma_wait3A_184] : memref<10112x128xf32, #tpu.memory_space<vmem_shared>> -> memref<80x128xf32, #tpu.memory_space<vmem_shared>>
        %dma_wait3A_186 = arith.constant 0 : i32
        %dma_wait3A_187 = arith.constant 0 : i32
        %dma_wait3A_188 = tpu.memref_slice %arg14[%dma_wait3A_186, %dma_wait3A_187] : memref<10112x128xf32, #tpu.memory_space<vmem_shared>> -> memref<80x128xf32, #tpu.memory_space<vmem_shared>>
        tpu.wait_dma2 semaphore(%arg19 : memref<!tpu.dma_semaphore, #tpu.memory_space<semaphore_mem>>) src(%arg10 : memref<80x128xf32, #tpu.memory_space<vmem>>) dst(%dma_wait3A_188 : memref<80x128xf32, #tpu.memory_space<vmem_shared>>)
        %dma_start3A_189 = arith.constant 0 : i32
        %dma_start3A_190 = tpu.memref_slice %arg6[%dma_start3A_189] : memref<160xi32, #tpu.memory_space<vmem>> -> memref<80xi32, #tpu.memory_space<vmem>>
        %dma_start3A_191 = arith.constant 0 : i32
        %dma_start3A_192 = arith.constant 0 : i32
        %dma_start3A_193 = tpu.memref_slice %arg3[%dma_start3A_191, %dma_start3A_192] : memref<20480x128xf32, #tpu.memory_space<hbm>> -> memref<20480x128xf32, #tpu.memory_space<hbm>>
        tpu.enqueue_indirect_dma source(%dma_start3A_193 : memref<20480x128xf32, #tpu.memory_space<hbm>>) target(%arg10 : memref<80x128xf32, #tpu.memory_space<vmem>>) offsets(%dma_start3A_190 : memref<80xi32, #tpu.memory_space<vmem>>) semaphore(%arg15 : memref<!tpu.dma_semaphore, #tpu.memory_space<semaphore_mem>>)
        %dma_start3A_194 = arith.constant 80 : i32
        %dma_start3A_195 = tpu.memref_slice %arg6[%dma_start3A_194] : memref<160xi32, #tpu.memory_space<vmem>> -> memref<80xi32, #tpu.memory_space<vmem>>
        %dma_start3A_196 = arith.constant 0 : i32
        %dma_start3A_197 = arith.constant 0 : i32
        %dma_start3A_198 = tpu.memref_slice %arg4[%dma_start3A_196, %dma_start3A_197] : memref<20480x128xi32, #tpu.memory_space<hbm>> -> memref<20480x128xi32, #tpu.memory_space<hbm>>
        tpu.enqueue_indirect_dma source(%dma_start3A_198 : memref<20480x128xi32, #tpu.memory_space<hbm>>) target(%arg11 : memref<80x128xi32, #tpu.memory_space<vmem>>) offsets(%dma_start3A_195 : memref<80xi32, #tpu.memory_space<vmem>>) semaphore(%arg16 : memref<!tpu.dma_semaphore, #tpu.memory_space<semaphore_mem>>)
      } else {
      }
      %dma_wait3A_143 = arith.constant 0 : i32
      %dma_wait3A_144 = arith.constant 0 : i32
      %dma_wait3A_145 = tpu.memref_slice %arg3[%dma_wait3A_143, %dma_wait3A_144] : memref<20480x128xf32, #tpu.memory_space<hbm>> -> memref<80x128xf32, #tpu.memory_space<hbm>>
      %dma_wait3A_146 = arith.constant 0 : i32
      %dma_wait3A_147 = arith.constant 0 : i32
      %dma_wait3A_148 = tpu.memref_slice %arg3[%dma_wait3A_146, %dma_wait3A_147] : memref<20480x128xf32, #tpu.memory_space<hbm>> -> memref<80x128xf32, #tpu.memory_space<hbm>>
      tpu.wait_dma2 semaphore(%arg17 : memref<!tpu.dma_semaphore, #tpu.memory_space<semaphore_mem>>) src(%dma_wait3A_148 : memref<80x128xf32, #tpu.memory_space<hbm>>) dst(%arg12 : memref<80x128xf32, #tpu.memory_space<vmem>>)
      %dma_wait3A_149 = arith.constant 0 : i32
      %dma_wait3A_150 = arith.constant 0 : i32
      %dma_wait3A_151 = tpu.memref_slice %arg4[%dma_wait3A_149, %dma_wait3A_150] : memref<20480x128xi32, #tpu.memory_space<hbm>> -> memref<80x128xi32, #tpu.memory_space<hbm>>
      %dma_wait3A_152 = arith.constant 0 : i32
      %dma_wait3A_153 = arith.constant 0 : i32
      %dma_wait3A_154 = tpu.memref_slice %arg4[%dma_wait3A_152, %dma_wait3A_153] : memref<20480x128xi32, #tpu.memory_space<hbm>> -> memref<80x128xi32, #tpu.memory_space<hbm>>
      tpu.wait_dma2 semaphore(%arg18 : memref<!tpu.dma_semaphore, #tpu.memory_space<semaphore_mem>>) src(%dma_wait3A_154 : memref<80x128xi32, #tpu.memory_space<hbm>>) dst(%arg13 : memref<80x128xi32, #tpu.memory_space<vmem>>)
      %scan3A_155 = arith.constant 0 : i32
      %scan3A_156 = arith.constant 0 : i32
      %scan3A_157 = arith.constant 80 : i32
      %scan3A_158 = arith.addi %scan3A_156, %scan3A_157 : i32
      %scan3A_159 = arith.constant 1 : i32
      scf.for %scan3A_170 = %scan3A_156 to %scan3A_158 step %scan3A_159  : i32 {
        %get3A = arith.index_cast %scan3A_170 : i32 to index
        %get3A_171 = arith.constant 0 : index
        %get3A_172 = tpu.vector_load %arg13[%get3A, %get3A_171] {strides = array<i32>} : memref<80x128xi32, #tpu.memory_space<vmem>>, vector<16xi32>,
        %get3A_173 = arith.index_cast %scan3A_170 : i32 to index
        %get3A_174 = arith.constant 64 : index
        %get3A_175 = tpu.vector_load %arg13[%get3A_173, %get3A_174] {strides = array<i32>} : memref<80x128xi32, #tpu.memory_space<vmem>>, vector<16xi32>,
        %shift_left3A = arith.constant 16 : i32
        %shift_left3A_176 = vector.broadcast %shift_left3A : i32 to vector<16xi32>
        %shift_left3A_177 = arith.shli %get3A_172, %shift_left3A_176 : vector<16xi32>
        %bitcast3A = vector.bitcast %shift_left3A_177 : vector<16xi32> to vector<16xf32>
        %shift_left3A_178 = arith.constant 16 : i32
        %shift_left3A_179 = vector.broadcast %shift_left3A_178 : i32 to vector<16xi32>
        %shift_left3A_180 = arith.shli %get3A_175, %shift_left3A_179 : vector<16xi32>
        %bitcast3A_181 = vector.bitcast %shift_left3A_180 : vector<16xi32> to vector<16xf32>
        %and3A = vector.broadcast %scan3A_60 : i32 to vector<16xi32>
        %and3A_182 = arith.andi %get3A_172, %and3A : vector<16xi32>
        %bitcast3A_183 = vector.bitcast %and3A_182 : vector<16xi32> to vector<16xf32>
        %and3A_184 = vector.broadcast %scan3A_60 : i32 to vector<16xi32>
        %and3A_185 = arith.andi %get3A_175, %and3A_184 : vector<16xi32>
        %bitcast3A_186 = vector.bitcast %and3A_185 : vector<16xi32> to vector<16xf32>
        %get3A_187 = arith.index_cast %scan3A_170 : i32 to index
        %get3A_188 = arith.constant 0 : index
        %get3A_189 = tpu.vector_load %arg12[%get3A_187, %get3A_188] {strides = array<i32>} : memref<80x128xf32, #tpu.memory_space<vmem>>, vector<16xf32>,
        %get3A_190 = arith.index_cast %scan3A_170 : i32 to index
        %get3A_191 = arith.constant 16 : index
        %get3A_192 = tpu.vector_load %arg12[%get3A_190, %get3A_191] {strides = array<i32>} : memref<80x128xf32, #tpu.memory_space<vmem>>, vector<16xf32>,
        %mul3A_193 = arith.mulf %bitcast3A, %get3A_189 : vector<16xf32>
        %add3A_194 = arith.addf %mul3A_193, %bitcast3A_181 : vector<16xf32>
        %max3A = arith.constant 0.000000e+00 : f32
        %max3A_195 = vector.broadcast %max3A : f32 to vector<16xf32>
        %max3A_196 = arith.maximumf %add3A_194, %max3A_195 : vector<16xf32>
        %swap3A = arith.index_cast %scan3A_170 : i32 to index
        %swap3A_197 = arith.constant 0 : index
        %swap3A_198 = tpu.vector_load %arg12[%swap3A, %swap3A_197] {strides = array<i32>} : memref<80x128xf32, #tpu.memory_space<vmem>>, vector<16xf32>,
        tpu.vector_store %arg12[%swap3A, %swap3A_197], %max3A_196 {strides = array<i32>} : memref<80x128xf32, #tpu.memory_space<vmem>>, vector<16xf32>,
        %mul3A_199 = arith.mulf %bitcast3A_183, %get3A_192 : vector<16xf32>
        %add3A_200 = arith.addf %mul3A_199, %bitcast3A_186 : vector<16xf32>
        %max3A_201 = arith.constant 0.000000e+00 : f32
        %max3A_202 = vector.broadcast %max3A_201 : f32 to vector<16xf32>
        %max3A_203 = arith.maximumf %add3A_200, %max3A_202 : vector<16xf32>
        %swap3A_204 = arith.index_cast %scan3A_170 : i32 to index
        %swap3A_205 = arith.constant 16 : index
        %swap3A_206 = tpu.vector_load %arg12[%swap3A_204, %swap3A_205] {strides = array<i32>} : memref<80x128xf32, #tpu.memory_space<vmem>>, vector<16xf32>,
        tpu.vector_store %arg12[%swap3A_204, %swap3A_205], %max3A_203 {strides = array<i32>} : memref<80x128xf32, #tpu.memory_space<vmem>>, vector<16xf32>,
        %get3A_207 = arith.index_cast %scan3A_170 : i32 to index
        %get3A_208 = arith.constant 16 : index
        %get3A_209 = tpu.vector_load %arg13[%get3A_207, %get3A_208] {strides = array<i32>} : memref<80x128xi32, #tpu.memory_space<vmem>>, vector<16xi32>,
        %get3A_210 = arith.index_cast %scan3A_170 : i32 to index
        %get3A_211 = arith.constant 80 : index
        %get3A_212 = tpu.vector_load %arg13[%get3A_210, %get3A_211] {strides = array<i32>} : memref<80x128xi32, #tpu.memory_space<vmem>>, vector<16xi32>,
        %shift_left3A_213 = arith.constant 16 : i32
        %shift_left3A_214 = vector.broadcast %shift_left3A_213 : i32 to vector<16xi32>
        %shift_left3A_215 = arith.shli %get3A_209, %shift_left3A_214 : vector<16xi32>
        %bitcast3A_216 = vector.bitcast %shift_left3A_215 : vector<16xi32> to vector<16xf32>
        %shift_left3A_217 = arith.constant 16 : i32
        %shift_left3A_218 = vector.broadcast %shift_left3A_217 : i32 to vector<16xi32>
        %shift_left3A_219 = arith.shli %get3A_212, %shift_left3A_218 : vector<16xi32>
        %bitcast3A_220 = vector.bitcast %shift_left3A_219 : vector<16xi32> to vector<16xf32>
        %and3A_221 = vector.broadcast %scan3A_60 : i32 to vector<16xi32>
        %and3A_222 = arith.andi %get3A_209, %and3A_221 : vector<16xi32>
        %bitcast3A_223 = vector.bitcast %and3A_222 : vector<16xi32> to vector<16xf32>
        %and3A_224 = vector.broadcast %scan3A_60 : i32 to vector<16xi32>
        %and3A_225 = arith.andi %get3A_212, %and3A_224 : vector<16xi32>
        %bitcast3A_226 = vector.bitcast %and3A_225 : vector<16xi32> to vector<16xf32>
        %get3A_227 = arith.index_cast %scan3A_170 : i32 to index
        %get3A_228 = arith.constant 32 : index
        %get3A_229 = tpu.vector_load %arg12[%get3A_227, %get3A_228] {strides = array<i32>} : memref<80x128xf32, #tpu.memory_space<vmem>>, vector<16xf32>,
        %get3A_230 = arith.index_cast %scan3A_170 : i32 to index
        %get3A_231 = arith.constant 48 : index
        %get3A_232 = tpu.vector_load %arg12[%get3A_230, %get3A_231] {strides = array<i32>} : memref<80x128xf32, #tpu.memory_space<vmem>>, vector<16xf32>,
        %mul3A_233 = arith.mulf %bitcast3A_216, %get3A_229 : vector<16xf32>
        %add3A_234 = arith.addf %mul3A_233, %bitcast3A_220 : vector<16xf32>
        %max3A_235 = arith.constant 0.000000e+00 : f32
        %max3A_236 = vector.broadcast %max3A_235 : f32 to vector<16xf32>
        %max3A_237 = arith.maximumf %add3A_234, %max3A_236 : vector<16xf32>
        %swap3A_238 = arith.index_cast %scan3A_170 : i32 to index
        %swap3A_239 = arith.constant 32 : index
        %swap3A_240 = tpu.vector_load %arg12[%swap3A_238, %swap3A_239] {strides = array<i32>} : memref<80x128xf32, #tpu.memory_space<vmem>>, vector<16xf32>,
        tpu.vector_store %arg12[%swap3A_238, %swap3A_239], %max3A_237 {strides = array<i32>} : memref<80x128xf32, #tpu.memory_space<vmem>>, vector<16xf32>,
        %mul3A_241 = arith.mulf %bitcast3A_223, %get3A_232 : vector<16xf32>
        %add3A_242 = arith.addf %mul3A_241, %bitcast3A_226 : vector<16xf32>
        %max3A_243 = arith.constant 0.000000e+00 : f32
        %max3A_244 = vector.broadcast %max3A_243 : f32 to vector<16xf32>
        %max3A_245 = arith.maximumf %add3A_242, %max3A_244 : vector<16xf32>
        %swap3A_246 = arith.index_cast %scan3A_170 : i32 to index
        %swap3A_247 = arith.constant 48 : index
        %swap3A_248 = tpu.vector_load %arg12[%swap3A_246, %swap3A_247] {strides = array<i32>} : memref<80x128xf32, #tpu.memory_space<vmem>>, vector<16xf32>,
        tpu.vector_store %arg12[%swap3A_246, %swap3A_247], %max3A_245 {strides = array<i32>} : memref<80x128xf32, #tpu.memory_space<vmem>>, vector<16xf32>,
        %get3A_249 = arith.index_cast %scan3A_170 : i32 to index
        %get3A_250 = arith.constant 32 : index
        %get3A_251 = tpu.vector_load %arg13[%get3A_249, %get3A_250] {strides = array<i32>} : memref<80x128xi32, #tpu.memory_space<vmem>>, vector<16xi32>,
        %get3A_252 = arith.index_cast %scan3A_170 : i32 to index
        %get3A_253 = arith.constant 96 : index
        %get3A_254 = tpu.vector_load %arg13[%get3A_252, %get3A_253] {strides = array<i32>} : memref<80x128xi32, #tpu.memory_space<vmem>>, vector<16xi32>,
        %shift_left3A_255 = arith.constant 16 : i32
        %shift_left3A_256 = vector.broadcast %shift_left3A_255 : i32 to vector<16xi32>
        %shift_left3A_257 = arith.shli %get3A_251, %shift_left3A_256 : vector<16xi32>
        %bitcast3A_258 = vector.bitcast %shift_left3A_257 : vector<16xi32> to vector<16xf32>
        %shift_left3A_259 = arith.constant 16 : i32
        %shift_left3A_260 = vector.broadcast %shift_left3A_259 : i32 to vector<16xi32>
        %shift_left3A_261 = arith.shli %get3A_254, %shift_left3A_260 : vector<16xi32>
        %bitcast3A_262 = vector.bitcast %shift_left3A_261 : vector<16xi32> to vector<16xf32>
        %and3A_263 = vector.broadcast %scan3A_60 : i32 to vector<16xi32>
        %and3A_264 = arith.andi %get3A_251, %and3A_263 : vector<16xi32>
        %bitcast3A_265 = vector.bitcast %and3A_264 : vector<16xi32> to vector<16xf32>
        %and3A_266 = vector.broadcast %scan3A_60 : i32 to vector<16xi32>
        %and3A_267 = arith.andi %get3A_254, %and3A_266 : vector<16xi32>
        %bitcast3A_268 = vector.bitcast %and3A_267 : vector<16xi32> to vector<16xf32>
        %get3A_269 = arith.index_cast %scan3A_170 : i32 to index
        %get3A_270 = arith.constant 64 : index
        %get3A_271 = tpu.vector_load %arg12[%get3A_269, %get3A_270] {strides = array<i32>} : memref<80x128xf32, #tpu.memory_space<vmem>>, vector<16xf32>,
        %get3A_272 = arith.index_cast %scan3A_170 : i32 to index
        %get3A_273 = arith.constant 80 : index
        %get3A_274 = tpu.vector_load %arg12[%get3A_272, %get3A_273] {strides = array<i32>} : memref<80x128xf32, #tpu.memory_space<vmem>>, vector<16xf32>,
        %mul3A_275 = arith.mulf %bitcast3A_258, %get3A_271 : vector<16xf32>
        %add3A_276 = arith.addf %mul3A_275, %bitcast3A_262 : vector<16xf32>
        %max3A_277 = arith.constant 0.000000e+00 : f32
        %max3A_278 = vector.broadcast %max3A_277 : f32 to vector<16xf32>
        %max3A_279 = arith.maximumf %add3A_276, %max3A_278 : vector<16xf32>
        %swap3A_280 = arith.index_cast %scan3A_170 : i32 to index
        %swap3A_281 = arith.constant 64 : index
        %swap3A_282 = tpu.vector_load %arg12[%swap3A_280, %swap3A_281] {strides = array<i32>} : memref<80x128xf32, #tpu.memory_space<vmem>>, vector<16xf32>,
        tpu.vector_store %arg12[%swap3A_280, %swap3A_281], %max3A_279 {strides = array<i32>} : memref<80x128xf32, #tpu.memory_space<vmem>>, vector<16xf32>,
        %mul3A_283 = arith.mulf %bitcast3A_265, %get3A_274 : vector<16xf32>
        %add3A_284 = arith.addf %mul3A_283, %bitcast3A_268 : vector<16xf32>
        %max3A_285 = arith.constant 0.000000e+00 : f32
        %max3A_286 = vector.broadcast %max3A_285 : f32 to vector<16xf32>
        %max3A_287 = arith.maximumf %add3A_284, %max3A_286 : vector<16xf32>
        %swap3A_288 = arith.index_cast %scan3A_170 : i32 to index
        %swap3A_289 = arith.constant 80 : index
        %swap3A_290 = tpu.vector_load %arg12[%swap3A_288, %swap3A_289] {strides = array<i32>} : memref<80x128xf32, #tpu.memory_space<vmem>>, vector<16xf32>,
        tpu.vector_store %arg12[%swap3A_288, %swap3A_289], %max3A_287 {strides = array<i32>} : memref<80x128xf32, #tpu.memory_space<vmem>>, vector<16xf32>,
        %get3A_291 = arith.index_cast %scan3A_170 : i32 to index
        %get3A_292 = arith.constant 48 : index
        %get3A_293 = tpu.vector_load %arg13[%get3A_291, %get3A_292] {strides = array<i32>} : memref<80x128xi32, #tpu.memory_space<vmem>>, vector<16xi32>,
        %get3A_294 = arith.index_cast %scan3A_170 : i32 to index
        %get3A_295 = arith.constant 112 : index
        %get3A_296 = tpu.vector_load %arg13[%get3A_294, %get3A_295] {strides = array<i32>} : memref<80x128xi32, #tpu.memory_space<vmem>>, vector<16xi32>,
        %shift_left3A_297 = arith.constant 16 : i32
        %shift_left3A_298 = vector.broadcast %shift_left3A_297 : i32 to vector<16xi32>
        %shift_left3A_299 = arith.shli %get3A_293, %shift_left3A_298 : vector<16xi32>
        %bitcast3A_300 = vector.bitcast %shift_left3A_299 : vector<16xi32> to vector<16xf32>
        %shift_left3A_301 = arith.constant 16 : i32
        %shift_left3A_302 = vector.broadcast %shift_left3A_301 : i32 to vector<16xi32>
        %shift_left3A_303 = arith.shli %get3A_296, %shift_left3A_302 : vector<16xi32>
        %bitcast3A_304 = vector.bitcast %shift_left3A_303 : vector<16xi32> to vector<16xf32>
        %and3A_305 = vector.broadcast %scan3A_60 : i32 to vector<16xi32>
        %and3A_306 = arith.andi %get3A_293, %and3A_305 : vector<16xi32>
        %bitcast3A_307 = vector.bitcast %and3A_306 : vector<16xi32> to vector<16xf32>
        %and3A_308 = vector.broadcast %scan3A_60 : i32 to vector<16xi32>
        %and3A_309 = arith.andi %get3A_296, %and3A_308 : vector<16xi32>
        %bitcast3A_310 = vector.bitcast %and3A_309 : vector<16xi32> to vector<16xf32>
        %get3A_311 = arith.index_cast %scan3A_170 : i32 to index
        %get3A_312 = arith.constant 96 : index
        %get3A_313 = tpu.vector_load %arg12[%get3A_311, %get3A_312] {strides = array<i32>} : memref<80x128xf32, #tpu.memory_space<vmem>>, vector<16xf32>,
        %get3A_314 = arith.index_cast %scan3A_170 : i32 to index
        %get3A_315 = arith.constant 112 : index
        %get3A_316 = tpu.vector_load %arg12[%get3A_314, %get3A_315] {strides = array<i32>} : memref<80x128xf32, #tpu.memory_space<vmem>>, vector<16xf32>,
        %mul3A_317 = arith.mulf %bitcast3A_300, %get3A_313 : vector<16xf32>
        %add3A_318 = arith.addf %mul3A_317, %bitcast3A_304 : vector<16xf32>
        %max3A_319 = arith.constant 0.000000e+00 : f32
        %max3A_320 = vector.broadcast %max3A_319 : f32 to vector<16xf32>
        %max3A_321 = arith.maximumf %add3A_318, %max3A_320 : vector<16xf32>
        %swap3A_322 = arith.index_cast %scan3A_170 : i32 to index
        %swap3A_323 = arith.constant 96 : index
        %swap3A_324 = tpu.vector_load %arg12[%swap3A_322, %swap3A_323] {strides = array<i32>} : memref<80x128xf32, #tpu.memory_space<vmem>>, vector<16xf32>,
        tpu.vector_store %arg12[%swap3A_322, %swap3A_323], %max3A_321 {strides = array<i32>} : memref<80x128xf32, #tpu.memory_space<vmem>>, vector<16xf32>,
        %mul3A_325 = arith.mulf %bitcast3A_307, %get3A_316 : vector<16xf32>
        %add3A_326 = arith.addf %mul3A_325, %bitcast3A_310 : vector<16xf32>
        %max3A_327 = arith.constant 0.000000e+00 : f32
        %max3A_328 = vector.broadcast %max3A_327 : f32 to vector<16xf32>
        %max3A_329 = arith.maximumf %add3A_326, %max3A_328 : vector<16xf32>
        %swap3A_330 = arith.index_cast %scan3A_170 : i32 to index
        %swap3A_331 = arith.constant 112 : index
        %swap3A_332 = tpu.vector_load %arg12[%swap3A_330, %swap3A_331] {strides = array<i32>} : memref<80x128xf32, #tpu.memory_space<vmem>>, vector<16xf32>,
        tpu.vector_store %arg12[%swap3A_330, %swap3A_331], %max3A_329 {strides = array<i32>} : memref<80x128xf32, #tpu.memory_space<vmem>>, vector<16xf32>,
      }
      %scan3A_160 = arith.constant 80 : i32
      %scan3A_161 = arith.constant 0 : i32
      %scan3A_162 = arith.constant 0 : i32
      %scan3A_163 = arith.constant 5 : i32
      %scan3A_164 = arith.addi %scan3A_162, %scan3A_163 : i32
      %scan3A_165 = arith.constant 1 : i32
      scf.for %scan3A_170 = %scan3A_162 to %scan3A_164 step %scan3A_165  : i32 {
        %mul3A_171 = arith.constant 16 : i32
        %mul3A_172 = arith.muli %scan3A_170, %mul3A_171 : i32
        %add3A_173 = arith.constant 80 : i32
        %add3A_174 = arith.addi %add3A_173, %mul3A_172 : i32
        %get3A = arith.index_cast %add3A_174 : i32 to index
        %get3A_175 = tpu.vector_load %arg7[%get3A] {strides = array<i32>} : memref<160xi32, #tpu.memory_space<vmem>>, vector<16xi32>,
        %sub3A = vector.broadcast %mul3A_39 : i32 to vector<16xi32>
        %sub3A_176 = arith.subi %get3A_175, %sub3A : vector<16xi32>
        %mul3A_177 = arith.constant 16 : i32
        %mul3A_178 = arith.muli %scan3A_170, %mul3A_177 : i32
        %swap3A = arith.index_cast %mul3A_178 : i32 to index
        %swap3A_179 = tpu.vector_load %arg9[%swap3A] {strides = array<i32>} : memref<80xi32, #tpu.memory_space<vmem>>, vector<16xi32>,
        tpu.vector_store %arg9[%swap3A], %sub3A_176 {strides = array<i32>} : memref<80xi32, #tpu.memory_space<vmem>>, vector<16xi32>,
      }
      %scan3A_166 = arith.constant 5 : i32
      %dma_start3A_167 = arith.constant 0 : i32
      %dma_start3A_168 = arith.constant 0 : i32
      %dma_start3A_169 = tpu.memref_slice %arg14[%dma_start3A_167, %dma_start3A_168] : memref<10112x128xf32, #tpu.memory_space<vmem_shared>> -> memref<10112x128xf32, #tpu.memory_space<vmem_shared>>
      tpu.enqueue_indirect_dma source(%arg12 : memref<80x128xf32, #tpu.memory_space<vmem>>) target(%dma_start3A_169 : memref<10112x128xf32, #tpu.memory_space<vmem_shared>>) offsets(%arg9 : memref<80xi32, #tpu.memory_space<vmem>>) semaphore(%arg20 : memref<!tpu.dma_semaphore, #tpu.memory_space<semaphore_mem>>) {add = true}
    }
    %scan3A_65 = arith.constant 125 : i32
    %dma_wait3A = arith.constant 0 : i32
    %dma_wait3A_66 = arith.constant 0 : i32
    %dma_wait3A_67 = tpu.memref_slice %arg14[%dma_wait3A, %dma_wait3A_66] : memref<10112x128xf32, #tpu.memory_space<vmem_shared>> -> memref<80x128xf32, #tpu.memory_space<vmem_shared>>
    %dma_wait3A_68 = arith.constant 0 : i32
    %dma_wait3A_69 = arith.constant 0 : i32
    %dma_wait3A_70 = tpu.memref_slice %arg14[%dma_wait3A_68, %dma_wait3A_69] : memref<10112x128xf32, #tpu.memory_space<vmem_shared>> -> memref<80x128xf32, #tpu.memory_space<vmem_shared>>
    tpu.wait_dma2 semaphore(%arg19 : memref<!tpu.dma_semaphore, #tpu.memory_space<semaphore_mem>>) src(%arg10 : memref<80x128xf32, #tpu.memory_space<vmem>>) dst(%dma_wait3A_70 : memref<80x128xf32, #tpu.memory_space<vmem_shared>>)
    %dma_wait3A_71 = arith.constant 0 : i32
    %dma_wait3A_72 = arith.constant 0 : i32
    %dma_wait3A_73 = tpu.memref_slice %arg14[%dma_wait3A_71, %dma_wait3A_72] : memref<10112x128xf32, #tpu.memory_space<vmem_shared>> -> memref<80x128xf32, #tpu.memory_space<vmem_shared>>
    %dma_wait3A_74 = arith.constant 0 : i32
    %dma_wait3A_75 = arith.constant 0 : i32
    %dma_wait3A_76 = tpu.memref_slice %arg14[%dma_wait3A_74, %dma_wait3A_75] : memref<10112x128xf32, #tpu.memory_space<vmem_shared>> -> memref<80x128xf32, #tpu.memory_space<vmem_shared>>
    tpu.wait_dma2 semaphore(%arg20 : memref<!tpu.dma_semaphore, #tpu.memory_space<semaphore_mem>>) src(%arg12 : memref<80x128xf32, #tpu.memory_space<vmem>>) dst(%dma_wait3A_76 : memref<80x128xf32, #tpu.memory_space<vmem_shared>>)
    %barrier3A_77 = arith.constant 0 : index
    tpu.barrier barrier_id(%barrier3A_77)
    %mul3A_78 = arith.constant 632 : i32
    %mul3A_79 = arith.muli %arg1, %mul3A_78 : i32
    %mul3A_80 = arith.constant 632 : i32
    %mul3A_81 = arith.muli %arg1, %mul3A_80 : i32
    "tpu.region"() ({
      %run_scoped3A = tpu.sem_alloc : memref<!tpu.dma_semaphore, #tpu.memory_space<semaphore_mem>>
      %dma_start3A_82 = arith.constant 0 : i32
      %dma_start3A_83 = tpu.memref_slice %arg5[%arg0, %mul3A_81, %dma_start3A_82] : memref<2x10240x128xf32, #tpu.memory_space<hbm>> -> memref<1x632x128xf32, #tpu.memory_space<hbm>>
      %dma_start3A_84 = tpu.memref_squeeze %dma_start3A_83 : memref<1x632x128xf32, #tpu.memory_space<hbm>> -> memref<632x128xf32, #tpu.memory_space<hbm>>
      %dma_start3A_85 = arith.constant 0 : i32
      %dma_start3A_86 = tpu.memref_slice %arg14[%mul3A_79, %dma_start3A_85] : memref<10112x128xf32, #tpu.memory_space<vmem_shared>> -> memref<632x128xf32, #tpu.memory_space<vmem_shared>>
      tpu.enqueue_dma source(%dma_start3A_86 : memref<632x128xf32, #tpu.memory_space<vmem_shared>>) target(%dma_start3A_84 : memref<632x128xf32, #tpu.memory_space<hbm>>) target_semaphore(%run_scoped3A : memref<!tpu.dma_semaphore, #tpu.memory_space<semaphore_mem>>)
      %dma_wait3A_87 = arith.constant 0 : i32
      %dma_wait3A_88 = tpu.memref_slice %arg5[%arg0, %mul3A_81, %dma_wait3A_87] : memref<2x10240x128xf32, #tpu.memory_space<hbm>> -> memref<1x632x128xf32, #tpu.memory_space<hbm>>
      %dma_wait3A_89 = tpu.memref_squeeze %dma_wait3A_88 : memref<1x632x128xf32, #tpu.memory_space<hbm>> -> memref<632x128xf32, #tpu.memory_space<hbm>>
      %dma_wait3A_90 = arith.constant 0 : i32
      %dma_wait3A_91 = tpu.memref_slice %arg14[%mul3A_79, %dma_wait3A_90] : memref<10112x128xf32, #tpu.memory_space<vmem_shared>> -> memref<632x128xf32, #tpu.memory_space<vmem_shared>>
      tpu.wait_dma2 semaphore(%run_scoped3A : memref<!tpu.dma_semaphore, #tpu.memory_space<semaphore_mem>>) src(%dma_wait3A_91 : memref<632x128xf32, #tpu.memory_space<vmem_shared>>) dst(%dma_wait3A_89 : memref<632x128xf32, #tpu.memory_space<hbm>>)
      tpu.yield
    }) : () -> ()
    return
  }
}

module attributes {stable_mosaic.version = 14 : i64} {
  func.func @_tc_pre1_body(%arg0: i32, %arg1: i32, %arg2: memref<512x136xf32, #tpu.memory_space<vmem>>, %arg3: memref<136x128xf32, #tpu.memory_space<vmem>>, %arg4: memref<136x128xf32, #tpu.memory_space<vmem>>, %arg5: memref<136x128xf32, #tpu.memory_space<vmem>>, %arg6: memref<136x128xf32, #tpu.memory_space<vmem>>, %arg7: memref<136x128xf32, #tpu.memory_space<vmem>>, %arg8: memref<136x128xf32, #tpu.memory_space<vmem>>, %arg9: memref<1x512x128xf32, #tpu.memory_space<vmem>>, %arg10: memref<1x512x128xi32, #tpu.memory_space<vmem>>, %arg11: memref<512x128xf32, #tpu.memory_space<vmem>>) attributes {dimension_semantics = [#tpu.dimension_semantics<arbitrary>, #tpu.dimension_semantics<arbitrary>], iteration_bounds = array<i64: 20, 2>, scalar_prefetch = 0 : i64, scratch_operands = 0 : i64, tpu.core_type = #tpu.core_type<tc>, window_params = [{transform_indices = @transform_0, window_bounds = array<i64: 512, 136>}, {transform_indices = @transform_1, window_bounds = array<i64: 136, 128>}, {transform_indices = @transform_2, window_bounds = array<i64: 136, 128>}, {transform_indices = @transform_3, window_bounds = array<i64: 136, 128>}, {transform_indices = @transform_4, window_bounds = array<i64: 136, 128>}, {transform_indices = @transform_5, window_bounds = array<i64: 136, 128>}, {transform_indices = @transform_6, window_bounds = array<i64: 136, 128>}, {transform_indices = @transform_7, window_bounds = array<i64: 1, 512, 128>}, {transform_indices = @transform_8, window_bounds = array<i64: 1, 512, 128>}, {transform_indices = @transform_9, window_bounds = array<i64: 512, 128>}]} {
    %get3A = arith.constant 0 : index
    %get3A_0 = arith.constant 0 : index
    %get3A_1 = vector.load %arg2[%get3A, %get3A_0] : memref<512x136xf32, #tpu.memory_space<vmem>>, vector<512x136xf32>
    %get3A_2 = arith.constant 0 : index
    %get3A_3 = arith.constant 0 : index
    %get3A_4 = vector.load %arg3[%get3A_2, %get3A_3] : memref<136x128xf32, #tpu.memory_space<vmem>>, vector<136x128xf32>
    %dot_general3A = arith.constant dense<0.000000e+00> : vector<512x128xf32>
    %dot_general3A_5 = tpu.matmul %get3A_1, %get3A_4, %dot_general3A {dimension_numbers = #tpu.dot_dimension_numbers<[1], [0], [0], [1], [0, 0, 1, 1], [], []>, transpose_lhs_hint = false} : vector<512x136xf32>, vector<136x128xf32>, vector<512x128xf32> -> vector<512x128xf32>
    %swap3A = arith.constant 0 : index
    %swap3A_6 = arith.constant 0 : index
    %swap3A_7 = arith.constant 0 : index
    %swap3A_8 = vector.load %arg9[%swap3A, %swap3A_6, %swap3A_7] : memref<1x512x128xf32, #tpu.memory_space<vmem>>, vector<1x512x128xf32>
    %swap3A_9 = vector.shape_cast %swap3A_8 : vector<1x512x128xf32> to vector<512x128xf32>
    %swap3A_10 = vector.shape_cast %dot_general3A_5 : vector<512x128xf32> to vector<1x512x128xf32>
    tpu.vector_store %arg9[%swap3A, %swap3A_6, %swap3A_7], %swap3A_10 {strides = array<i32>} : memref<1x512x128xf32, #tpu.memory_space<vmem>>, vector<1x512x128xf32>,
    %get3A_11 = arith.constant 0 : index
    %get3A_12 = arith.constant 0 : index
    %get3A_13 = vector.load %arg4[%get3A_11, %get3A_12] : memref<136x128xf32, #tpu.memory_space<vmem>>, vector<136x128xf32>
    %dot_general3A_14 = arith.constant dense<0.000000e+00> : vector<512x128xf32>
    %dot_general3A_15 = tpu.matmul %get3A_1, %get3A_13, %dot_general3A_14 {dimension_numbers = #tpu.dot_dimension_numbers<[1], [0], [0], [1], [0, 0, 1, 1], [], []>, transpose_lhs_hint = false} : vector<512x136xf32>, vector<136x128xf32>, vector<512x128xf32> -> vector<512x128xf32>
    %get3A_16 = arith.constant 0 : index
    %get3A_17 = arith.constant 0 : index
    %get3A_18 = vector.load %arg5[%get3A_16, %get3A_17] : memref<136x128xf32, #tpu.memory_space<vmem>>, vector<136x128xf32>
    %dot_general3A_19 = arith.constant dense<0.000000e+00> : vector<512x128xf32>
    %dot_general3A_20 = tpu.matmul %get3A_1, %get3A_18, %dot_general3A_19 {dimension_numbers = #tpu.dot_dimension_numbers<[1], [0], [0], [1], [0, 0, 1, 1], [], []>, transpose_lhs_hint = false} : vector<512x136xf32>, vector<136x128xf32>, vector<512x128xf32> -> vector<512x128xf32>
    %slice3A = vector.extract_strided_slice %dot_general3A_20 {offsets = [0, 0], sizes = [512, 64], strides = [1, 1]} : vector<512x128xf32> to vector<512x64xf32>
    %slice3A_21 = vector.extract_strided_slice %dot_general3A_20 {offsets = [0, 64], sizes = [512, 64], strides = [1, 1]} : vector<512x128xf32> to vector<512x64xf32>
    %bitcast_convert_type3A = tpu.bitcast %slice3A : vector<512x64xf32> -> vector<512x64xi32>
    %bitcast_convert_type3A_22 = tpu.bitcast %slice3A_21 : vector<512x64xf32> -> vector<512x64xi32>
    %add3A = arith.constant 32767 : i32
    %add3A_23 = vector.broadcast %add3A : i32 to vector<512x64xi32>
    %add3A_24 = arith.addi %bitcast_convert_type3A, %add3A_23 : vector<512x64xi32>
    %shift_right_logical3A = arith.constant 16 : i32
    %shift_right_logical3A_25 = vector.broadcast %shift_right_logical3A : i32 to vector<512x64xi32>
    %shift_right_logical3A_26 = arith.shrui %bitcast_convert_type3A, %shift_right_logical3A_25 : vector<512x64xi32>
    %and3A = arith.constant 1 : i32
    %and3A_27 = vector.broadcast %and3A : i32 to vector<512x64xi32>
    %and3A_28 = arith.andi %shift_right_logical3A_26, %and3A_27 : vector<512x64xi32>
    %add3A_29 = arith.addi %add3A_24, %and3A_28 : vector<512x64xi32>
    %shift_right_logical3A_30 = arith.constant 16 : i32
    %shift_right_logical3A_31 = vector.broadcast %shift_right_logical3A_30 : i32 to vector<512x64xi32>
    %shift_right_logical3A_32 = arith.shrui %add3A_29, %shift_right_logical3A_31 : vector<512x64xi32>
    %add3A_33 = arith.constant 32767 : i32
    %add3A_34 = vector.broadcast %add3A_33 : i32 to vector<512x64xi32>
    %add3A_35 = arith.addi %bitcast_convert_type3A_22, %add3A_34 : vector<512x64xi32>
    %shift_right_logical3A_36 = arith.constant 16 : i32
    %shift_right_logical3A_37 = vector.broadcast %shift_right_logical3A_36 : i32 to vector<512x64xi32>
    %shift_right_logical3A_38 = arith.shrui %bitcast_convert_type3A_22, %shift_right_logical3A_37 : vector<512x64xi32>
    %and3A_39 = arith.constant 1 : i32
    %and3A_40 = vector.broadcast %and3A_39 : i32 to vector<512x64xi32>
    %and3A_41 = arith.andi %shift_right_logical3A_38, %and3A_40 : vector<512x64xi32>
    %add3A_42 = arith.addi %add3A_35, %and3A_41 : vector<512x64xi32>
    %shift_right_logical3A_43 = arith.constant 16 : i32
    %shift_right_logical3A_44 = vector.broadcast %shift_right_logical3A_43 : i32 to vector<512x64xi32>
    %shift_right_logical3A_45 = arith.shrui %add3A_42, %shift_right_logical3A_44 : vector<512x64xi32>
    %and3A_46 = arith.constant 65535 : i32
    %and3A_47 = vector.broadcast %and3A_46 : i32 to vector<512x64xi32>
    %and3A_48 = arith.andi %shift_right_logical3A_32, %and3A_47 : vector<512x64xi32>
    %shift_left3A = arith.constant 16 : i32
    %shift_left3A_49 = vector.broadcast %shift_left3A : i32 to vector<512x64xi32>
    %shift_left3A_50 = arith.shli %shift_right_logical3A_45, %shift_left3A_49 : vector<512x64xi32>
    %or3A = arith.ori %and3A_48, %shift_left3A_50 : vector<512x64xi32>
    %slice3A_51 = vector.extract_strided_slice %dot_general3A_15 {offsets = [0, 0], sizes = [512, 64], strides = [1, 1]} : vector<512x128xf32> to vector<512x64xf32>
    %slice3A_52 = vector.extract_strided_slice %dot_general3A_15 {offsets = [0, 64], sizes = [512, 64], strides = [1, 1]} : vector<512x128xf32> to vector<512x64xf32>
    %bitcast_convert_type3A_53 = tpu.bitcast %slice3A_51 : vector<512x64xf32> -> vector<512x64xi32>
    %bitcast_convert_type3A_54 = tpu.bitcast %slice3A_52 : vector<512x64xf32> -> vector<512x64xi32>
    %add3A_55 = arith.constant 32767 : i32
    %add3A_56 = vector.broadcast %add3A_55 : i32 to vector<512x64xi32>
    %add3A_57 = arith.addi %bitcast_convert_type3A_53, %add3A_56 : vector<512x64xi32>
    %shift_right_logical3A_58 = arith.constant 16 : i32
    %shift_right_logical3A_59 = vector.broadcast %shift_right_logical3A_58 : i32 to vector<512x64xi32>
    %shift_right_logical3A_60 = arith.shrui %bitcast_convert_type3A_53, %shift_right_logical3A_59 : vector<512x64xi32>
    %and3A_61 = arith.constant 1 : i32
    %and3A_62 = vector.broadcast %and3A_61 : i32 to vector<512x64xi32>
    %and3A_63 = arith.andi %shift_right_logical3A_60, %and3A_62 : vector<512x64xi32>
    %add3A_64 = arith.addi %add3A_57, %and3A_63 : vector<512x64xi32>
    %shift_right_logical3A_65 = arith.constant 16 : i32
    %shift_right_logical3A_66 = vector.broadcast %shift_right_logical3A_65 : i32 to vector<512x64xi32>
    %shift_right_logical3A_67 = arith.shrui %add3A_64, %shift_right_logical3A_66 : vector<512x64xi32>
    %add3A_68 = arith.constant 32767 : i32
    %add3A_69 = vector.broadcast %add3A_68 : i32 to vector<512x64xi32>
    %add3A_70 = arith.addi %bitcast_convert_type3A_54, %add3A_69 : vector<512x64xi32>
    %shift_right_logical3A_71 = arith.constant 16 : i32
    %shift_right_logical3A_72 = vector.broadcast %shift_right_logical3A_71 : i32 to vector<512x64xi32>
    %shift_right_logical3A_73 = arith.shrui %bitcast_convert_type3A_54, %shift_right_logical3A_72 : vector<512x64xi32>
    %and3A_74 = arith.constant 1 : i32
    %and3A_75 = vector.broadcast %and3A_74 : i32 to vector<512x64xi32>
    %and3A_76 = arith.andi %shift_right_logical3A_73, %and3A_75 : vector<512x64xi32>
    %add3A_77 = arith.addi %add3A_70, %and3A_76 : vector<512x64xi32>
    %shift_right_logical3A_78 = arith.constant 16 : i32
    %shift_right_logical3A_79 = vector.broadcast %shift_right_logical3A_78 : i32 to vector<512x64xi32>
    %shift_right_logical3A_80 = arith.shrui %add3A_77, %shift_right_logical3A_79 : vector<512x64xi32>
    %and3A_81 = arith.constant 65535 : i32
    %and3A_82 = vector.broadcast %and3A_81 : i32 to vector<512x64xi32>
    %and3A_83 = arith.andi %shift_right_logical3A_67, %and3A_82 : vector<512x64xi32>
    %shift_left3A_84 = arith.constant 16 : i32
    %shift_left3A_85 = vector.broadcast %shift_left3A_84 : i32 to vector<512x64xi32>
    %shift_left3A_86 = arith.shli %shift_right_logical3A_80, %shift_left3A_85 : vector<512x64xi32>
    %or3A_87 = arith.ori %and3A_83, %shift_left3A_86 : vector<512x64xi32>
    %concatenate3A = tpu.concatenate %or3A, %or3A_87 in 1 : vector<512x64xi32>, vector<512x64xi32> -> vector<512x128xi32>
    %swap3A_88 = arith.constant 0 : index
    %swap3A_89 = arith.constant 0 : index
    %swap3A_90 = arith.constant 0 : index
    %swap3A_91 = vector.load %arg10[%swap3A_88, %swap3A_89, %swap3A_90] : memref<1x512x128xi32, #tpu.memory_space<vmem>>, vector<1x512x128xi32>
    %swap3A_92 = vector.shape_cast %swap3A_91 : vector<1x512x128xi32> to vector<512x128xi32>
    %swap3A_93 = vector.shape_cast %concatenate3A : vector<512x128xi32> to vector<1x512x128xi32>
    tpu.vector_store %arg10[%swap3A_88, %swap3A_89, %swap3A_90], %swap3A_93 {strides = array<i32>} : memref<1x512x128xi32, #tpu.memory_space<vmem>>, vector<1x512x128xi32>,
    %get3A_94 = arith.constant 0 : index
    %get3A_95 = arith.constant 0 : index
    %get3A_96 = vector.load %arg7[%get3A_94, %get3A_95] : memref<136x128xf32, #tpu.memory_space<vmem>>, vector<136x128xf32>
    %dot_general3A_97 = arith.constant dense<0.000000e+00> : vector<512x128xf32>
    %dot_general3A_98 = tpu.matmul %get3A_1, %get3A_96, %dot_general3A_97 {dimension_numbers = #tpu.dot_dimension_numbers<[1], [0], [0], [1], [0, 0, 1, 1], [], []>, transpose_lhs_hint = false} : vector<512x136xf32>, vector<136x128xf32>, vector<512x128xf32> -> vector<512x128xf32>
    %get3A_99 = arith.constant 0 : index
    %get3A_100 = arith.constant 0 : index
    %get3A_101 = vector.load %arg8[%get3A_99, %get3A_100] : memref<136x128xf32, #tpu.memory_space<vmem>>, vector<136x128xf32>
    %dot_general3A_102 = arith.constant dense<0.000000e+00> : vector<512x128xf32>
    %dot_general3A_103 = tpu.matmul %get3A_1, %get3A_101, %dot_general3A_102 {dimension_numbers = #tpu.dot_dimension_numbers<[1], [0], [0], [1], [0, 0, 1, 1], [], []>, transpose_lhs_hint = false} : vector<512x136xf32>, vector<136x128xf32>, vector<512x128xf32> -> vector<512x128xf32>
    %get3A_104 = arith.constant 0 : index
    %get3A_105 = arith.constant 0 : index
    %get3A_106 = vector.load %arg6[%get3A_104, %get3A_105] : memref<136x128xf32, #tpu.memory_space<vmem>>, vector<136x128xf32>
    %dot_general3A_107 = arith.constant dense<0.000000e+00> : vector<512x128xf32>
    %dot_general3A_108 = tpu.matmul %get3A_1, %get3A_106, %dot_general3A_107 {dimension_numbers = #tpu.dot_dimension_numbers<[1], [0], [0], [1], [0, 0, 1, 1], [], []>, transpose_lhs_hint = false} : vector<512x136xf32>, vector<136x128xf32>, vector<512x128xf32> -> vector<512x128xf32>
    %mul3A = arith.mulf %dot_general3A_103, %dot_general3A_108 : vector<512x128xf32>
    %add3A_109 = arith.addf %mul3A, %dot_general3A_98 : vector<512x128xf32>
    %max3A = arith.constant 0.000000e+00 : f32
    %max3A_110 = vector.broadcast %max3A : f32 to vector<512x128xf32>
    %max3A_111 = arith.maximumf %add3A_109, %max3A_110 : vector<512x128xf32>
    %swap3A_112 = arith.constant 0 : index
    %swap3A_113 = arith.constant 0 : index
    %swap3A_114 = vector.load %arg11[%swap3A_112, %swap3A_113] : memref<512x128xf32, #tpu.memory_space<vmem>>, vector<512x128xf32>
    tpu.vector_store %arg11[%swap3A_112, %swap3A_113], %max3A_111 {strides = array<i32>} : memref<512x128xf32, #tpu.memory_space<vmem>>, vector<512x128xf32>,
    return
  }
  func.func @transform_0(%arg0: i32, %arg1: i32) -> (i32, i32) {
    %c0_i32 = arith.constant 0 : i32
    %c0_i32_0 = arith.constant 0 : i32
    return %arg0, %c0_i32 : i32, i32
  }
  func.func @transform_1(%arg0: i32, %arg1: i32) -> (i32, i32) {
    %c0_i32 = arith.constant 0 : i32
    %c0_i32_0 = arith.constant 0 : i32
    return %c0_i32, %arg1 : i32, i32
  }
  func.func @transform_2(%arg0: i32, %arg1: i32) -> (i32, i32) {
    %c0_i32 = arith.constant 0 : i32
    %c0_i32_0 = arith.constant 0 : i32
    return %c0_i32, %arg1 : i32, i32
  }
  func.func @transform_3(%arg0: i32, %arg1: i32) -> (i32, i32) {
    %add3A = arith.constant 2 : i32
    %add3A_0 = arith.addi %add3A, %arg1 : i32
    %c0_i32 = arith.constant 0 : i32
    %c0_i32_1 = arith.constant 0 : i32
    return %c0_i32, %add3A_0 : i32, i32
  }
  func.func @transform_4(%arg0: i32, %arg1: i32) -> (i32, i32) {
    %c0_i32 = arith.constant 0 : i32
    %c0_i32_0 = arith.constant 0 : i32
    return %c0_i32, %arg1 : i32, i32
  }
  func.func @transform_5(%arg0: i32, %arg1: i32) -> (i32, i32) {
    %c0_i32 = arith.constant 0 : i32
    %c0_i32_0 = arith.constant 0 : i32
    return %c0_i32, %arg1 : i32, i32
  }
  func.func @transform_6(%arg0: i32, %arg1: i32) -> (i32, i32) {
    %add3A = arith.constant 2 : i32
    %add3A_0 = arith.addi %add3A, %arg1 : i32
    %c0_i32 = arith.constant 0 : i32
    %c0_i32_1 = arith.constant 0 : i32
    return %c0_i32, %add3A_0 : i32, i32
  }
  func.func @transform_7(%arg0: i32, %arg1: i32) -> (i32, i32, i32) {
    %c0_i32 = arith.constant 0 : i32
    %c0_i32_0 = arith.constant 0 : i32
    return %arg1, %arg0, %c0_i32 : i32, i32, i32
  }
  func.func @transform_8(%arg0: i32, %arg1: i32) -> (i32, i32, i32) {
    %c0_i32 = arith.constant 0 : i32
    %c0_i32_0 = arith.constant 0 : i32
    return %arg1, %arg0, %c0_i32 : i32, i32, i32
  }
  func.func @transform_9(%arg0: i32, %arg1: i32) -> (i32, i32) {
    %c0_i32 = arith.constant 0 : i32
    return %arg0, %arg1 : i32, i32
  }
}

module attributes {stable_mosaic.version = 14 : i64} {
  func.func @_tc_mid_body(%arg0: i32, %arg1: memref<2x512x128xf32, #tpu.memory_space<vmem>>, %arg2: memref<2x1x16x512xf32, #tpu.memory_space<vmem>>, %arg3: memref<512x256xf32, #tpu.memory_space<vmem>>, %arg4: memref<256x128xf32, #tpu.memory_space<vmem>>, %arg5: memref<256x256xf32, #tpu.memory_space<vmem>>, %arg6: memref<1x256xf32, #tpu.memory_space<vmem>>, %arg7: memref<256x128xf32, #tpu.memory_space<vmem>>, %arg8: memref<256x256xf32, #tpu.memory_space<vmem>>, %arg9: memref<512x128xf32, #tpu.memory_space<vmem>>, %arg10: memref<512x128xi32, #tpu.memory_space<vmem>>, %arg11: memref<512x128xf32, #tpu.memory_space<vmem>>) attributes {dimension_semantics = [#tpu.dimension_semantics<arbitrary>], iteration_bounds = array<i64: 20>, scalar_prefetch = 0 : i64, scratch_operands = 0 : i64, tpu.core_type = #tpu.core_type<tc>, window_params = [{transform_indices = @transform_0, window_bounds = array<i64: 2, 512, 128>}, {transform_indices = @transform_1, window_bounds = array<i64: 2, 1, 16, 512>}, {transform_indices = @transform_2, window_bounds = array<i64: 512, 256>}, {pipeline_mode = #tpu.pipeline_mode<synchronous>, transform_indices = @transform_3, window_bounds = array<i64: 256, 128>}, {pipeline_mode = #tpu.pipeline_mode<synchronous>, transform_indices = @transform_4, window_bounds = array<i64: 256, 256>}, {pipeline_mode = #tpu.pipeline_mode<synchronous>, transform_indices = @transform_5, window_bounds = array<i64: 1, 256>}, {pipeline_mode = #tpu.pipeline_mode<synchronous>, transform_indices = @transform_6, window_bounds = array<i64: 256, 128>}, {pipeline_mode = #tpu.pipeline_mode<synchronous>, transform_indices = @transform_7, window_bounds = array<i64: 256, 256>}, {transform_indices = @transform_8, window_bounds = array<i64: 512, 128>}, {transform_indices = @transform_9, window_bounds = array<i64: 512, 128>}, {transform_indices = @transform_10, window_bounds = array<i64: 512, 128>}]} {
    %get3A = arith.constant 0 : index
    %get3A_0 = arith.constant 0 : index
    %get3A_1 = arith.constant 0 : index
    %get3A_2 = vector.load %arg1[%get3A, %get3A_0, %get3A_1] : memref<2x512x128xf32, #tpu.memory_space<vmem>>, vector<1x512x128xf32>
    %get3A_3 = vector.shape_cast %get3A_2 : vector<1x512x128xf32> to vector<512x128xf32>
    %get3A_4 = arith.constant 1 : index
    %get3A_5 = arith.constant 0 : index
    %get3A_6 = arith.constant 0 : index
    %get3A_7 = vector.load %arg1[%get3A_4, %get3A_5, %get3A_6] : memref<2x512x128xf32, #tpu.memory_space<vmem>>, vector<1x512x128xf32>
    %get3A_8 = vector.shape_cast %get3A_7 : vector<1x512x128xf32> to vector<512x128xf32>
    %concatenate3A = tpu.concatenate %get3A_3, %get3A_8 in 1 : vector<512x128xf32>, vector<512x128xf32> -> vector<512x256xf32>
    %get3A_9 = arith.constant 0 : index
    %get3A_10 = arith.constant 0 : index
    %get3A_11 = arith.constant 0 : index
    %get3A_12 = arith.constant 0 : index
    %get3A_13 = vector.load %arg2[%get3A_9, %get3A_10, %get3A_11, %get3A_12] : memref<2x1x16x512xf32, #tpu.memory_space<vmem>>, vector<2x1x16x512xf32>
    %get3A_14 = vector.shape_cast %get3A_13 : vector<2x1x16x512xf32> to vector<2x16x512xf32>
    %reduce_sum3A = arith.constant dense<0.000000e+00> : vector<512xf32>
    %reduce_sum3A_15 = vector.multi_reduction <add>, %get3A_14, %reduce_sum3A [0, 1] : vector<2x16x512xf32> to vector<512xf32>
    %reshape3A = vector.shape_cast %reduce_sum3A_15 : vector<512xf32> to vector<512x1xf32>
    %get3A_16 = arith.constant 0 : index
    %get3A_17 = arith.constant 0 : index
    %get3A_18 = vector.load %arg3[%get3A_16, %get3A_17] : memref<512x256xf32, #tpu.memory_space<vmem>>, vector<512x256xf32>
    %jit3A = arith.constant 1.000000e+00 : f32
    %max3A = vector.broadcast %jit3A : f32 to vector<512x1xf32>
    %max3A_19 = arith.maximumf %max3A, %reshape3A : vector<512x1xf32>
    %div3A = vector.broadcast %max3A_19 : vector<512x1xf32> to vector<512x256xf32>
    %div3A_20 = arith.divf %concatenate3A, %div3A : vector<512x256xf32>
    %add3A = arith.addf %get3A_18, %div3A_20 : vector<512x256xf32>
    %max3A_21 = arith.constant 0.000000e+00 : f32
    %max3A_22 = vector.broadcast %max3A_21 : f32 to vector<512x256xf32>
    %max3A_23 = arith.maximumf %add3A, %max3A_22 : vector<512x256xf32>
    %get3A_24 = arith.constant 0 : index
    %get3A_25 = arith.constant 0 : index
    %get3A_26 = vector.load %arg4[%get3A_24, %get3A_25] : memref<256x128xf32, #tpu.memory_space<vmem>>, vector<256x128xf32>
    %dot_general3A = arith.constant dense<0.000000e+00> : vector<512x128xf32>
    %dot_general3A_27 = tpu.matmul %max3A_23, %get3A_26, %dot_general3A {dimension_numbers = #tpu.dot_dimension_numbers<[1], [0], [0], [1], [0, 0, 1, 1], [], []>, transpose_lhs_hint = false} : vector<512x256xf32>, vector<256x128xf32>, vector<512x128xf32> -> vector<512x128xf32>
    %swap3A = arith.constant 0 : index
    %swap3A_28 = arith.constant 0 : index
    %swap3A_29 = vector.load %arg9[%swap3A, %swap3A_28] : memref<512x128xf32, #tpu.memory_space<vmem>>, vector<512x128xf32>
    tpu.vector_store %arg9[%swap3A, %swap3A_28], %dot_general3A_27 {strides = array<i32>} : memref<512x128xf32, #tpu.memory_space<vmem>>, vector<512x128xf32>,
    %get3A_30 = arith.constant 0 : index
    %get3A_31 = arith.constant 0 : index
    %get3A_32 = vector.load %arg5[%get3A_30, %get3A_31] : memref<256x256xf32, #tpu.memory_space<vmem>>, vector<256x256xf32>
    %dot_general3A_33 = arith.constant dense<0.000000e+00> : vector<512x256xf32>
    %dot_general3A_34 = tpu.matmul %max3A_23, %get3A_32, %dot_general3A_33 {dimension_numbers = #tpu.dot_dimension_numbers<[1], [0], [0], [1], [0, 0, 1, 1], [], []>, transpose_lhs_hint = false} : vector<512x256xf32>, vector<256x256xf32>, vector<512x256xf32> -> vector<512x256xf32>
    %get3A_35 = arith.constant 0 : index
    %get3A_36 = arith.constant 0 : index
    %get3A_37 = vector.load %arg6[%get3A_35, %get3A_36] : memref<1x256xf32, #tpu.memory_space<vmem>>, vector<1x256xf32>
    %add3A_38 = vector.broadcast %get3A_37 : vector<1x256xf32> to vector<512x256xf32>
    %add3A_39 = arith.addf %dot_general3A_34, %add3A_38 : vector<512x256xf32>
    %slice3A = vector.extract_strided_slice %add3A_39 {offsets = [0, 128], sizes = [512, 64], strides = [1, 1]} : vector<512x256xf32> to vector<512x64xf32>
    %slice3A_40 = vector.extract_strided_slice %add3A_39 {offsets = [0, 192], sizes = [512, 64], strides = [1, 1]} : vector<512x256xf32> to vector<512x64xf32>
    %bitcast_convert_type3A = tpu.bitcast %slice3A : vector<512x64xf32> -> vector<512x64xi32>
    %bitcast_convert_type3A_41 = tpu.bitcast %slice3A_40 : vector<512x64xf32> -> vector<512x64xi32>
    %add3A_42 = arith.constant 32767 : i32
    %add3A_43 = vector.broadcast %add3A_42 : i32 to vector<512x64xi32>
    %add3A_44 = arith.addi %bitcast_convert_type3A, %add3A_43 : vector<512x64xi32>
    %shift_right_logical3A = arith.constant 16 : i32
    %shift_right_logical3A_45 = vector.broadcast %shift_right_logical3A : i32 to vector<512x64xi32>
    %shift_right_logical3A_46 = arith.shrui %bitcast_convert_type3A, %shift_right_logical3A_45 : vector<512x64xi32>
    %and3A = arith.constant 1 : i32
    %and3A_47 = vector.broadcast %and3A : i32 to vector<512x64xi32>
    %and3A_48 = arith.andi %shift_right_logical3A_46, %and3A_47 : vector<512x64xi32>
    %add3A_49 = arith.addi %add3A_44, %and3A_48 : vector<512x64xi32>
    %shift_right_logical3A_50 = arith.constant 16 : i32
    %shift_right_logical3A_51 = vector.broadcast %shift_right_logical3A_50 : i32 to vector<512x64xi32>
    %shift_right_logical3A_52 = arith.shrui %add3A_49, %shift_right_logical3A_51 : vector<512x64xi32>
    %add3A_53 = arith.constant 32767 : i32
    %add3A_54 = vector.broadcast %add3A_53 : i32 to vector<512x64xi32>
    %add3A_55 = arith.addi %bitcast_convert_type3A_41, %add3A_54 : vector<512x64xi32>
    %shift_right_logical3A_56 = arith.constant 16 : i32
    %shift_right_logical3A_57 = vector.broadcast %shift_right_logical3A_56 : i32 to vector<512x64xi32>
    %shift_right_logical3A_58 = arith.shrui %bitcast_convert_type3A_41, %shift_right_logical3A_57 : vector<512x64xi32>
    %and3A_59 = arith.constant 1 : i32
    %and3A_60 = vector.broadcast %and3A_59 : i32 to vector<512x64xi32>
    %and3A_61 = arith.andi %shift_right_logical3A_58, %and3A_60 : vector<512x64xi32>
    %add3A_62 = arith.addi %add3A_55, %and3A_61 : vector<512x64xi32>
    %shift_right_logical3A_63 = arith.constant 16 : i32
    %shift_right_logical3A_64 = vector.broadcast %shift_right_logical3A_63 : i32 to vector<512x64xi32>
    %shift_right_logical3A_65 = arith.shrui %add3A_62, %shift_right_logical3A_64 : vector<512x64xi32>
    %and3A_66 = arith.constant 65535 : i32
    %and3A_67 = vector.broadcast %and3A_66 : i32 to vector<512x64xi32>
    %and3A_68 = arith.andi %shift_right_logical3A_52, %and3A_67 : vector<512x64xi32>
    %shift_left3A = arith.constant 16 : i32
    %shift_left3A_69 = vector.broadcast %shift_left3A : i32 to vector<512x64xi32>
    %shift_left3A_70 = arith.shli %shift_right_logical3A_65, %shift_left3A_69 : vector<512x64xi32>
    %or3A = arith.ori %and3A_68, %shift_left3A_70 : vector<512x64xi32>
    %slice3A_71 = vector.extract_strided_slice %add3A_39 {offsets = [0, 0], sizes = [512, 64], strides = [1, 1]} : vector<512x256xf32> to vector<512x64xf32>
    %slice3A_72 = vector.extract_strided_slice %add3A_39 {offsets = [0, 64], sizes = [512, 64], strides = [1, 1]} : vector<512x256xf32> to vector<512x64xf32>
    %bitcast_convert_type3A_73 = tpu.bitcast %slice3A_71 : vector<512x64xf32> -> vector<512x64xi32>
    %bitcast_convert_type3A_74 = tpu.bitcast %slice3A_72 : vector<512x64xf32> -> vector<512x64xi32>
    %add3A_75 = arith.constant 32767 : i32
    %add3A_76 = vector.broadcast %add3A_75 : i32 to vector<512x64xi32>
    %add3A_77 = arith.addi %bitcast_convert_type3A_73, %add3A_76 : vector<512x64xi32>
    %shift_right_logical3A_78 = arith.constant 16 : i32
    %shift_right_logical3A_79 = vector.broadcast %shift_right_logical3A_78 : i32 to vector<512x64xi32>
    %shift_right_logical3A_80 = arith.shrui %bitcast_convert_type3A_73, %shift_right_logical3A_79 : vector<512x64xi32>
    %and3A_81 = arith.constant 1 : i32
    %and3A_82 = vector.broadcast %and3A_81 : i32 to vector<512x64xi32>
    %and3A_83 = arith.andi %shift_right_logical3A_80, %and3A_82 : vector<512x64xi32>
    %add3A_84 = arith.addi %add3A_77, %and3A_83 : vector<512x64xi32>
    %shift_right_logical3A_85 = arith.constant 16 : i32
    %shift_right_logical3A_86 = vector.broadcast %shift_right_logical3A_85 : i32 to vector<512x64xi32>
    %shift_right_logical3A_87 = arith.shrui %add3A_84, %shift_right_logical3A_86 : vector<512x64xi32>
    %add3A_88 = arith.constant 32767 : i32
    %add3A_89 = vector.broadcast %add3A_88 : i32 to vector<512x64xi32>
    %add3A_90 = arith.addi %bitcast_convert_type3A_74, %add3A_89 : vector<512x64xi32>
    %shift_right_logical3A_91 = arith.constant 16 : i32
    %shift_right_logical3A_92 = vector.broadcast %shift_right_logical3A_91 : i32 to vector<512x64xi32>
    %shift_right_logical3A_93 = arith.shrui %bitcast_convert_type3A_74, %shift_right_logical3A_92 : vector<512x64xi32>
    %and3A_94 = arith.constant 1 : i32
    %and3A_95 = vector.broadcast %and3A_94 : i32 to vector<512x64xi32>
    %and3A_96 = arith.andi %shift_right_logical3A_93, %and3A_95 : vector<512x64xi32>
    %add3A_97 = arith.addi %add3A_90, %and3A_96 : vector<512x64xi32>
    %shift_right_logical3A_98 = arith.constant 16 : i32
    %shift_right_logical3A_99 = vector.broadcast %shift_right_logical3A_98 : i32 to vector<512x64xi32>
    %shift_right_logical3A_100 = arith.shrui %add3A_97, %shift_right_logical3A_99 : vector<512x64xi32>
    %and3A_101 = arith.constant 65535 : i32
    %and3A_102 = vector.broadcast %and3A_101 : i32 to vector<512x64xi32>
    %and3A_103 = arith.andi %shift_right_logical3A_87, %and3A_102 : vector<512x64xi32>
    %shift_left3A_104 = arith.constant 16 : i32
    %shift_left3A_105 = vector.broadcast %shift_left3A_104 : i32 to vector<512x64xi32>
    %shift_left3A_106 = arith.shli %shift_right_logical3A_100, %shift_left3A_105 : vector<512x64xi32>
    %or3A_107 = arith.ori %and3A_103, %shift_left3A_106 : vector<512x64xi32>
    %concatenate3A_108 = tpu.concatenate %or3A, %or3A_107 in 1 : vector<512x64xi32>, vector<512x64xi32> -> vector<512x128xi32>
    %swap3A_109 = arith.constant 0 : index
    %swap3A_110 = arith.constant 0 : index
    %swap3A_111 = vector.load %arg10[%swap3A_109, %swap3A_110] : memref<512x128xi32, #tpu.memory_space<vmem>>, vector<512x128xi32>
    tpu.vector_store %arg10[%swap3A_109, %swap3A_110], %concatenate3A_108 {strides = array<i32>} : memref<512x128xi32, #tpu.memory_space<vmem>>, vector<512x128xi32>,
    %get3A_112 = arith.constant 0 : index
    %get3A_113 = arith.constant 0 : index
    %get3A_114 = vector.load %arg8[%get3A_112, %get3A_113] : memref<256x256xf32, #tpu.memory_space<vmem>>, vector<256x256xf32>
    %dot_general3A_115 = arith.constant dense<0.000000e+00> : vector<512x256xf32>
    %dot_general3A_116 = tpu.matmul %max3A_23, %get3A_114, %dot_general3A_115 {dimension_numbers = #tpu.dot_dimension_numbers<[1], [0], [0], [1], [0, 0, 1, 1], [], []>, transpose_lhs_hint = false} : vector<512x256xf32>, vector<256x256xf32>, vector<512x256xf32> -> vector<512x256xf32>
    %slice3A_117 = vector.extract_strided_slice %dot_general3A_116 {offsets = [0, 128], sizes = [512, 128], strides = [1, 1]} : vector<512x256xf32> to vector<512x128xf32>
    %get3A_118 = arith.constant 0 : index
    %get3A_119 = arith.constant 0 : index
    %get3A_120 = vector.load %arg7[%get3A_118, %get3A_119] : memref<256x128xf32, #tpu.memory_space<vmem>>, vector<256x128xf32>
    %dot_general3A_121 = arith.constant dense<0.000000e+00> : vector<512x128xf32>
    %dot_general3A_122 = tpu.matmul %max3A_23, %get3A_120, %dot_general3A_121 {dimension_numbers = #tpu.dot_dimension_numbers<[1], [0], [0], [1], [0, 0, 1, 1], [], []>, transpose_lhs_hint = false} : vector<512x256xf32>, vector<256x128xf32>, vector<512x128xf32> -> vector<512x128xf32>
    %mul3A = arith.mulf %slice3A_117, %dot_general3A_122 : vector<512x128xf32>
    %slice3A_123 = vector.extract_strided_slice %dot_general3A_116 {offsets = [0, 0], sizes = [512, 128], strides = [1, 1]} : vector<512x256xf32> to vector<512x128xf32>
    %add3A_124 = arith.addf %mul3A, %slice3A_123 : vector<512x128xf32>
    %max3A_125 = arith.constant 0.000000e+00 : f32
    %max3A_126 = vector.broadcast %max3A_125 : f32 to vector<512x128xf32>
    %max3A_127 = arith.maximumf %add3A_124, %max3A_126 : vector<512x128xf32>
    %swap3A_128 = arith.constant 0 : index
    %swap3A_129 = arith.constant 0 : index
    %swap3A_130 = vector.load %arg11[%swap3A_128, %swap3A_129] : memref<512x128xf32, #tpu.memory_space<vmem>>, vector<512x128xf32>
    tpu.vector_store %arg11[%swap3A_128, %swap3A_129], %max3A_127 {strides = array<i32>} : memref<512x128xf32, #tpu.memory_space<vmem>>, vector<512x128xf32>,
    return
  }
  func.func @transform_0(%arg0: i32) -> (i32, i32, i32) {
    %c0_i32 = arith.constant 0 : i32
    %c0_i32_0 = arith.constant 0 : i32
    %c0_i32_1 = arith.constant 0 : i32
    return %c0_i32, %arg0, %c0_i32_0 : i32, i32, i32
  }
  func.func @transform_1(%arg0: i32) -> (i32, i32, i32, i32) {
    %c0_i32 = arith.constant 0 : i32
    %c0_i32_0 = arith.constant 0 : i32
    %c0_i32_1 = arith.constant 0 : i32
    %c0_i32_2 = arith.constant 0 : i32
    return %c0_i32, %arg0, %c0_i32_0, %c0_i32_1 : i32, i32, i32, i32
  }
  func.func @transform_2(%arg0: i32) -> (i32, i32) {
    %c0_i32 = arith.constant 0 : i32
    %c0_i32_0 = arith.constant 0 : i32
    return %arg0, %c0_i32 : i32, i32
  }
  func.func @transform_3(%arg0: i32) -> (i32, i32) {
    %c0_i32 = arith.constant 0 : i32
    %c0_i32_0 = arith.constant 0 : i32
    %c0_i32_1 = arith.constant 0 : i32
    return %c0_i32, %c0_i32_0 : i32, i32
  }
  func.func @transform_4(%arg0: i32) -> (i32, i32) {
    %c0_i32 = arith.constant 0 : i32
    %c0_i32_0 = arith.constant 0 : i32
    %c0_i32_1 = arith.constant 0 : i32
    return %c0_i32, %c0_i32_0 : i32, i32
  }
  func.func @transform_5(%arg0: i32) -> (i32, i32) {
    %c0_i32 = arith.constant 0 : i32
    %c0_i32_0 = arith.constant 0 : i32
    %c0_i32_1 = arith.constant 0 : i32
    return %c0_i32, %c0_i32_0 : i32, i32
  }
  func.func @transform_6(%arg0: i32) -> (i32, i32) {
    %c0_i32 = arith.constant 0 : i32
    %c0_i32_0 = arith.constant 0 : i32
    %c0_i32_1 = arith.constant 0 : i32
    return %c0_i32, %c0_i32_0 : i32, i32
  }
  func.func @transform_7(%arg0: i32) -> (i32, i32) {
    %c0_i32 = arith.constant 0 : i32
    %c0_i32_0 = arith.constant 0 : i32
    %c0_i32_1 = arith.constant 0 : i32
    return %c0_i32, %c0_i32_0 : i32, i32
  }
  func.func @transform_8(%arg0: i32) -> (i32, i32) {
    %c0_i32 = arith.constant 0 : i32
    %c0_i32_0 = arith.constant 0 : i32
    return %arg0, %c0_i32 : i32, i32
  }
  func.func @transform_9(%arg0: i32) -> (i32, i32) {
    %c0_i32 = arith.constant 0 : i32
    %c0_i32_0 = arith.constant 0 : i32
    return %arg0, %c0_i32 : i32, i32
  }
  func.func @transform_10(%arg0: i32) -> (i32, i32) {
    %c0_i32 = arith.constant 0 : i32
    %c0_i32_0 = arith.constant 0 : i32
    return %arg0, %c0_i32 : i32, i32
  }
}

module attributes {stable_mosaic.version = 14 : i64} {
  func.func @_tc_final_body(%arg0: i32, %arg1: memref<2x512x128xf32, #tpu.memory_space<vmem>>, %arg2: memref<512x128xf32, #tpu.memory_space<vmem>>, %arg3: memref<2x1x16x512xf32, #tpu.memory_space<vmem>>, %arg4: memref<512x128xf32, #tpu.memory_space<vmem>>) attributes {dimension_semantics = [#tpu.dimension_semantics<arbitrary>], iteration_bounds = array<i64: 20>, scalar_prefetch = 0 : i64, scratch_operands = 0 : i64, tpu.core_type = #tpu.core_type<tc>, window_params = [{transform_indices = @transform_0, window_bounds = array<i64: 2, 512, 128>}, {transform_indices = @transform_1, window_bounds = array<i64: 512, 128>}, {transform_indices = @transform_2, window_bounds = array<i64: 2, 1, 16, 512>}, {transform_indices = @transform_3, window_bounds = array<i64: 512, 128>}]} {
    %get3A = arith.constant 0 : index
    %get3A_0 = arith.constant 0 : index
    %get3A_1 = arith.constant 0 : index
    %get3A_2 = vector.load %arg1[%get3A, %get3A_0, %get3A_1] : memref<2x512x128xf32, #tpu.memory_space<vmem>>, vector<1x512x128xf32>
    %get3A_3 = vector.shape_cast %get3A_2 : vector<1x512x128xf32> to vector<512x128xf32>
    %get3A_4 = arith.constant 1 : index
    %get3A_5 = arith.constant 0 : index
    %get3A_6 = arith.constant 0 : index
    %get3A_7 = vector.load %arg1[%get3A_4, %get3A_5, %get3A_6] : memref<2x512x128xf32, #tpu.memory_space<vmem>>, vector<1x512x128xf32>
    %get3A_8 = vector.shape_cast %get3A_7 : vector<1x512x128xf32> to vector<512x128xf32>
    %add3A = arith.addf %get3A_3, %get3A_8 : vector<512x128xf32>
    %get3A_9 = arith.constant 0 : index
    %get3A_10 = arith.constant 0 : index
    %get3A_11 = arith.constant 0 : index
    %get3A_12 = arith.constant 0 : index
    %get3A_13 = vector.load %arg3[%get3A_9, %get3A_10, %get3A_11, %get3A_12] : memref<2x1x16x512xf32, #tpu.memory_space<vmem>>, vector<2x1x16x512xf32>
    %get3A_14 = vector.shape_cast %get3A_13 : vector<2x1x16x512xf32> to vector<2x16x512xf32>
    %reduce_sum3A = arith.constant dense<0.000000e+00> : vector<512xf32>
    %reduce_sum3A_15 = vector.multi_reduction <add>, %get3A_14, %reduce_sum3A [0, 1] : vector<2x16x512xf32> to vector<512xf32>
    %reshape3A = vector.shape_cast %reduce_sum3A_15 : vector<512xf32> to vector<512x1xf32>
    %get3A_16 = arith.constant 0 : index
    %get3A_17 = arith.constant 0 : index
    %get3A_18 = vector.load %arg2[%get3A_16, %get3A_17] : memref<512x128xf32, #tpu.memory_space<vmem>>, vector<512x128xf32>
    %jit3A = arith.constant 1.000000e+00 : f32
    %max3A = vector.broadcast %jit3A : f32 to vector<512x1xf32>
    %max3A_19 = arith.maximumf %max3A, %reshape3A : vector<512x1xf32>
    %div3A = vector.broadcast %max3A_19 : vector<512x1xf32> to vector<512x128xf32>
    %div3A_20 = arith.divf %add3A, %div3A : vector<512x128xf32>
    %add3A_21 = arith.addf %get3A_18, %div3A_20 : vector<512x128xf32>
    %swap3A = arith.constant 0 : index
    %swap3A_22 = arith.constant 0 : index
    %swap3A_23 = vector.load %arg4[%swap3A, %swap3A_22] : memref<512x128xf32, #tpu.memory_space<vmem>>, vector<512x128xf32>
    tpu.vector_store %arg4[%swap3A, %swap3A_22], %add3A_21 {strides = array<i32>} : memref<512x128xf32, #tpu.memory_space<vmem>>, vector<512x128xf32>,
    return
  }
  func.func @transform_0(%arg0: i32) -> (i32, i32, i32) {
    %c0_i32 = arith.constant 0 : i32
    %c0_i32_0 = arith.constant 0 : i32
    %c0_i32_1 = arith.constant 0 : i32
    return %c0_i32, %arg0, %c0_i32_0 : i32, i32, i32
  }
  func.func @transform_1(%arg0: i32) -> (i32, i32) {
    %c0_i32 = arith.constant 0 : i32
    %c0_i32_0 = arith.constant 0 : i32
    return %arg0, %c0_i32 : i32, i32
  }
  func.func @transform_2(%arg0: i32) -> (i32, i32, i32, i32) {
    %c0_i32 = arith.constant 0 : i32
    %c0_i32_0 = arith.constant 0 : i32
    %c0_i32_1 = arith.constant 0 : i32
    %c0_i32_2 = arith.constant 0 : i32
    return %c0_i32, %arg0, %c0_i32_0, %c0_i32_1 : i32, i32, i32, i32
  }
  func.func @transform_3(%arg0: i32) -> (i32, i32) {
    %c0_i32 = arith.constant 0 : i32
    %c0_i32_0 = arith.constant 0 : i32
    return %arg0, %c0_i32 : i32, i32
  }
}

</mosaic_0001>

<sc_bundles>
// kernel: kernel.11.cloned.1.call-start
scs
__scs_entry_jumppad:
0x0: {  	(pc) =	sbr.rel $0x88, $3  }
0x1: {  	(tag) =	ssettag $0x0;
	lr =	simm.s32 $0x1  }
0x2: {  	[smem:$0x3F95] =	sst lr;
	_ =	strace $0xD0000000  }
0x3: {  	_ = 	snop  }
0x4: {  	_ = 	snop  }
0x5: {  	_ = 	snop  }
0x6: {  	_ = 	snop  }
0x7: {  	_ = 	snop  }
__scs_overlays_trampoline_lowered:
0x8: {  	[smem:$0x3FA4] =	sst s0  }
0x9: {  	[smem:$0x3FA5] =	sst s1  }
0xa: {  	[smem:$0x3FA6] =	sst s2  }
0xb: {  	[smem:$0x3FA7] =	sst s3  }
0xc: {  	[smem:$0x3FA8] =	sst s4  }
0xd: {  	[smem:$0x3FA9] =	sst s5  }
0xe: {  	[smem:$0x3FAA] =	sst s6  }
0xf: {  	[smem:$0x3FAB] =	sst s7  }
0x10: {  	[smem:$0x3FAC] =	sst s8  }
0x11: {  	[smem:$0x3FAD] =	sst s9;
	s0 =	simm.s32 @!p0 $0x0  }
0x12: {  	s1 =	sld [smem:$0x3F93];
	s0 =	simm.s32 @p0 $0x1  }
0x13: {  	[smem:$0x3FAE] =	sst s0;
	s0 =	simm.s32 @!p1 $0x0  }
0x14: {  	s2 =	sld [smem:$0x3F92];
	s0 =	simm.s32 @p1 $0x1  }
0x15: {  	[smem:$0x3FAF] =	sst s0;
	s0 =	simm.s32 @!p2 $0x0  }
0x16: {  	s3 =	sld [smem:$0x3FDB];
	s0 =	simm.s32 @p2 $0x1  }
0x17: {  	s4 =	simm.s32 $0x1BF5;
	[smem:$0x3FB1] =	sst s0  }
0x18: {  	s0 =	sld [smem:$0x3F94];
	_ =	swait.ge [sflag:s4], $0x0  }
0x19: {  	s7 =	sld [smem:$0x3F95]  }
0x1a: {  	s8 =	sadd.s32 $0xFFFFE003, lr  }
0x1b: {  	s9 =	sadd.s32 $0xFFFFFEF7, lr;
	s5 =	simm.s32 $0xFFFFFFFF;
	p2 =	slt.u32 s8, $0xFFFFF086  }
0x1c: {  	p1 =	slt.u32 s9, $0xF7A;
	s5 =	simm.s32 @!p2 $0x0  }
0x1d: {  	s5 =	simm.s32 @p1 $0x1;
	p0 =	seq.s32 s7, s2  }
0x1e: {  	s7 =	smul.u32 @!p0 $0xF7A, s2;
	p2 =	seq.s32 @!p0 s5, $0x0  }
0x1f: {  	s9 =	smul.u32 $0xF7A, s1;
	s8 =	simm.s32 @!p0 $0x1BF5;
	p2 =	por !p2, p0  }
0x20: {  	[sflag:s8] =	ssyncset.s32 @!p0 $0xFFFFF086;
	s6 =	sadd.s32 @!p0 s3, s7;
	s7 =	simm.s32 @!p0 $0x108  }
0x21: {  	s3 =	sadd.s32 s3, s9;
	s6 =	sadd.s32 @!p0 $0x88, s6;
	s7 =	simm.s32 @p2 $0x1082  }
0x22: {  	[simem:s7], [sflag:s8] =	dma.local @!p0 [hbm:s6], $0xF7A  }
0x23: {  	s9 =	sor.u32 $0xD0000000, s2;
	s6 =	simm.s32 $0x108;
	_ =	swait.ge @!p0 [sflag:s8], $0x0  }
0x24: {  	s3 =	sadd.s32 $0x88, s3;
	s6 =	simm.s32 @!p1 $0x1082;
	[sflag:s4] =	ssyncset.s32 $0xFFFFF086  }
0x25: {  	[simem:s6], [sflag:s4] =	dma.local [hbm:s3], $0xF7A  }
0x26: {  	[smem:$0x3F95] =	sst s1;
	(tag) =	ssettag s2;
	_ =	strace s9  }
0x27: {  	s1 =	sld [smem:$0x3FA5]  }
0x28: {  	s2 =	sld [smem:$0x3FA6]  }
0x29: {  	s4 =	sld [smem:$0x3FA8]  }
0x2a: {  	p0 =	seq.s32 s5, $0x0;
	s5 =	sld [smem:$0x3FA9]  }
0x2b: {  	s6 =	sld [smem:$0x3FAA]  }
0x2c: {  	s7 =	sld [smem:$0x3FAB]  }
0x2d: {  	s3 =	simm.s32 $0x108;
	s8 =	sld [smem:$0x3FAC]  }
0x2e: {  	s3 =	simm.s32 @!p0 $0x1082;
	s9 =	sld [smem:$0x3FAD]  }
0x2f: {  	lr =	sadd.s32 s0, s3;
	s0 =	sld [smem:$0x3FA4]  }
0x30: {  	s3 =	sld [smem:$0x3FA7]  }
0x31: {  	[smem:$0x3FB0] =	sst s10  }
0x32: {  	s10 =	sld [smem:$0x3FAE];
	_ =	sdelay $0x3  }
0x33: {  	p0 =	seq.s32 s10, $0x1;
	s10 =	sld [smem:$0x3FB0];
	_ =	sdelay $0x3  }
0x34: {  	[smem:$0x3FB0] =	sst s10  }
0x35: {  	s10 =	sld [smem:$0x3FAF];
	_ =	sdelay $0x3  }
0x36: {  	p1 =	seq.s32 s10, $0x1;
	s10 =	sld [smem:$0x3FB0];
	_ =	sdelay $0x3  }
0x37: {  	[smem:$0x3FB0] =	sst s10  }
0x38: {  	s10 =	sld [smem:$0x3FB1]  }
0x39: {  	_ = 	snop;
	(pc) =	sbr.ind lr, $3  }
0x3a: {  	_ = 	snop  }
0x3b: {  	_ = 	snop  }
0x3c: {  	p2 =	seq.s32 s10, $0x1;
	s10 =	sld [smem:$0x3FB0]  }
0x3d: {  	_ =	shalt  }
0x3e: {  	_ =	shalt  }
0x3f: {  	_ =	shalt  }
0x40: {  	_ =	shalt  }
0x41: {  	_ =	shalt  }
0x42: {  	_ =	shalt  }
0x43: {  	_ =	shalt  }
0x44: {  	_ =	shalt  }
0x45: {  	_ =	shalt  }
0x46: {  	_ =	shalt  }
0x47: {  	_ =	shalt  }
0x48: {  	_ =	shalt  }
0x49: {  	_ =	shalt  }
0x4a: {  	_ =	shalt  }
0x4b: {  	_ =	shalt  }
0x4c: {  	_ =	shalt  }
0x4d: {  	_ =	shalt  }
0x4e: {  	_ =	shalt  }
0x4f: {  	_ =	shalt  }
0x50: {  	_ =	shalt  }
0x51: {  	_ =	shalt  }
0x52: {  	_ =	shalt  }
0x53: {  	_ =	shalt  }
0x54: {  	_ =	shalt  }
0x55: {  	_ =	shalt  }
0x56: {  	_ =	shalt  }
0x57: {  	_ =	shalt  }
0x58: {  	_ =	shalt  }
0x59: {  	_ =	shalt  }
0x5a: {  	_ =	shalt  }
0x5b: {  	_ =	shalt  }
0x5c: {  	_ =	shalt  }
0x5d: {  	_ =	shalt  }
0x5e: {  	_ =	shalt  }
0x5f: {  	_ =	shalt  }
0x60: {  	_ =	shalt  }
0x61: {  	_ =	shalt  }
0x62: {  	_ =	shalt  }
0x63: {  	_ =	shalt  }
0x64: {  	_ =	shalt  }
0x65: {  	_ =	shalt  }
0x66: {  	_ =	shalt  }
0x67: {  	_ =	shalt  }
0x68: {  	_ =	shalt  }
0x69: {  	_ =	shalt  }
0x6a: {  	_ =	shalt  }
0x6b: {  	_ =	shalt  }
0x6c: {  	_ =	shalt  }
0x6d: {  	_ =	shalt  }
0x6e: {  	_ =	shalt  }
0x6f: {  	_ =	shalt  }
0x70: {  	_ =	shalt  }
0x71: {  	_ =	shalt  }
0x72: {  	_ =	shalt  }
0x73: {  	_ =	shalt  }
0x74: {  	_ =	shalt  }
0x75: {  	_ =	shalt  }
0x76: {  	_ =	shalt  }
0x77: {  	_ =	shalt  }
0x78: {  	_ =	shalt  }
0x79: {  	_ =	shalt  }
0x7a: {  	_ =	shalt  }
0x7b: {  	_ =	shalt  }
0x7c: {  	_ =	shalt  }
0x7d: {  	_ =	shalt  }
0x7e: {  	_ =	shalt  }
0x7f: {  	_ =	shalt  }
0x80: {  	_ =	shalt  }
0x81: {  	_ =	shalt  }
0x82: {  	_ =	shalt  }
0x83: {  	_ =	shalt  }
0x84: {  	_ =	shalt  }
0x85: {  	_ =	shalt  }
0x86: {  	_ =	shalt  }
0x87: {  	_ =	shalt  }
.Lfunc_end0:
.L_simem_size_0:
called_computation.1_lowered:
.L_overlay_start_0:
0x88: {  	s2 =	sld [smem:$0x3FD9]  }
0x89: {  	s3 =	sld [smem:$0x3FFE];
	_ =	sdelay $0x1  }
0x8a: {  	s1 =	srdreg.scid  }
0x8b: {  	s0 =	sand.u32 $0x1, s1  }
0x8c: {  	s17 =	sshll.u32 s0, $0xA;
	s2 =	sadd.s32 s3, s2  }
0x8d: {  	s2 =	sadd.s32 s2, s17  }
0x8e: {  	[smem:$0x3FBC] =	sst s2  }
0x8f: {  	_ = 	snop  }
0x90: {  	s2 =	sld [smem:$0x3FD0];
	(tm) =	ssettm $0x1  }
0x91: {  	s18 =	sld [smem:$0x3FFB];
	_ =	sdelay $0x3  }
0x92: {  	_ =	strace s18  }
0x93: {  	s3 =	sld [smem:$0x3FFC];
	_ =	sdelay $0x3  }
0x94: {  	_ =	strace s3  }
0x95: {  	s3 =	sld [smem:$0x3FFD];
	_ =	sdelay $0x3  }
0x96: {  	_ =	strace s3  }
0x97: {  	_ =	strace $0x8FFFFFFF  }
0x98: {  	s19 =	sld [smem:$0x3FDB];
	_ =	sdelay $0x1  }
0x99: {  	s4 =	simm.s32 $_scs_section_size  }
0x9a: {  	s5 =	simm.s32 $_size__tile_overlayer_lowered;
	s6 =	simm.s32 $_tile_overlayer_lowered  }
0x9b: {  	s22 =	simm.s32 $0x1BFF;
	s21 =	sshll.u32 s6, $0x1;
	s3 =	sadd.s32 s4, s19  }
0x9c: {  	s7 =	simm.s32 $0x0;
	s20 =	sshll.u32 s5, $0x1;
	s5 =	sadd.s32 s21, s3  }
0x9d: {  	[timem:s7], [sflag:s22] =	dma.local [hbm:s5], s20  }
0x9e: {  	_ =	swait.ge [sflag:s22], s20  }
0x9f: {  	s4 =	ssub.s32 $0x0, s20;
	[sflag:s22] =	ssyncset.done $0x0  }
0xa0: {  	[sflag:s22] =	ssyncadd.s32 s4;
	_ =	sdelay $0x1  }
0xa1: {  	s23 =	simm.s32 $0x1B8B  }
0xa2: {  	_ =	swait.ge [sflag:s23], $0x1  }
0xa3: {  	[sflag:s23] =	ssyncset.done $0x0  }
0xa4: {  	s25 =	simm.s32 $0x1B8E;
	s24 =	sld [smem:$0x3FFE];
	[sflag:s23] =	ssyncadd.s32 $0xFFFFFFFF  }
0xa5: {  	s26 =	simm.s32 $execute0_lowered;
	[smem:$0x3FD2] =	sst s25  }
0xa6: {  	s5 =	sshll.u32 s26, $0x1;
	_ =	strace $0x80000046;
	[dreg:$0x1] =	wrdreg $0xFFFFFFFF  }
0xa7: {  	s28 =	simm.s32 $_size_execute0_lowered;
	s3 =	sadd.s32 s3, s5;
	[dreg:$0x0] =	wrdreg $0x0  }
0xa8: {  	s5 =	sshll.u32 s28, $0x1;
	[dreg:$0x2] =	wrdreg s3  }
0xa9: {  	[dreg:$0x3] =	wrdreg s5  }
0xaa: {  	[dreg:$0x4] =	wrdreg $0xC0  }
0xab: {  	_ =	task [dreg:s7], $0x5FFFF  }
0xac: {  	[dreg:$0x1] =	wrdreg $0xFFFFFFFF  }
0xad: {  	[dreg:$0x0] =	wrdreg $0x60  }
0xae: {  	[dreg:$0x2] =	wrdreg s2  }
0xaf: {  	[dreg:$0x3] =	wrdreg s24  }
0xb0: {  	[dreg:$0x4] =	wrdreg $0xA3000  }
0xb1: {  	[dreg:$0x5] =	wrdreg $0xA  }
0xb2: {  	_ =	task.clear_ibuf [dreg:s7], $0x6FFFF;
	_ =	strace $0x90000046  }
0xb3: {  	s29 =	simm.s32 $0xA;
	_ =	strace $0x80000048  }
0xb4: {  	_ =	swait.ge [sflag:s29], $0x1  }
0xb5: {  	[sflag:s29] =	ssyncadd.s32 $0xFFFFFFFF  }
0xb6: {  	_ =	strace $0x90000048  }
0xb7: {  	_ =	sfence  }
0xb8: {  	s30 =	sld [smem:$0x0];
	_ =	sdelay $0x2  }
0xb9: {  	s31 =	sshll.u32 s1, $0xD;
	s1 =	sshrl.u32 s1, $0x2  }
0xba: {  	s3 =	sand.u32 $0x4000, s31;
	s1 =	sadd.s32 s1, s30  }
0xbb: {  	s0 =	sor.u32 s3, s0;
	s1 =	sshll.u32 s1, $0x11  }
0xbc: {  	s0 =	sor.u32 s1, s0  }
0xbd: {  	s0 =	sadd.s32 $0x8F2B, s0  }
0xbe: {  	[sflag:s0] =	ssyncadd.remote.s32 $0x1  }
0xbf: {  	_ =	sfence.sel $0xFFFF  }
0xc0: {  	[dreg:$0x0] =	wrdreg $0xFFFFFFFF;
	(pc) =	sbr.abs _section_cstart, $3  }
0xc1: {  	[dreg:$0x1] =	wrdreg $0xFFFFFFFF  }
0xc2: {  	_ =	task.clear_ibuf [dreg:s7], $0x2FFFF;
	_ =	strace $0x9FFFFFFF  }
0xc3: {  	(tm) =	ssettm $0x7FFFFFFF  }
tec
execute0_lowered:
.L_overlay_start_1:
0x0: {  	(tag) =	ssettag $0x1  }
0x1: {  	s1 =	rddreg [dreg:$0x0]  }
0x2: {  	s0 =	rddreg [dreg:$0x1]  }
0x3: {  	s2 =	rddreg [dreg:$0x2];
	s3 =	srdreg.scid  }
0x4: {  	s4 =	simm.s32 $0x0;
	s11 =	stileid.u32;
	s20 =	simm.s32 $0x300  }
0x5: {  	s28 =	simm.s32 $0x7B00;
	s29 =	simm.s32 $0x1;
	s8 =	smul.u32 $0x13C00, s11  }
0x6: {  	s30 =	simm.s32 $0x2;
	s31 =	simm.s32 $0x200;
	s9 =	smul.u32 $0x4F000, s11  }
0x7: {  	s3 =	sand.u32 $0x1, s3;
	[smem:$0x7FF] =	sst s4;
	s25 =	smul.u32 $0x1388, s11  }
0x8: {  	s5 =	sadd.s32 $0xD400, s0;
	s6 =	sadd.s32 $0xAD400, s0;
	s7 =	smul.u32 $0x140000, s3  }
0x9: {  	s13 =	smul.u32 $0x4E20, s11;
	_ =	strace $0x80000047;
	s21 =	ssub.s32 $0x2, s3  }
0xa: {  	s15 =	smul.u32 $0x2800, s3;
	s3 =	simm.s32 $0x280;
	s7 =	sadd.s32 s8, s7  }
0xb: {  	s9 =	sshrl.u32 s9, $0x2;
	s10 =	sshrl.u32 s21, $0x1;
	s7 =	sshrl.u32 s7, $0x3  }
0xc: {  	s16 =	sadd.s32 $0x50, s13;
	s0 =	sadd.s32 s7, s0;
	s7 =	sadd.s32 s9, s2  }
0xd: {  	s17 =	sadd.s32 $0xA0, s13;
	s8 =	ssub.s32 s21, s10;
	s9 =	sadd.s32 $0x2800, s7  }
0xe: {  	s21 =	simm.s32 $0x7;
	s22 =	sadd.s32 $0x5000, s7;
	[dreg:$0x4] =	wrdreg s9  }
0xf: {  	s10 =	simm.s32 $0x0;
	s23 =	sadd.s32 $0x7800, s7;
	[dreg:$0x5] =	wrdreg s22  }
0x10: {  	s19 =	smax.u32 s8, $0x1;
	s24 =	sadd.s32 $0xA000, s7;
	[dreg:$0x6] =	wrdreg s23  }
0x11: {  	s8 =	simm.s32 $0x5;
	s26 =	sadd.s32 $0xC800, s7;
	[dreg:$0x7] =	wrdreg s24  }
0x12: {  	s12 =	sadd.s32 $0xF000, s7;
	s14 =	sadd.s32 $0x11800, s7;
	[dreg:$0x8] =	wrdreg s26  }
0x13: {  	s18 =	sadd.s32 $0xFD400, s0;
	s0 =	simm.s32 $0x3;
	[dreg:$0x9] =	wrdreg s12  }
0x14: {  	[dreg:$0xa] =	wrdreg s14;
	s26 =	sadd.s32 s1, s25;
	s22 =	simm.s32 $0x50  }
0x15: {  	s24 =	simm.s32 $0x100;
	s25 =	simm.s32 $0x5300;
	s23 =	simm.s32 $0x4  }
0x16: {  	v1 =	vimm.f32 $0.0e+00;
	v0 =	vmov s15;
	s9 =	simm.s32 $0x6;
	[dreg:$0xb] =	wrdreg s26;
	s26 =	simm.s32 $0x150  }
.LBB2_1:
0x17: {  	s11 =	simm.s32 $0x0;
	s12 =	simm.s32 $0x200  }
.LBB2_2:
0x18: {  	p0 =	sne.s32 s12, $0x9E00;
	[tilespmem:s11+$0x370] =	vst v1  }
0x19: {  	[tilespmem:s11+$0x300] =	vst v1  }
0x1a: {  	[tilespmem:s11+$0x310] =	vst v1  }
.Ltmp0:
0x1b: {  	[tilespmem:s11+$0x320] =	vst v1;
	(pc) =	sbr.rel @p0 .LBB2_2-.Ltmp0, $4  }
0x1c: {  	[tilespmem:s11+$0x330] =	vst v1  }
0x1d: {  	[tilespmem:s11+$0x340] =	vst v1  }
0x1e: {  	[tilespmem:s11+$0x350] =	vst v1  }
0x1f: {  	[tilespmem:s11+$0x360] =	vst v1;
	s11 =	sshra.s32 s12, $0x2;
	s12 =	sadd.s32 $0x200, s12  }
0x20: {  	[tilespmem:s11+$0x370] =	vst v1  }
0x21: {  	[tilespmem:s11+$0x300] =	vst v1  }
0x22: {  	[tilespmem:s11+$0x310] =	vst v1  }
0x23: {  	[tilespmem:s11+$0x320] =	vst v1  }
0x24: {  	[tilespmem:s11+$0x330] =	vst v1  }
0x25: {  	[tilespmem:s11+$0x340] =	vst v1  }
0x26: {  	[tilespmem:s11+$0x350] =	vst v1  }
0x27: {  	[tilespmem:s11+$0x360] =	vst v1  }
0x28: {  	[spmem:s7] =	stream.linear.scatter [tilespmem:s20], [sflag:$0x7], $0x2800, $0x38;
	[tilespmem:$0x1DF00] =	vst v63  }
0x29: {  	_ =	swait.ge [sflag:s21], $0x2800  }
0x2a: {  	[sflag:s21] =	ssyncset.done $0x0  }
0x2b: {  	s12 =	rddreg [dreg:$0x4];
	[sflag:s21] =	ssyncadd.s32 $0xFFFFD800  }
0x2c: {  	[spmem:s12] =	stream.linear.scatter [tilespmem:s20], [sflag:$0x7], $0x2800, $0x38;
	[tilespmem:$0x1DF00] =	vst v63  }
0x2d: {  	_ =	swait.ge [sflag:s21], $0x2800  }
0x2e: {  	[sflag:s21] =	ssyncset.done $0x0  }
0x2f: {  	s13 =	rddreg [dreg:$0x5];
	[sflag:s21] =	ssyncadd.s32 $0xFFFFD800  }
0x30: {  	[spmem:s13] =	stream.linear.scatter [tilespmem:s20], [sflag:$0x7], $0x2800, $0x38;
	[tilespmem:$0x1DF00] =	vst v63  }
0x31: {  	_ =	swait.ge [sflag:s21], $0x2800  }
0x32: {  	[sflag:s21] =	ssyncset.done $0x0  }
0x33: {  	s14 =	rddreg [dreg:$0x6];
	[sflag:s21] =	ssyncadd.s32 $0xFFFFD800  }
0x34: {  	[spmem:s14] =	stream.linear.scatter [tilespmem:s20], [sflag:$0x7], $0x2800, $0x38;
	[tilespmem:$0x1DF00] =	vst v63  }
0x35: {  	_ =	swait.ge [sflag:s21], $0x2800  }
0x36: {  	[sflag:s21] =	ssyncset.done $0x0  }
0x37: {  	s15 =	rddreg [dreg:$0x7];
	[sflag:s21] =	ssyncadd.s32 $0xFFFFD800  }
0x38: {  	[spmem:s15] =	stream.linear.scatter [tilespmem:s20], [sflag:$0x7], $0x2800, $0x38;
	[tilespmem:$0x1DF00] =	vst v63  }
0x39: {  	_ =	swait.ge [sflag:s21], $0x2800  }
0x3a: {  	[sflag:s21] =	ssyncset.done $0x0  }
0x3b: {  	s12 =	rddreg [dreg:$0x8];
	[sflag:s21] =	ssyncadd.s32 $0xFFFFD800  }
0x3c: {  	[spmem:s12] =	stream.linear.scatter [tilespmem:s20], [sflag:$0x7], $0x2800, $0x38;
	[tilespmem:$0x1DF00] =	vst v63  }
0x3d: {  	_ =	swait.ge [sflag:s21], $0x2800  }
0x3e: {  	[sflag:s21] =	ssyncset.done $0x0  }
0x3f: {  	s13 =	rddreg [dreg:$0x9];
	[sflag:s21] =	ssyncadd.s32 $0xFFFFD800  }
0x40: {  	[spmem:s13] =	stream.linear.scatter [tilespmem:s20], [sflag:$0x7], $0x2800, $0x38;
	[tilespmem:$0x1DF00] =	vst v63  }
0x41: {  	_ =	swait.ge [sflag:s21], $0x2800  }
0x42: {  	[sflag:s21] =	ssyncset.done $0x0  }
0x43: {  	s14 =	rddreg [dreg:$0xa];
	[sflag:s21] =	ssyncadd.s32 $0xFFFFD800  }
0x44: {  	[spmem:s14] =	stream.linear.scatter [tilespmem:s20], [sflag:$0x7], $0x2400, $0x38;
	[tilespmem:$0x1DF00] =	vst v63  }
0x45: {  	_ =	swait.ge [sflag:s21], $0x2400  }
0x46: {  	[sflag:s21] =	ssyncset.done $0x0  }
0x47: {  	[sflag:s21] =	ssyncadd.s32 $0xFFFFDC00  }
0x48: {  	[bflag:$0x0] =	sbarrier.arrive $0xFFFF  }
0x49: {  	s11 =	simm.s32 $0x0;
	s12 =	rddreg [dreg:$0xb]  }
0x4a: {  	[tilespmem:s11], [sflag:$0x7] =	stream.linear.gather [hbm4b:s12+s11], $0xA0, $0x38;
	[tilespmem:$0x1DF00] =	vst v63  }
0x4b: {  	_ =	swait.ge [sflag:s21], $0xA0  }
0x4c: {  	[sflag:s21] =	ssyncset.done $0x0  }
0x4d: {  	[sflag:s21] =	ssyncadd.s32 $0xFFFFFF60  }
0x4e: {  	v2 =	vld [tilespmem:$0x0]  }
0x4f: {  	v3 =	vld [tilespmem:$0x10]  }
0x50: {  	v4 =	vld [tilespmem:$0x20]  }
0x51: {  	v5 =	vld [tilespmem:$0x30]  }
0x52: {  	v6 =	vld [tilespmem:$0x40]  }
0x53: {  	v7 =	vld [tilespmem:$0x50];
	v2 =	vadd.s32 v0, v2  }
0x54: {  	[tilespmem:$0x0] =	vst v2;
	v2 =	vadd.s32 v0, v3;
	v3 =	vld [tilespmem:$0x60]  }
0x55: {  	v61 =	vld [tilespmem:$0x70];
	[tilespmem:$0x10] =	vst v2;
	v2 =	vadd.s32 v0, v4  }
0x56: {  	v62 =	vld [tilespmem:$0x80];
	[tilespmem:$0x20] =	vst v2;
	v2 =	vadd.s32 v0, v5  }
0x57: {  	v63 =	vld [tilespmem:$0x90];
	[tilespmem:$0x30] =	vst v2;
	v2 =	vadd.s32 v0, v6  }
0x58: {  	[tilespmem:$0x40] =	vst v2;
	v2 =	vadd.s32 v0, v7  }
0x59: {  	[tilespmem:$0x50] =	vst v2;
	v2 =	vadd.s32 v0, v3  }
0x5a: {  	[tilespmem:$0x60] =	vst v2;
	v2 =	vadd.s32 v0, v61  }
0x5b: {  	[tilespmem:$0x70] =	vst v2;
	v2 =	vadd.s32 v0, v62  }
0x5c: {  	[tilespmem:$0x80] =	vst v2;
	v2 =	vadd.s32 v0, v63  }
0x5d: {  	[tilespmem:$0x90] =	vst v2  }
0x5e: {  	[tilespmem:s20], [sflag:$0x1] =	stream.indirect.gather [hbm4b:s5+s22], $0x80, s11, s22, $0xb8;
	[tilespmem:$0x1DF00] =	vst v63  }
0x5f: {  	s15 =	simm.s32 $0x2B00  }
0x60: {  	[tilespmem:s15], [sflag:$0x2] =	stream.indirect.gather [hbm4b:s6+s22], $0x80, s22, s22, $0xb8;
	[tilespmem:$0x1DF00] =	vst v63  }
.LBB2_4:
0x61: {  	s12 =	smul.u32 $0xA0, s11;
	_ =	sdelay $0x1  }
0x62: {  	s13 =	sadd.s32 s12, s16  }
0x63: {  	s13 =	sshrl.u32 s13, $0x2  }
0x64: {  	s13 =	sadd.s32 s1, s13  }
0x65: {  	[tilespmem:s24], [sflag:$0x7] =	stream.linear.gather [hbm4b:s13+s4], $0xA0, $0x38;
	[tilespmem:$0x1DF00] =	vst v63  }
0x66: {  	_ =	swait.ge [sflag:s21], $0xA0  }
0x67: {  	[sflag:s21] =	ssyncset.done $0x0  }
0x68: {  	[sflag:s21] =	ssyncadd.s32 $0xFFFFFF60  }
0x69: {  	v2 =	vld [tilespmem:$0x100]  }
0x6a: {  	v3 =	vld [tilespmem:$0x110]  }
0x6b: {  	v4 =	vld [tilespmem:$0x120]  }
0x6c: {  	v5 =	vld [tilespmem:$0x130]  }
0x6d: {  	v6 =	vld [tilespmem:$0x140]  }
0x6e: {  	v7 =	vld [tilespmem:$0x150];
	v2 =	vadd.s32 v0, v2  }
0x6f: {  	[tilespmem:$0x100] =	vst v2;
	v2 =	vadd.s32 v0, v3;
	v3 =	vld [tilespmem:$0x160]  }
0x70: {  	[tilespmem:$0x110] =	vst v2;
	v2 =	vadd.s32 v0, v4;
	v4 =	vld [tilespmem:$0x170]  }
0x71: {  	[tilespmem:$0x120] =	vst v2;
	v2 =	vadd.s32 v0, v5;
	v5 =	vld [tilespmem:$0x180]  }
0x72: {  	[tilespmem:$0x130] =	vst v2;
	v2 =	vadd.s32 v0, v6;
	v6 =	vld [tilespmem:$0x190]  }
0x73: {  	[tilespmem:$0x140] =	vst v2;
	v2 =	vadd.s32 v0, v7  }
0x74: {  	[tilespmem:$0x150] =	vst v2;
	v2 =	vadd.s32 v0, v3  }
0x75: {  	[tilespmem:$0x160] =	vst v2;
	v2 =	vadd.s32 v0, v4  }
0x76: {  	[tilespmem:$0x170] =	vst v2;
	v2 =	vadd.s32 v0, v5  }
0x77: {  	p0 =	seq.s32 s11, $0x0;
	[tilespmem:$0x180] =	vst v2;
	v2 =	vadd.s32 v0, v6  }
0x78: {  	s13 =	simm.s32 @!p0 $0x6;
	[tilespmem:$0x190] =	vst v2  }
0x79: {  	_ =	swait.ge @!p0 [sflag:s13], $0x2800  }
0x7a: {  	[sflag:s13] =	ssyncset.done @!p0 $0x0  }
0x7b: {  	[sflag:s13] =	ssyncadd.s32 @!p0 $0xFFFFD800  }
0x7c: {  	[tilespmem:s25], [sflag:$0x3] =	stream.indirect.gather [hbm4b:s5+s22], $0x80, s24, s22, $0xb8;
	[tilespmem:$0x1DF00] =	vst v63  }
0x7d: {  	_ = 	snop  }
0x7e: {  	[tilespmem:s28], [sflag:$0x4] =	stream.indirect.gather [hbm4b:s6+s22], $0x80, s26, s22, $0xb8;
	[tilespmem:$0x1DF00] =	vst v63  }
0x7f: {  	_ =	swait.ge [sflag:s29], $0x2800  }
0x80: {  	[sflag:s29] =	ssyncset.done $0x0  }
0x81: {  	[sflag:s29] =	ssyncadd.s32 $0xFFFFD800  }
0x82: {  	_ =	swait.ge [sflag:s30], $0x2800  }
0x83: {  	[sflag:s30] =	ssyncset.done $0x0  }
0x84: {  	s13 =	simm.s32 $0x0;
	[sflag:s30] =	ssyncadd.s32 $0xFFFFD800  }
0x85: {  	v3 =	vld [tilespmem:s13+$0x2B40]  }
0x86: {  	v4 =	vld [tilespmem:s13+$0x2B50]  }
0x87: {  	v13 =	vld [tilespmem:s13+$0x2B60]  }
0x88: {  	v2 =	vld [tilespmem:s13+$0x2B70]  }
0x89: {  	v14 =	vld [tilespmem:s13+$0x2B00]  }
0x8a: {  	v17 =	vld [tilespmem:s13+$0x2B10]  }
0x8b: {  	v8 =	vld [tilespmem:s13+$0x2B20]  }
0x8c: {  	v5 =	vld [tilespmem:s13+$0x2B30]  }
0x8d: {  	v18 =	vld [tilespmem:s13+$0x300]  }
0x8e: {  	v16 =	vld [tilespmem:s13+$0x310]  }
0x8f: {  	v15 =	vld [tilespmem:s13+$0x320];
	v12 =	vshll.u32 v3, $0x10;
	v10 =	vand.u32 $0xFFFF0000, v3;
	v9 =	vshll.u32 v4, $0x10  }
0x90: {  	v11 =	vld [tilespmem:s13+$0x330];
	v7 =	vand.u32 $0xFFFF0000, v4;
	v6 =	vshll.u32 v13, $0x10;
	v4 =	vand.u32 $0xFFFF0000, v13  }
0x91: {  	v19 =	vshll.u32 v14, $0x10;
	v20 =	vand.u32 $0xFFFF0000, v14;
	v13 =	vld [tilespmem:s13+$0x340];
	v3 =	vshll.u32 v2, $0x10  }
0x92: {  	s14 =	simm.s32 $0x200;
	v14 =	vld [tilespmem:s13+$0x350];
	v18 =	vmul.f32 v19, v18;
	v19 =	vshll.u32 v17, $0x10;
	v17 =	vand.u32 $0xFFFF0000, v17  }
.LBB2_5:
0x93: {  	p0 =	sne.s32 s14, $0x9E00;
	v16 =	vmul.f32 v20, v16;
	v20 =	vshll.u32 v8, $0x10;
	v8 =	vand.u32 $0xFFFF0000, v8;
	v21 =	vld [tilespmem:s13+$0x360]  }
0x94: {  	s15 =	sshra.s32 s14, $0x2;
	v12 =	vadd.f32 v12, v18;
	v15 =	vmul.f32 v19, v15;
	v18 =	vshll.u32 v5, $0x10;
	v19 =	vld [tilespmem:s13+$0x370]  }
0x95: {  	v5 =	vand.u32 $0xFFFF0000, v5;
	v22 =	vld [tilespmem:s15+$0x2B40];
	v10 =	vadd.f32 v10, v16;
	v11 =	vmul.f32 v17, v11  }
0x96: {  	v17 =	vld [tilespmem:s15+$0x2B50];
	v12 =	vmax.f32 v12, $0.0e+00;
	v9 =	vadd.f32 v9, v15;
	v13 =	vmul.f32 v20, v13  }
0x97: {  	v20 =	vld [tilespmem:s15+$0x2B60];
	[tilespmem:s13+$0x300] =	vst v12;
	v10 =	vmax.f32 v10, $0.0e+00;
	v7 =	vadd.f32 v7, v11;
	v8 =	vmul.f32 v8, v14  }
0x98: {  	v11 =	vld [tilespmem:s15+$0x2B70];
	[tilespmem:s13+$0x310] =	vst v10;
	v9 =	vmax.f32 v9, $0.0e+00;
	v6 =	vadd.f32 v6, v13;
	v10 =	vmul.f32 v18, v21  }
0x99: {  	v13 =	vld [tilespmem:s15+$0x2B00];
	[tilespmem:s13+$0x320] =	vst v9;
	v7 =	vmax.f32 v7, $0.0e+00;
	v4 =	vadd.f32 v4, v8;
	v5 =	vmul.f32 v5, v19  }
0x9a: {  	v2 =	vand.u32 $0xFFFF0000, v2;
	v14 =	vld [tilespmem:s15+$0x2B10];
	[tilespmem:s13+$0x330] =	vst v7;
	v6 =	vmax.f32 v6, $0.0e+00;
	v3 =	vadd.f32 v3, v10  }
0x9b: {  	v8 =	vld [tilespmem:s15+$0x2B20];
	[tilespmem:s13+$0x340] =	vst v6;
	v4 =	vmax.f32 v4, $0.0e+00;
	v6 =	vadd.f32 v2, v5  }
0x9c: {  	v5 =	vld [tilespmem:s15+$0x2B30];
	[tilespmem:s13+$0x350] =	vst v4;
	v3 =	vmax.f32 v3, $0.0e+00  }
0x9d: {  	v18 =	vld [tilespmem:s15+$0x300];
	[tilespmem:s13+$0x360] =	vst v3;
	v3 =	vmax.f32 v6, $0.0e+00;
	v2 =	vmov v11  }
.Ltmp1:
0x9e: {  	v16 =	vld [tilespmem:s15+$0x310];
	[tilespmem:s13+$0x370] =	vst v3;
	s13 =	smov.u32 s15;
	(pc) =	sbr.rel @p0 .LBB2_5-.Ltmp1, $4  }
0x9f: {  	v12 =	vshll.u32 v22, $0x10;
	v10 =	vand.u32 $0xFFFF0000, v22;
	v9 =	vshll.u32 v17, $0x10;
	v15 =	vld [tilespmem:s13+$0x320]  }
0xa0: {  	v7 =	vand.u32 $0xFFFF0000, v17;
	v4 =	vand.u32 $0xFFFF0000, v20;
	v6 =	vshll.u32 v20, $0x10;
	v11 =	vld [tilespmem:s13+$0x330]  }
0xa1: {  	v17 =	vshll.u32 v13, $0x10;
	v20 =	vand.u32 $0xFFFF0000, v13;
	v3 =	vshll.u32 v2, $0x10;
	v13 =	vld [tilespmem:s13+$0x340]  }
0xa2: {  	s14 =	sadd.s32 $0x200, s14;
	v19 =	vshll.u32 v14, $0x10;
	v18 =	vmul.f32 v17, v18;
	v17 =	vand.u32 $0xFFFF0000, v14;
	v14 =	vld [tilespmem:s13+$0x350]  }
0xa3: {  	v16 =	vmul.f32 v20, v16;
	v20 =	vshll.u32 v8, $0x10;
	v8 =	vand.u32 $0xFFFF0000, v8;
	v21 =	vld [tilespmem:s13+$0x360]  }
0xa4: {  	v12 =	vadd.f32 v12, v18;
	v15 =	vmul.f32 v19, v15;
	v18 =	vshll.u32 v5, $0x10;
	v19 =	vld [tilespmem:s13+$0x370]  }
0xa5: {  	v5 =	vand.u32 $0xFFFF0000, v5;
	v10 =	vadd.f32 v10, v16;
	v11 =	vmul.f32 v17, v11  }
0xa6: {  	v12 =	vmax.f32 v12, $0.0e+00;
	v9 =	vadd.f32 v9, v15;
	v13 =	vmul.f32 v20, v13  }
0xa7: {  	[tilespmem:s13+$0x300] =	vst v12;
	v10 =	vmax.f32 v10, $0.0e+00;
	v7 =	vadd.f32 v7, v11;
	v8 =	vmul.f32 v8, v14  }
0xa8: {  	[tilespmem:s13+$0x310] =	vst v10;
	v9 =	vmax.f32 v9, $0.0e+00;
	v6 =	vadd.f32 v6, v13;
	v10 =	vmul.f32 v18, v21  }
0xa9: {  	[tilespmem:s13+$0x320] =	vst v9;
	v7 =	vmax.f32 v7, $0.0e+00;
	v4 =	vadd.f32 v4, v8;
	v5 =	vmul.f32 v5, v19  }
0xaa: {  	v2 =	vand.u32 $0xFFFF0000, v2;
	[tilespmem:s13+$0x330] =	vst v7;
	v6 =	vmax.f32 v6, $0.0e+00;
	v3 =	vadd.f32 v3, v10  }
0xab: {  	[tilespmem:s13+$0x340] =	vst v6;
	v4 =	vmax.f32 v4, $0.0e+00;
	v2 =	vadd.f32 v2, v5  }
0xac: {  	[tilespmem:s13+$0x350] =	vst v4;
	v3 =	vmax.f32 v3, $0.0e+00  }
0xad: {  	[tilespmem:s13+$0x360] =	vst v3;
	v2 =	vmax.f32 v2, $0.0e+00  }
0xae: {  	[tilespmem:s13+$0x370] =	vst v2  }
0xaf: {  	v2 =	vld [tilespmem:$0x50]  }
0xb0: {  	v3 =	vld [tilespmem:$0x60]  }
0xb1: {  	v4 =	vld [tilespmem:$0x70]  }
0xb2: {  	v5 =	vld [tilespmem:$0x80]  }
0xb3: {  	v6 =	vld [tilespmem:$0x90]  }
0xb4: {  	v2 =	vsub.s32 v2, v0  }
0xb5: {  	[tilespmem:$0x200] =	vst v2;
	v2 =	vsub.s32 v3, v0  }
0xb6: {  	[tilespmem:$0x210] =	vst v2;
	v2 =	vsub.s32 v4, v0  }
0xb7: {  	p0 =	seq.s32 s11, $0x7C;
	[tilespmem:$0x220] =	vst v2;
	v2 =	vsub.s32 v5, v0  }
0xb8: {  	s12 =	sadd.s32 @!p0 s12, s17;
	[tilespmem:$0x230] =	vst v2;
	v2 =	vsub.s32 v6, v0  }
0xb9: {  	s12 =	sshrl.u32 @!p0 s12, $0x2;
	[tilespmem:$0x240] =	vst v2  }
0xba: {  	[spmem:s2] =	stream.indirect.scatter.add.f32 [tilespmem:s20], [sflag:$0x5], $0x80, s31, s22, $0xb8;
	[tilespmem:$0x1DF00] =	vst v63  }
0xbb: {  	s12 =	sadd.s32 @!p0 s1, s12;
	s13 =	simm.s32 @!p0 $0x0  }
0xbc: {  	[tilespmem:s13], [sflag:$0x7] =	stream.linear.gather @!p0 [hbm4b:s12+s13], $0xA0, $0x38;
	[tilespmem:$0x1DF00] =	vst v63  }
0xbd: {  	s12 =	simm.s32 @!p0 $0x7  }
0xbe: {  	_ =	swait.ge @!p0 [sflag:s12], $0xA0  }
0xbf: {  	[sflag:s12] =	ssyncset.done @!p0 $0x0  }
0xc0: {  	[sflag:s12] =	ssyncadd.s32 @!p0 $0xFFFFFF60  }
0xc1: {  	v2 =	vld @!p0 [tilespmem:$0x0]  }
0xc2: {  	v3 =	vld @!p0 [tilespmem:$0x10]  }
0xc3: {  	v4 =	vld @!p0 [tilespmem:$0x20]  }
0xc4: {  	v5 =	vld @!p0 [tilespmem:$0x30]  }
0xc5: {  	v6 =	vld @!p0 [tilespmem:$0x40]  }
0xc6: {  	v7 =	vld @!p0 [tilespmem:$0x50];
	v2 =	vadd.s32 @!p0 v0, v2  }
0xc7: {  	[tilespmem:$0x0] =	vst @!p0 v2;
	v2 =	vadd.s32 @!p0 v0, v3;
	v3 =	vld @!p0 [tilespmem:$0x60]  }
0xc8: {  	[tilespmem:$0x10] =	vst @!p0 v2;
	v2 =	vadd.s32 @!p0 v0, v4;
	v4 =	vld @!p0 [tilespmem:$0x70]  }
0xc9: {  	[tilespmem:$0x20] =	vst @!p0 v2;
	v2 =	vadd.s32 @!p0 v0, v5;
	v5 =	vld @!p0 [tilespmem:$0x80]  }
0xca: {  	[tilespmem:$0x30] =	vst @!p0 v2;
	v2 =	vadd.s32 @!p0 v0, v6;
	v6 =	vld @!p0 [tilespmem:$0x90]  }
0xcb: {  	[tilespmem:$0x40] =	vst @!p0 v2;
	v2 =	vadd.s32 @!p0 v0, v7  }
0xcc: {  	[tilespmem:$0x50] =	vst @!p0 v2;
	v2 =	vadd.s32 @!p0 v0, v3  }
0xcd: {  	[tilespmem:$0x60] =	vst @!p0 v2;
	v2 =	vadd.s32 @!p0 v0, v4  }
0xce: {  	[tilespmem:$0x70] =	vst @!p0 v2;
	v2 =	vadd.s32 @!p0 v0, v5  }
0xcf: {  	[tilespmem:$0x80] =	vst @!p0 v2;
	v2 =	vadd.s32 @!p0 v0, v6  }
0xd0: {  	s12 =	simm.s32 @!p0 $0x5;
	[tilespmem:$0x90] =	vst @!p0 v2  }
0xd1: {  	_ =	swait.ge @!p0 [sflag:s12], $0x2800  }
0xd2: {  	[sflag:s12] =	ssyncset.done @!p0 $0x0  }
0xd3: {  	s14 =	simm.s32 @!p0 $0x300;
	[sflag:s12] =	ssyncadd.s32 @!p0 $0xFFFFD800;
	s12 =	simm.s32 @!p0 $0x50  }
0xd4: {  	[tilespmem:s14], [sflag:$0x1] =	stream.indirect.gather @!p0 [hbm4b:s5+s12], $0x80, s13, s12, $0xb8;
	[tilespmem:$0x1DF00] =	vst v63  }
0xd5: {  	s13 =	simm.s32 @!p0 $0x2B00  }
0xd6: {  	[tilespmem:s13], [sflag:$0x2] =	stream.indirect.gather @!p0 [hbm4b:s6+s12], $0x80, s12, s12, $0xb8;
	[tilespmem:$0x1DF00] =	vst v63  }
0xd7: {  	_ =	swait.ge [sflag:s0], $0x2800  }
0xd8: {  	[sflag:s0] =	ssyncset.done $0x0  }
0xd9: {  	[sflag:s0] =	ssyncadd.s32 $0xFFFFD800  }
0xda: {  	_ =	swait.ge [sflag:s23], $0x2800  }
0xdb: {  	[sflag:s23] =	ssyncset.done $0x0  }
0xdc: {  	s12 =	simm.s32 $0x0;
	[sflag:s23] =	ssyncadd.s32 $0xFFFFD800  }
0xdd: {  	v3 =	vld [tilespmem:s12+$0x7B40]  }
0xde: {  	v4 =	vld [tilespmem:s12+$0x7B50]  }
0xdf: {  	v13 =	vld [tilespmem:s12+$0x7B60]  }
0xe0: {  	v2 =	vld [tilespmem:s12+$0x7B70]  }
0xe1: {  	v14 =	vld [tilespmem:s12+$0x7B00]  }
0xe2: {  	v17 =	vld [tilespmem:s12+$0x7B10]  }
0xe3: {  	v8 =	vld [tilespmem:s12+$0x7B20]  }
0xe4: {  	v5 =	vld [tilespmem:s12+$0x7B30]  }
0xe5: {  	v18 =	vld [tilespmem:s12+$0x5300]  }
0xe6: {  	v16 =	vld [tilespmem:s12+$0x5310]  }
0xe7: {  	v15 =	vld [tilespmem:s12+$0x5320];
	v12 =	vshll.u32 v3, $0x10;
	v10 =	vand.u32 $0xFFFF0000, v3;
	v9 =	vshll.u32 v4, $0x10  }
0xe8: {  	v11 =	vld [tilespmem:s12+$0x5330];
	v7 =	vand.u32 $0xFFFF0000, v4;
	v6 =	vshll.u32 v13, $0x10;
	v4 =	vand.u32 $0xFFFF0000, v13  }
0xe9: {  	v19 =	vshll.u32 v14, $0x10;
	v20 =	vand.u32 $0xFFFF0000, v14;
	v13 =	vld [tilespmem:s12+$0x5340];
	v3 =	vshll.u32 v2, $0x10  }
0xea: {  	s13 =	simm.s32 $0x200;
	v14 =	vld [tilespmem:s12+$0x5350];
	v18 =	vmul.f32 v19, v18;
	v19 =	vshll.u32 v17, $0x10;
	v17 =	vand.u32 $0xFFFF0000, v17  }
.LBB2_7:
0xeb: {  	p0 =	sne.s32 s13, $0x9E00;
	v16 =	vmul.f32 v20, v16;
	v20 =	vshll.u32 v8, $0x10;
	v8 =	vand.u32 $0xFFFF0000, v8;
	v21 =	vld [tilespmem:s12+$0x5360]  }
0xec: {  	s14 =	sshra.s32 s13, $0x2;
	v12 =	vadd.f32 v12, v18;
	v15 =	vmul.f32 v19, v15;
	v18 =	vshll.u32 v5, $0x10;
	v19 =	vld [tilespmem:s12+$0x5370]  }
0xed: {  	v5 =	vand.u32 $0xFFFF0000, v5;
	v22 =	vld [tilespmem:s14+$0x7B40];
	v10 =	vadd.f32 v10, v16;
	v11 =	vmul.f32 v17, v11  }
0xee: {  	v17 =	vld [tilespmem:s14+$0x7B50];
	v12 =	vmax.f32 v12, $0.0e+00;
	v9 =	vadd.f32 v9, v15;
	v13 =	vmul.f32 v20, v13  }
0xef: {  	v20 =	vld [tilespmem:s14+$0x7B60];
	[tilespmem:s12+$0x5300] =	vst v12;
	v10 =	vmax.f32 v10, $0.0e+00;
	v7 =	vadd.f32 v7, v11;
	v8 =	vmul.f32 v8, v14  }
0xf0: {  	v11 =	vld [tilespmem:s14+$0x7B70];
	[tilespmem:s12+$0x5310] =	vst v10;
	v9 =	vmax.f32 v9, $0.0e+00;
	v6 =	vadd.f32 v6, v13;
	v10 =	vmul.f32 v18, v21  }
0xf1: {  	v13 =	vld [tilespmem:s14+$0x7B00];
	[tilespmem:s12+$0x5320] =	vst v9;
	v7 =	vmax.f32 v7, $0.0e+00;
	v4 =	vadd.f32 v4, v8;
	v5 =	vmul.f32 v5, v19  }
0xf2: {  	v2 =	vand.u32 $0xFFFF0000, v2;
	v14 =	vld [tilespmem:s14+$0x7B10];
	[tilespmem:s12+$0x5330] =	vst v7;
	v6 =	vmax.f32 v6, $0.0e+00;
	v3 =	vadd.f32 v3, v10  }
0xf3: {  	v8 =	vld [tilespmem:s14+$0x7B20];
	[tilespmem:s12+$0x5340] =	vst v6;
	v4 =	vmax.f32 v4, $0.0e+00;
	v6 =	vadd.f32 v2, v5  }
0xf4: {  	v5 =	vld [tilespmem:s14+$0x7B30];
	[tilespmem:s12+$0x5350] =	vst v4;
	v3 =	vmax.f32 v3, $0.0e+00  }
0xf5: {  	v18 =	vld [tilespmem:s14+$0x5300];
	[tilespmem:s12+$0x5360] =	vst v3;
	v3 =	vmax.f32 v6, $0.0e+00;
	v2 =	vmov v11  }
.Ltmp2:
0xf6: {  	v16 =	vld [tilespmem:s14+$0x5310];
	[tilespmem:s12+$0x5370] =	vst v3;
	s12 =	smov.u32 s14;
	(pc) =	sbr.rel @p0 .LBB2_7-.Ltmp2, $4  }
0xf7: {  	v12 =	vshll.u32 v22, $0x10;
	v10 =	vand.u32 $0xFFFF0000, v22;
	v9 =	vshll.u32 v17, $0x10;
	v15 =	vld [tilespmem:s12+$0x5320]  }
0xf8: {  	v7 =	vand.u32 $0xFFFF0000, v17;
	v4 =	vand.u32 $0xFFFF0000, v20;
	v6 =	vshll.u32 v20, $0x10;
	v11 =	vld [tilespmem:s12+$0x5330]  }
0xf9: {  	v17 =	vshll.u32 v13, $0x10;
	v20 =	vand.u32 $0xFFFF0000, v13;
	v3 =	vshll.u32 v2, $0x10;
	v13 =	vld [tilespmem:s12+$0x5340]  }
0xfa: {  	s13 =	sadd.s32 $0x200, s13;
	v19 =	vshll.u32 v14, $0x10;
	v18 =	vmul.f32 v17, v18;
	v17 =	vand.u32 $0xFFFF0000, v14;
	v14 =	vld [tilespmem:s12+$0x5350]  }
0xfb: {  	v16 =	vmul.f32 v20, v16;
	v57 =	vshll.u32 v8, $0x10;
	v58 =	vand.u32 $0xFFFF0000, v8;
	v21 =	vld [tilespmem:s12+$0x5360]  }
0xfc: {  	v59 =	vshll.u32 v5, $0x10;
	v60 =	vld [tilespmem:s12+$0x5370];
	v12 =	vadd.f32 v12, v18;
	v15 =	vmul.f32 v19, v15  }
0xfd: {  	v61 =	vand.u32 $0xFFFF0000, v5;
	v10 =	vadd.f32 v10, v16;
	v11 =	vmul.f32 v17, v11  }
0xfe: {  	v12 =	vmax.f32 v12, $0.0e+00;
	v9 =	vadd.f32 v9, v15;
	v13 =	vmul.f32 v57, v13  }
0xff: {  	[tilespmem:s12+$0x5300] =	vst v12;
	v10 =	vmax.f32 v10, $0.0e+00;
	v7 =	vadd.f32 v7, v11;
	v8 =	vmul.f32 v58, v14  }
0x100: {  	[tilespmem:s12+$0x5310] =	vst v10;
	v9 =	vmax.f32 v9, $0.0e+00;
	v6 =	vadd.f32 v6, v13;
	v62 =	vmul.f32 v59, v21  }
0x101: {  	v5 =	vmul.f32 v61, v60;
	[tilespmem:s12+$0x5320] =	vst v9;
	v7 =	vmax.f32 v7, $0.0e+00;
	v4 =	vadd.f32 v4, v8  }
0x102: {  	v2 =	vand.u32 $0xFFFF0000, v2;
	[tilespmem:s12+$0x5330] =	vst v7;
	v6 =	vmax.f32 v6, $0.0e+00;
	v3 =	vadd.f32 v3, v62  }
0x103: {  	v2 =	vadd.f32 v2, v5;
	[tilespmem:s12+$0x5340] =	vst v6;
	v4 =	vmax.f32 v4, $0.0e+00  }
0x104: {  	[tilespmem:s12+$0x5350] =	vst v4;
	v3 =	vmax.f32 v3, $0.0e+00  }
0x105: {  	v2 =	vmax.f32 v2, $0.0e+00;
	[tilespmem:s12+$0x5360] =	vst v3  }
0x106: {  	[tilespmem:s12+$0x5370] =	vst v2  }
0x107: {  	v2 =	vld [tilespmem:$0x150]  }
0x108: {  	v3 =	vld [tilespmem:$0x160]  }
0x109: {  	v4 =	vld [tilespmem:$0x170]  }
0x10a: {  	v63 =	vld [tilespmem:$0x180]  }
0x10b: {  	v6 =	vld [tilespmem:$0x190]  }
0x10c: {  	s11 =	sadd.s32 $0x1, s11;
	v2 =	vsub.s32 v2, v0  }
0x10d: {  	p0 =	sne.s32 s11, $0x7D;
	[tilespmem:$0x280] =	vst v2;
	v2 =	vsub.s32 v3, v0  }
.Ltmp3:
0x10e: {  	[tilespmem:$0x290] =	vst v2;
	v2 =	vsub.s32 v4, v0;
	(pc) =	sbr.rel @p0 .LBB2_4-.Ltmp3, $4  }
0x10f: {  	[tilespmem:$0x2A0] =	vst v2;
	v2 =	vsub.s32 v63, v0  }
0x110: {  	[tilespmem:$0x2B0] =	vst v2;
	v2 =	vsub.s32 v6, v0  }
0x111: {  	[tilespmem:$0x2C0] =	vst v2  }
0x112: {  	[spmem:s2] =	stream.indirect.scatter.add.f32 [tilespmem:s25], [sflag:$0x6], $0x80, s3, s22, $0xb8;
	[tilespmem:$0x1DF00] =	vst v63  }
0x113: {  	_ =	swait.ge [sflag:s8], $0x2800  }
0x114: {  	[sflag:s8] =	ssyncset.done $0x0  }
0x115: {  	[sflag:s8] =	ssyncadd.s32 $0xFFFFD800  }
0x116: {  	s11 =	stileid.u32;
	_ =	swait.ge [sflag:s9], $0x2800  }
0x117: {  	s12 =	sshrl.u32 s7, $0x3;
	s10 =	sadd.s32 $0x1, s10;
	[sflag:s9] =	ssyncset.done $0x0  }
0x118: {  	s11 =	sshll.u32 s11, $0x6;
	p0 =	sne.s32 s10, s19;
	[sflag:s9] =	ssyncadd.s32 $0xFFFFD800  }
.Ltmp4:
0x119: {  	s11 =	sor.u32 $0x1C07, s11;
	[bflag:$0x0] =	sbarrier.arrive $0xFFFF;
	(pc) =	sbr.rel @p0 .LBB2_1-.Ltmp4, $4  }
0x11a: {  	[hbm:s18], [sflag:s11] =	dma.local [spmem:s12], $0x2780  }
0x11b: {  	_ =	swait.ge [sflag:s21], $0x2780  }
0x11c: {  	[sflag:s21] =	ssyncset.done $0x0  }
0x11d: {  	[sflag:s21] =	ssyncadd.s32 $0xFFFFD880  }
0x11e: {  	_ =	sfence.sel $0x180000  }
0x11f: {  	[bflag:$0x0] =	sbarrier.arrive $0xFFFF  }
0x120: {  	_ =	strace $0x90000047  }
0x121: {  	s0 =	stileid.u32;
	[bflag:$0x2] =	sbarrier.arrive $0xFFFF  }
0x122: {  	p0 =	sne.s32 s0, $0x0;
	s0 =	rddreg [dreg:$0x3]  }
0x123: {  	s0 =	sadd.s32 @!p0 $0x100000, s0  }
0x124: {  	[sflag:s0] =	ssyncadd.tile.s32 @!p0 $0x1;
	_ =	shalt  }
.Lfunc_end2:
_tile_overlayer_lowered:
.L_overlay_start_2:
0x125: {  	(tag) =	ssettag $0x2  }
0x126: {  	s0 =	rddreg [dreg:$0x0];
	s2 =	stileid.u32  }
0x127: {  	s1 =	rddreg [dreg:$0x1];
	p0 =	sne.s32 s2, $0x0  }
0x128: {  	s3 =	rddreg [dreg:$0x2];
	[bflag:$0x3] =	sbarrier.arrive $0xFFFF;
	s2 =	simm.s32 @!p0 $0x1C07  }
0x129: {  	[timem:s3], [sflag:s2] =	dma.local @!p0 [hbm:s0], s1  }
0x12a: {  	s0 =	simm.s32 @!p0 $0x7  }
0x12b: {  	_ =	swait.ge @!p0 [sflag:s0], s1  }
0x12c: {  	s1 =	ssub.s32 @!p0 $0x0, s1;
	[sflag:s0] =	ssyncset.done @!p0 $0x0  }
0x12d: {  	[sflag:s0] =	ssyncadd.s32 @!p0 s1  }
0x12e: {  	[bflag:$0x3] =	sbarrier.arrive $0xFFFF  }
0x12f: {  	_ =	shalt  }

// kernel: kernel.14.cloned.1.call-start
scs
__scs_entry_jumppad:
0x0: {  	(pc) =	sbr.rel $0x88, $3  }
0x1: {  	(tag) =	ssettag $0x0;
	lr =	simm.s32 $0x1  }
0x2: {  	[smem:$0x3F95] =	sst lr;
	_ =	strace $0xD0000000  }
0x3: {  	_ = 	snop  }
0x4: {  	_ = 	snop  }
0x5: {  	_ = 	snop  }
0x6: {  	_ = 	snop  }
0x7: {  	_ = 	snop  }
__scs_overlays_trampoline_lowered:
0x8: {  	[smem:$0x3FA4] =	sst s0  }
0x9: {  	[smem:$0x3FA5] =	sst s1  }
0xa: {  	[smem:$0x3FA6] =	sst s2  }
0xb: {  	[smem:$0x3FA7] =	sst s3  }
0xc: {  	[smem:$0x3FA8] =	sst s4  }
0xd: {  	[smem:$0x3FA9] =	sst s5  }
0xe: {  	[smem:$0x3FAA] =	sst s6  }
0xf: {  	[smem:$0x3FAB] =	sst s7  }
0x10: {  	[smem:$0x3FAC] =	sst s8  }
0x11: {  	[smem:$0x3FAD] =	sst s9;
	s0 =	simm.s32 @!p0 $0x0  }
0x12: {  	s1 =	sld [smem:$0x3F93];
	s0 =	simm.s32 @p0 $0x1  }
0x13: {  	[smem:$0x3FAE] =	sst s0;
	s0 =	simm.s32 @!p1 $0x0  }
0x14: {  	s2 =	sld [smem:$0x3F92];
	s0 =	simm.s32 @p1 $0x1  }
0x15: {  	[smem:$0x3FAF] =	sst s0;
	s0 =	simm.s32 @!p2 $0x0  }
0x16: {  	s3 =	sld [smem:$0x3FDB];
	s0 =	simm.s32 @p2 $0x1  }
0x17: {  	s4 =	simm.s32 $0x1BF5;
	[smem:$0x3FB1] =	sst s0  }
0x18: {  	s0 =	sld [smem:$0x3F94];
	_ =	swait.ge [sflag:s4], $0x0  }
0x19: {  	s7 =	sld [smem:$0x3F95]  }
0x1a: {  	s8 =	sadd.s32 $0xFFFFE003, lr  }
0x1b: {  	s9 =	sadd.s32 $0xFFFFFEF7, lr;
	s5 =	simm.s32 $0xFFFFFFFF;
	p2 =	slt.u32 s8, $0xFFFFF086  }
0x1c: {  	p1 =	slt.u32 s9, $0xF7A;
	s5 =	simm.s32 @!p2 $0x0  }
0x1d: {  	s5 =	simm.s32 @p1 $0x1;
	p0 =	seq.s32 s7, s2  }
0x1e: {  	s7 =	smul.u32 @!p0 $0xF7A, s2;
	p2 =	seq.s32 @!p0 s5, $0x0  }
0x1f: {  	s9 =	smul.u32 $0xF7A, s1;
	s8 =	simm.s32 @!p0 $0x1BF5;
	p2 =	por !p2, p0  }
0x20: {  	[sflag:s8] =	ssyncset.s32 @!p0 $0xFFFFF086;
	s6 =	sadd.s32 @!p0 s3, s7;
	s7 =	simm.s32 @!p0 $0x108  }
0x21: {  	s3 =	sadd.s32 s3, s9;
	s6 =	sadd.s32 @!p0 $0x88, s6;
	s7 =	simm.s32 @p2 $0x1082  }
0x22: {  	[simem:s7], [sflag:s8] =	dma.local @!p0 [hbm:s6], $0xF7A  }
0x23: {  	s9 =	sor.u32 $0xD0000000, s2;
	s6 =	simm.s32 $0x108;
	_ =	swait.ge @!p0 [sflag:s8], $0x0  }
0x24: {  	s3 =	sadd.s32 $0x88, s3;
	s6 =	simm.s32 @!p1 $0x1082;
	[sflag:s4] =	ssyncset.s32 $0xFFFFF086  }
0x25: {  	[simem:s6], [sflag:s4] =	dma.local [hbm:s3], $0xF7A  }
0x26: {  	[smem:$0x3F95] =	sst s1;
	(tag) =	ssettag s2;
	_ =	strace s9  }
0x27: {  	s1 =	sld [smem:$0x3FA5]  }
0x28: {  	s2 =	sld [smem:$0x3FA6]  }
0x29: {  	s4 =	sld [smem:$0x3FA8]  }
0x2a: {  	p0 =	seq.s32 s5, $0x0;
	s5 =	sld [smem:$0x3FA9]  }
0x2b: {  	s6 =	sld [smem:$0x3FAA]  }
0x2c: {  	s7 =	sld [smem:$0x3FAB]  }
0x2d: {  	s3 =	simm.s32 $0x108;
	s8 =	sld [smem:$0x3FAC]  }
0x2e: {  	s3 =	simm.s32 @!p0 $0x1082;
	s9 =	sld [smem:$0x3FAD]  }
0x2f: {  	lr =	sadd.s32 s0, s3;
	s0 =	sld [smem:$0x3FA4]  }
0x30: {  	s3 =	sld [smem:$0x3FA7]  }
0x31: {  	[smem:$0x3FB0] =	sst s10  }
0x32: {  	s10 =	sld [smem:$0x3FAE];
	_ =	sdelay $0x3  }
0x33: {  	p0 =	seq.s32 s10, $0x1;
	s10 =	sld [smem:$0x3FB0];
	_ =	sdelay $0x3  }
0x34: {  	[smem:$0x3FB0] =	sst s10  }
0x35: {  	s10 =	sld [smem:$0x3FAF];
	_ =	sdelay $0x3  }
0x36: {  	p1 =	seq.s32 s10, $0x1;
	s10 =	sld [smem:$0x3FB0];
	_ =	sdelay $0x3  }
0x37: {  	[smem:$0x3FB0] =	sst s10  }
0x38: {  	s10 =	sld [smem:$0x3FB1]  }
0x39: {  	_ = 	snop;
	(pc) =	sbr.ind lr, $3  }
0x3a: {  	_ = 	snop  }
0x3b: {  	_ = 	snop  }
0x3c: {  	p2 =	seq.s32 s10, $0x1;
	s10 =	sld [smem:$0x3FB0]  }
0x3d: {  	_ =	shalt  }
0x3e: {  	_ =	shalt  }
0x3f: {  	_ =	shalt  }
0x40: {  	_ =	shalt  }
0x41: {  	_ =	shalt  }
0x42: {  	_ =	shalt  }
0x43: {  	_ =	shalt  }
0x44: {  	_ =	shalt  }
0x45: {  	_ =	shalt  }
0x46: {  	_ =	shalt  }
0x47: {  	_ =	shalt  }
0x48: {  	_ =	shalt  }
0x49: {  	_ =	shalt  }
0x4a: {  	_ =	shalt  }
0x4b: {  	_ =	shalt  }
0x4c: {  	_ =	shalt  }
0x4d: {  	_ =	shalt  }
0x4e: {  	_ =	shalt  }
0x4f: {  	_ =	shalt  }
0x50: {  	_ =	shalt  }
0x51: {  	_ =	shalt  }
0x52: {  	_ =	shalt  }
0x53: {  	_ =	shalt  }
0x54: {  	_ =	shalt  }
0x55: {  	_ =	shalt  }
0x56: {  	_ =	shalt  }
0x57: {  	_ =	shalt  }
0x58: {  	_ =	shalt  }
0x59: {  	_ =	shalt  }
0x5a: {  	_ =	shalt  }
0x5b: {  	_ =	shalt  }
0x5c: {  	_ =	shalt  }
0x5d: {  	_ =	shalt  }
0x5e: {  	_ =	shalt  }
0x5f: {  	_ =	shalt  }
0x60: {  	_ =	shalt  }
0x61: {  	_ =	shalt  }
0x62: {  	_ =	shalt  }
0x63: {  	_ =	shalt  }
0x64: {  	_ =	shalt  }
0x65: {  	_ =	shalt  }
0x66: {  	_ =	shalt  }
0x67: {  	_ =	shalt  }
0x68: {  	_ =	shalt  }
0x69: {  	_ =	shalt  }
0x6a: {  	_ =	shalt  }
0x6b: {  	_ =	shalt  }
0x6c: {  	_ =	shalt  }
0x6d: {  	_ =	shalt  }
0x6e: {  	_ =	shalt  }
0x6f: {  	_ =	shalt  }
0x70: {  	_ =	shalt  }
0x71: {  	_ =	shalt  }
0x72: {  	_ =	shalt  }
0x73: {  	_ =	shalt  }
0x74: {  	_ =	shalt  }
0x75: {  	_ =	shalt  }
0x76: {  	_ =	shalt  }
0x77: {  	_ =	shalt  }
0x78: {  	_ =	shalt  }
0x79: {  	_ =	shalt  }
0x7a: {  	_ =	shalt  }
0x7b: {  	_ =	shalt  }
0x7c: {  	_ =	shalt  }
0x7d: {  	_ =	shalt  }
0x7e: {  	_ =	shalt  }
0x7f: {  	_ =	shalt  }
0x80: {  	_ =	shalt  }
0x81: {  	_ =	shalt  }
0x82: {  	_ =	shalt  }
0x83: {  	_ =	shalt  }
0x84: {  	_ =	shalt  }
0x85: {  	_ =	shalt  }
0x86: {  	_ =	shalt  }
0x87: {  	_ =	shalt  }
.Lfunc_end0:
.L_simem_size_0:
called_computation.2_lowered:
.L_overlay_start_0:
0x88: {  	s2 =	sld [smem:$0x3FD9]  }
0x89: {  	s3 =	sld [smem:$0x3FFE];
	_ =	sdelay $0x1  }
0x8a: {  	s1 =	srdreg.scid  }
0x8b: {  	s0 =	sand.u32 $0x1, s1  }
0x8c: {  	s17 =	sshll.u32 s0, $0xA;
	s2 =	sadd.s32 s3, s2  }
0x8d: {  	s2 =	sadd.s32 s2, s17  }
0x8e: {  	[smem:$0x3FBC] =	sst s2  }
0x8f: {  	_ = 	snop  }
0x90: {  	s2 =	sld [smem:$0x3FD0];
	(tm) =	ssettm $0x1  }
0x91: {  	s18 =	sld [smem:$0x3FFB];
	_ =	sdelay $0x3  }
0x92: {  	_ =	strace s18  }
0x93: {  	s3 =	sld [smem:$0x3FFC];
	_ =	sdelay $0x3  }
0x94: {  	_ =	strace s3  }
0x95: {  	s3 =	sld [smem:$0x3FFD];
	_ =	sdelay $0x3  }
0x96: {  	_ =	strace s3  }
0x97: {  	_ =	strace $0x8FFFFFFF  }
0x98: {  	s19 =	sld [smem:$0x3FDB];
	_ =	sdelay $0x1  }
0x99: {  	s4 =	simm.s32 $_scs_section_size  }
0x9a: {  	s5 =	simm.s32 $_size__tile_overlayer_lowered;
	s6 =	simm.s32 $_tile_overlayer_lowered  }
0x9b: {  	s22 =	simm.s32 $0x1BFF;
	s21 =	sshll.u32 s6, $0x1;
	s3 =	sadd.s32 s4, s19  }
0x9c: {  	s7 =	simm.s32 $0x0;
	s20 =	sshll.u32 s5, $0x1;
	s5 =	sadd.s32 s21, s3  }
0x9d: {  	[timem:s7], [sflag:s22] =	dma.local [hbm:s5], s20  }
0x9e: {  	_ =	swait.ge [sflag:s22], s20  }
0x9f: {  	s4 =	ssub.s32 $0x0, s20;
	[sflag:s22] =	ssyncset.done $0x0  }
0xa0: {  	[sflag:s22] =	ssyncadd.s32 s4;
	_ =	sdelay $0x1  }
0xa1: {  	s23 =	simm.s32 $0x1B8B  }
0xa2: {  	_ =	swait.ge [sflag:s23], $0x1  }
0xa3: {  	[sflag:s23] =	ssyncset.done $0x0  }
0xa4: {  	s25 =	simm.s32 $0x1B8E;
	s24 =	sld [smem:$0x3FFE];
	[sflag:s23] =	ssyncadd.s32 $0xFFFFFFFF  }
0xa5: {  	s26 =	simm.s32 $execute0_lowered;
	[smem:$0x3FD2] =	sst s25  }
0xa6: {  	s5 =	sshll.u32 s26, $0x1;
	_ =	strace $0x8000004C;
	[dreg:$0x1] =	wrdreg $0xFFFFFFFF  }
0xa7: {  	s28 =	simm.s32 $_size_execute0_lowered;
	s3 =	sadd.s32 s3, s5;
	[dreg:$0x0] =	wrdreg $0x0  }
0xa8: {  	s5 =	sshll.u32 s28, $0x1;
	[dreg:$0x2] =	wrdreg s3  }
0xa9: {  	[dreg:$0x3] =	wrdreg s5  }
0xaa: {  	[dreg:$0x4] =	wrdreg $0xC0  }
0xab: {  	_ =	task [dreg:s7], $0x5FFFF  }
0xac: {  	[dreg:$0x1] =	wrdreg $0xFFFFFFFF  }
0xad: {  	[dreg:$0x0] =	wrdreg $0x60  }
0xae: {  	[dreg:$0x2] =	wrdreg s2  }
0xaf: {  	[dreg:$0x3] =	wrdreg s24  }
0xb0: {  	[dreg:$0x4] =	wrdreg $0xA3000  }
0xb1: {  	[dreg:$0x5] =	wrdreg $0x9  }
0xb2: {  	_ =	task.clear_ibuf [dreg:s7], $0x6FFFF;
	_ =	strace $0x9000004C  }
0xb3: {  	s29 =	simm.s32 $0x9;
	_ =	strace $0x8000004E  }
0xb4: {  	_ =	swait.ge [sflag:s29], $0x1  }
0xb5: {  	[sflag:s29] =	ssyncadd.s32 $0xFFFFFFFF  }
0xb6: {  	_ =	strace $0x9000004E  }
0xb7: {  	_ =	sfence  }
0xb8: {  	s30 =	sld [smem:$0x0];
	_ =	sdelay $0x2  }
0xb9: {  	s31 =	sshll.u32 s1, $0xD;
	s1 =	sshrl.u32 s1, $0x2  }
0xba: {  	s3 =	sand.u32 $0x4000, s31;
	s1 =	sadd.s32 s1, s30  }
0xbb: {  	s0 =	sor.u32 s3, s0;
	s1 =	sshll.u32 s1, $0x11  }
0xbc: {  	s0 =	sor.u32 s1, s0  }
0xbd: {  	s0 =	sadd.s32 $0x8F2B, s0  }
0xbe: {  	[sflag:s0] =	ssyncadd.remote.s32 $0x1  }
0xbf: {  	_ =	sfence.sel $0xFFFF  }
0xc0: {  	[dreg:$0x0] =	wrdreg $0xFFFFFFFF;
	(pc) =	sbr.abs _section_cstart, $3  }
0xc1: {  	[dreg:$0x1] =	wrdreg $0xFFFFFFFF  }
0xc2: {  	_ =	task.clear_ibuf [dreg:s7], $0x2FFFF;
	_ =	strace $0x9FFFFFFF  }
0xc3: {  	(tm) =	ssettm $0x7FFFFFFF  }
tec
execute0_lowered:
.L_overlay_start_1:
0x0: {  	(tag) =	ssettag $0x1  }
0x1: {  	s0 =	rddreg [dreg:$0x0]  }
0x2: {  	s1 =	rddreg [dreg:$0x1]  }
0x3: {  	s2 =	srdreg.scid;
	s3 =	rddreg [dreg:$0x2]  }
0x4: {  	s11 =	stileid.u32;
	s4 =	simm.s32 $0x0;
	s28 =	simm.s32 $0x7B00  }
0x5: {  	s29 =	simm.s32 $0x1;
	s30 =	simm.s32 $0x2;
	s6 =	smul.u32 $0x13C00, s11  }
0x6: {  	s31 =	simm.s32 $0x200;
	s2 =	sand.u32 $0x1, s2;
	s8 =	smul.u32 $0x4F000, s11  }
0x7: {  	[smem:$0x7FF] =	sst s4;
	s16 =	smul.u32 $0x4E20, s11;
	s11 =	simm.s32 $0x0  }
0x8: {  	s5 =	smul.u32 $0x140000, s2;
	_ =	strace $0x8000004D;
	s10 =	ssub.s32 $0x2, s2  }
0x9: {  	s2 =	smul.u32 $0x50, s2;
	s15 =	sshrl.u32 s8, $0x2;
	s17 =	sshrl.u32 s10, $0x1  }
0xa: {  	s7 =	sadd.s32 s6, s5;
	s5 =	sadd.s32 $0x3600, s1;
	s6 =	sadd.s32 $0x2B600, s1  }
0xb: {  	s18 =	ssub.s32 s10, s17;
	s9 =	sshrl.u32 s7, $0x3;
	s7 =	sadd.s32 s15, s3  }
0xc: {  	s2 =	sadd.s32 s2, s16;
	s10 =	simm.s32 $0x6;
	s19 =	sadd.s32 $0x2800, s7  }
0xd: {  	s24 =	sshrl.u32 s2, $0x2;
	s20 =	sadd.s32 $0x5000, s7;
	[dreg:$0x4] =	wrdreg s19  }
0xe: {  	s16 =	sadd.s32 $0xA0, s2;
	s21 =	sadd.s32 $0x7800, s7;
	[dreg:$0x5] =	wrdreg s20  }
0xf: {  	s17 =	sadd.s32 $0x140, s2;
	s22 =	sadd.s32 $0xA000, s7;
	[dreg:$0x6] =	wrdreg s21  }
0x10: {  	s2 =	simm.s32 $0x3;
	s23 =	sadd.s32 $0xC800, s7;
	[dreg:$0x7] =	wrdreg s22  }
0x11: {  	s1 =	sadd.s32 s9, s1;
	s25 =	sadd.s32 $0xF000, s7;
	[dreg:$0x8] =	wrdreg s23  }
0x12: {  	s26 =	sadd.s32 $0x11800, s7;
	s8 =	sadd.s32 s0, s24;
	[dreg:$0x9] =	wrdreg s25  }
0x13: {  	s24 =	simm.s32 $0x100;
	s9 =	simm.s32 $0x280;
	[dreg:$0xa] =	wrdreg s26  }
0x14: {  	[dreg:$0xb] =	wrdreg s8;
	s1 =	sadd.s32 $0x53600, s1;
	s19 =	smax.u32 s18, $0x1  }
0x15: {  	s20 =	simm.s32 $0x300;
	s21 =	simm.s32 $0x7;
	s22 =	simm.s32 $0x50  }
0x16: {  	s23 =	simm.s32 $0x2B00;
	s25 =	simm.s32 $0x5300;
	s26 =	simm.s32 $0x150  }
0x17: {  	v0 =	vimm.f32 $0.0e+00;
	s8 =	simm.s32 $0x4;
	[dreg:$0xc] =	wrdreg s1;
	s1 =	simm.s32 $0x5  }
.LBB2_1:
0x18: {  	s12 =	simm.s32 $0x0;
	s13 =	simm.s32 $0x200  }
.LBB2_2:
0x19: {  	p0 =	sne.s32 s13, $0x9E00;
	[tilespmem:s12+$0x370] =	vst v0  }
0x1a: {  	[tilespmem:s12+$0x300] =	vst v0  }
0x1b: {  	[tilespmem:s12+$0x310] =	vst v0  }
.Ltmp0:
0x1c: {  	[tilespmem:s12+$0x320] =	vst v0;
	(pc) =	sbr.rel @p0 .LBB2_2-.Ltmp0, $4  }
0x1d: {  	[tilespmem:s12+$0x330] =	vst v0  }
0x1e: {  	[tilespmem:s12+$0x340] =	vst v0  }
0x1f: {  	[tilespmem:s12+$0x350] =	vst v0  }
0x20: {  	[tilespmem:s12+$0x360] =	vst v0;
	s12 =	sshra.s32 s13, $0x2;
	s13 =	sadd.s32 $0x200, s13  }
0x21: {  	[tilespmem:s12+$0x370] =	vst v0  }
0x22: {  	[tilespmem:s12+$0x300] =	vst v0  }
0x23: {  	[tilespmem:s12+$0x310] =	vst v0  }
0x24: {  	[tilespmem:s12+$0x320] =	vst v0  }
0x25: {  	[tilespmem:s12+$0x330] =	vst v0  }
0x26: {  	[tilespmem:s12+$0x340] =	vst v0  }
0x27: {  	[tilespmem:s12+$0x350] =	vst v0  }
0x28: {  	[tilespmem:s12+$0x360] =	vst v0  }
0x29: {  	[spmem:s7] =	stream.linear.scatter [tilespmem:s20], [sflag:$0x7], $0x2800, $0x38;
	[tilespmem:$0x1DF00] =	vst v63  }
0x2a: {  	_ =	swait.ge [sflag:s21], $0x2800  }
0x2b: {  	[sflag:s21] =	ssyncset.done $0x0  }
0x2c: {  	s14 =	rddreg [dreg:$0x4];
	[sflag:s21] =	ssyncadd.s32 $0xFFFFD800  }
0x2d: {  	[spmem:s14] =	stream.linear.scatter [tilespmem:s20], [sflag:$0x7], $0x2800, $0x38;
	[tilespmem:$0x1DF00] =	vst v63  }
0x2e: {  	_ =	swait.ge [sflag:s21], $0x2800  }
0x2f: {  	[sflag:s21] =	ssyncset.done $0x0  }
0x30: {  	s15 =	rddreg [dreg:$0x5];
	[sflag:s21] =	ssyncadd.s32 $0xFFFFD800  }
0x31: {  	[spmem:s15] =	stream.linear.scatter [tilespmem:s20], [sflag:$0x7], $0x2800, $0x38;
	[tilespmem:$0x1DF00] =	vst v63  }
0x32: {  	_ =	swait.ge [sflag:s21], $0x2800  }
0x33: {  	[sflag:s21] =	ssyncset.done $0x0  }
0x34: {  	s18 =	rddreg [dreg:$0x6];
	[sflag:s21] =	ssyncadd.s32 $0xFFFFD800  }
0x35: {  	[spmem:s18] =	stream.linear.scatter [tilespmem:s20], [sflag:$0x7], $0x2800, $0x38;
	[tilespmem:$0x1DF00] =	vst v63  }
0x36: {  	_ =	swait.ge [sflag:s21], $0x2800  }
0x37: {  	[sflag:s21] =	ssyncset.done $0x0  }
0x38: {  	s13 =	rddreg [dreg:$0x7];
	[sflag:s21] =	ssyncadd.s32 $0xFFFFD800  }
0x39: {  	[spmem:s13] =	stream.linear.scatter [tilespmem:s20], [sflag:$0x7], $0x2800, $0x38;
	[tilespmem:$0x1DF00] =	vst v63  }
0x3a: {  	_ =	swait.ge [sflag:s21], $0x2800  }
0x3b: {  	[sflag:s21] =	ssyncset.done $0x0  }
0x3c: {  	s14 =	rddreg [dreg:$0x8];
	[sflag:s21] =	ssyncadd.s32 $0xFFFFD800  }
0x3d: {  	[spmem:s14] =	stream.linear.scatter [tilespmem:s20], [sflag:$0x7], $0x2800, $0x38;
	[tilespmem:$0x1DF00] =	vst v63  }
0x3e: {  	_ =	swait.ge [sflag:s21], $0x2800  }
0x3f: {  	[sflag:s21] =	ssyncset.done $0x0  }
0x40: {  	s15 =	rddreg [dreg:$0x9];
	[sflag:s21] =	ssyncadd.s32 $0xFFFFD800  }
0x41: {  	[spmem:s15] =	stream.linear.scatter [tilespmem:s20], [sflag:$0x7], $0x2800, $0x38;
	[tilespmem:$0x1DF00] =	vst v63  }
0x42: {  	_ =	swait.ge [sflag:s21], $0x2800  }
0x43: {  	[sflag:s21] =	ssyncset.done $0x0  }
0x44: {  	s18 =	rddreg [dreg:$0xa];
	[sflag:s21] =	ssyncadd.s32 $0xFFFFD800  }
0x45: {  	[spmem:s18] =	stream.linear.scatter [tilespmem:s20], [sflag:$0x7], $0x2400, $0x38;
	[tilespmem:$0x1DF00] =	vst v63  }
0x46: {  	_ =	swait.ge [sflag:s21], $0x2400  }
0x47: {  	[sflag:s21] =	ssyncset.done $0x0  }
0x48: {  	[sflag:s21] =	ssyncadd.s32 $0xFFFFDC00  }
0x49: {  	[bflag:$0x0] =	sbarrier.arrive $0xFFFF  }
0x4a: {  	s12 =	simm.s32 $0x0;
	s13 =	rddreg [dreg:$0xb]  }
0x4b: {  	[tilespmem:s12], [sflag:$0x7] =	stream.linear.gather [hbm4b:s13+s12], $0xA0, $0x38;
	[tilespmem:$0x1DF00] =	vst v63  }
0x4c: {  	_ =	swait.ge [sflag:s21], $0xA0  }
0x4d: {  	[sflag:s21] =	ssyncset.done $0x0  }
0x4e: {  	[sflag:s21] =	ssyncadd.s32 $0xFFFFFF60  }
0x4f: {  	[tilespmem:s20], [sflag:$0x1] =	stream.indirect.gather [hbm4b:s5+s22], $0x80, s12, s22, $0xb8;
	[tilespmem:$0x1DF00] =	vst v63  }
0x50: {  	_ = 	snop  }
0x51: {  	[tilespmem:s23], [sflag:$0x2] =	stream.indirect.gather [hbm4b:s6+s22], $0x80, s22, s22, $0xb8;
	[tilespmem:$0x1DF00] =	vst v63  }
.LBB2_4:
0x52: {  	s13 =	smul.u32 $0x140, s12;
	_ =	sdelay $0x1  }
0x53: {  	s14 =	sadd.s32 s13, s16  }
0x54: {  	s14 =	sshrl.u32 s14, $0x2  }
0x55: {  	s14 =	sadd.s32 s0, s14  }
0x56: {  	[tilespmem:s24], [sflag:$0x7] =	stream.linear.gather [hbm4b:s14+s4], $0xA0, $0x38;
	[tilespmem:$0x1DF00] =	vst v63  }
0x57: {  	_ =	swait.ge [sflag:s21], $0xA0  }
0x58: {  	p0 =	seq.s32 s12, $0x0;
	[sflag:s21] =	ssyncset.done $0x0  }
0x59: {  	s14 =	simm.s32 @!p0 $0x6;
	[sflag:s21] =	ssyncadd.s32 $0xFFFFFF60  }
0x5a: {  	_ =	swait.ge @!p0 [sflag:s14], $0x2800  }
0x5b: {  	[sflag:s14] =	ssyncset.done @!p0 $0x0  }
0x5c: {  	[sflag:s14] =	ssyncadd.s32 @!p0 $0xFFFFD800  }
0x5d: {  	[tilespmem:s25], [sflag:$0x3] =	stream.indirect.gather [hbm4b:s5+s22], $0x80, s24, s22, $0xb8;
	[tilespmem:$0x1DF00] =	vst v63  }
0x5e: {  	_ = 	snop  }
0x5f: {  	[tilespmem:s28], [sflag:$0x4] =	stream.indirect.gather [hbm4b:s6+s22], $0x80, s26, s22, $0xb8;
	[tilespmem:$0x1DF00] =	vst v63  }
0x60: {  	_ =	swait.ge [sflag:s29], $0x2800  }
0x61: {  	[sflag:s29] =	ssyncset.done $0x0  }
0x62: {  	[sflag:s29] =	ssyncadd.s32 $0xFFFFD800  }
0x63: {  	_ =	swait.ge [sflag:s30], $0x2800  }
0x64: {  	[sflag:s30] =	ssyncset.done $0x0  }
0x65: {  	s14 =	simm.s32 $0x0;
	[sflag:s30] =	ssyncadd.s32 $0xFFFFD800  }
0x66: {  	v2 =	vld [tilespmem:s14+$0x2B40]  }
0x67: {  	v3 =	vld [tilespmem:s14+$0x2B50]  }
0x68: {  	v12 =	vld [tilespmem:s14+$0x2B60]  }
0x69: {  	v1 =	vld [tilespmem:s14+$0x2B70]  }
0x6a: {  	v13 =	vld [tilespmem:s14+$0x2B00]  }
0x6b: {  	v16 =	vld [tilespmem:s14+$0x2B10]  }
0x6c: {  	v7 =	vld [tilespmem:s14+$0x2B20]  }
0x6d: {  	v4 =	vld [tilespmem:s14+$0x2B30]  }
0x6e: {  	v17 =	vld [tilespmem:s14+$0x300]  }
0x6f: {  	v15 =	vld [tilespmem:s14+$0x310]  }
0x70: {  	v14 =	vld [tilespmem:s14+$0x320];
	v11 =	vshll.u32 v2, $0x10;
	v9 =	vand.u32 $0xFFFF0000, v2;
	v8 =	vshll.u32 v3, $0x10  }
0x71: {  	v10 =	vld [tilespmem:s14+$0x330];
	v6 =	vand.u32 $0xFFFF0000, v3;
	v5 =	vshll.u32 v12, $0x10;
	v3 =	vand.u32 $0xFFFF0000, v12  }
0x72: {  	v18 =	vshll.u32 v13, $0x10;
	v19 =	vand.u32 $0xFFFF0000, v13;
	v12 =	vld [tilespmem:s14+$0x340];
	v2 =	vshll.u32 v1, $0x10  }
0x73: {  	s15 =	simm.s32 $0x200;
	v13 =	vld [tilespmem:s14+$0x350];
	v17 =	vmul.f32 v18, v17;
	v18 =	vshll.u32 v16, $0x10;
	v16 =	vand.u32 $0xFFFF0000, v16  }
.LBB2_5:
0x74: {  	p0 =	sne.s32 s15, $0x9E00;
	v15 =	vmul.f32 v19, v15;
	v19 =	vshll.u32 v7, $0x10;
	v7 =	vand.u32 $0xFFFF0000, v7;
	v20 =	vld [tilespmem:s14+$0x360]  }
0x75: {  	s18 =	sshra.s32 s15, $0x2;
	v11 =	vadd.f32 v11, v17;
	v14 =	vmul.f32 v18, v14;
	v17 =	vshll.u32 v4, $0x10;
	v18 =	vld [tilespmem:s14+$0x370]  }
0x76: {  	v4 =	vand.u32 $0xFFFF0000, v4;
	v21 =	vld [tilespmem:s18+$0x2B40];
	v9 =	vadd.f32 v9, v15;
	v10 =	vmul.f32 v16, v10  }
0x77: {  	v16 =	vld [tilespmem:s18+$0x2B50];
	v11 =	vmax.f32 v11, $0.0e+00;
	v8 =	vadd.f32 v8, v14;
	v12 =	vmul.f32 v19, v12  }
0x78: {  	v19 =	vld [tilespmem:s18+$0x2B60];
	[tilespmem:s14+$0x300] =	vst v11;
	v9 =	vmax.f32 v9, $0.0e+00;
	v6 =	vadd.f32 v6, v10;
	v7 =	vmul.f32 v7, v13  }
0x79: {  	v10 =	vld [tilespmem:s18+$0x2B70];
	[tilespmem:s14+$0x310] =	vst v9;
	v8 =	vmax.f32 v8, $0.0e+00;
	v5 =	vadd.f32 v5, v12;
	v9 =	vmul.f32 v17, v20  }
0x7a: {  	v12 =	vld [tilespmem:s18+$0x2B00];
	[tilespmem:s14+$0x320] =	vst v8;
	v6 =	vmax.f32 v6, $0.0e+00;
	v3 =	vadd.f32 v3, v7;
	v4 =	vmul.f32 v4, v18  }
0x7b: {  	v1 =	vand.u32 $0xFFFF0000, v1;
	v13 =	vld [tilespmem:s18+$0x2B10];
	[tilespmem:s14+$0x330] =	vst v6;
	v5 =	vmax.f32 v5, $0.0e+00;
	v2 =	vadd.f32 v2, v9  }
0x7c: {  	v7 =	vld [tilespmem:s18+$0x2B20];
	[tilespmem:s14+$0x340] =	vst v5;
	v3 =	vmax.f32 v3, $0.0e+00;
	v5 =	vadd.f32 v1, v4  }
0x7d: {  	v4 =	vld [tilespmem:s18+$0x2B30];
	[tilespmem:s14+$0x350] =	vst v3;
	v2 =	vmax.f32 v2, $0.0e+00  }
0x7e: {  	v17 =	vld [tilespmem:s18+$0x300];
	[tilespmem:s14+$0x360] =	vst v2;
	v2 =	vmax.f32 v5, $0.0e+00;
	v1 =	vmov v10  }
.Ltmp1:
0x7f: {  	v15 =	vld [tilespmem:s18+$0x310];
	[tilespmem:s14+$0x370] =	vst v2;
	s14 =	smov.u32 s18;
	(pc) =	sbr.rel @p0 .LBB2_5-.Ltmp1, $4  }
0x80: {  	v11 =	vshll.u32 v21, $0x10;
	v9 =	vand.u32 $0xFFFF0000, v21;
	v8 =	vshll.u32 v16, $0x10;
	v14 =	vld [tilespmem:s14+$0x320]  }
0x81: {  	v6 =	vand.u32 $0xFFFF0000, v16;
	v3 =	vand.u32 $0xFFFF0000, v19;
	v5 =	vshll.u32 v19, $0x10;
	v10 =	vld [tilespmem:s14+$0x330]  }
0x82: {  	v16 =	vshll.u32 v12, $0x10;
	v19 =	vand.u32 $0xFFFF0000, v12;
	v2 =	vshll.u32 v1, $0x10;
	v12 =	vld [tilespmem:s14+$0x340]  }
0x83: {  	s15 =	sadd.s32 $0x200, s15;
	v18 =	vshll.u32 v13, $0x10;
	v17 =	vmul.f32 v16, v17;
	v16 =	vand.u32 $0xFFFF0000, v13;
	v13 =	vld [tilespmem:s14+$0x350]  }
0x84: {  	v15 =	vmul.f32 v19, v15;
	v19 =	vshll.u32 v7, $0x10;
	v7 =	vand.u32 $0xFFFF0000, v7;
	v20 =	vld [tilespmem:s14+$0x360]  }
0x85: {  	v11 =	vadd.f32 v11, v17;
	v14 =	vmul.f32 v18, v14;
	v17 =	vshll.u32 v4, $0x10;
	v18 =	vld [tilespmem:s14+$0x370]  }
0x86: {  	v4 =	vand.u32 $0xFFFF0000, v4;
	v9 =	vadd.f32 v9, v15;
	v10 =	vmul.f32 v16, v10  }
0x87: {  	v11 =	vmax.f32 v11, $0.0e+00;
	v8 =	vadd.f32 v8, v14;
	v12 =	vmul.f32 v19, v12  }
0x88: {  	[tilespmem:s14+$0x300] =	vst v11;
	v9 =	vmax.f32 v9, $0.0e+00;
	v6 =	vadd.f32 v6, v10;
	v7 =	vmul.f32 v7, v13  }
0x89: {  	[tilespmem:s14+$0x310] =	vst v9;
	v8 =	vmax.f32 v8, $0.0e+00;
	v5 =	vadd.f32 v5, v12;
	v9 =	vmul.f32 v17, v20  }
0x8a: {  	[tilespmem:s14+$0x320] =	vst v8;
	v6 =	vmax.f32 v6, $0.0e+00;
	v3 =	vadd.f32 v3, v7;
	v4 =	vmul.f32 v4, v18  }
0x8b: {  	v1 =	vand.u32 $0xFFFF0000, v1;
	[tilespmem:s14+$0x330] =	vst v6;
	v5 =	vmax.f32 v5, $0.0e+00;
	v2 =	vadd.f32 v2, v9  }
0x8c: {  	[tilespmem:s14+$0x340] =	vst v5;
	v3 =	vmax.f32 v3, $0.0e+00;
	v1 =	vadd.f32 v1, v4  }
0x8d: {  	[tilespmem:s14+$0x350] =	vst v3;
	v2 =	vmax.f32 v2, $0.0e+00  }
0x8e: {  	[tilespmem:s14+$0x360] =	vst v2;
	v1 =	vmax.f32 v1, $0.0e+00  }
0x8f: {  	[tilespmem:s14+$0x370] =	vst v1  }
0x90: {  	v1 =	vld [tilespmem:$0x50]  }
0x91: {  	v2 =	vld [tilespmem:$0x60]  }
0x92: {  	v3 =	vld [tilespmem:$0x70]  }
0x93: {  	v4 =	vld [tilespmem:$0x80]  }
0x94: {  	v5 =	vld [tilespmem:$0x90]  }
0x95: {  	[tilespmem:$0x200] =	vst v1  }
0x96: {  	[tilespmem:$0x210] =	vst v2  }
0x97: {  	[tilespmem:$0x220] =	vst v3  }
0x98: {  	s13 =	sadd.s32 s13, s17;
	[tilespmem:$0x230] =	vst v4  }
0x99: {  	s13 =	sshrl.u32 s13, $0x2;
	[tilespmem:$0x240] =	vst v5  }
0x9a: {  	[spmem:s3] =	stream.indirect.scatter.add.f32 [tilespmem:s20], [sflag:$0x5], $0x80, s31, s22, $0xb8;
	[tilespmem:$0x1DF00] =	vst v63  }
0x9b: {  	s18 =	simm.s32 $0x0;
	s13 =	sadd.s32 s0, s13  }
0x9c: {  	[tilespmem:s18], [sflag:$0x7] =	stream.linear.gather [hbm4b:s13+s18], $0xA0, $0x38;
	[tilespmem:$0x1DF00] =	vst v63  }
0x9d: {  	_ =	swait.ge [sflag:s21], $0xA0  }
0x9e: {  	[sflag:s21] =	ssyncset.done $0x0  }
0x9f: {  	[sflag:s21] =	ssyncadd.s32 $0xFFFFFF60  }
0xa0: {  	_ =	swait.ge [sflag:s1], $0x2800  }
0xa1: {  	[sflag:s1] =	ssyncset.done $0x0  }
0xa2: {  	[sflag:s1] =	ssyncadd.s32 $0xFFFFD800  }
0xa3: {  	[tilespmem:s20], [sflag:$0x1] =	stream.indirect.gather [hbm4b:s5+s22], $0x80, s18, s22, $0xb8;
	[tilespmem:$0x1DF00] =	vst v63  }
0xa4: {  	_ = 	snop  }
0xa5: {  	[tilespmem:s23], [sflag:$0x2] =	stream.indirect.gather [hbm4b:s6+s22], $0x80, s22, s22, $0xb8;
	[tilespmem:$0x1DF00] =	vst v63  }
0xa6: {  	_ =	swait.ge [sflag:s2], $0x2800  }
0xa7: {  	[sflag:s2] =	ssyncset.done $0x0  }
0xa8: {  	[sflag:s2] =	ssyncadd.s32 $0xFFFFD800  }
0xa9: {  	_ =	swait.ge [sflag:s8], $0x2800  }
0xaa: {  	[sflag:s8] =	ssyncset.done $0x0  }
0xab: {  	s13 =	simm.s32 $0x0;
	[sflag:s8] =	ssyncadd.s32 $0xFFFFD800  }
0xac: {  	v2 =	vld [tilespmem:s13+$0x7B40]  }
0xad: {  	v3 =	vld [tilespmem:s13+$0x7B50]  }
0xae: {  	v12 =	vld [tilespmem:s13+$0x7B60]  }
0xaf: {  	v1 =	vld [tilespmem:s13+$0x7B70]  }
0xb0: {  	v13 =	vld [tilespmem:s13+$0x7B00]  }
0xb1: {  	v16 =	vld [tilespmem:s13+$0x7B10]  }
0xb2: {  	v7 =	vld [tilespmem:s13+$0x7B20]  }
0xb3: {  	v4 =	vld [tilespmem:s13+$0x7B30]  }
0xb4: {  	v17 =	vld [tilespmem:s13+$0x5300]  }
0xb5: {  	v15 =	vld [tilespmem:s13+$0x5310]  }
0xb6: {  	v14 =	vld [tilespmem:s13+$0x5320];
	v11 =	vshll.u32 v2, $0x10;
	v9 =	vand.u32 $0xFFFF0000, v2;
	v8 =	vshll.u32 v3, $0x10  }
0xb7: {  	v10 =	vld [tilespmem:s13+$0x5330];
	v6 =	vand.u32 $0xFFFF0000, v3;
	v5 =	vshll.u32 v12, $0x10;
	v3 =	vand.u32 $0xFFFF0000, v12  }
0xb8: {  	v18 =	vshll.u32 v13, $0x10;
	v19 =	vand.u32 $0xFFFF0000, v13;
	v12 =	vld [tilespmem:s13+$0x5340];
	v2 =	vshll.u32 v1, $0x10  }
0xb9: {  	s14 =	simm.s32 $0x200;
	v13 =	vld [tilespmem:s13+$0x5350];
	v17 =	vmul.f32 v18, v17;
	v18 =	vshll.u32 v16, $0x10;
	v16 =	vand.u32 $0xFFFF0000, v16  }
.LBB2_7:
0xba: {  	p0 =	sne.s32 s14, $0x9E00;
	v15 =	vmul.f32 v19, v15;
	v19 =	vshll.u32 v7, $0x10;
	v7 =	vand.u32 $0xFFFF0000, v7;
	v20 =	vld [tilespmem:s13+$0x5360]  }
0xbb: {  	s15 =	sshra.s32 s14, $0x2;
	v11 =	vadd.f32 v11, v17;
	v14 =	vmul.f32 v18, v14;
	v17 =	vshll.u32 v4, $0x10;
	v18 =	vld [tilespmem:s13+$0x5370]  }
0xbc: {  	v4 =	vand.u32 $0xFFFF0000, v4;
	v21 =	vld [tilespmem:s15+$0x7B40];
	v9 =	vadd.f32 v9, v15;
	v10 =	vmul.f32 v16, v10  }
0xbd: {  	v16 =	vld [tilespmem:s15+$0x7B50];
	v11 =	vmax.f32 v11, $0.0e+00;
	v8 =	vadd.f32 v8, v14;
	v12 =	vmul.f32 v19, v12  }
0xbe: {  	v19 =	vld [tilespmem:s15+$0x7B60];
	[tilespmem:s13+$0x5300] =	vst v11;
	v9 =	vmax.f32 v9, $0.0e+00;
	v6 =	vadd.f32 v6, v10;
	v7 =	vmul.f32 v7, v13  }
0xbf: {  	v10 =	vld [tilespmem:s15+$0x7B70];
	[tilespmem:s13+$0x5310] =	vst v9;
	v8 =	vmax.f32 v8, $0.0e+00;
	v5 =	vadd.f32 v5, v12;
	v9 =	vmul.f32 v17, v20  }
0xc0: {  	v12 =	vld [tilespmem:s15+$0x7B00];
	[tilespmem:s13+$0x5320] =	vst v8;
	v6 =	vmax.f32 v6, $0.0e+00;
	v3 =	vadd.f32 v3, v7;
	v4 =	vmul.f32 v4, v18  }
0xc1: {  	v1 =	vand.u32 $0xFFFF0000, v1;
	v13 =	vld [tilespmem:s15+$0x7B10];
	[tilespmem:s13+$0x5330] =	vst v6;
	v5 =	vmax.f32 v5, $0.0e+00;
	v2 =	vadd.f32 v2, v9  }
0xc2: {  	v7 =	vld [tilespmem:s15+$0x7B20];
	[tilespmem:s13+$0x5340] =	vst v5;
	v3 =	vmax.f32 v3, $0.0e+00;
	v5 =	vadd.f32 v1, v4  }
0xc3: {  	v4 =	vld [tilespmem:s15+$0x7B30];
	[tilespmem:s13+$0x5350] =	vst v3;
	v2 =	vmax.f32 v2, $0.0e+00  }
0xc4: {  	v17 =	vld [tilespmem:s15+$0x5300];
	[tilespmem:s13+$0x5360] =	vst v2;
	v2 =	vmax.f32 v5, $0.0e+00;
	v1 =	vmov v10  }
.Ltmp2:
0xc5: {  	v15 =	vld [tilespmem:s15+$0x5310];
	[tilespmem:s13+$0x5370] =	vst v2;
	s13 =	smov.u32 s15;
	(pc) =	sbr.rel @p0 .LBB2_7-.Ltmp2, $4  }
0xc6: {  	v11 =	vshll.u32 v21, $0x10;
	v9 =	vand.u32 $0xFFFF0000, v21;
	v8 =	vshll.u32 v16, $0x10;
	v14 =	vld [tilespmem:s13+$0x5320]  }
0xc7: {  	v6 =	vand.u32 $0xFFFF0000, v16;
	v3 =	vand.u32 $0xFFFF0000, v19;
	v5 =	vshll.u32 v19, $0x10;
	v10 =	vld [tilespmem:s13+$0x5330]  }
0xc8: {  	v16 =	vshll.u32 v12, $0x10;
	v19 =	vand.u32 $0xFFFF0000, v12;
	v2 =	vshll.u32 v1, $0x10;
	v12 =	vld [tilespmem:s13+$0x5340]  }
0xc9: {  	s14 =	sadd.s32 $0x200, s14;
	v18 =	vshll.u32 v13, $0x10;
	v17 =	vmul.f32 v16, v17;
	v16 =	vand.u32 $0xFFFF0000, v13;
	v13 =	vld [tilespmem:s13+$0x5350]  }
0xca: {  	v15 =	vmul.f32 v19, v15;
	v57 =	vshll.u32 v7, $0x10;
	v58 =	vand.u32 $0xFFFF0000, v7;
	v20 =	vld [tilespmem:s13+$0x5360]  }
0xcb: {  	v59 =	vshll.u32 v4, $0x10;
	v60 =	vld [tilespmem:s13+$0x5370];
	v11 =	vadd.f32 v11, v17;
	v14 =	vmul.f32 v18, v14  }
0xcc: {  	v61 =	vand.u32 $0xFFFF0000, v4;
	v9 =	vadd.f32 v9, v15;
	v10 =	vmul.f32 v16, v10  }
0xcd: {  	v11 =	vmax.f32 v11, $0.0e+00;
	v8 =	vadd.f32 v8, v14;
	v12 =	vmul.f32 v57, v12  }
0xce: {  	[tilespmem:s13+$0x5300] =	vst v11;
	v9 =	vmax.f32 v9, $0.0e+00;
	v6 =	vadd.f32 v6, v10;
	v7 =	vmul.f32 v58, v13  }
0xcf: {  	[tilespmem:s13+$0x5310] =	vst v9;
	v8 =	vmax.f32 v8, $0.0e+00;
	v5 =	vadd.f32 v5, v12;
	v62 =	vmul.f32 v59, v20  }
0xd0: {  	v4 =	vmul.f32 v61, v60;
	[tilespmem:s13+$0x5320] =	vst v8;
	v6 =	vmax.f32 v6, $0.0e+00;
	v3 =	vadd.f32 v3, v7  }
0xd1: {  	v1 =	vand.u32 $0xFFFF0000, v1;
	[tilespmem:s13+$0x5330] =	vst v6;
	v5 =	vmax.f32 v5, $0.0e+00;
	v2 =	vadd.f32 v2, v62  }
0xd2: {  	v1 =	vadd.f32 v1, v4;
	[tilespmem:s13+$0x5340] =	vst v5;
	v3 =	vmax.f32 v3, $0.0e+00  }
0xd3: {  	[tilespmem:s13+$0x5350] =	vst v3;
	v2 =	vmax.f32 v2, $0.0e+00  }
0xd4: {  	v1 =	vmax.f32 v1, $0.0e+00;
	[tilespmem:s13+$0x5360] =	vst v2  }
0xd5: {  	[tilespmem:s13+$0x5370] =	vst v1  }
0xd6: {  	v1 =	vld [tilespmem:$0x150]  }
0xd7: {  	v2 =	vld [tilespmem:$0x160]  }
0xd8: {  	v3 =	vld [tilespmem:$0x170]  }
0xd9: {  	v63 =	vld [tilespmem:$0x180]  }
0xda: {  	s12 =	sadd.s32 $0x1, s12;
	v5 =	vld [tilespmem:$0x190]  }
0xdb: {  	p0 =	sne.s32 s12, $0x3E;
	[tilespmem:$0x280] =	vst v1  }
.Ltmp3:
0xdc: {  	[tilespmem:$0x290] =	vst v2;
	(pc) =	sbr.rel @p0 .LBB2_4-.Ltmp3, $4  }
0xdd: {  	[tilespmem:$0x2A0] =	vst v3  }
0xde: {  	[tilespmem:$0x2B0] =	vst v63  }
0xdf: {  	[tilespmem:$0x2C0] =	vst v5  }
0xe0: {  	[spmem:s3] =	stream.indirect.scatter.add.f32 [tilespmem:s25], [sflag:$0x6], $0x80, s9, s22, $0xb8;
	[tilespmem:$0x1DF00] =	vst v63  }
0xe1: {  	_ =	swait.ge [sflag:s29], $0x2800  }
0xe2: {  	[sflag:s29] =	ssyncset.done $0x0  }
0xe3: {  	[sflag:s29] =	ssyncadd.s32 $0xFFFFD800  }
0xe4: {  	_ =	swait.ge [sflag:s30], $0x2800  }
0xe5: {  	[sflag:s30] =	ssyncset.done $0x0  }
0xe6: {  	s12 =	simm.s32 $0x0;
	[sflag:s30] =	ssyncadd.s32 $0xFFFFD800  }
0xe7: {  	v2 =	vld [tilespmem:s12+$0x2B40]  }
0xe8: {  	v3 =	vld [tilespmem:s12+$0x2B50]  }
0xe9: {  	v12 =	vld [tilespmem:s12+$0x2B60]  }
0xea: {  	v1 =	vld [tilespmem:s12+$0x2B70]  }
0xeb: {  	v13 =	vld [tilespmem:s12+$0x2B00]  }
0xec: {  	v16 =	vld [tilespmem:s12+$0x2B10]  }
0xed: {  	v7 =	vld [tilespmem:s12+$0x2B20]  }
0xee: {  	v4 =	vld [tilespmem:s12+$0x2B30]  }
0xef: {  	v17 =	vld [tilespmem:s12+$0x300]  }
0xf0: {  	v15 =	vld [tilespmem:s12+$0x310]  }
0xf1: {  	v14 =	vld [tilespmem:s12+$0x320];
	v11 =	vshll.u32 v2, $0x10;
	v9 =	vand.u32 $0xFFFF0000, v2;
	v8 =	vshll.u32 v3, $0x10  }
0xf2: {  	v10 =	vld [tilespmem:s12+$0x330];
	v6 =	vand.u32 $0xFFFF0000, v3;
	v5 =	vshll.u32 v12, $0x10;
	v3 =	vand.u32 $0xFFFF0000, v12  }
0xf3: {  	v18 =	vshll.u32 v13, $0x10;
	v19 =	vand.u32 $0xFFFF0000, v13;
	v12 =	vld [tilespmem:s12+$0x340];
	v2 =	vshll.u32 v1, $0x10  }
0xf4: {  	s13 =	simm.s32 $0x200;
	v13 =	vld [tilespmem:s12+$0x350];
	v17 =	vmul.f32 v18, v17;
	v18 =	vshll.u32 v16, $0x10;
	v16 =	vand.u32 $0xFFFF0000, v16  }
.LBB2_10:
0xf5: {  	p0 =	sne.s32 s13, $0x9E00;
	v15 =	vmul.f32 v19, v15;
	v19 =	vshll.u32 v7, $0x10;
	v7 =	vand.u32 $0xFFFF0000, v7;
	v20 =	vld [tilespmem:s12+$0x360]  }
0xf6: {  	s14 =	sshra.s32 s13, $0x2;
	v11 =	vadd.f32 v11, v17;
	v14 =	vmul.f32 v18, v14;
	v17 =	vshll.u32 v4, $0x10;
	v18 =	vld [tilespmem:s12+$0x370]  }
0xf7: {  	v4 =	vand.u32 $0xFFFF0000, v4;
	v21 =	vld [tilespmem:s14+$0x2B40];
	v9 =	vadd.f32 v9, v15;
	v10 =	vmul.f32 v16, v10  }
0xf8: {  	v16 =	vld [tilespmem:s14+$0x2B50];
	v11 =	vmax.f32 v11, $0.0e+00;
	v8 =	vadd.f32 v8, v14;
	v12 =	vmul.f32 v19, v12  }
0xf9: {  	v19 =	vld [tilespmem:s14+$0x2B60];
	[tilespmem:s12+$0x300] =	vst v11;
	v9 =	vmax.f32 v9, $0.0e+00;
	v6 =	vadd.f32 v6, v10;
	v7 =	vmul.f32 v7, v13  }
0xfa: {  	v10 =	vld [tilespmem:s14+$0x2B70];
	[tilespmem:s12+$0x310] =	vst v9;
	v8 =	vmax.f32 v8, $0.0e+00;
	v5 =	vadd.f32 v5, v12;
	v9 =	vmul.f32 v17, v20  }
0xfb: {  	v12 =	vld [tilespmem:s14+$0x2B00];
	[tilespmem:s12+$0x320] =	vst v8;
	v6 =	vmax.f32 v6, $0.0e+00;
	v3 =	vadd.f32 v3, v7;
	v4 =	vmul.f32 v4, v18  }
0xfc: {  	v1 =	vand.u32 $0xFFFF0000, v1;
	v13 =	vld [tilespmem:s14+$0x2B10];
	[tilespmem:s12+$0x330] =	vst v6;
	v5 =	vmax.f32 v5, $0.0e+00;
	v2 =	vadd.f32 v2, v9  }
0xfd: {  	v7 =	vld [tilespmem:s14+$0x2B20];
	[tilespmem:s12+$0x340] =	vst v5;
	v3 =	vmax.f32 v3, $0.0e+00;
	v5 =	vadd.f32 v1, v4  }
0xfe: {  	v4 =	vld [tilespmem:s14+$0x2B30];
	[tilespmem:s12+$0x350] =	vst v3;
	v2 =	vmax.f32 v2, $0.0e+00  }
0xff: {  	v17 =	vld [tilespmem:s14+$0x300];
	[tilespmem:s12+$0x360] =	vst v2;
	v2 =	vmax.f32 v5, $0.0e+00;
	v1 =	vmov v10  }
.Ltmp4:
0x100: {  	v15 =	vld [tilespmem:s14+$0x310];
	[tilespmem:s12+$0x370] =	vst v2;
	s12 =	smov.u32 s14;
	(pc) =	sbr.rel @p0 .LBB2_10-.Ltmp4, $4  }
0x101: {  	v11 =	vshll.u32 v21, $0x10;
	v9 =	vand.u32 $0xFFFF0000, v21;
	v8 =	vshll.u32 v16, $0x10;
	v14 =	vld [tilespmem:s12+$0x320]  }
0x102: {  	v6 =	vand.u32 $0xFFFF0000, v16;
	v3 =	vand.u32 $0xFFFF0000, v19;
	v5 =	vshll.u32 v19, $0x10;
	v10 =	vld [tilespmem:s12+$0x330]  }
0x103: {  	v16 =	vshll.u32 v12, $0x10;
	v19 =	vand.u32 $0xFFFF0000, v12;
	v2 =	vshll.u32 v1, $0x10;
	v12 =	vld [tilespmem:s12+$0x340]  }
0x104: {  	s13 =	sadd.s32 $0x200, s13;
	v18 =	vshll.u32 v13, $0x10;
	v17 =	vmul.f32 v16, v17;
	v16 =	vand.u32 $0xFFFF0000, v13;
	v13 =	vld [tilespmem:s12+$0x350]  }
0x105: {  	v15 =	vmul.f32 v19, v15;
	v57 =	vshll.u32 v7, $0x10;
	v58 =	vand.u32 $0xFFFF0000, v7;
	v20 =	vld [tilespmem:s12+$0x360]  }
0x106: {  	v59 =	vshll.u32 v4, $0x10;
	v60 =	vld [tilespmem:s12+$0x370];
	v11 =	vadd.f32 v11, v17;
	v14 =	vmul.f32 v18, v14  }
0x107: {  	v61 =	vand.u32 $0xFFFF0000, v4;
	v9 =	vadd.f32 v9, v15;
	v10 =	vmul.f32 v16, v10  }
0x108: {  	v11 =	vmax.f32 v11, $0.0e+00;
	v8 =	vadd.f32 v8, v14;
	v12 =	vmul.f32 v57, v12  }
0x109: {  	[tilespmem:s12+$0x300] =	vst v11;
	v9 =	vmax.f32 v9, $0.0e+00;
	v6 =	vadd.f32 v6, v10;
	v7 =	vmul.f32 v58, v13  }
0x10a: {  	[tilespmem:s12+$0x310] =	vst v9;
	v8 =	vmax.f32 v8, $0.0e+00;
	v5 =	vadd.f32 v5, v12;
	v62 =	vmul.f32 v59, v20  }
0x10b: {  	v4 =	vmul.f32 v61, v60;
	[tilespmem:s12+$0x320] =	vst v8;
	v6 =	vmax.f32 v6, $0.0e+00;
	v3 =	vadd.f32 v3, v7  }
0x10c: {  	v1 =	vand.u32 $0xFFFF0000, v1;
	[tilespmem:s12+$0x330] =	vst v6;
	v5 =	vmax.f32 v5, $0.0e+00;
	v2 =	vadd.f32 v2, v62  }
0x10d: {  	v1 =	vadd.f32 v1, v4;
	[tilespmem:s12+$0x340] =	vst v5;
	v3 =	vmax.f32 v3, $0.0e+00  }
0x10e: {  	[tilespmem:s12+$0x350] =	vst v3;
	v2 =	vmax.f32 v2, $0.0e+00  }
0x10f: {  	v1 =	vmax.f32 v1, $0.0e+00;
	[tilespmem:s12+$0x360] =	vst v2  }
0x110: {  	[tilespmem:s12+$0x370] =	vst v1  }
0x111: {  	v1 =	vld [tilespmem:$0x50]  }
0x112: {  	v2 =	vld [tilespmem:$0x60]  }
0x113: {  	v3 =	vld [tilespmem:$0x70]  }
0x114: {  	v63 =	vld [tilespmem:$0x80]  }
0x115: {  	v5 =	vld [tilespmem:$0x90]  }
0x116: {  	[tilespmem:$0x200] =	vst v1  }
0x117: {  	[tilespmem:$0x210] =	vst v2  }
0x118: {  	[tilespmem:$0x220] =	vst v3  }
0x119: {  	[tilespmem:$0x230] =	vst v63  }
0x11a: {  	[tilespmem:$0x240] =	vst v5  }
0x11b: {  	[spmem:s3] =	stream.indirect.scatter.add.f32 [tilespmem:s20], [sflag:$0x5], $0x80, s31, s22, $0xb8;
	[tilespmem:$0x1DF00] =	vst v63  }
0x11c: {  	_ =	swait.ge [sflag:s1], $0x2800  }
0x11d: {  	[sflag:s1] =	ssyncset.done $0x0  }
0x11e: {  	[sflag:s1] =	ssyncadd.s32 $0xFFFFD800  }
0x11f: {  	_ =	swait.ge [sflag:s10], $0x2800  }
0x120: {  	s18 =	stileid.u32;
	[sflag:s10] =	ssyncset.done $0x0  }
0x121: {  	s13 =	sshrl.u32 s7, $0x3;
	s11 =	sadd.s32 $0x1, s11;
	[sflag:s10] =	ssyncadd.s32 $0xFFFFD800  }
0x122: {  	p0 =	sne.s32 s11, s19;
	s12 =	sshll.u32 s18, $0x6;
	[bflag:$0x0] =	sbarrier.arrive $0xFFFF  }
.Ltmp5:
0x123: {  	s12 =	sor.u32 $0x1C07, s12;
	s14 =	rddreg [dreg:$0xc];
	(pc) =	sbr.rel @p0 .LBB2_1-.Ltmp5, $4  }
0x124: {  	[hbm:s14], [sflag:s12] =	dma.local [spmem:s13], $0x2780  }
0x125: {  	_ =	swait.ge [sflag:s21], $0x2780  }
0x126: {  	[sflag:s21] =	ssyncset.done $0x0  }
0x127: {  	[sflag:s21] =	ssyncadd.s32 $0xFFFFD880  }
0x128: {  	_ =	sfence.sel $0x180000  }
0x129: {  	[bflag:$0x0] =	sbarrier.arrive $0xFFFF  }
0x12a: {  	_ =	strace $0x9000004D  }
0x12b: {  	s0 =	stileid.u32;
	[bflag:$0x2] =	sbarrier.arrive $0xFFFF  }
0x12c: {  	p0 =	sne.s32 s0, $0x0;
	s0 =	rddreg [dreg:$0x3]  }
0x12d: {  	s0 =	sadd.s32 @!p0 $0x100000, s0  }
0x12e: {  	[sflag:s0] =	ssyncadd.tile.s32 @!p0 $0x1;
	_ =	shalt  }
.Lfunc_end2:
_tile_overlayer_lowered:
.L_overlay_start_2:
0x12f: {  	(tag) =	ssettag $0x2  }
0x130: {  	s0 =	rddreg [dreg:$0x0];
	s2 =	stileid.u32  }
0x131: {  	s1 =	rddreg [dreg:$0x1];
	p0 =	sne.s32 s2, $0x0  }
0x132: {  	s3 =	rddreg [dreg:$0x2];
	[bflag:$0x3] =	sbarrier.arrive $0xFFFF;
	s2 =	simm.s32 @!p0 $0x1C07  }
0x133: {  	[timem:s3], [sflag:s2] =	dma.local @!p0 [hbm:s0], s1  }
0x134: {  	s0 =	simm.s32 @!p0 $0x7  }
0x135: {  	_ =	swait.ge @!p0 [sflag:s0], s1  }
0x136: {  	s1 =	ssub.s32 @!p0 $0x0, s1;
	[sflag:s0] =	ssyncset.done @!p0 $0x0  }
0x137: {  	[sflag:s0] =	ssyncadd.s32 @!p0 s1  }
0x138: {  	[bflag:$0x3] =	sbarrier.arrive $0xFFFF  }
0x139: {  	_ =	shalt  }

// kernel: kernel.8.cloned.1.call-start
scs
__scs_entry_jumppad:
0x0: {  	(pc) =	sbr.rel $0x88, $3  }
0x1: {  	(tag) =	ssettag $0x0;
	lr =	simm.s32 $0x1  }
0x2: {  	[smem:$0x3F95] =	sst lr;
	_ =	strace $0xD0000000  }
0x3: {  	_ = 	snop  }
0x4: {  	_ = 	snop  }
0x5: {  	_ = 	snop  }
0x6: {  	_ = 	snop  }
0x7: {  	_ = 	snop  }
__scs_overlays_trampoline_lowered:
0x8: {  	[smem:$0x3FA4] =	sst s0  }
0x9: {  	[smem:$0x3FA5] =	sst s1  }
0xa: {  	[smem:$0x3FA6] =	sst s2  }
0xb: {  	[smem:$0x3FA7] =	sst s3  }
0xc: {  	[smem:$0x3FA8] =	sst s4  }
0xd: {  	[smem:$0x3FA9] =	sst s5  }
0xe: {  	[smem:$0x3FAA] =	sst s6  }
0xf: {  	[smem:$0x3FAB] =	sst s7  }
0x10: {  	[smem:$0x3FAC] =	sst s8  }
0x11: {  	[smem:$0x3FAD] =	sst s9;
	s0 =	simm.s32 @!p0 $0x0  }
0x12: {  	s1 =	sld [smem:$0x3F93];
	s0 =	simm.s32 @p0 $0x1  }
0x13: {  	[smem:$0x3FAE] =	sst s0;
	s0 =	simm.s32 @!p1 $0x0  }
0x14: {  	s2 =	sld [smem:$0x3F92];
	s0 =	simm.s32 @p1 $0x1  }
0x15: {  	[smem:$0x3FAF] =	sst s0;
	s0 =	simm.s32 @!p2 $0x0  }
0x16: {  	s3 =	sld [smem:$0x3FDB];
	s0 =	simm.s32 @p2 $0x1  }
0x17: {  	s4 =	simm.s32 $0x1BF5;
	[smem:$0x3FB1] =	sst s0  }
0x18: {  	s0 =	sld [smem:$0x3F94];
	_ =	swait.ge [sflag:s4], $0x0  }
0x19: {  	s7 =	sld [smem:$0x3F95]  }
0x1a: {  	s8 =	sadd.s32 $0xFFFFE003, lr  }
0x1b: {  	s9 =	sadd.s32 $0xFFFFFEF7, lr;
	s5 =	simm.s32 $0xFFFFFFFF;
	p2 =	slt.u32 s8, $0xFFFFF086  }
0x1c: {  	p1 =	slt.u32 s9, $0xF7A;
	s5 =	simm.s32 @!p2 $0x0  }
0x1d: {  	s5 =	simm.s32 @p1 $0x1;
	p0 =	seq.s32 s7, s2  }
0x1e: {  	s7 =	smul.u32 @!p0 $0xF7A, s2;
	p2 =	seq.s32 @!p0 s5, $0x0  }
0x1f: {  	s9 =	smul.u32 $0xF7A, s1;
	s8 =	simm.s32 @!p0 $0x1BF5;
	p2 =	por !p2, p0  }
0x20: {  	[sflag:s8] =	ssyncset.s32 @!p0 $0xFFFFF086;
	s6 =	sadd.s32 @!p0 s3, s7;
	s7 =	simm.s32 @!p0 $0x108  }
0x21: {  	s3 =	sadd.s32 s3, s9;
	s6 =	sadd.s32 @!p0 $0x88, s6;
	s7 =	simm.s32 @p2 $0x1082  }
0x22: {  	[simem:s7], [sflag:s8] =	dma.local @!p0 [hbm:s6], $0xF7A  }
0x23: {  	s9 =	sor.u32 $0xD0000000, s2;
	s6 =	simm.s32 $0x108;
	_ =	swait.ge @!p0 [sflag:s8], $0x0  }
0x24: {  	s3 =	sadd.s32 $0x88, s3;
	s6 =	simm.s32 @!p1 $0x1082;
	[sflag:s4] =	ssyncset.s32 $0xFFFFF086  }
0x25: {  	[simem:s6], [sflag:s4] =	dma.local [hbm:s3], $0xF7A  }
0x26: {  	[smem:$0x3F95] =	sst s1;
	(tag) =	ssettag s2;
	_ =	strace s9  }
0x27: {  	s1 =	sld [smem:$0x3FA5]  }
0x28: {  	s2 =	sld [smem:$0x3FA6]  }
0x29: {  	s4 =	sld [smem:$0x3FA8]  }
0x2a: {  	p0 =	seq.s32 s5, $0x0;
	s5 =	sld [smem:$0x3FA9]  }
0x2b: {  	s6 =	sld [smem:$0x3FAA]  }
0x2c: {  	s7 =	sld [smem:$0x3FAB]  }
0x2d: {  	s3 =	simm.s32 $0x108;
	s8 =	sld [smem:$0x3FAC]  }
0x2e: {  	s3 =	simm.s32 @!p0 $0x1082;
	s9 =	sld [smem:$0x3FAD]  }
0x2f: {  	lr =	sadd.s32 s0, s3;
	s0 =	sld [smem:$0x3FA4]  }
0x30: {  	s3 =	sld [smem:$0x3FA7]  }
0x31: {  	[smem:$0x3FB0] =	sst s10  }
0x32: {  	s10 =	sld [smem:$0x3FAE];
	_ =	sdelay $0x3  }
0x33: {  	p0 =	seq.s32 s10, $0x1;
	s10 =	sld [smem:$0x3FB0];
	_ =	sdelay $0x3  }
0x34: {  	[smem:$0x3FB0] =	sst s10  }
0x35: {  	s10 =	sld [smem:$0x3FAF];
	_ =	sdelay $0x3  }
0x36: {  	p1 =	seq.s32 s10, $0x1;
	s10 =	sld [smem:$0x3FB0];
	_ =	sdelay $0x3  }
0x37: {  	[smem:$0x3FB0] =	sst s10  }
0x38: {  	s10 =	sld [smem:$0x3FB1]  }
0x39: {  	_ = 	snop;
	(pc) =	sbr.ind lr, $3  }
0x3a: {  	_ = 	snop  }
0x3b: {  	_ = 	snop  }
0x3c: {  	p2 =	seq.s32 s10, $0x1;
	s10 =	sld [smem:$0x3FB0]  }
0x3d: {  	_ =	shalt  }
0x3e: {  	_ =	shalt  }
0x3f: {  	_ =	shalt  }
0x40: {  	_ =	shalt  }
0x41: {  	_ =	shalt  }
0x42: {  	_ =	shalt  }
0x43: {  	_ =	shalt  }
0x44: {  	_ =	shalt  }
0x45: {  	_ =	shalt  }
0x46: {  	_ =	shalt  }
0x47: {  	_ =	shalt  }
0x48: {  	_ =	shalt  }
0x49: {  	_ =	shalt  }
0x4a: {  	_ =	shalt  }
0x4b: {  	_ =	shalt  }
0x4c: {  	_ =	shalt  }
0x4d: {  	_ =	shalt  }
0x4e: {  	_ =	shalt  }
0x4f: {  	_ =	shalt  }
0x50: {  	_ =	shalt  }
0x51: {  	_ =	shalt  }
0x52: {  	_ =	shalt  }
0x53: {  	_ =	shalt  }
0x54: {  	_ =	shalt  }
0x55: {  	_ =	shalt  }
0x56: {  	_ =	shalt  }
0x57: {  	_ =	shalt  }
0x58: {  	_ =	shalt  }
0x59: {  	_ =	shalt  }
0x5a: {  	_ =	shalt  }
0x5b: {  	_ =	shalt  }
0x5c: {  	_ =	shalt  }
0x5d: {  	_ =	shalt  }
0x5e: {  	_ =	shalt  }
0x5f: {  	_ =	shalt  }
0x60: {  	_ =	shalt  }
0x61: {  	_ =	shalt  }
0x62: {  	_ =	shalt  }
0x63: {  	_ =	shalt  }
0x64: {  	_ =	shalt  }
0x65: {  	_ =	shalt  }
0x66: {  	_ =	shalt  }
0x67: {  	_ =	shalt  }
0x68: {  	_ =	shalt  }
0x69: {  	_ =	shalt  }
0x6a: {  	_ =	shalt  }
0x6b: {  	_ =	shalt  }
0x6c: {  	_ =	shalt  }
0x6d: {  	_ =	shalt  }
0x6e: {  	_ =	shalt  }
0x6f: {  	_ =	shalt  }
0x70: {  	_ =	shalt  }
0x71: {  	_ =	shalt  }
0x72: {  	_ =	shalt  }
0x73: {  	_ =	shalt  }
0x74: {  	_ =	shalt  }
0x75: {  	_ =	shalt  }
0x76: {  	_ =	shalt  }
0x77: {  	_ =	shalt  }
0x78: {  	_ =	shalt  }
0x79: {  	_ =	shalt  }
0x7a: {  	_ =	shalt  }
0x7b: {  	_ =	shalt  }
0x7c: {  	_ =	shalt  }
0x7d: {  	_ =	shalt  }
0x7e: {  	_ =	shalt  }
0x7f: {  	_ =	shalt  }
0x80: {  	_ =	shalt  }
0x81: {  	_ =	shalt  }
0x82: {  	_ =	shalt  }
0x83: {  	_ =	shalt  }
0x84: {  	_ =	shalt  }
0x85: {  	_ =	shalt  }
0x86: {  	_ =	shalt  }
0x87: {  	_ =	shalt  }
.Lfunc_end0:
.L_simem_size_0:
called_computation_lowered:
.L_overlay_start_0:
0x88: {  	s2 =	sld [smem:$0x3FD9]  }
0x89: {  	s3 =	sld [smem:$0x3FFE];
	_ =	sdelay $0x1  }
0x8a: {  	s1 =	srdreg.scid  }
0x8b: {  	s0 =	sand.u32 $0x1, s1  }
0x8c: {  	s17 =	sshll.u32 s0, $0xA;
	s2 =	sadd.s32 s3, s2  }
0x8d: {  	s2 =	sadd.s32 s2, s17  }
0x8e: {  	[smem:$0x3FBC] =	sst s2  }
0x8f: {  	_ = 	snop  }
0x90: {  	(tm) =	ssettm $0x1  }
0x91: {  	s18 =	sld [smem:$0x3FFB];
	_ =	sdelay $0x3  }
0x92: {  	_ =	strace s18  }
0x93: {  	s2 =	sld [smem:$0x3FFC];
	_ =	sdelay $0x3  }
0x94: {  	_ =	strace s2  }
0x95: {  	s2 =	sld [smem:$0x3FFD];
	_ =	sdelay $0x3  }
0x96: {  	_ =	strace s2  }
0x97: {  	_ =	strace $0x8FFFFFFF  }
0x98: {  	s19 =	sld [smem:$0x3FDB];
	_ =	sdelay $0x1  }
0x99: {  	s20 =	simm.s32 $_scs_section_size  }
0x9a: {  	s4 =	simm.s32 $_size__tile_overlayer_lowered;
	s5 =	simm.s32 $_tile_overlayer_lowered  }
0x9b: {  	s6 =	simm.s32 $0x1BFF;
	s21 =	sshll.u32 s5, $0x1;
	s3 =	sadd.s32 s20, s19  }
0x9c: {  	s22 =	simm.s32 $0x0;
	s4 =	sshll.u32 s4, $0x1;
	s5 =	sadd.s32 s21, s3  }
0x9d: {  	[timem:s22], [sflag:s6] =	dma.local [hbm:s5], s4  }
0x9e: {  	_ =	swait.ge [sflag:s6], s4  }
0x9f: {  	s4 =	ssub.s32 $0x0, s4;
	[sflag:s6] =	ssyncset.done $0x0  }
0xa0: {  	[sflag:s6] =	ssyncadd.s32 s4;
	_ =	sdelay $0x1  }
0xa1: {  	s23 =	simm.s32 $0x1B8B  }
0xa2: {  	_ =	swait.ge [sflag:s23], $0x1  }
0xa3: {  	[sflag:s23] =	ssyncset.done $0x0  }
0xa4: {  	[sflag:s23] =	ssyncadd.s32 $0xFFFFFFFF  }
0xa5: {  	s4 =	sld [smem:$0x0]  }
0xa6: {  	s5 =	sand.u32 $0xFFFFFFFE, s1  }
0xa7: {  	p0 =	sne.s32 s1, s5  }
0xa8: {  	s5 =	sshll.u32 @p0 s5, $0xE  }
0xa9: {  	s5 =	sadd.s32 @p0 $0x11B8D, s5;
	s6 =	sshll.u32 @p0 s4, $0x11  }
0xaa: {  	s5 =	sor.u32 @p0 s6, s5  }
0xab: {  	[sflag:s5] =	ssyncadd.remote.s32 @p0 $0x1;
	_ =	sdelay $0x1  }
0xac: {  	s5 =	simm.s32 @p0 $0x1B8D  }
0xad: {  	_ =	swait.eq @p0 [sflag:s5], $0x1  }
0xae: {  	[sflag:s5] =	ssyncadd.s32 @p0 $0xFFFFFFFF  }
0xaf: {  	s6 =	sshll.u32 @!p0 s1, $0xE  }
0xb0: {  	s6 =	sor.u32 @!p0 $0x4000, s6;
	s5 =	simm.s32 @!p0 $0x1B8D  }
0xb1: {  	s4 =	sshll.u32 @!p0 s4, $0x11;
	s6 =	sadd.s32 @!p0 $0x11B8D, s6;
	_ =	swait.eq @!p0 [sflag:s5], $0x1  }
0xb2: {  	s4 =	sor.u32 @!p0 s4, s6;
	[sflag:s5] =	ssyncadd.s32 @!p0 $0xFFFFFFFF  }
0xb3: {  	s25 =	simm.s32 $0x1B8E;
	s24 =	sld [smem:$0x3FFE];
	[sflag:s4] =	ssyncadd.remote.s32 @!p0 $0x1  }
0xb4: {  	s26 =	simm.s32 $execute0_lowered;
	[smem:$0x3FD2] =	sst s25  }
0xb5: {  	s5 =	sshll.u32 s26, $0x1;
	_ =	strace $0x80000049;
	[dreg:$0x1] =	wrdreg $0xFFFFFFFF  }
0xb6: {  	s28 =	simm.s32 $_size_execute0_lowered;
	s3 =	sadd.s32 s3, s5;
	[dreg:$0x0] =	wrdreg $0x0  }
0xb7: {  	s5 =	sshll.u32 s28, $0x1;
	[dreg:$0x2] =	wrdreg s3  }
0xb8: {  	[dreg:$0x3] =	wrdreg s5  }
0xb9: {  	[dreg:$0x4] =	wrdreg $0xC0  }
0xba: {  	_ =	task [dreg:s22], $0x5FFFF  }
0xbb: {  	[dreg:$0x1] =	wrdreg $0xFFFFFFFF  }
0xbc: {  	[dreg:$0x0] =	wrdreg $0x60  }
0xbd: {  	[dreg:$0x2] =	wrdreg s24  }
0xbe: {  	[dreg:$0x3] =	wrdreg $0x9  }
0xbf: {  	_ =	task.clear_ibuf [dreg:s22], $0x4FFFF;
	_ =	strace $0x90000049  }
0xc0: {  	s29 =	simm.s32 $0x9;
	_ =	strace $0x8000004B  }
0xc1: {  	_ =	swait.ge [sflag:s29], $0x1  }
0xc2: {  	[sflag:s29] =	ssyncadd.s32 $0xFFFFFFFF  }
0xc3: {  	_ =	strace $0x9000004B  }
0xc4: {  	_ =	sfence  }
0xc5: {  	s30 =	sld [smem:$0x0];
	_ =	sdelay $0x2  }
0xc6: {  	s31 =	sshll.u32 s1, $0xD;
	s1 =	sshrl.u32 s1, $0x2  }
0xc7: {  	s4 =	sand.u32 $0x4000, s31;
	s1 =	sadd.s32 s1, s30  }
0xc8: {  	s0 =	sor.u32 s4, s0;
	s1 =	sshll.u32 s1, $0x11  }
0xc9: {  	s0 =	sor.u32 s1, s0  }
0xca: {  	s0 =	sadd.s32 $0x8F2B, s0  }
0xcb: {  	[sflag:s0] =	ssyncadd.remote.s32 $0x1  }
0xcc: {  	_ =	sfence.sel $0xFFFF  }
0xcd: {  	[dreg:$0x0] =	wrdreg $0xFFFFFFFF;
	(pc) =	sbr.abs _section_cstart, $3  }
0xce: {  	[dreg:$0x1] =	wrdreg $0xFFFFFFFF  }
0xcf: {  	_ =	task.clear_ibuf [dreg:s22], $0x2FFFF;
	_ =	strace $0x9FFFFFFF  }
0xd0: {  	(tm) =	ssettm $0x7FFFFFFF  }
0xd1: {  	_ =	shalt  }
tec
execute0_lowered:
.L_overlay_start_1:
0x0: {  	(tag) =	ssettag $0x1  }
0x1: {  	s0 =	rddreg [dreg:$0x0]  }
0x2: {  	s1 =	srdreg.scid;
	s2 =	simm.s32 $0x0;
	s5 =	stileid.u32  }
0x3: {  	s25 =	simm.s32 $0x1;
	s26 =	simm.s32 $0x80;
	s28 =	simm.s32 $0x400  }
0x4: {  	s1 =	sand.u32 $0x1, s1;
	[smem:$0x7FF] =	sst s2;
	s4 =	sshll.u32 s5, $0x9  }
0x5: {  	s3 =	sshll.u32 s1, $0x4;
	s6 =	smul.u32 $0x28000, s1;
	s4 =	sand.u32 $0x1000, s4  }
0x6: {  	s1 =	ssub.s32 $0x2, s1;
	s3 =	sor.u32 s5, s3;
	s5 =	sshll.u32 s5, $0x7  }
0x7: {  	s30 =	sshrl.u32 s1, $0x1;
	s3 =	smul.u32 $0x4E2, s3;
	s5 =	sand.u32 $0x380, s5  }
0x8: {  	_ =	strace $0x8000004A;
	s1 =	ssub.s32 s1, s30;
	s29 =	sor.u32 s4, s5  }
0x9: {  	s4 =	sor.u32 s4, s6;
	s7 =	sadd.s32 s3, s0;
	s3 =	sor.u32 s6, s29  }
0xa: {  	s0 =	sadd.s32 $0x14D400, s0;
	s21 =	sor.u32 s5, s4;
	s3 =	sshrl.u32 s3, $0x3  }
0xb: {  	s31 =	sadd.s32 $0x8000, s21;
	s4 =	sadd.s32 $0x3600, s7;
	s9 =	sadd.s32 $0xA000, s21  }
0xc: {  	s10 =	sadd.s32 $0xC000, s21;
	s11 =	sadd.s32 $0xE000, s21;
	s12 =	sadd.s32 $0x10000, s21  }
0xd: {  	s13 =	sadd.s32 $0x12000, s21;
	s14 =	sadd.s32 $0x14000, s21;
	s15 =	sadd.s32 $0x16000, s21  }
0xe: {  	s16 =	sadd.s32 $0x18000, s21;
	s17 =	sadd.s32 $0x1A000, s21;
	s18 =	sadd.s32 $0x1C000, s21  }
0xf: {  	s19 =	sadd.s32 $0x1E000, s21;
	s20 =	sadd.s32 $0x20000, s21;
	s22 =	sadd.s32 $0x22000, s21  }
0x10: {  	s23 =	sadd.s32 $0x24000, s21;
	s21 =	sadd.s32 $0x26000, s21;
	s3 =	sadd.s32 s0, s3  }
0x11: {  	s8 =	sshrl.u32 s31, $0x3;
	s9 =	sshrl.u32 s9, $0x3;
	s10 =	sshrl.u32 s10, $0x3  }
0x12: {  	s11 =	sshrl.u32 s11, $0x3;
	s12 =	sshrl.u32 s12, $0x3;
	s13 =	sshrl.u32 s13, $0x3  }
0x13: {  	s14 =	sshrl.u32 s14, $0x3;
	s15 =	sshrl.u32 s15, $0x3;
	s16 =	sshrl.u32 s16, $0x3  }
0x14: {  	s17 =	sshrl.u32 s17, $0x3;
	s18 =	sshrl.u32 s18, $0x3;
	s19 =	sshrl.u32 s19, $0x3  }
0x15: {  	s20 =	sshrl.u32 s20, $0x3;
	s22 =	sshrl.u32 s22, $0x3;
	s23 =	sshrl.u32 s23, $0x3  }
0x16: {  	s24 =	sshrl.u32 s21, $0x3;
	s5 =	sadd.s32 $0x400, s3;
	s6 =	sadd.s32 $0x800, s3  }
0x17: {  	s7 =	sadd.s32 $0xC00, s3;
	s8 =	sadd.s32 s0, s8;
	s9 =	sadd.s32 s0, s9  }
0x18: {  	vm2 =	vcmask $0x3F30;
	s10 =	sadd.s32 s0, s10;
	s11 =	sadd.s32 s0, s11;
	s12 =	sadd.s32 s0, s12  }
0x19: {  	s13 =	sadd.s32 s0, s13;
	s14 =	sadd.s32 s0, s14;
	s15 =	sadd.s32 s0, s15  }
0x1a: {  	v0 =	vlaneseq.u32;
	s16 =	sadd.s32 s0, s16;
	s17 =	sadd.s32 s0, s17;
	s18 =	sadd.s32 s0, s18  }
0x1b: {  	vm0 =	vcmask $0x1F10;
	v1 =	vand.u32 $0x3, v0;
	s19 =	sadd.s32 s0, s19;
	s20 =	sadd.s32 s0, s20;
	s21 =	sadd.s32 s0, s22  }
0x1c: {  	vm1 =	vcmask $0x2F20;
	v0 =	vimm.f32 $0.0e+00;
	v1 =	vmul.u32 $0x2800, v1;
	s22 =	sadd.s32 s0, s23;
	s23 =	sadd.s32 s0, s24;
	s24 =	smax.u32 s1, $0x1  }
.LBB2_1:
0x1d: {  	s0 =	simm.s32 $0x40;
	s29 =	simm.s32 $0x0  }
.LBB2_2:
0x1e: {  	p0 =	sne.s32 s0, $0x27FC0;
	[tilespmem:s29+$0x2780] =	vst v0;
	s29 =	smov.u32 s0;
	s0 =	sadd.s32 $0x40, s0  }
.Ltmp0:
0x1f: {  	(pc) =	sbr.rel @p0 .LBB2_2-.Ltmp0, $2  }
0x20: {  	_ =	sdelay $0x2  }
0x21: {  	s29 =	sshra.s32 s29, $0x2  }
0x22: {  	[tilespmem:s29+$0x2780] =	vst v0;
	s29 =	simm.s32 $0x0  }
0x23: {  	[tilespmem:s29], [sflag:$0x1] =	stream.linear.gather [hbm4b:s4+s29], $0x2710, $0x38;
	[tilespmem:$0xC780] =	vst v63  }
0x24: {  	_ =	swait.ge [sflag:s25], $0x2710  }
0x25: {  	[sflag:s25] =	ssyncset.done $0x0  }
0x26: {  	s0 =	simm.s32 $0x0;
	[sflag:s25] =	ssyncadd.s32 $0xFFFFD8F0  }
0x27: {  	v2 =	vld [tilespmem:s0+$0x0];
	_ =	sdelay $0x4  }
0x28: {  	v2 =	vadd.s32 v1, v2;
	_ =	sdelay $0x3  }
0x29: {  	s30 =	simm.s32 $0x2780  }
0x2a: {  	v3 =	vld.idx.msk [tilespmem:v2+s30+$0x0], $0xf;
	_ =	sdelay $0x4  }
0x2b: {  	v3 =	vadd.f32 $1.000000000e+00, v3;
	_ =	sdelay $0x1  }
0x2c: {  	[tilespmem:v2+s30+$0x0] =	vst.idx.msk $0xf, v3  }
0x2d: {  	v3 =	vld.idx.msk [tilespmem:v2+s30+$0x0], vm0;
	_ =	sdelay $0x4  }
0x2e: {  	v3 =	vadd.f32 $1.000000000e+00, v3;
	_ =	sdelay $0x1  }
0x2f: {  	[tilespmem:v2+s30+$0x0] =	vst.idx.msk vm0, v3  }
0x30: {  	v3 =	vld.idx.msk [tilespmem:v2+s30+$0x0], vm1;
	_ =	sdelay $0x4  }
0x31: {  	v3 =	vadd.f32 $1.000000000e+00, v3;
	_ =	sdelay $0x1  }
0x32: {  	[tilespmem:v2+s30+$0x0] =	vst.idx.msk vm1, v3  }
0x33: {  	v3 =	vld.idx.msk [tilespmem:v2+s30+$0x0], vm2;
	_ =	sdelay $0x4  }
0x34: {  	s31 =	simm.s32 $0x40;
	s0 =	simm.s32 $0x80;
	v3 =	vadd.f32 $1.000000000e+00, v3  }
.LBB2_4:
0x35: {  	p0 =	sne.s32 s0, $0x9C00  }
0x36: {  	s1 =	sshra.s32 s31, $0x2;
	s31 =	smov.u32 s0;
	s0 =	sadd.s32 $0x40, s0;
	[tilespmem:v2+s30+$0x0] =	vst.idx.msk vm2, v3  }
0x37: {  	v2 =	vld [tilespmem:s1+$0x0];
	_ =	sdelay $0x4  }
0x38: {  	v2 =	vadd.s32 v1, v2;
	_ =	sdelay $0x4  }
0x39: {  	v3 =	vld.idx.msk [tilespmem:v2+s30+$0x0], $0xf;
	_ =	sdelay $0x5  }
0x3a: {  	v3 =	vadd.f32 $1.000000000e+00, v3;
	_ =	sdelay $0x1  }
0x3b: {  	[tilespmem:v2+s30+$0x0] =	vst.idx.msk $0xf, v3  }
0x3c: {  	v3 =	vld.idx.msk [tilespmem:v2+s30+$0x0], vm0;
	_ =	sdelay $0x5  }
0x3d: {  	v3 =	vadd.f32 $1.000000000e+00, v3;
	_ =	sdelay $0x1  }
0x3e: {  	[tilespmem:v2+s30+$0x0] =	vst.idx.msk vm0, v3  }
0x3f: {  	v3 =	vld.idx.msk [tilespmem:v2+s30+$0x0], vm1;
	_ =	sdelay $0x5  }
0x40: {  	v3 =	vadd.f32 $1.000000000e+00, v3;
	_ =	sdelay $0x1  }
0x41: {  	[tilespmem:v2+s30+$0x0] =	vst.idx.msk vm1, v3  }
0x42: {  	v3 =	vld.idx.msk [tilespmem:v2+s30+$0x0], vm2;
	_ =	sdelay $0x1  }
.Ltmp1:
0x43: {  	(pc) =	sbr.rel @p0 .LBB2_4-.Ltmp1, $2  }
0x44: {  	_ =	sdelay $0x2  }
0x45: {  	v3 =	vadd.f32 $1.000000000e+00, v3  }
0x46: {  	_ =	sdelay $0x4  }
0x47: {  	s0 =	sshra.s32 s31, $0x2;
	[tilespmem:v2+s30+$0x0] =	vst.idx.msk vm2, v3  }
0x48: {  	v2 =	vld [tilespmem:s0+$0x0];
	_ =	sdelay $0x4  }
0x49: {  	v2 =	vadd.s32 v1, v2;
	_ =	sdelay $0x3  }
0x4a: {  	s0 =	simm.s32 $0x2780  }
0x4b: {  	v3 =	vld.idx.msk [tilespmem:v2+s0+$0x0], $0xf;
	_ =	sdelay $0x4  }
0x4c: {  	v3 =	vadd.f32 $1.000000000e+00, v3;
	_ =	sdelay $0x1  }
0x4d: {  	[tilespmem:v2+s0+$0x0] =	vst.idx.msk $0xf, v3  }
0x4e: {  	v3 =	vld.idx.msk [tilespmem:v2+s0+$0x0], vm0;
	_ =	sdelay $0x4  }
0x4f: {  	v3 =	vadd.f32 $1.000000000e+00, v3;
	_ =	sdelay $0x1  }
0x50: {  	[tilespmem:v2+s0+$0x0] =	vst.idx.msk vm0, v3  }
0x51: {  	v3 =	vld.idx.msk [tilespmem:v2+s0+$0x0], vm1;
	_ =	sdelay $0x4  }
0x52: {  	v3 =	vadd.f32 $1.000000000e+00, v3;
	_ =	sdelay $0x1  }
0x53: {  	[tilespmem:v2+s0+$0x0] =	vst.idx.msk vm1, v3  }
0x54: {  	v3 =	vld.idx.msk [tilespmem:v2+s0+$0x0], vm2;
	_ =	sdelay $0x4  }
0x55: {  	v3 =	vadd.f32 $1.000000000e+00, v3;
	_ =	sdelay $0x1  }
0x56: {  	s30 =	sand.u32 $0x3FF0, s29;
	[tilespmem:v2+s0+$0x0] =	vst.idx.msk vm2, v3  }
0x57: {  	s29 =	simm.s32 $0x10;
	v2 =	vld [tilespmem:s30+$0x4F80]  }
.LBB2_6:
0x58: {  	p0 =	sne.s32 s29, $0x27F0;
	v3 =	vld [tilespmem:s0+$0x0];
	_ =	sdelay $0x1  }
0x59: {  	v4 =	vld [tilespmem:s30+$0x7780];
	_ =	sdelay $0x1  }
0x5a: {  	v5 =	vld [tilespmem:s30+$0x9F80]  }
0x5b: {  	v2 =	vadd.f32 v2, v3;
	_ =	sdelay $0x1  }
0x5c: {  	v2 =	vadd.f32 v4, v2  }
.Ltmp2:
0x5d: {  	(pc) =	sbr.rel @p0 .LBB2_6-.Ltmp2, $3  }
0x5e: {  	v2 =	vadd.f32 v5, v2;
	_ =	sdelay $0x1  }
0x5f: {  	s30 =	sand.u32 $0x3FF0, s29;
	[tilespmem:s0+$0x0] =	vst v2  }
0x60: {  	s29 =	sadd.s32 $0x10, s29;
	s0 =	sadd.s32 $0x10, s0;
	v2 =	vld [tilespmem:s30+$0x4F80]  }
0x61: {  	v3 =	vld [tilespmem:s0+$0x0];
	_ =	sdelay $0x1  }
0x62: {  	v4 =	vld [tilespmem:s30+$0x7780];
	_ =	sdelay $0x1  }
0x63: {  	v5 =	vld [tilespmem:s30+$0x9F80]  }
0x64: {  	v2 =	vadd.f32 v2, v3;
	_ =	sdelay $0x1  }
0x65: {  	v2 =	vadd.f32 v4, v2;
	_ =	sdelay $0x1  }
0x66: {  	v2 =	vadd.f32 v5, v2;
	_ =	sdelay $0x1  }
0x67: {  	s1 =	simm.s32 $0x2780;
	[tilespmem:s0+$0x0] =	vst v2  }
0x68: {  	[hbm4b:s3+s26] =	stream.strided.scatter [tilespmem:s1], [sflag:$0x1], $0x200, s28, s26, $0x38;
	[tilespmem:$0xC780] =	vst v63  }
0x69: {  	_ =	swait.ge [sflag:s25], $0x200  }
0x6a: {  	[sflag:s25] =	ssyncset.done $0x0  }
0x6b: {  	s29 =	simm.s32 $0x2980;
	[sflag:s25] =	ssyncadd.s32 $0xFFFFFE00  }
0x6c: {  	[hbm4b:s5+s26] =	stream.strided.scatter [tilespmem:s29], [sflag:$0x1], $0x200, s28, s26, $0x38;
	[tilespmem:$0xC780] =	vst v63  }
0x6d: {  	_ =	swait.ge [sflag:s25], $0x200  }
0x6e: {  	[sflag:s25] =	ssyncset.done $0x0  }
0x6f: {  	s30 =	simm.s32 $0x2B80;
	[sflag:s25] =	ssyncadd.s32 $0xFFFFFE00  }
0x70: {  	[hbm4b:s6+s26] =	stream.strided.scatter [tilespmem:s30], [sflag:$0x1], $0x200, s28, s26, $0x38;
	[tilespmem:$0xC780] =	vst v63  }
0x71: {  	_ =	swait.ge [sflag:s25], $0x200  }
0x72: {  	[sflag:s25] =	ssyncset.done $0x0  }
0x73: {  	s31 =	simm.s32 $0x2D80;
	[sflag:s25] =	ssyncadd.s32 $0xFFFFFE00  }
0x74: {  	[hbm4b:s7+s26] =	stream.strided.scatter [tilespmem:s31], [sflag:$0x1], $0x200, s28, s26, $0x38;
	[tilespmem:$0xC780] =	vst v63  }
0x75: {  	_ =	swait.ge [sflag:s25], $0x200  }
0x76: {  	[sflag:s25] =	ssyncset.done $0x0  }
0x77: {  	s1 =	simm.s32 $0x2F80;
	[sflag:s25] =	ssyncadd.s32 $0xFFFFFE00  }
0x78: {  	[hbm4b:s8+s26] =	stream.strided.scatter [tilespmem:s1], [sflag:$0x1], $0x200, s28, s26, $0x38;
	[tilespmem:$0xC780] =	vst v63  }
0x79: {  	_ =	swait.ge [sflag:s25], $0x200  }
0x7a: {  	[sflag:s25] =	ssyncset.done $0x0  }
0x7b: {  	s29 =	simm.s32 $0x3180;
	[sflag:s25] =	ssyncadd.s32 $0xFFFFFE00  }
0x7c: {  	[hbm4b:s9+s26] =	stream.strided.scatter [tilespmem:s29], [sflag:$0x1], $0x200, s28, s26, $0x38;
	[tilespmem:$0xC780] =	vst v63  }
0x7d: {  	_ =	swait.ge [sflag:s25], $0x200  }
0x7e: {  	[sflag:s25] =	ssyncset.done $0x0  }
0x7f: {  	s30 =	simm.s32 $0x3380;
	[sflag:s25] =	ssyncadd.s32 $0xFFFFFE00  }
0x80: {  	[hbm4b:s10+s26] =	stream.strided.scatter [tilespmem:s30], [sflag:$0x1], $0x200, s28, s26, $0x38;
	[tilespmem:$0xC780] =	vst v63  }
0x81: {  	_ =	swait.ge [sflag:s25], $0x200  }
0x82: {  	[sflag:s25] =	ssyncset.done $0x0  }
0x83: {  	s31 =	simm.s32 $0x3580;
	[sflag:s25] =	ssyncadd.s32 $0xFFFFFE00  }
0x84: {  	[hbm4b:s11+s26] =	stream.strided.scatter [tilespmem:s31], [sflag:$0x1], $0x200, s28, s26, $0x38;
	[tilespmem:$0xC780] =	vst v63  }
0x85: {  	_ =	swait.ge [sflag:s25], $0x200  }
0x86: {  	[sflag:s25] =	ssyncset.done $0x0  }
0x87: {  	s1 =	simm.s32 $0x3780;
	[sflag:s25] =	ssyncadd.s32 $0xFFFFFE00  }
0x88: {  	[hbm4b:s12+s26] =	stream.strided.scatter [tilespmem:s1], [sflag:$0x1], $0x200, s28, s26, $0x38;
	[tilespmem:$0xC780] =	vst v63  }
0x89: {  	_ =	swait.ge [sflag:s25], $0x200  }
0x8a: {  	[sflag:s25] =	ssyncset.done $0x0  }
0x8b: {  	s29 =	simm.s32 $0x3980;
	[sflag:s25] =	ssyncadd.s32 $0xFFFFFE00  }
0x8c: {  	[hbm4b:s13+s26] =	stream.strided.scatter [tilespmem:s29], [sflag:$0x1], $0x200, s28, s26, $0x38;
	[tilespmem:$0xC780] =	vst v63  }
0x8d: {  	_ =	swait.ge [sflag:s25], $0x200  }
0x8e: {  	[sflag:s25] =	ssyncset.done $0x0  }
0x8f: {  	s30 =	simm.s32 $0x3B80;
	[sflag:s25] =	ssyncadd.s32 $0xFFFFFE00  }
0x90: {  	[hbm4b:s14+s26] =	stream.strided.scatter [tilespmem:s30], [sflag:$0x1], $0x200, s28, s26, $0x38;
	[tilespmem:$0xC780] =	vst v63  }
0x91: {  	_ =	swait.ge [sflag:s25], $0x200  }
0x92: {  	[sflag:s25] =	ssyncset.done $0x0  }
0x93: {  	s31 =	simm.s32 $0x3D80;
	[sflag:s25] =	ssyncadd.s32 $0xFFFFFE00  }
0x94: {  	[hbm4b:s15+s26] =	stream.strided.scatter [tilespmem:s31], [sflag:$0x1], $0x200, s28, s26, $0x38;
	[tilespmem:$0xC780] =	vst v63  }
0x95: {  	_ =	swait.ge [sflag:s25], $0x200  }
0x96: {  	[sflag:s25] =	ssyncset.done $0x0  }
0x97: {  	s1 =	simm.s32 $0x3F80;
	[sflag:s25] =	ssyncadd.s32 $0xFFFFFE00  }
0x98: {  	[hbm4b:s16+s26] =	stream.strided.scatter [tilespmem:s1], [sflag:$0x1], $0x200, s28, s26, $0x38;
	[tilespmem:$0xC780] =	vst v63  }
0x99: {  	_ =	swait.ge [sflag:s25], $0x200  }
0x9a: {  	[sflag:s25] =	ssyncset.done $0x0  }
0x9b: {  	s29 =	simm.s32 $0x4180;
	[sflag:s25] =	ssyncadd.s32 $0xFFFFFE00  }
0x9c: {  	[hbm4b:s17+s26] =	stream.strided.scatter [tilespmem:s29], [sflag:$0x1], $0x200, s28, s26, $0x38;
	[tilespmem:$0xC780] =	vst v63  }
0x9d: {  	_ =	swait.ge [sflag:s25], $0x200  }
0x9e: {  	[sflag:s25] =	ssyncset.done $0x0  }
0x9f: {  	s30 =	simm.s32 $0x4380;
	[sflag:s25] =	ssyncadd.s32 $0xFFFFFE00  }
0xa0: {  	[hbm4b:s18+s26] =	stream.strided.scatter [tilespmem:s30], [sflag:$0x1], $0x200, s28, s26, $0x38;
	[tilespmem:$0xC780] =	vst v63  }
0xa1: {  	_ =	swait.ge [sflag:s25], $0x200  }
0xa2: {  	[sflag:s25] =	ssyncset.done $0x0  }
0xa3: {  	s31 =	simm.s32 $0x4580;
	[sflag:s25] =	ssyncadd.s32 $0xFFFFFE00  }
0xa4: {  	[hbm4b:s19+s26] =	stream.strided.scatter [tilespmem:s31], [sflag:$0x1], $0x200, s28, s26, $0x38;
	[tilespmem:$0xC780] =	vst v63  }
0xa5: {  	_ =	swait.ge [sflag:s25], $0x200  }
0xa6: {  	[sflag:s25] =	ssyncset.done $0x0  }
0xa7: {  	s1 =	simm.s32 $0x4780;
	[sflag:s25] =	ssyncadd.s32 $0xFFFFFE00  }
0xa8: {  	[hbm4b:s20+s26] =	stream.strided.scatter [tilespmem:s1], [sflag:$0x1], $0x200, s28, s26, $0x38;
	[tilespmem:$0xC780] =	vst v63  }
0xa9: {  	_ =	swait.ge [sflag:s25], $0x200  }
0xaa: {  	[sflag:s25] =	ssyncset.done $0x0  }
0xab: {  	s29 =	simm.s32 $0x4980;
	[sflag:s25] =	ssyncadd.s32 $0xFFFFFE00  }
0xac: {  	[hbm4b:s21+s26] =	stream.strided.scatter [tilespmem:s29], [sflag:$0x1], $0x200, s28, s26, $0x38;
	[tilespmem:$0xC780] =	vst v63  }
0xad: {  	_ =	swait.ge [sflag:s25], $0x200  }
0xae: {  	[sflag:s25] =	ssyncset.done $0x0  }
0xaf: {  	s30 =	simm.s32 $0x4B80;
	[sflag:s25] =	ssyncadd.s32 $0xFFFFFE00  }
0xb0: {  	[hbm4b:s22+s26] =	stream.strided.scatter [tilespmem:s30], [sflag:$0x1], $0x200, s28, s26, $0x38;
	[tilespmem:$0xC780] =	vst v63  }
0xb1: {  	s2 =	sadd.s32 $0x1, s2;
	_ =	swait.ge [sflag:s25], $0x200  }
0xb2: {  	p0 =	sne.s32 s2, s24;
	[sflag:s25] =	ssyncset.done $0x0  }
.Ltmp3:
0xb3: {  	s31 =	simm.s32 $0x4D80;
	[sflag:s25] =	ssyncadd.s32 $0xFFFFFE00;
	(pc) =	sbr.rel @p0 .LBB2_1-.Ltmp3, $4  }
0xb4: {  	[hbm4b:s23+s26] =	stream.strided.scatter [tilespmem:s31], [sflag:$0x1], $0x200, s28, s26, $0x38;
	[tilespmem:$0xC780] =	vst v63  }
0xb5: {  	_ =	swait.ge [sflag:s25], $0x200  }
0xb6: {  	[sflag:s25] =	ssyncset.done $0x0  }
0xb7: {  	[sflag:s25] =	ssyncadd.s32 $0xFFFFFE00  }
0xb8: {  	_ =	sfence.sel $0x180000  }
0xb9: {  	[bflag:$0x0] =	sbarrier.arrive $0xFFFF  }
0xba: {  	_ =	strace $0x9000004A  }
0xbb: {  	s0 =	stileid.u32;
	[bflag:$0x2] =	sbarrier.arrive $0xFFFF  }
0xbc: {  	p0 =	sne.s32 s0, $0x0;
	s0 =	rddreg [dreg:$0x1]  }
0xbd: {  	s0 =	sadd.s32 @!p0 $0x100000, s0  }
0xbe: {  	[sflag:s0] =	ssyncadd.tile.s32 @!p0 $0x1;
	_ =	shalt  }
.Lfunc_end2:
_tile_overlayer_lowered:
.L_overlay_start_2:
0xbf: {  	(tag) =	ssettag $0x2  }
0xc0: {  	s0 =	rddreg [dreg:$0x0];
	s2 =	stileid.u32  }
0xc1: {  	s1 =	rddreg [dreg:$0x1];
	p0 =	sne.s32 s2, $0x0  }
0xc2: {  	s3 =	rddreg [dreg:$0x2];
	[bflag:$0x3] =	sbarrier.arrive $0xFFFF;
	s2 =	simm.s32 @!p0 $0x1C01  }
0xc3: {  	[timem:s3], [sflag:s2] =	dma.local @!p0 [hbm:s0], s1  }
0xc4: {  	s0 =	simm.s32 @!p0 $0x1  }
0xc5: {  	_ =	swait.ge @!p0 [sflag:s0], s1  }
0xc6: {  	s1 =	ssub.s32 @!p0 $0x0, s1;
	[sflag:s0] =	ssyncset.done @!p0 $0x0  }
0xc7: {  	[sflag:s0] =	ssyncadd.s32 @!p0 s1  }
0xc8: {  	[bflag:$0x3] =	sbarrier.arrive $0xFFFF  }
0xc9: {  	_ =	shalt  }

</sc_bundles>
